<compile_context>
chip_gen: v7x
topology: tpu7x:2x2x1
jax: 0.10.2.dev20260603
libtpu: 0.0.44.dev20260713+nightly
codegen_flags: <defaults>
</compile_context>

<pallas_src>
import functools

import jax
import jax.numpy as jnp
from jax import lax
from jax.experimental import pallas as pl
from jax.experimental.pallas import tpu as pltpu
from jax.experimental.pallas import tpu_sc as plsc

B = 1024
L = 50
D = 512
LPAD = 64
NSEG = 3

NC = 2
NS = 16
LANES = 16
NW = NC * NS

TOK = B * L
PER_W = TOK // NW
C = 16
NBUF = 4
NCHUNK = PER_W // C
VPR = D // LANES


def _comb_body(pos_ref, seg_ref, out_ref):
    p = pos_ref[:L, :]
    for s in range(NSEG):
        out_ref[s, :L, :] = p + seg_ref[s, :][None, :]


_comb_call = pl.pallas_call(
    _comb_body,
    out_shape=jax.ShapeDtypeStruct((NSEG, LPAD, D), jnp.float32),
)


_sc_mesh = plsc.VectorSubcoreMesh(core_axis_name="c", subcore_axis_name="s")


@functools.partial(
    pl.kernel,
    mesh=_sc_mesh,
    out_type=jax.ShapeDtypeStruct((TOK, D), jnp.float32),
    scratch_types=[
        pltpu.VMEM((PER_W,), jnp.int32),
        pltpu.VMEM((PER_W,), jnp.int32),
    ] + [pltpu.VMEM((C,), jnp.int32)] * NBUF
      + [pltpu.VMEM((C, D), jnp.float32)] * NBUF
      + [pltpu.VMEM((C, D), jnp.float32)] * NBUF
      + [pltpu.SemaphoreType.DMA] * (3 * NBUF),
)
def _sc_embed(tok_hbm, comb_hbm, seq_hbm, seg_hbm, out_hbm,
              seqv, segv, *bufs):
    cidx = bufs[0:NBUF]
    tokb = bufs[NBUF:2 * NBUF]
    cmbb = bufs[2 * NBUF:3 * NBUF]
    semt = bufs[3 * NBUF:4 * NBUF]
    semc = bufs[4 * NBUF:5 * NBUF]
    semw = bufs[5 * NBUF:6 * NBUF]

    wid = lax.axis_index("s") * NC + lax.axis_index("c")
    base = wid * PER_W
    pltpu.sync_copy(seq_hbm.at[pl.ds(base, PER_W)], seqv)
    pltpu.sync_copy(seg_hbm.at[pl.ds(base, PER_W)], segv)

    def start_gathers(ic, b):
        off = ic * C
        for j in range(C // LANES):
            lo = off + j * LANES
            flat = base + lo + lax.iota(jnp.int32, LANES)
            lpos = lax.rem(flat, jnp.int32(L))
            s16 = segv[pl.ds(lo, LANES)]
            cidx[b][pl.ds(j * LANES, LANES)] = s16 * LPAD + lpos
        pltpu.async_copy(tok_hbm.at[seqv.at[pl.ds(off, C)]], tokb[b], semt[b])
        pltpu.async_copy(comb_hbm.at[cidx[b]], cmbb[b], semc[b])

    def wait_gathers(ic, b):
        off = ic * C
        pltpu.make_async_copy(tok_hbm.at[seqv.at[pl.ds(off, C)]], tokb[b], semt[b]).wait()
        pltpu.make_async_copy(comb_hbm.at[cidx[b]], cmbb[b], semc[b]).wait()

    def wait_writeout(ic, b):
        off = ic * C
        pltpu.make_async_copy(tokb[b], out_hbm.at[pl.ds(base + off, C)], semw[b]).wait()

    for p in range(NBUF - 1):
        start_gathers(p, p)

    def ring_body(icq, carry):
        for b in range(NBUF):
            ic = icq * NBUF + b
            pb = (b + NBUF - 1) % NBUF

            @pl.when(ic + NBUF - 1 < NCHUNK)
            def _():
                @pl.when(ic >= 1)
                def _():
                    wait_writeout(ic - 1, pb)
                start_gathers(ic + NBUF - 1, pb)

            wait_gathers(ic, b)

            def add_body(r, carry2):
                for v in range(VPR):
                    sl = pl.ds(v * LANES, LANES)
                    tokb[b][r, sl] = tokb[b][r, sl] + cmbb[b][r, sl]
                return carry2

            lax.fori_loop(0, C, add_body, 0)

            pltpu.async_copy(tokb[b], out_hbm.at[pl.ds(base + ic * C, C)], semw[b])
        return carry

    lax.fori_loop(0, NCHUNK // NBUF, ring_body, 0)

    for q in range(NBUF):
        ic = NCHUNK - NBUF + q
        wait_writeout(ic, ic % NBUF)


def kernel(seq, seg_label, token_table, pos_table, seg_table):
    comb = _comb_call(pos_table, seg_table).reshape(NSEG * LPAD, D)
    seqf = seq.reshape(TOK).astype(jnp.int32)
    segf = seg_label.reshape(TOK).astype(jnp.int32)
    out = _sc_embed(token_table, comb, seqf, segf)
    return out.reshape(B, L, D)

# --- scband reference (transcript-rebuilt; emitter-appended) ---
"""Pipeline reference for scband-input-block-3736621548125 (READ-ONLY COPY).

The authoritative reference and input builder live on the scoring server;
editing this copy changes nothing except your own understanding.
"""

import jax, jax.numpy as jnp
import numpy as np

VOCAB = 100000
MAX_LEN = 512
D_MODEL = 512
N_SEG = 3
B = 1024
L = 50

def setup_inputs(seed: int = 0) -> dict:
    key = jax.random.key(seed)
    k1, k2, k3, k4, k5 = jax.random.split(key, 5)
    seq = jax.random.randint(k1, (B, L), 0, VOCAB)
    seg_label = jax.random.randint(k2, (B, L), 0, N_SEG)
    token_table = jax.random.normal(k3, (VOCAB, D_MODEL), dtype=jnp.float32) * 0.02
    pos_table = jax.random.normal(k4, (MAX_LEN, D_MODEL), dtype=jnp.float32) * 0.02
    seg_table = jax.random.normal(k5, (N_SEG, D_MODEL), dtype=jnp.float32) * 0.02
    return {
        "seq": seq,
        "seg_label": seg_label,
        "token_table": token_table,
        "pos_table": pos_table,
        "seg_table": seg_table,
    }

def reference(seq, seg_label, token_table, pos_table, seg_table):
    # TokenEmbedding: table gather
    tok = jnp.take(token_table, seq, axis=0)            # [B, L, D]
    # PositionEmbedding: first L rows of learned position table, broadcast over batch
    pos = pos_table[: seq.shape[1]][None, :, :]          # [1, L, D]
    # SegmentEmbedding: gather by segment label
    seg = jnp.take(seg_table, seg_label, axis=0)         # [B, L, D]
    x = tok + pos + seg
    # dropout is identity in eval mode
    return x

if __name__ == "__main__":
    import jax
    _d = setup_inputs()
    print(jax.jit(kernel)(*tuple(_d.values())))

</pallas_src>

<mosaic_0001>
#map = affine_map<(d0, d1) -> (0, 0)>
#map1 = affine_map<(d0, d1) -> (0)>
module attributes {stable_mosaic.version = 14 : i64} {
  func.func @_sc_embed(%arg0: i32, %arg1: i32, %arg2: memref<100000x512xf32, #tpu.memory_space<hbm>>, %arg3: memref<192x512xf32, #tpu.memory_space<hbm>>, %arg4: memref<51200xi32, #tpu.memory_space<hbm>>, %arg5: memref<51200xi32, #tpu.memory_space<hbm>>, %arg6: memref<51200x512xf32, #tpu.memory_space<hbm>>, %arg7: memref<1600xi32, #tpu.memory_space<vmem>>, %arg8: memref<1600xi32, #tpu.memory_space<vmem>>, %arg9: memref<16xi32, #tpu.memory_space<vmem>>, %arg10: memref<16xi32, #tpu.memory_space<vmem>>, %arg11: memref<16xi32, #tpu.memory_space<vmem>>, %arg12: memref<16xi32, #tpu.memory_space<vmem>>, %arg13: memref<16x512xf32, #tpu.memory_space<vmem>>, %arg14: memref<16x512xf32, #tpu.memory_space<vmem>>, %arg15: memref<16x512xf32, #tpu.memory_space<vmem>>, %arg16: memref<16x512xf32, #tpu.memory_space<vmem>>, %arg17: memref<16x512xf32, #tpu.memory_space<vmem>>, %arg18: memref<16x512xf32, #tpu.memory_space<vmem>>, %arg19: memref<16x512xf32, #tpu.memory_space<vmem>>, %arg20: memref<16x512xf32, #tpu.memory_space<vmem>>, %arg21: memref<!tpu.dma_semaphore, #tpu.memory_space<semaphore_mem>>, %arg22: memref<!tpu.dma_semaphore, #tpu.memory_space<semaphore_mem>>, %arg23: memref<!tpu.dma_semaphore, #tpu.memory_space<semaphore_mem>>, %arg24: memref<!tpu.dma_semaphore, #tpu.memory_space<semaphore_mem>>, %arg25: memref<!tpu.dma_semaphore, #tpu.memory_space<semaphore_mem>>, %arg26: memref<!tpu.dma_semaphore, #tpu.memory_space<semaphore_mem>>, %arg27: memref<!tpu.dma_semaphore, #tpu.memory_space<semaphore_mem>>, %arg28: memref<!tpu.dma_semaphore, #tpu.memory_space<semaphore_mem>>, %arg29: memref<!tpu.dma_semaphore, #tpu.memory_space<semaphore_mem>>, %arg30: memref<!tpu.dma_semaphore, #tpu.memory_space<semaphore_mem>>, %arg31: memref<!tpu.dma_semaphore, #tpu.memory_space<semaphore_mem>>, %arg32: memref<!tpu.dma_semaphore, #tpu.memory_space<semaphore_mem>>) attributes {dimension_semantics = [#tpu.dimension_semantics<core_parallel>, #tpu.dimension_semantics<subcore_parallel>], iteration_bounds = array<i64: 2, 16>, scalar_prefetch = 0 : i64, scratch_operands = 26 : i64, tpu.core_type = #tpu.core_type<sc_vector_subcore>, window_params = [{transform_indices = #map}, {transform_indices = #map}, {transform_indices = #map1}, {transform_indices = #map1}, {transform_indices = #map}]} {
    %mul3A = arith.constant 2 : i32
    %mul3A_0 = arith.muli %arg1, %mul3A : i32
    %add3A = arith.addi %mul3A_0, %arg0 : i32
    %mul3A_1 = arith.constant 1600 : i32
    %mul3A_2 = arith.muli %add3A, %mul3A_1 : i32
    "tpu.region"() ({
      %run_scoped3A = tpu.sem_alloc : memref<!tpu.dma_semaphore, #tpu.memory_space<semaphore_mem>>
      %dma_start3A_107 = tpu.memref_slice %arg4[%mul3A_2] : memref<51200xi32, #tpu.memory_space<hbm>> -> memref<1600xi32, #tpu.memory_space<hbm>>
      %dma_start3A_108 = tpu.memref_slice %arg4[%mul3A_2] : memref<51200xi32, #tpu.memory_space<hbm>> -> memref<1600xi32, #tpu.memory_space<hbm>>
      tpu.enqueue_dma source(%dma_start3A_108 : memref<1600xi32, #tpu.memory_space<hbm>>) target(%arg7 : memref<1600xi32, #tpu.memory_space<vmem>>) target_semaphore(%run_scoped3A : memref<!tpu.dma_semaphore, #tpu.memory_space<semaphore_mem>>)
      %dma_wait3A_109 = tpu.memref_slice %arg4[%mul3A_2] : memref<51200xi32, #tpu.memory_space<hbm>> -> memref<1600xi32, #tpu.memory_space<hbm>>
      %dma_wait3A_110 = tpu.memref_slice %arg4[%mul3A_2] : memref<51200xi32, #tpu.memory_space<hbm>> -> memref<1600xi32, #tpu.memory_space<hbm>>
      tpu.wait_dma2 semaphore(%run_scoped3A : memref<!tpu.dma_semaphore, #tpu.memory_space<semaphore_mem>>) src(%dma_wait3A_110 : memref<1600xi32, #tpu.memory_space<hbm>>) dst(%arg7 : memref<1600xi32, #tpu.memory_space<vmem>>)
      tpu.yield
    }) : () -> ()
    "tpu.region"() ({
      %run_scoped3A = tpu.sem_alloc : memref<!tpu.dma_semaphore, #tpu.memory_space<semaphore_mem>>
      %dma_start3A_107 = tpu.memref_slice %arg5[%mul3A_2] : memref<51200xi32, #tpu.memory_space<hbm>> -> memref<1600xi32, #tpu.memory_space<hbm>>
      %dma_start3A_108 = tpu.memref_slice %arg5[%mul3A_2] : memref<51200xi32, #tpu.memory_space<hbm>> -> memref<1600xi32, #tpu.memory_space<hbm>>
      tpu.enqueue_dma source(%dma_start3A_108 : memref<1600xi32, #tpu.memory_space<hbm>>) target(%arg8 : memref<1600xi32, #tpu.memory_space<vmem>>) target_semaphore(%run_scoped3A : memref<!tpu.dma_semaphore, #tpu.memory_space<semaphore_mem>>)
      %dma_wait3A_109 = tpu.memref_slice %arg5[%mul3A_2] : memref<51200xi32, #tpu.memory_space<hbm>> -> memref<1600xi32, #tpu.memory_space<hbm>>
      %dma_wait3A_110 = tpu.memref_slice %arg5[%mul3A_2] : memref<51200xi32, #tpu.memory_space<hbm>> -> memref<1600xi32, #tpu.memory_space<hbm>>
      tpu.wait_dma2 semaphore(%run_scoped3A : memref<!tpu.dma_semaphore, #tpu.memory_space<semaphore_mem>>) src(%dma_wait3A_110 : memref<1600xi32, #tpu.memory_space<hbm>>) dst(%arg8 : memref<1600xi32, #tpu.memory_space<vmem>>)
      tpu.yield
    }) : () -> ()
    %add3A_3 = arith.constant 0 : i32
    %add3A_4 = arith.addi %mul3A_2, %add3A_3 : i32
    %iota3A = tpu.iota {dimensions = array<i32: 0>} : vector<16xi32>
    %add3A_5 = vector.broadcast %add3A_4 : i32 to vector<16xi32>
    %add3A_6 = arith.addi %add3A_5, %iota3A : vector<16xi32>
    %rem3A = arith.constant 50 : i32
    %rem3A_7 = vector.broadcast %rem3A : i32 to vector<16xi32>
    %rem3A_8 = arith.remsi %add3A_6, %rem3A_7 : vector<16xi32>
    %get3A = arith.constant 0 : index
    %get3A_9 = tpu.vector_load %arg8[%get3A] {strides = array<i32>} : memref<1600xi32, #tpu.memory_space<vmem>>, vector<16xi32>,
    %get3A_10 = vector.shape_cast %get3A_9 : vector<16xi32> to vector<16xi32>
    %mul3A_11 = arith.constant 64 : i32
    %mul3A_12 = vector.broadcast %mul3A_11 : i32 to vector<16xi32>
    %mul3A_13 = arith.muli %get3A_10, %mul3A_12 : vector<16xi32>
    %add3A_14 = arith.addi %mul3A_13, %rem3A_8 : vector<16xi32>
    %swap3A = arith.constant 0 : index
    %swap3A_15 = tpu.vector_load %arg9[%swap3A] {strides = array<i32>} : memref<16xi32, #tpu.memory_space<vmem>>, vector<16xi32>,
    %swap3A_16 = vector.shape_cast %swap3A_15 : vector<16xi32> to vector<16xi32>
    %swap3A_17 = vector.shape_cast %add3A_14 : vector<16xi32> to vector<16xi32>
    tpu.vector_store %arg9[%swap3A], %swap3A_17 {strides = array<i32>} : memref<16xi32, #tpu.memory_space<vmem>>, vector<16xi32>,
    %dma_start3A = arith.constant 0 : i32
    %dma_start3A_18 = tpu.memref_slice %arg7[%dma_start3A] : memref<1600xi32, #tpu.memory_space<vmem>> -> memref<16xi32, #tpu.memory_space<vmem>>
    %dma_start3A_19 = arith.constant 0 : i32
    %dma_start3A_20 = arith.constant 0 : i32
    %dma_start3A_21 = tpu.memref_slice %arg2[%dma_start3A_19, %dma_start3A_20] : memref<100000x512xf32, #tpu.memory_space<hbm>> -> memref<100000x512xf32, #tpu.memory_space<hbm>>
    tpu.enqueue_indirect_dma source(%dma_start3A_21 : memref<100000x512xf32, #tpu.memory_space<hbm>>) target(%arg13 : memref<16x512xf32, #tpu.memory_space<vmem>>) offsets(%dma_start3A_18 : memref<16xi32, #tpu.memory_space<vmem>>) semaphore(%arg21 : memref<!tpu.dma_semaphore, #tpu.memory_space<semaphore_mem>>)
    %dma_start3A_22 = arith.constant 0 : i32
    %dma_start3A_23 = arith.constant 0 : i32
    %dma_start3A_24 = tpu.memref_slice %arg3[%dma_start3A_22, %dma_start3A_23] : memref<192x512xf32, #tpu.memory_space<hbm>> -> memref<192x512xf32, #tpu.memory_space<hbm>>
    tpu.enqueue_indirect_dma source(%dma_start3A_24 : memref<192x512xf32, #tpu.memory_space<hbm>>) target(%arg17 : memref<16x512xf32, #tpu.memory_space<vmem>>) offsets(%arg9 : memref<16xi32, #tpu.memory_space<vmem>>) semaphore(%arg25 : memref<!tpu.dma_semaphore, #tpu.memory_space<semaphore_mem>>)
    %add3A_25 = arith.constant 16 : i32
    %add3A_26 = arith.addi %mul3A_2, %add3A_25 : i32
    %iota3A_27 = tpu.iota {dimensions = array<i32: 0>} : vector<16xi32>
    %add3A_28 = vector.broadcast %add3A_26 : i32 to vector<16xi32>
    %add3A_29 = arith.addi %add3A_28, %iota3A_27 : vector<16xi32>
    %rem3A_30 = arith.constant 50 : i32
    %rem3A_31 = vector.broadcast %rem3A_30 : i32 to vector<16xi32>
    %rem3A_32 = arith.remsi %add3A_29, %rem3A_31 : vector<16xi32>
    %get3A_33 = arith.constant 16 : index
    %get3A_34 = tpu.vector_load %arg8[%get3A_33] {strides = array<i32>} : memref<1600xi32, #tpu.memory_space<vmem>>, vector<16xi32>,
    %get3A_35 = vector.shape_cast %get3A_34 : vector<16xi32> to vector<16xi32>
    %mul3A_36 = arith.constant 64 : i32
    %mul3A_37 = vector.broadcast %mul3A_36 : i32 to vector<16xi32>
    %mul3A_38 = arith.muli %get3A_35, %mul3A_37 : vector<16xi32>
    %add3A_39 = arith.addi %mul3A_38, %rem3A_32 : vector<16xi32>
    %swap3A_40 = arith.constant 0 : index
    %swap3A_41 = tpu.vector_load %arg10[%swap3A_40] {strides = array<i32>} : memref<16xi32, #tpu.memory_space<vmem>>, vector<16xi32>,
    %swap3A_42 = vector.shape_cast %swap3A_41 : vector<16xi32> to vector<16xi32>
    %swap3A_43 = vector.shape_cast %add3A_39 : vector<16xi32> to vector<16xi32>
    tpu.vector_store %arg10[%swap3A_40], %swap3A_43 {strides = array<i32>} : memref<16xi32, #tpu.memory_space<vmem>>, vector<16xi32>,
    %dma_start3A_44 = arith.constant 16 : i32
    %dma_start3A_45 = tpu.memref_slice %arg7[%dma_start3A_44] : memref<1600xi32, #tpu.memory_space<vmem>> -> memref<16xi32, #tpu.memory_space<vmem>>
    %dma_start3A_46 = arith.constant 0 : i32
    %dma_start3A_47 = arith.constant 0 : i32
    %dma_start3A_48 = tpu.memref_slice %arg2[%dma_start3A_46, %dma_start3A_47] : memref<100000x512xf32, #tpu.memory_space<hbm>> -> memref<100000x512xf32, #tpu.memory_space<hbm>>
    tpu.enqueue_indirect_dma source(%dma_start3A_48 : memref<100000x512xf32, #tpu.memory_space<hbm>>) target(%arg14 : memref<16x512xf32, #tpu.memory_space<vmem>>) offsets(%dma_start3A_45 : memref<16xi32, #tpu.memory_space<vmem>>) semaphore(%arg22 : memref<!tpu.dma_semaphore, #tpu.memory_space<semaphore_mem>>)
    %dma_start3A_49 = arith.constant 0 : i32
    %dma_start3A_50 = arith.constant 0 : i32
    %dma_start3A_51 = tpu.memref_slice %arg3[%dma_start3A_49, %dma_start3A_50] : memref<192x512xf32, #tpu.memory_space<hbm>> -> memref<192x512xf32, #tpu.memory_space<hbm>>
    tpu.enqueue_indirect_dma source(%dma_start3A_51 : memref<192x512xf32, #tpu.memory_space<hbm>>) target(%arg18 : memref<16x512xf32, #tpu.memory_space<vmem>>) offsets(%arg10 : memref<16xi32, #tpu.memory_space<vmem>>) semaphore(%arg26 : memref<!tpu.dma_semaphore, #tpu.memory_space<semaphore_mem>>)
    %add3A_52 = arith.constant 32 : i32
    %add3A_53 = arith.addi %mul3A_2, %add3A_52 : i32
    %iota3A_54 = tpu.iota {dimensions = array<i32: 0>} : vector<16xi32>
    %add3A_55 = vector.broadcast %add3A_53 : i32 to vector<16xi32>
    %add3A_56 = arith.addi %add3A_55, %iota3A_54 : vector<16xi32>
    %rem3A_57 = arith.constant 50 : i32
    %rem3A_58 = vector.broadcast %rem3A_57 : i32 to vector<16xi32>
    %rem3A_59 = arith.remsi %add3A_56, %rem3A_58 : vector<16xi32>
    %get3A_60 = arith.constant 32 : index
    %get3A_61 = tpu.vector_load %arg8[%get3A_60] {strides = array<i32>} : memref<1600xi32, #tpu.memory_space<vmem>>, vector<16xi32>,
    %get3A_62 = vector.shape_cast %get3A_61 : vector<16xi32> to vector<16xi32>
    %mul3A_63 = arith.constant 64 : i32
    %mul3A_64 = vector.broadcast %mul3A_63 : i32 to vector<16xi32>
    %mul3A_65 = arith.muli %get3A_62, %mul3A_64 : vector<16xi32>
    %add3A_66 = arith.addi %mul3A_65, %rem3A_59 : vector<16xi32>
    %swap3A_67 = arith.constant 0 : index
    %swap3A_68 = tpu.vector_load %arg11[%swap3A_67] {strides = array<i32>} : memref<16xi32, #tpu.memory_space<vmem>>, vector<16xi32>,
    %swap3A_69 = vector.shape_cast %swap3A_68 : vector<16xi32> to vector<16xi32>
    %swap3A_70 = vector.shape_cast %add3A_66 : vector<16xi32> to vector<16xi32>
    tpu.vector_store %arg11[%swap3A_67], %swap3A_70 {strides = array<i32>} : memref<16xi32, #tpu.memory_space<vmem>>, vector<16xi32>,
    %dma_start3A_71 = arith.constant 32 : i32
    %dma_start3A_72 = tpu.memref_slice %arg7[%dma_start3A_71] : memref<1600xi32, #tpu.memory_space<vmem>> -> memref<16xi32, #tpu.memory_space<vmem>>
    %dma_start3A_73 = arith.constant 0 : i32
    %dma_start3A_74 = arith.constant 0 : i32
    %dma_start3A_75 = tpu.memref_slice %arg2[%dma_start3A_73, %dma_start3A_74] : memref<100000x512xf32, #tpu.memory_space<hbm>> -> memref<100000x512xf32, #tpu.memory_space<hbm>>
    tpu.enqueue_indirect_dma source(%dma_start3A_75 : memref<100000x512xf32, #tpu.memory_space<hbm>>) target(%arg15 : memref<16x512xf32, #tpu.memory_space<vmem>>) offsets(%dma_start3A_72 : memref<16xi32, #tpu.memory_space<vmem>>) semaphore(%arg23 : memref<!tpu.dma_semaphore, #tpu.memory_space<semaphore_mem>>)
    %dma_start3A_76 = arith.constant 0 : i32
    %dma_start3A_77 = arith.constant 0 : i32
    %dma_start3A_78 = tpu.memref_slice %arg3[%dma_start3A_76, %dma_start3A_77] : memref<192x512xf32, #tpu.memory_space<hbm>> -> memref<192x512xf32, #tpu.memory_space<hbm>>
    tpu.enqueue_indirect_dma source(%dma_start3A_78 : memref<192x512xf32, #tpu.memory_space<hbm>>) target(%arg19 : memref<16x512xf32, #tpu.memory_space<vmem>>) offsets(%arg11 : memref<16xi32, #tpu.memory_space<vmem>>) semaphore(%arg27 : memref<!tpu.dma_semaphore, #tpu.memory_space<semaphore_mem>>)
    %scan3A = arith.constant 0 : i32
    %scan3A_79 = arith.constant 0 : i32
    %scan3A_80 = arith.constant 25 : i32
    %scan3A_81 = arith.addi %scan3A_79, %scan3A_80 : i32
    %scan3A_82 = arith.constant 1 : i32
    scf.for %scan3A_107 = %scan3A_79 to %scan3A_81 step %scan3A_82  : i32 {
      %mul3A_108 = arith.constant 4 : i32
      %mul3A_109 = arith.muli %scan3A_107, %mul3A_108 : i32
      %add3A_110 = arith.constant 0 : i32
      %add3A_111 = arith.addi %mul3A_109, %add3A_110 : i32
      %add3A_112 = arith.constant 4 : i32
      %add3A_113 = arith.addi %add3A_111, %add3A_112 : i32
      %sub3A = arith.constant 1 : i32
      %sub3A_114 = arith.subi %add3A_113, %sub3A : i32
      %lt3A = arith.constant 100 : i32
      %lt3A_115 = arith.cmpi slt, %sub3A_114, %lt3A : i32
      %convert_element_type3A = arith.extui %lt3A_115 : i1 to i32
      %cond3A = arith.constant 0 : i32
      %cond3A_116 = arith.cmpi ne, %convert_element_type3A, %cond3A : i32
      scf.if %cond3A_116 {
        %ge3A = arith.constant 1 : i32
        %ge3A_244 = arith.cmpi sge, %add3A_111, %ge3A : i32
        %convert_element_type3A_245 = arith.extui %ge3A_244 : i1 to i32
        %cond3A_246 = arith.constant 0 : i32
        %cond3A_247 = arith.cmpi ne, %convert_element_type3A_245, %cond3A_246 : i32
        scf.if %cond3A_247 {
          %sub3A_281 = arith.constant 1 : i32
          %sub3A_282 = arith.subi %add3A_111, %sub3A_281 : i32
          %mul3A_283 = arith.constant 16 : i32
          %mul3A_284 = arith.muli %sub3A_282, %mul3A_283 : i32
          %add3A_285 = arith.addi %mul3A_2, %mul3A_284 : i32
          %dma_wait3A_286 = arith.constant 0 : i32
          %dma_wait3A_287 = tpu.memref_slice %arg6[%add3A_285, %dma_wait3A_286] : memref<51200x512xf32, #tpu.memory_space<hbm>> -> memref<16x512xf32, #tpu.memory_space<hbm>>
          %dma_wait3A_288 = arith.constant 0 : i32
          %dma_wait3A_289 = tpu.memref_slice %arg6[%add3A_285, %dma_wait3A_288] : memref<51200x512xf32, #tpu.memory_space<hbm>> -> memref<16x512xf32, #tpu.memory_space<hbm>>
          tpu.wait_dma2 semaphore(%arg32 : memref<!tpu.dma_semaphore, #tpu.memory_space<semaphore_mem>>) src(%arg16 : memref<16x512xf32, #tpu.memory_space<vmem>>) dst(%dma_wait3A_289 : memref<16x512xf32, #tpu.memory_space<hbm>>)
        } else {
        }
        %add3A_248 = arith.constant 4 : i32
        %add3A_249 = arith.addi %add3A_111, %add3A_248 : i32
        %sub3A_250 = arith.constant 1 : i32
        %sub3A_251 = arith.subi %add3A_249, %sub3A_250 : i32
        %mul3A_252 = arith.constant 16 : i32
        %mul3A_253 = arith.muli %sub3A_251, %mul3A_252 : i32
        %add3A_254 = arith.constant 0 : i32
        %add3A_255 = arith.addi %mul3A_253, %add3A_254 : i32
        %add3A_256 = arith.addi %mul3A_2, %add3A_255 : i32
        %iota3A_257 = tpu.iota {dimensions = array<i32: 0>} : vector<16xi32>
        %add3A_258 = vector.broadcast %add3A_256 : i32 to vector<16xi32>
        %add3A_259 = arith.addi %add3A_258, %iota3A_257 : vector<16xi32>
        %rem3A_260 = arith.constant 50 : i32
        %rem3A_261 = vector.broadcast %rem3A_260 : i32 to vector<16xi32>
        %rem3A_262 = arith.remsi %add3A_259, %rem3A_261 : vector<16xi32>
        %get3A_263 = arith.index_cast %add3A_255 : i32 to index
        %get3A_264 = tpu.vector_load %arg8[%get3A_263] {strides = array<i32>} : memref<1600xi32, #tpu.memory_space<vmem>>, vector<16xi32>,
        %get3A_265 = vector.shape_cast %get3A_264 : vector<16xi32> to vector<16xi32>
        %mul3A_266 = arith.constant 64 : i32
        %mul3A_267 = vector.broadcast %mul3A_266 : i32 to vector<16xi32>
        %mul3A_268 = arith.muli %get3A_265, %mul3A_267 : vector<16xi32>
        %add3A_269 = arith.addi %mul3A_268, %rem3A_262 : vector<16xi32>
        %swap3A_270 = arith.constant 0 : index
        %swap3A_271 = tpu.vector_load %arg12[%swap3A_270] {strides = array<i32>} : memref<16xi32, #tpu.memory_space<vmem>>, vector<16xi32>,
        %swap3A_272 = vector.shape_cast %swap3A_271 : vector<16xi32> to vector<16xi32>
        %swap3A_273 = vector.shape_cast %add3A_269 : vector<16xi32> to vector<16xi32>
        tpu.vector_store %arg12[%swap3A_270], %swap3A_273 {strides = array<i32>} : memref<16xi32, #tpu.memory_space<vmem>>, vector<16xi32>,
        %dma_start3A_274 = tpu.memref_slice %arg7[%mul3A_253] : memref<1600xi32, #tpu.memory_space<vmem>> -> memref<16xi32, #tpu.memory_space<vmem>>
        %dma_start3A_275 = arith.constant 0 : i32
        %dma_start3A_276 = arith.constant 0 : i32
        %dma_start3A_277 = tpu.memref_slice %arg2[%dma_start3A_275, %dma_start3A_276] : memref<100000x512xf32, #tpu.memory_space<hbm>> -> memref<100000x512xf32, #tpu.memory_space<hbm>>
        tpu.enqueue_indirect_dma source(%dma_start3A_277 : memref<100000x512xf32, #tpu.memory_space<hbm>>) target(%arg16 : memref<16x512xf32, #tpu.memory_space<vmem>>) offsets(%dma_start3A_274 : memref<16xi32, #tpu.memory_space<vmem>>) semaphore(%arg24 : memref<!tpu.dma_semaphore, #tpu.memory_space<semaphore_mem>>)
        %dma_start3A_278 = arith.constant 0 : i32
        %dma_start3A_279 = arith.constant 0 : i32
        %dma_start3A_280 = tpu.memref_slice %arg3[%dma_start3A_278, %dma_start3A_279] : memref<192x512xf32, #tpu.memory_space<hbm>> -> memref<192x512xf32, #tpu.memory_space<hbm>>
        tpu.enqueue_indirect_dma source(%dma_start3A_280 : memref<192x512xf32, #tpu.memory_space<hbm>>) target(%arg20 : memref<16x512xf32, #tpu.memory_space<vmem>>) offsets(%arg12 : memref<16xi32, #tpu.memory_space<vmem>>) semaphore(%arg28 : memref<!tpu.dma_semaphore, #tpu.memory_space<semaphore_mem>>)
      } else {
      }
      %mul3A_117 = arith.constant 16 : i32
      %mul3A_118 = arith.muli %add3A_111, %mul3A_117 : i32
      %dma_wait3A_119 = tpu.memref_slice %arg7[%mul3A_118] : memref<1600xi32, #tpu.memory_space<vmem>> -> memref<16xi32, #tpu.memory_space<vmem>>
      %dma_wait3A_120 = arith.constant 0 : i32
      %dma_wait3A_121 = arith.constant 0 : i32
      %dma_wait3A_122 = tpu.memref_slice %arg2[%dma_wait3A_120, %dma_wait3A_121] : memref<100000x512xf32, #tpu.memory_space<hbm>> -> memref<100000x512xf32, #tpu.memory_space<hbm>>
      tpu.wait_indirect_dma semaphore(%arg21 : memref<!tpu.dma_semaphore, #tpu.memory_space<semaphore_mem>>) src(%dma_wait3A_122 : memref<100000x512xf32, #tpu.memory_space<hbm>>) dst(%arg13 : memref<16x512xf32, #tpu.memory_space<vmem>>)
      %dma_wait3A_123 = arith.constant 0 : i32
      %dma_wait3A_124 = arith.constant 0 : i32
      %dma_wait3A_125 = tpu.memref_slice %arg3[%dma_wait3A_123, %dma_wait3A_124] : memref<192x512xf32, #tpu.memory_space<hbm>> -> memref<192x512xf32, #tpu.memory_space<hbm>>
      tpu.wait_indirect_dma semaphore(%arg25 : memref<!tpu.dma_semaphore, #tpu.memory_space<semaphore_mem>>) src(%dma_wait3A_125 : memref<192x512xf32, #tpu.memory_space<hbm>>) dst(%arg17 : memref<16x512xf32, #tpu.memory_space<vmem>>)
      %scan3A_126 = arith.constant 0 : i32
      %scan3A_127 = arith.constant 0 : i32
      %scan3A_128 = arith.constant 16 : i32
      %scan3A_129 = arith.addi %scan3A_127, %scan3A_128 : i32
      %scan3A_130 = arith.constant 1 : i32
      scf.for %scan3A_244 = %scan3A_127 to %scan3A_129 step %scan3A_130  : i32 {
        %get3A_245 = arith.index_cast %scan3A_244 : i32 to index
        %get3A_246 = arith.constant 0 : index
        %get3A_247 = tpu.vector_load %arg13[%get3A_245, %get3A_246] {strides = array<i32>} : memref<16x512xf32, #tpu.memory_space<vmem>>, vector<1x16xf32>,
        %get3A_248 = vector.shape_cast %get3A_247 : vector<1x16xf32> to vector<16xf32>
        %get3A_249 = arith.index_cast %scan3A_244 : i32 to index
        %get3A_250 = arith.constant 0 : index
        %get3A_251 = tpu.vector_load %arg17[%get3A_249, %get3A_250] {strides = array<i32>} : memref<16x512xf32, #tpu.memory_space<vmem>>, vector<1x16xf32>,
        %get3A_252 = vector.shape_cast %get3A_251 : vector<1x16xf32> to vector<16xf32>
        %add3A_253 = arith.addf %get3A_248, %get3A_252 : vector<16xf32>
        %swap3A_254 = arith.index_cast %scan3A_244 : i32 to index
        %swap3A_255 = arith.constant 0 : index
        %swap3A_256 = tpu.vector_load %arg13[%swap3A_254, %swap3A_255] {strides = array<i32>} : memref<16x512xf32, #tpu.memory_space<vmem>>, vector<1x16xf32>,
        %swap3A_257 = vector.shape_cast %swap3A_256 : vector<1x16xf32> to vector<16xf32>
        %swap3A_258 = vector.shape_cast %add3A_253 : vector<16xf32> to vector<1x16xf32>
        tpu.vector_store %arg13[%swap3A_254, %swap3A_255], %swap3A_258 {strides = array<i32>} : memref<16x512xf32, #tpu.memory_space<vmem>>, vector<1x16xf32>,
        %get3A_259 = arith.index_cast %scan3A_244 : i32 to index
        %get3A_260 = arith.constant 16 : index
        %get3A_261 = tpu.vector_load %arg13[%get3A_259, %get3A_260] {strides = array<i32>} : memref<16x512xf32, #tpu.memory_space<vmem>>, vector<1x16xf32>,
        %get3A_262 = vector.shape_cast %get3A_261 : vector<1x16xf32> to vector<16xf32>
        %get3A_263 = arith.index_cast %scan3A_244 : i32 to index
        %get3A_264 = arith.constant 16 : index
        %get3A_265 = tpu.vector_load %arg17[%get3A_263, %get3A_264] {strides = array<i32>} : memref<16x512xf32, #tpu.memory_space<vmem>>, vector<1x16xf32>,
        %get3A_266 = vector.shape_cast %get3A_265 : vector<1x16xf32> to vector<16xf32>
        %add3A_267 = arith.addf %get3A_262, %get3A_266 : vector<16xf32>
        %swap3A_268 = arith.index_cast %scan3A_244 : i32 to index
        %swap3A_269 = arith.constant 16 : index
        %swap3A_270 = tpu.vector_load %arg13[%swap3A_268, %swap3A_269] {strides = array<i32>} : memref<16x512xf32, #tpu.memory_space<vmem>>, vector<1x16xf32>,
        %swap3A_271 = vector.shape_cast %swap3A_270 : vector<1x16xf32> to vector<16xf32>
        %swap3A_272 = vector.shape_cast %add3A_267 : vector<16xf32> to vector<1x16xf32>
        tpu.vector_store %arg13[%swap3A_268, %swap3A_269], %swap3A_272 {strides = array<i32>} : memref<16x512xf32, #tpu.memory_space<vmem>>, vector<1x16xf32>,
        %get3A_273 = arith.index_cast %scan3A_244 : i32 to index
        %get3A_274 = arith.constant 32 : index
        %get3A_275 = tpu.vector_load %arg13[%get3A_273, %get3A_274] {strides = array<i32>} : memref<16x512xf32, #tpu.memory_space<vmem>>, vector<1x16xf32>,
        %get3A_276 = vector.shape_cast %get3A_275 : vector<1x16xf32> to vector<16xf32>
        %get3A_277 = arith.index_cast %scan3A_244 : i32 to index
        %get3A_278 = arith.constant 32 : index
        %get3A_279 = tpu.vector_load %arg17[%get3A_277, %get3A_278] {strides = array<i32>} : memref<16x512xf32, #tpu.memory_space<vmem>>, vector<1x16xf32>,
        %get3A_280 = vector.shape_cast %get3A_279 : vector<1x16xf32> to vector<16xf32>
        %add3A_281 = arith.addf %get3A_276, %get3A_280 : vector<16xf32>
        %swap3A_282 = arith.index_cast %scan3A_244 : i32 to index
        %swap3A_283 = arith.constant 32 : index
        %swap3A_284 = tpu.vector_load %arg13[%swap3A_282, %swap3A_283] {strides = array<i32>} : memref<16x512xf32, #tpu.memory_space<vmem>>, vector<1x16xf32>,
        %swap3A_285 = vector.shape_cast %swap3A_284 : vector<1x16xf32> to vector<16xf32>
        %swap3A_286 = vector.shape_cast %add3A_281 : vector<16xf32> to vector<1x16xf32>
        tpu.vector_store %arg13[%swap3A_282, %swap3A_283], %swap3A_286 {strides = array<i32>} : memref<16x512xf32, #tpu.memory_space<vmem>>, vector<1x16xf32>,
        %get3A_287 = arith.index_cast %scan3A_244 : i32 to index
        %get3A_288 = arith.constant 48 : index
        %get3A_289 = tpu.vector_load %arg13[%get3A_287, %get3A_288] {strides = array<i32>} : memref<16x512xf32, #tpu.memory_space<vmem>>, vector<1x16xf32>,
        %get3A_290 = vector.shape_cast %get3A_289 : vector<1x16xf32> to vector<16xf32>
        %get3A_291 = arith.index_cast %scan3A_244 : i32 to index
        %get3A_292 = arith.constant 48 : index
        %get3A_293 = tpu.vector_load %arg17[%get3A_291, %get3A_292] {strides = array<i32>} : memref<16x512xf32, #tpu.memory_space<vmem>>, vector<1x16xf32>,
        %get3A_294 = vector.shape_cast %get3A_293 : vector<1x16xf32> to vector<16xf32>
        %add3A_295 = arith.addf %get3A_290, %get3A_294 : vector<16xf32>
        %swap3A_296 = arith.index_cast %scan3A_244 : i32 to index
        %swap3A_297 = arith.constant 48 : index
        %swap3A_298 = tpu.vector_load %arg13[%swap3A_296, %swap3A_297] {strides = array<i32>} : memref<16x512xf32, #tpu.memory_space<vmem>>, vector<1x16xf32>,
        %swap3A_299 = vector.shape_cast %swap3A_298 : vector<1x16xf32> to vector<16xf32>
        %swap3A_300 = vector.shape_cast %add3A_295 : vector<16xf32> to vector<1x16xf32>
        tpu.vector_store %arg13[%swap3A_296, %swap3A_297], %swap3A_300 {strides = array<i32>} : memref<16x512xf32, #tpu.memory_space<vmem>>, vector<1x16xf32>,
        %get3A_301 = arith.index_cast %scan3A_244 : i32 to index
        %get3A_302 = arith.constant 64 : index
        %get3A_303 = tpu.vector_load %arg13[%get3A_301, %get3A_302] {strides = array<i32>} : memref<16x512xf32, #tpu.memory_space<vmem>>, vector<1x16xf32>,
        %get3A_304 = vector.shape_cast %get3A_303 : vector<1x16xf32> to vector<16xf32>
        %get3A_305 = arith.index_cast %scan3A_244 : i32 to index
        %get3A_306 = arith.constant 64 : index
        %get3A_307 = tpu.vector_load %arg17[%get3A_305, %get3A_306] {strides = array<i32>} : memref<16x512xf32, #tpu.memory_space<vmem>>, vector<1x16xf32>,
        %get3A_308 = vector.shape_cast %get3A_307 : vector<1x16xf32> to vector<16xf32>
        %add3A_309 = arith.addf %get3A_304, %get3A_308 : vector<16xf32>
        %swap3A_310 = arith.index_cast %scan3A_244 : i32 to index
        %swap3A_311 = arith.constant 64 : index
        %swap3A_312 = tpu.vector_load %arg13[%swap3A_310, %swap3A_311] {strides = array<i32>} : memref<16x512xf32, #tpu.memory_space<vmem>>, vector<1x16xf32>,
        %swap3A_313 = vector.shape_cast %swap3A_312 : vector<1x16xf32> to vector<16xf32>
        %swap3A_314 = vector.shape_cast %add3A_309 : vector<16xf32> to vector<1x16xf32>
        tpu.vector_store %arg13[%swap3A_310, %swap3A_311], %swap3A_314 {strides = array<i32>} : memref<16x512xf32, #tpu.memory_space<vmem>>, vector<1x16xf32>,
        %get3A_315 = arith.index_cast %scan3A_244 : i32 to index
        %get3A_316 = arith.constant 80 : index
        %get3A_317 = tpu.vector_load %arg13[%get3A_315, %get3A_316] {strides = array<i32>} : memref<16x512xf32, #tpu.memory_space<vmem>>, vector<1x16xf32>,
        %get3A_318 = vector.shape_cast %get3A_317 : vector<1x16xf32> to vector<16xf32>
        %get3A_319 = arith.index_cast %scan3A_244 : i32 to index
        %get3A_320 = arith.constant 80 : index
        %get3A_321 = tpu.vector_load %arg17[%get3A_319, %get3A_320] {strides = array<i32>} : memref<16x512xf32, #tpu.memory_space<vmem>>, vector<1x16xf32>,
        %get3A_322 = vector.shape_cast %get3A_321 : vector<1x16xf32> to vector<16xf32>
        %add3A_323 = arith.addf %get3A_318, %get3A_322 : vector<16xf32>
        %swap3A_324 = arith.index_cast %scan3A_244 : i32 to index
        %swap3A_325 = arith.constant 80 : index
        %swap3A_326 = tpu.vector_load %arg13[%swap3A_324, %swap3A_325] {strides = array<i32>} : memref<16x512xf32, #tpu.memory_space<vmem>>, vector<1x16xf32>,
        %swap3A_327 = vector.shape_cast %swap3A_326 : vector<1x16xf32> to vector<16xf32>
        %swap3A_328 = vector.shape_cast %add3A_323 : vector<16xf32> to vector<1x16xf32>
        tpu.vector_store %arg13[%swap3A_324, %swap3A_325], %swap3A_328 {strides = array<i32>} : memref<16x512xf32, #tpu.memory_space<vmem>>, vector<1x16xf32>,
        %get3A_329 = arith.index_cast %scan3A_244 : i32 to index
        %get3A_330 = arith.constant 96 : index
        %get3A_331 = tpu.vector_load %arg13[%get3A_329, %get3A_330] {strides = array<i32>} : memref<16x512xf32, #tpu.memory_space<vmem>>, vector<1x16xf32>,
        %get3A_332 = vector.shape_cast %get3A_331 : vector<1x16xf32> to vector<16xf32>
        %get3A_333 = arith.index_cast %scan3A_244 : i32 to index
        %get3A_334 = arith.constant 96 : index
        %get3A_335 = tpu.vector_load %arg17[%get3A_333, %get3A_334] {strides = array<i32>} : memref<16x512xf32, #tpu.memory_space<vmem>>, vector<1x16xf32>,
        %get3A_336 = vector.shape_cast %get3A_335 : vector<1x16xf32> to vector<16xf32>
        %add3A_337 = arith.addf %get3A_332, %get3A_336 : vector<16xf32>
        %swap3A_338 = arith.index_cast %scan3A_244 : i32 to index
        %swap3A_339 = arith.constant 96 : index
        %swap3A_340 = tpu.vector_load %arg13[%swap3A_338, %swap3A_339] {strides = array<i32>} : memref<16x512xf32, #tpu.memory_space<vmem>>, vector<1x16xf32>,
        %swap3A_341 = vector.shape_cast %swap3A_340 : vector<1x16xf32> to vector<16xf32>
        %swap3A_342 = vector.shape_cast %add3A_337 : vector<16xf32> to vector<1x16xf32>
        tpu.vector_store %arg13[%swap3A_338, %swap3A_339], %swap3A_342 {strides = array<i32>} : memref<16x512xf32, #tpu.memory_space<vmem>>, vector<1x16xf32>,
        %get3A_343 = arith.index_cast %scan3A_244 : i32 to index
        %get3A_344 = arith.constant 112 : index
        %get3A_345 = tpu.vector_load %arg13[%get3A_343, %get3A_344] {strides = array<i32>} : memref<16x512xf32, #tpu.memory_space<vmem>>, vector<1x16xf32>,
        %get3A_346 = vector.shape_cast %get3A_345 : vector<1x16xf32> to vector<16xf32>
        %get3A_347 = arith.index_cast %scan3A_244 : i32 to index
        %get3A_348 = arith.constant 112 : index
        %get3A_349 = tpu.vector_load %arg17[%get3A_347, %get3A_348] {strides = array<i32>} : memref<16x512xf32, #tpu.memory_space<vmem>>, vector<1x16xf32>,
        %get3A_350 = vector.shape_cast %get3A_349 : vector<1x16xf32> to vector<16xf32>
        %add3A_351 = arith.addf %get3A_346, %get3A_350 : vector<16xf32>
        %swap3A_352 = arith.index_cast %scan3A_244 : i32 to index
        %swap3A_353 = arith.constant 112 : index
        %swap3A_354 = tpu.vector_load %arg13[%swap3A_352, %swap3A_353] {strides = array<i32>} : memref<16x512xf32, #tpu.memory_space<vmem>>, vector<1x16xf32>,
        %swap3A_355 = vector.shape_cast %swap3A_354 : vector<1x16xf32> to vector<16xf32>
        %swap3A_356 = vector.shape_cast %add3A_351 : vector<16xf32> to vector<1x16xf32>
        tpu.vector_store %arg13[%swap3A_352, %swap3A_353], %swap3A_356 {strides = array<i32>} : memref<16x512xf32, #tpu.memory_space<vmem>>, vector<1x16xf32>,
        %get3A_357 = arith.index_cast %scan3A_244 : i32 to index
        %get3A_358 = arith.constant 128 : index
        %get3A_359 = tpu.vector_load %arg13[%get3A_357, %get3A_358] {strides = array<i32>} : memref<16x512xf32, #tpu.memory_space<vmem>>, vector<1x16xf32>,
        %get3A_360 = vector.shape_cast %get3A_359 : vector<1x16xf32> to vector<16xf32>
        %get3A_361 = arith.index_cast %scan3A_244 : i32 to index
        %get3A_362 = arith.constant 128 : index
        %get3A_363 = tpu.vector_load %arg17[%get3A_361, %get3A_362] {strides = array<i32>} : memref<16x512xf32, #tpu.memory_space<vmem>>, vector<1x16xf32>,
        %get3A_364 = vector.shape_cast %get3A_363 : vector<1x16xf32> to vector<16xf32>
        %add3A_365 = arith.addf %get3A_360, %get3A_364 : vector<16xf32>
        %swap3A_366 = arith.index_cast %scan3A_244 : i32 to index
        %swap3A_367 = arith.constant 128 : index
        %swap3A_368 = tpu.vector_load %arg13[%swap3A_366, %swap3A_367] {strides = array<i32>} : memref<16x512xf32, #tpu.memory_space<vmem>>, vector<1x16xf32>,
        %swap3A_369 = vector.shape_cast %swap3A_368 : vector<1x16xf32> to vector<16xf32>
        %swap3A_370 = vector.shape_cast %add3A_365 : vector<16xf32> to vector<1x16xf32>
        tpu.vector_store %arg13[%swap3A_366, %swap3A_367], %swap3A_370 {strides = array<i32>} : memref<16x512xf32, #tpu.memory_space<vmem>>, vector<1x16xf32>,
        %get3A_371 = arith.index_cast %scan3A_244 : i32 to index
        %get3A_372 = arith.constant 144 : index
        %get3A_373 = tpu.vector_load %arg13[%get3A_371, %get3A_372] {strides = array<i32>} : memref<16x512xf32, #tpu.memory_space<vmem>>, vector<1x16xf32>,
        %get3A_374 = vector.shape_cast %get3A_373 : vector<1x16xf32> to vector<16xf32>
        %get3A_375 = arith.index_cast %scan3A_244 : i32 to index
        %get3A_376 = arith.constant 144 : index
        %get3A_377 = tpu.vector_load %arg17[%get3A_375, %get3A_376] {strides = array<i32>} : memref<16x512xf32, #tpu.memory_space<vmem>>, vector<1x16xf32>,
        %get3A_378 = vector.shape_cast %get3A_377 : vector<1x16xf32> to vector<16xf32>
        %add3A_379 = arith.addf %get3A_374, %get3A_378 : vector<16xf32>
        %swap3A_380 = arith.index_cast %scan3A_244 : i32 to index
        %swap3A_381 = arith.constant 144 : index
        %swap3A_382 = tpu.vector_load %arg13[%swap3A_380, %swap3A_381] {strides = array<i32>} : memref<16x512xf32, #tpu.memory_space<vmem>>, vector<1x16xf32>,
        %swap3A_383 = vector.shape_cast %swap3A_382 : vector<1x16xf32> to vector<16xf32>
        %swap3A_384 = vector.shape_cast %add3A_379 : vector<16xf32> to vector<1x16xf32>
        tpu.vector_store %arg13[%swap3A_380, %swap3A_381], %swap3A_384 {strides = array<i32>} : memref<16x512xf32, #tpu.memory_space<vmem>>, vector<1x16xf32>,
        %get3A_385 = arith.index_cast %scan3A_244 : i32 to index
        %get3A_386 = arith.constant 160 : index
        %get3A_387 = tpu.vector_load %arg13[%get3A_385, %get3A_386] {strides = array<i32>} : memref<16x512xf32, #tpu.memory_space<vmem>>, vector<1x16xf32>,
        %get3A_388 = vector.shape_cast %get3A_387 : vector<1x16xf32> to vector<16xf32>
        %get3A_389 = arith.index_cast %scan3A_244 : i32 to index
        %get3A_390 = arith.constant 160 : index
        %get3A_391 = tpu.vector_load %arg17[%get3A_389, %get3A_390] {strides = array<i32>} : memref<16x512xf32, #tpu.memory_space<vmem>>, vector<1x16xf32>,
        %get3A_392 = vector.shape_cast %get3A_391 : vector<1x16xf32> to vector<16xf32>
        %add3A_393 = arith.addf %get3A_388, %get3A_392 : vector<16xf32>
        %swap3A_394 = arith.index_cast %scan3A_244 : i32 to index
        %swap3A_395 = arith.constant 160 : index
        %swap3A_396 = tpu.vector_load %arg13[%swap3A_394, %swap3A_395] {strides = array<i32>} : memref<16x512xf32, #tpu.memory_space<vmem>>, vector<1x16xf32>,
        %swap3A_397 = vector.shape_cast %swap3A_396 : vector<1x16xf32> to vector<16xf32>
        %swap3A_398 = vector.shape_cast %add3A_393 : vector<16xf32> to vector<1x16xf32>
        tpu.vector_store %arg13[%swap3A_394, %swap3A_395], %swap3A_398 {strides = array<i32>} : memref<16x512xf32, #tpu.memory_space<vmem>>, vector<1x16xf32>,
        %get3A_399 = arith.index_cast %scan3A_244 : i32 to index
        %get3A_400 = arith.constant 176 : index
        %get3A_401 = tpu.vector_load %arg13[%get3A_399, %get3A_400] {strides = array<i32>} : memref<16x512xf32, #tpu.memory_space<vmem>>, vector<1x16xf32>,
        %get3A_402 = vector.shape_cast %get3A_401 : vector<1x16xf32> to vector<16xf32>
        %get3A_403 = arith.index_cast %scan3A_244 : i32 to index
        %get3A_404 = arith.constant 176 : index
        %get3A_405 = tpu.vector_load %arg17[%get3A_403, %get3A_404] {strides = array<i32>} : memref<16x512xf32, #tpu.memory_space<vmem>>, vector<1x16xf32>,
        %get3A_406 = vector.shape_cast %get3A_405 : vector<1x16xf32> to vector<16xf32>
        %add3A_407 = arith.addf %get3A_402, %get3A_406 : vector<16xf32>
        %swap3A_408 = arith.index_cast %scan3A_244 : i32 to index
        %swap3A_409 = arith.constant 176 : index
        %swap3A_410 = tpu.vector_load %arg13[%swap3A_408, %swap3A_409] {strides = array<i32>} : memref<16x512xf32, #tpu.memory_space<vmem>>, vector<1x16xf32>,
        %swap3A_411 = vector.shape_cast %swap3A_410 : vector<1x16xf32> to vector<16xf32>
        %swap3A_412 = vector.shape_cast %add3A_407 : vector<16xf32> to vector<1x16xf32>
        tpu.vector_store %arg13[%swap3A_408, %swap3A_409], %swap3A_412 {strides = array<i32>} : memref<16x512xf32, #tpu.memory_space<vmem>>, vector<1x16xf32>,
        %get3A_413 = arith.index_cast %scan3A_244 : i32 to index
        %get3A_414 = arith.constant 192 : index
        %get3A_415 = tpu.vector_load %arg13[%get3A_413, %get3A_414] {strides = array<i32>} : memref<16x512xf32, #tpu.memory_space<vmem>>, vector<1x16xf32>,
        %get3A_416 = vector.shape_cast %get3A_415 : vector<1x16xf32> to vector<16xf32>
        %get3A_417 = arith.index_cast %scan3A_244 : i32 to index
        %get3A_418 = arith.constant 192 : index
        %get3A_419 = tpu.vector_load %arg17[%get3A_417, %get3A_418] {strides = array<i32>} : memref<16x512xf32, #tpu.memory_space<vmem>>, vector<1x16xf32>,
        %get3A_420 = vector.shape_cast %get3A_419 : vector<1x16xf32> to vector<16xf32>
        %add3A_421 = arith.addf %get3A_416, %get3A_420 : vector<16xf32>
        %swap3A_422 = arith.index_cast %scan3A_244 : i32 to index
        %swap3A_423 = arith.constant 192 : index
        %swap3A_424 = tpu.vector_load %arg13[%swap3A_422, %swap3A_423] {strides = array<i32>} : memref<16x512xf32, #tpu.memory_space<vmem>>, vector<1x16xf32>,
        %swap3A_425 = vector.shape_cast %swap3A_424 : vector<1x16xf32> to vector<16xf32>
        %swap3A_426 = vector.shape_cast %add3A_421 : vector<16xf32> to vector<1x16xf32>
        tpu.vector_store %arg13[%swap3A_422, %swap3A_423], %swap3A_426 {strides = array<i32>} : memref<16x512xf32, #tpu.memory_space<vmem>>, vector<1x16xf32>,
        %get3A_427 = arith.index_cast %scan3A_244 : i32 to index
        %get3A_428 = arith.constant 208 : index
        %get3A_429 = tpu.vector_load %arg13[%get3A_427, %get3A_428] {strides = array<i32>} : memref<16x512xf32, #tpu.memory_space<vmem>>, vector<1x16xf32>,
        %get3A_430 = vector.shape_cast %get3A_429 : vector<1x16xf32> to vector<16xf32>
        %get3A_431 = arith.index_cast %scan3A_244 : i32 to index
        %get3A_432 = arith.constant 208 : index
        %get3A_433 = tpu.vector_load %arg17[%get3A_431, %get3A_432] {strides = array<i32>} : memref<16x512xf32, #tpu.memory_space<vmem>>, vector<1x16xf32>,
        %get3A_434 = vector.shape_cast %get3A_433 : vector<1x16xf32> to vector<16xf32>
        %add3A_435 = arith.addf %get3A_430, %get3A_434 : vector<16xf32>
        %swap3A_436 = arith.index_cast %scan3A_244 : i32 to index
        %swap3A_437 = arith.constant 208 : index
        %swap3A_438 = tpu.vector_load %arg13[%swap3A_436, %swap3A_437] {strides = array<i32>} : memref<16x512xf32, #tpu.memory_space<vmem>>, vector<1x16xf32>,
        %swap3A_439 = vector.shape_cast %swap3A_438 : vector<1x16xf32> to vector<16xf32>
        %swap3A_440 = vector.shape_cast %add3A_435 : vector<16xf32> to vector<1x16xf32>
        tpu.vector_store %arg13[%swap3A_436, %swap3A_437], %swap3A_440 {strides = array<i32>} : memref<16x512xf32, #tpu.memory_space<vmem>>, vector<1x16xf32>,
        %get3A_441 = arith.index_cast %scan3A_244 : i32 to index
        %get3A_442 = arith.constant 224 : index
        %get3A_443 = tpu.vector_load %arg13[%get3A_441, %get3A_442] {strides = array<i32>} : memref<16x512xf32, #tpu.memory_space<vmem>>, vector<1x16xf32>,
        %get3A_444 = vector.shape_cast %get3A_443 : vector<1x16xf32> to vector<16xf32>
        %get3A_445 = arith.index_cast %scan3A_244 : i32 to index
        %get3A_446 = arith.constant 224 : index
        %get3A_447 = tpu.vector_load %arg17[%get3A_445, %get3A_446] {strides = array<i32>} : memref<16x512xf32, #tpu.memory_space<vmem>>, vector<1x16xf32>,
        %get3A_448 = vector.shape_cast %get3A_447 : vector<1x16xf32> to vector<16xf32>
        %add3A_449 = arith.addf %get3A_444, %get3A_448 : vector<16xf32>
        %swap3A_450 = arith.index_cast %scan3A_244 : i32 to index
        %swap3A_451 = arith.constant 224 : index
        %swap3A_452 = tpu.vector_load %arg13[%swap3A_450, %swap3A_451] {strides = array<i32>} : memref<16x512xf32, #tpu.memory_space<vmem>>, vector<1x16xf32>,
        %swap3A_453 = vector.shape_cast %swap3A_452 : vector<1x16xf32> to vector<16xf32>
        %swap3A_454 = vector.shape_cast %add3A_449 : vector<16xf32> to vector<1x16xf32>
        tpu.vector_store %arg13[%swap3A_450, %swap3A_451], %swap3A_454 {strides = array<i32>} : memref<16x512xf32, #tpu.memory_space<vmem>>, vector<1x16xf32>,
        %get3A_455 = arith.index_cast %scan3A_244 : i32 to index
        %get3A_456 = arith.constant 240 : index
        %get3A_457 = tpu.vector_load %arg13[%get3A_455, %get3A_456] {strides = array<i32>} : memref<16x512xf32, #tpu.memory_space<vmem>>, vector<1x16xf32>,
        %get3A_458 = vector.shape_cast %get3A_457 : vector<1x16xf32> to vector<16xf32>
        %get3A_459 = arith.index_cast %scan3A_244 : i32 to index
        %get3A_460 = arith.constant 240 : index
        %get3A_461 = tpu.vector_load %arg17[%get3A_459, %get3A_460] {strides = array<i32>} : memref<16x512xf32, #tpu.memory_space<vmem>>, vector<1x16xf32>,
        %get3A_462 = vector.shape_cast %get3A_461 : vector<1x16xf32> to vector<16xf32>
        %add3A_463 = arith.addf %get3A_458, %get3A_462 : vector<16xf32>
        %swap3A_464 = arith.index_cast %scan3A_244 : i32 to index
        %swap3A_465 = arith.constant 240 : index
        %swap3A_466 = tpu.vector_load %arg13[%swap3A_464, %swap3A_465] {strides = array<i32>} : memref<16x512xf32, #tpu.memory_space<vmem>>, vector<1x16xf32>,
        %swap3A_467 = vector.shape_cast %swap3A_466 : vector<1x16xf32> to vector<16xf32>
        %swap3A_468 = vector.shape_cast %add3A_463 : vector<16xf32> to vector<1x16xf32>
        tpu.vector_store %arg13[%swap3A_464, %swap3A_465], %swap3A_468 {strides = array<i32>} : memref<16x512xf32, #tpu.memory_space<vmem>>, vector<1x16xf32>,
        %get3A_469 = arith.index_cast %scan3A_244 : i32 to index
        %get3A_470 = arith.constant 256 : index
        %get3A_471 = tpu.vector_load %arg13[%get3A_469, %get3A_470] {strides = array<i32>} : memref<16x512xf32, #tpu.memory_space<vmem>>, vector<1x16xf32>,
        %get3A_472 = vector.shape_cast %get3A_471 : vector<1x16xf32> to vector<16xf32>
        %get3A_473 = arith.index_cast %scan3A_244 : i32 to index
        %get3A_474 = arith.constant 256 : index
        %get3A_475 = tpu.vector_load %arg17[%get3A_473, %get3A_474] {strides = array<i32>} : memref<16x512xf32, #tpu.memory_space<vmem>>, vector<1x16xf32>,
        %get3A_476 = vector.shape_cast %get3A_475 : vector<1x16xf32> to vector<16xf32>
        %add3A_477 = arith.addf %get3A_472, %get3A_476 : vector<16xf32>
        %swap3A_478 = arith.index_cast %scan3A_244 : i32 to index
        %swap3A_479 = arith.constant 256 : index
        %swap3A_480 = tpu.vector_load %arg13[%swap3A_478, %swap3A_479] {strides = array<i32>} : memref<16x512xf32, #tpu.memory_space<vmem>>, vector<1x16xf32>,
        %swap3A_481 = vector.shape_cast %swap3A_480 : vector<1x16xf32> to vector<16xf32>
        %swap3A_482 = vector.shape_cast %add3A_477 : vector<16xf32> to vector<1x16xf32>
        tpu.vector_store %arg13[%swap3A_478, %swap3A_479], %swap3A_482 {strides = array<i32>} : memref<16x512xf32, #tpu.memory_space<vmem>>, vector<1x16xf32>,
        %get3A_483 = arith.index_cast %scan3A_244 : i32 to index
        %get3A_484 = arith.constant 272 : index
        %get3A_485 = tpu.vector_load %arg13[%get3A_483, %get3A_484] {strides = array<i32>} : memref<16x512xf32, #tpu.memory_space<vmem>>, vector<1x16xf32>,
        %get3A_486 = vector.shape_cast %get3A_485 : vector<1x16xf32> to vector<16xf32>
        %get3A_487 = arith.index_cast %scan3A_244 : i32 to index
        %get3A_488 = arith.constant 272 : index
        %get3A_489 = tpu.vector_load %arg17[%get3A_487, %get3A_488] {strides = array<i32>} : memref<16x512xf32, #tpu.memory_space<vmem>>, vector<1x16xf32>,
        %get3A_490 = vector.shape_cast %get3A_489 : vector<1x16xf32> to vector<16xf32>
        %add3A_491 = arith.addf %get3A_486, %get3A_490 : vector<16xf32>
        %swap3A_492 = arith.index_cast %scan3A_244 : i32 to index
        %swap3A_493 = arith.constant 272 : index
        %swap3A_494 = tpu.vector_load %arg13[%swap3A_492, %swap3A_493] {strides = array<i32>} : memref<16x512xf32, #tpu.memory_space<vmem>>, vector<1x16xf32>,
        %swap3A_495 = vector.shape_cast %swap3A_494 : vector<1x16xf32> to vector<16xf32>
        %swap3A_496 = vector.shape_cast %add3A_491 : vector<16xf32> to vector<1x16xf32>
        tpu.vector_store %arg13[%swap3A_492, %swap3A_493], %swap3A_496 {strides = array<i32>} : memref<16x512xf32, #tpu.memory_space<vmem>>, vector<1x16xf32>,
        %get3A_497 = arith.index_cast %scan3A_244 : i32 to index
        %get3A_498 = arith.constant 288 : index
        %get3A_499 = tpu.vector_load %arg13[%get3A_497, %get3A_498] {strides = array<i32>} : memref<16x512xf32, #tpu.memory_space<vmem>>, vector<1x16xf32>,
        %get3A_500 = vector.shape_cast %get3A_499 : vector<1x16xf32> to vector<16xf32>
        %get3A_501 = arith.index_cast %scan3A_244 : i32 to index
        %get3A_502 = arith.constant 288 : index
        %get3A_503 = tpu.vector_load %arg17[%get3A_501, %get3A_502] {strides = array<i32>} : memref<16x512xf32, #tpu.memory_space<vmem>>, vector<1x16xf32>,
        %get3A_504 = vector.shape_cast %get3A_503 : vector<1x16xf32> to vector<16xf32>
        %add3A_505 = arith.addf %get3A_500, %get3A_504 : vector<16xf32>
        %swap3A_506 = arith.index_cast %scan3A_244 : i32 to index
        %swap3A_507 = arith.constant 288 : index
        %swap3A_508 = tpu.vector_load %arg13[%swap3A_506, %swap3A_507] {strides = array<i32>} : memref<16x512xf32, #tpu.memory_space<vmem>>, vector<1x16xf32>,
        %swap3A_509 = vector.shape_cast %swap3A_508 : vector<1x16xf32> to vector<16xf32>
        %swap3A_510 = vector.shape_cast %add3A_505 : vector<16xf32> to vector<1x16xf32>
        tpu.vector_store %arg13[%swap3A_506, %swap3A_507], %swap3A_510 {strides = array<i32>} : memref<16x512xf32, #tpu.memory_space<vmem>>, vector<1x16xf32>,
        %get3A_511 = arith.index_cast %scan3A_244 : i32 to index
        %get3A_512 = arith.constant 304 : index
        %get3A_513 = tpu.vector_load %arg13[%get3A_511, %get3A_512] {strides = array<i32>} : memref<16x512xf32, #tpu.memory_space<vmem>>, vector<1x16xf32>,
        %get3A_514 = vector.shape_cast %get3A_513 : vector<1x16xf32> to vector<16xf32>
        %get3A_515 = arith.index_cast %scan3A_244 : i32 to index
        %get3A_516 = arith.constant 304 : index
        %get3A_517 = tpu.vector_load %arg17[%get3A_515, %get3A_516] {strides = array<i32>} : memref<16x512xf32, #tpu.memory_space<vmem>>, vector<1x16xf32>,
        %get3A_518 = vector.shape_cast %get3A_517 : vector<1x16xf32> to vector<16xf32>
        %add3A_519 = arith.addf %get3A_514, %get3A_518 : vector<16xf32>
        %swap3A_520 = arith.index_cast %scan3A_244 : i32 to index
        %swap3A_521 = arith.constant 304 : index
        %swap3A_522 = tpu.vector_load %arg13[%swap3A_520, %swap3A_521] {strides = array<i32>} : memref<16x512xf32, #tpu.memory_space<vmem>>, vector<1x16xf32>,
        %swap3A_523 = vector.shape_cast %swap3A_522 : vector<1x16xf32> to vector<16xf32>
        %swap3A_524 = vector.shape_cast %add3A_519 : vector<16xf32> to vector<1x16xf32>
        tpu.vector_store %arg13[%swap3A_520, %swap3A_521], %swap3A_524 {strides = array<i32>} : memref<16x512xf32, #tpu.memory_space<vmem>>, vector<1x16xf32>,
        %get3A_525 = arith.index_cast %scan3A_244 : i32 to index
        %get3A_526 = arith.constant 320 : index
        %get3A_527 = tpu.vector_load %arg13[%get3A_525, %get3A_526] {strides = array<i32>} : memref<16x512xf32, #tpu.memory_space<vmem>>, vector<1x16xf32>,
        %get3A_528 = vector.shape_cast %get3A_527 : vector<1x16xf32> to vector<16xf32>
        %get3A_529 = arith.index_cast %scan3A_244 : i32 to index
        %get3A_530 = arith.constant 320 : index
        %get3A_531 = tpu.vector_load %arg17[%get3A_529, %get3A_530] {strides = array<i32>} : memref<16x512xf32, #tpu.memory_space<vmem>>, vector<1x16xf32>,
        %get3A_532 = vector.shape_cast %get3A_531 : vector<1x16xf32> to vector<16xf32>
        %add3A_533 = arith.addf %get3A_528, %get3A_532 : vector<16xf32>
        %swap3A_534 = arith.index_cast %scan3A_244 : i32 to index
        %swap3A_535 = arith.constant 320 : index
        %swap3A_536 = tpu.vector_load %arg13[%swap3A_534, %swap3A_535] {strides = array<i32>} : memref<16x512xf32, #tpu.memory_space<vmem>>, vector<1x16xf32>,
        %swap3A_537 = vector.shape_cast %swap3A_536 : vector<1x16xf32> to vector<16xf32>
        %swap3A_538 = vector.shape_cast %add3A_533 : vector<16xf32> to vector<1x16xf32>
        tpu.vector_store %arg13[%swap3A_534, %swap3A_535], %swap3A_538 {strides = array<i32>} : memref<16x512xf32, #tpu.memory_space<vmem>>, vector<1x16xf32>,
        %get3A_539 = arith.index_cast %scan3A_244 : i32 to index
        %get3A_540 = arith.constant 336 : index
        %get3A_541 = tpu.vector_load %arg13[%get3A_539, %get3A_540] {strides = array<i32>} : memref<16x512xf32, #tpu.memory_space<vmem>>, vector<1x16xf32>,
        %get3A_542 = vector.shape_cast %get3A_541 : vector<1x16xf32> to vector<16xf32>
        %get3A_543 = arith.index_cast %scan3A_244 : i32 to index
        %get3A_544 = arith.constant 336 : index
        %get3A_545 = tpu.vector_load %arg17[%get3A_543, %get3A_544] {strides = array<i32>} : memref<16x512xf32, #tpu.memory_space<vmem>>, vector<1x16xf32>,
        %get3A_546 = vector.shape_cast %get3A_545 : vector<1x16xf32> to vector<16xf32>
        %add3A_547 = arith.addf %get3A_542, %get3A_546 : vector<16xf32>
        %swap3A_548 = arith.index_cast %scan3A_244 : i32 to index
        %swap3A_549 = arith.constant 336 : index
        %swap3A_550 = tpu.vector_load %arg13[%swap3A_548, %swap3A_549] {strides = array<i32>} : memref<16x512xf32, #tpu.memory_space<vmem>>, vector<1x16xf32>,
        %swap3A_551 = vector.shape_cast %swap3A_550 : vector<1x16xf32> to vector<16xf32>
        %swap3A_552 = vector.shape_cast %add3A_547 : vector<16xf32> to vector<1x16xf32>
        tpu.vector_store %arg13[%swap3A_548, %swap3A_549], %swap3A_552 {strides = array<i32>} : memref<16x512xf32, #tpu.memory_space<vmem>>, vector<1x16xf32>,
        %get3A_553 = arith.index_cast %scan3A_244 : i32 to index
        %get3A_554 = arith.constant 352 : index
        %get3A_555 = tpu.vector_load %arg13[%get3A_553, %get3A_554] {strides = array<i32>} : memref<16x512xf32, #tpu.memory_space<vmem>>, vector<1x16xf32>,
        %get3A_556 = vector.shape_cast %get3A_555 : vector<1x16xf32> to vector<16xf32>
        %get3A_557 = arith.index_cast %scan3A_244 : i32 to index
        %get3A_558 = arith.constant 352 : index
        %get3A_559 = tpu.vector_load %arg17[%get3A_557, %get3A_558] {strides = array<i32>} : memref<16x512xf32, #tpu.memory_space<vmem>>, vector<1x16xf32>,
        %get3A_560 = vector.shape_cast %get3A_559 : vector<1x16xf32> to vector<16xf32>
        %add3A_561 = arith.addf %get3A_556, %get3A_560 : vector<16xf32>
        %swap3A_562 = arith.index_cast %scan3A_244 : i32 to index
        %swap3A_563 = arith.constant 352 : index
        %swap3A_564 = tpu.vector_load %arg13[%swap3A_562, %swap3A_563] {strides = array<i32>} : memref<16x512xf32, #tpu.memory_space<vmem>>, vector<1x16xf32>,
        %swap3A_565 = vector.shape_cast %swap3A_564 : vector<1x16xf32> to vector<16xf32>
        %swap3A_566 = vector.shape_cast %add3A_561 : vector<16xf32> to vector<1x16xf32>
        tpu.vector_store %arg13[%swap3A_562, %swap3A_563], %swap3A_566 {strides = array<i32>} : memref<16x512xf32, #tpu.memory_space<vmem>>, vector<1x16xf32>,
        %get3A_567 = arith.index_cast %scan3A_244 : i32 to index
        %get3A_568 = arith.constant 368 : index
        %get3A_569 = tpu.vector_load %arg13[%get3A_567, %get3A_568] {strides = array<i32>} : memref<16x512xf32, #tpu.memory_space<vmem>>, vector<1x16xf32>,
        %get3A_570 = vector.shape_cast %get3A_569 : vector<1x16xf32> to vector<16xf32>
        %get3A_571 = arith.index_cast %scan3A_244 : i32 to index
        %get3A_572 = arith.constant 368 : index
        %get3A_573 = tpu.vector_load %arg17[%get3A_571, %get3A_572] {strides = array<i32>} : memref<16x512xf32, #tpu.memory_space<vmem>>, vector<1x16xf32>,
        %get3A_574 = vector.shape_cast %get3A_573 : vector<1x16xf32> to vector<16xf32>
        %add3A_575 = arith.addf %get3A_570, %get3A_574 : vector<16xf32>
        %swap3A_576 = arith.index_cast %scan3A_244 : i32 to index
        %swap3A_577 = arith.constant 368 : index
        %swap3A_578 = tpu.vector_load %arg13[%swap3A_576, %swap3A_577] {strides = array<i32>} : memref<16x512xf32, #tpu.memory_space<vmem>>, vector<1x16xf32>,
        %swap3A_579 = vector.shape_cast %swap3A_578 : vector<1x16xf32> to vector<16xf32>
        %swap3A_580 = vector.shape_cast %add3A_575 : vector<16xf32> to vector<1x16xf32>
        tpu.vector_store %arg13[%swap3A_576, %swap3A_577], %swap3A_580 {strides = array<i32>} : memref<16x512xf32, #tpu.memory_space<vmem>>, vector<1x16xf32>,
        %get3A_581 = arith.index_cast %scan3A_244 : i32 to index
        %get3A_582 = arith.constant 384 : index
        %get3A_583 = tpu.vector_load %arg13[%get3A_581, %get3A_582] {strides = array<i32>} : memref<16x512xf32, #tpu.memory_space<vmem>>, vector<1x16xf32>,
        %get3A_584 = vector.shape_cast %get3A_583 : vector<1x16xf32> to vector<16xf32>
        %get3A_585 = arith.index_cast %scan3A_244 : i32 to index
        %get3A_586 = arith.constant 384 : index
        %get3A_587 = tpu.vector_load %arg17[%get3A_585, %get3A_586] {strides = array<i32>} : memref<16x512xf32, #tpu.memory_space<vmem>>, vector<1x16xf32>,
        %get3A_588 = vector.shape_cast %get3A_587 : vector<1x16xf32> to vector<16xf32>
        %add3A_589 = arith.addf %get3A_584, %get3A_588 : vector<16xf32>
        %swap3A_590 = arith.index_cast %scan3A_244 : i32 to index
        %swap3A_591 = arith.constant 384 : index
        %swap3A_592 = tpu.vector_load %arg13[%swap3A_590, %swap3A_591] {strides = array<i32>} : memref<16x512xf32, #tpu.memory_space<vmem>>, vector<1x16xf32>,
        %swap3A_593 = vector.shape_cast %swap3A_592 : vector<1x16xf32> to vector<16xf32>
        %swap3A_594 = vector.shape_cast %add3A_589 : vector<16xf32> to vector<1x16xf32>
        tpu.vector_store %arg13[%swap3A_590, %swap3A_591], %swap3A_594 {strides = array<i32>} : memref<16x512xf32, #tpu.memory_space<vmem>>, vector<1x16xf32>,
        %get3A_595 = arith.index_cast %scan3A_244 : i32 to index
        %get3A_596 = arith.constant 400 : index
        %get3A_597 = tpu.vector_load %arg13[%get3A_595, %get3A_596] {strides = array<i32>} : memref<16x512xf32, #tpu.memory_space<vmem>>, vector<1x16xf32>,
        %get3A_598 = vector.shape_cast %get3A_597 : vector<1x16xf32> to vector<16xf32>
        %get3A_599 = arith.index_cast %scan3A_244 : i32 to index
        %get3A_600 = arith.constant 400 : index
        %get3A_601 = tpu.vector_load %arg17[%get3A_599, %get3A_600] {strides = array<i32>} : memref<16x512xf32, #tpu.memory_space<vmem>>, vector<1x16xf32>,
        %get3A_602 = vector.shape_cast %get3A_601 : vector<1x16xf32> to vector<16xf32>
        %add3A_603 = arith.addf %get3A_598, %get3A_602 : vector<16xf32>
        %swap3A_604 = arith.index_cast %scan3A_244 : i32 to index
        %swap3A_605 = arith.constant 400 : index
        %swap3A_606 = tpu.vector_load %arg13[%swap3A_604, %swap3A_605] {strides = array<i32>} : memref<16x512xf32, #tpu.memory_space<vmem>>, vector<1x16xf32>,
        %swap3A_607 = vector.shape_cast %swap3A_606 : vector<1x16xf32> to vector<16xf32>
        %swap3A_608 = vector.shape_cast %add3A_603 : vector<16xf32> to vector<1x16xf32>
        tpu.vector_store %arg13[%swap3A_604, %swap3A_605], %swap3A_608 {strides = array<i32>} : memref<16x512xf32, #tpu.memory_space<vmem>>, vector<1x16xf32>,
        %get3A_609 = arith.index_cast %scan3A_244 : i32 to index
        %get3A_610 = arith.constant 416 : index
        %get3A_611 = tpu.vector_load %arg13[%get3A_609, %get3A_610] {strides = array<i32>} : memref<16x512xf32, #tpu.memory_space<vmem>>, vector<1x16xf32>,
        %get3A_612 = vector.shape_cast %get3A_611 : vector<1x16xf32> to vector<16xf32>
        %get3A_613 = arith.index_cast %scan3A_244 : i32 to index
        %get3A_614 = arith.constant 416 : index
        %get3A_615 = tpu.vector_load %arg17[%get3A_613, %get3A_614] {strides = array<i32>} : memref<16x512xf32, #tpu.memory_space<vmem>>, vector<1x16xf32>,
        %get3A_616 = vector.shape_cast %get3A_615 : vector<1x16xf32> to vector<16xf32>
        %add3A_617 = arith.addf %get3A_612, %get3A_616 : vector<16xf32>
        %swap3A_618 = arith.index_cast %scan3A_244 : i32 to index
        %swap3A_619 = arith.constant 416 : index
        %swap3A_620 = tpu.vector_load %arg13[%swap3A_618, %swap3A_619] {strides = array<i32>} : memref<16x512xf32, #tpu.memory_space<vmem>>, vector<1x16xf32>,
        %swap3A_621 = vector.shape_cast %swap3A_620 : vector<1x16xf32> to vector<16xf32>
        %swap3A_622 = vector.shape_cast %add3A_617 : vector<16xf32> to vector<1x16xf32>
        tpu.vector_store %arg13[%swap3A_618, %swap3A_619], %swap3A_622 {strides = array<i32>} : memref<16x512xf32, #tpu.memory_space<vmem>>, vector<1x16xf32>,
        %get3A_623 = arith.index_cast %scan3A_244 : i32 to index
        %get3A_624 = arith.constant 432 : index
        %get3A_625 = tpu.vector_load %arg13[%get3A_623, %get3A_624] {strides = array<i32>} : memref<16x512xf32, #tpu.memory_space<vmem>>, vector<1x16xf32>,
        %get3A_626 = vector.shape_cast %get3A_625 : vector<1x16xf32> to vector<16xf32>
        %get3A_627 = arith.index_cast %scan3A_244 : i32 to index
        %get3A_628 = arith.constant 432 : index
        %get3A_629 = tpu.vector_load %arg17[%get3A_627, %get3A_628] {strides = array<i32>} : memref<16x512xf32, #tpu.memory_space<vmem>>, vector<1x16xf32>,
        %get3A_630 = vector.shape_cast %get3A_629 : vector<1x16xf32> to vector<16xf32>
        %add3A_631 = arith.addf %get3A_626, %get3A_630 : vector<16xf32>
        %swap3A_632 = arith.index_cast %scan3A_244 : i32 to index
        %swap3A_633 = arith.constant 432 : index
        %swap3A_634 = tpu.vector_load %arg13[%swap3A_632, %swap3A_633] {strides = array<i32>} : memref<16x512xf32, #tpu.memory_space<vmem>>, vector<1x16xf32>,
        %swap3A_635 = vector.shape_cast %swap3A_634 : vector<1x16xf32> to vector<16xf32>
        %swap3A_636 = vector.shape_cast %add3A_631 : vector<16xf32> to vector<1x16xf32>
        tpu.vector_store %arg13[%swap3A_632, %swap3A_633], %swap3A_636 {strides = array<i32>} : memref<16x512xf32, #tpu.memory_space<vmem>>, vector<1x16xf32>,
        %get3A_637 = arith.index_cast %scan3A_244 : i32 to index
        %get3A_638 = arith.constant 448 : index
        %get3A_639 = tpu.vector_load %arg13[%get3A_637, %get3A_638] {strides = array<i32>} : memref<16x512xf32, #tpu.memory_space<vmem>>, vector<1x16xf32>,
        %get3A_640 = vector.shape_cast %get3A_639 : vector<1x16xf32> to vector<16xf32>
        %get3A_641 = arith.index_cast %scan3A_244 : i32 to index
        %get3A_642 = arith.constant 448 : index
        %get3A_643 = tpu.vector_load %arg17[%get3A_641, %get3A_642] {strides = array<i32>} : memref<16x512xf32, #tpu.memory_space<vmem>>, vector<1x16xf32>,
        %get3A_644 = vector.shape_cast %get3A_643 : vector<1x16xf32> to vector<16xf32>
        %add3A_645 = arith.addf %get3A_640, %get3A_644 : vector<16xf32>
        %swap3A_646 = arith.index_cast %scan3A_244 : i32 to index
        %swap3A_647 = arith.constant 448 : index
        %swap3A_648 = tpu.vector_load %arg13[%swap3A_646, %swap3A_647] {strides = array<i32>} : memref<16x512xf32, #tpu.memory_space<vmem>>, vector<1x16xf32>,
        %swap3A_649 = vector.shape_cast %swap3A_648 : vector<1x16xf32> to vector<16xf32>
        %swap3A_650 = vector.shape_cast %add3A_645 : vector<16xf32> to vector<1x16xf32>
        tpu.vector_store %arg13[%swap3A_646, %swap3A_647], %swap3A_650 {strides = array<i32>} : memref<16x512xf32, #tpu.memory_space<vmem>>, vector<1x16xf32>,
        %get3A_651 = arith.index_cast %scan3A_244 : i32 to index
        %get3A_652 = arith.constant 464 : index
        %get3A_653 = tpu.vector_load %arg13[%get3A_651, %get3A_652] {strides = array<i32>} : memref<16x512xf32, #tpu.memory_space<vmem>>, vector<1x16xf32>,
        %get3A_654 = vector.shape_cast %get3A_653 : vector<1x16xf32> to vector<16xf32>
        %get3A_655 = arith.index_cast %scan3A_244 : i32 to index
        %get3A_656 = arith.constant 464 : index
        %get3A_657 = tpu.vector_load %arg17[%get3A_655, %get3A_656] {strides = array<i32>} : memref<16x512xf32, #tpu.memory_space<vmem>>, vector<1x16xf32>,
        %get3A_658 = vector.shape_cast %get3A_657 : vector<1x16xf32> to vector<16xf32>
        %add3A_659 = arith.addf %get3A_654, %get3A_658 : vector<16xf32>
        %swap3A_660 = arith.index_cast %scan3A_244 : i32 to index
        %swap3A_661 = arith.constant 464 : index
        %swap3A_662 = tpu.vector_load %arg13[%swap3A_660, %swap3A_661] {strides = array<i32>} : memref<16x512xf32, #tpu.memory_space<vmem>>, vector<1x16xf32>,
        %swap3A_663 = vector.shape_cast %swap3A_662 : vector<1x16xf32> to vector<16xf32>
        %swap3A_664 = vector.shape_cast %add3A_659 : vector<16xf32> to vector<1x16xf32>
        tpu.vector_store %arg13[%swap3A_660, %swap3A_661], %swap3A_664 {strides = array<i32>} : memref<16x512xf32, #tpu.memory_space<vmem>>, vector<1x16xf32>,
        %get3A_665 = arith.index_cast %scan3A_244 : i32 to index
        %get3A_666 = arith.constant 480 : index
        %get3A_667 = tpu.vector_load %arg13[%get3A_665, %get3A_666] {strides = array<i32>} : memref<16x512xf32, #tpu.memory_space<vmem>>, vector<1x16xf32>,
        %get3A_668 = vector.shape_cast %get3A_667 : vector<1x16xf32> to vector<16xf32>
        %get3A_669 = arith.index_cast %scan3A_244 : i32 to index
        %get3A_670 = arith.constant 480 : index
        %get3A_671 = tpu.vector_load %arg17[%get3A_669, %get3A_670] {strides = array<i32>} : memref<16x512xf32, #tpu.memory_space<vmem>>, vector<1x16xf32>,
        %get3A_672 = vector.shape_cast %get3A_671 : vector<1x16xf32> to vector<16xf32>
        %add3A_673 = arith.addf %get3A_668, %get3A_672 : vector<16xf32>
        %swap3A_674 = arith.index_cast %scan3A_244 : i32 to index
        %swap3A_675 = arith.constant 480 : index
        %swap3A_676 = tpu.vector_load %arg13[%swap3A_674, %swap3A_675] {strides = array<i32>} : memref<16x512xf32, #tpu.memory_space<vmem>>, vector<1x16xf32>,
        %swap3A_677 = vector.shape_cast %swap3A_676 : vector<1x16xf32> to vector<16xf32>
        %swap3A_678 = vector.shape_cast %add3A_673 : vector<16xf32> to vector<1x16xf32>
        tpu.vector_store %arg13[%swap3A_674, %swap3A_675], %swap3A_678 {strides = array<i32>} : memref<16x512xf32, #tpu.memory_space<vmem>>, vector<1x16xf32>,
        %get3A_679 = arith.index_cast %scan3A_244 : i32 to index
        %get3A_680 = arith.constant 496 : index
        %get3A_681 = tpu.vector_load %arg13[%get3A_679, %get3A_680] {strides = array<i32>} : memref<16x512xf32, #tpu.memory_space<vmem>>, vector<1x16xf32>,
        %get3A_682 = vector.shape_cast %get3A_681 : vector<1x16xf32> to vector<16xf32>
        %get3A_683 = arith.index_cast %scan3A_244 : i32 to index
        %get3A_684 = arith.constant 496 : index
        %get3A_685 = tpu.vector_load %arg17[%get3A_683, %get3A_684] {strides = array<i32>} : memref<16x512xf32, #tpu.memory_space<vmem>>, vector<1x16xf32>,
        %get3A_686 = vector.shape_cast %get3A_685 : vector<1x16xf32> to vector<16xf32>
        %add3A_687 = arith.addf %get3A_682, %get3A_686 : vector<16xf32>
        %swap3A_688 = arith.index_cast %scan3A_244 : i32 to index
        %swap3A_689 = arith.constant 496 : index
        %swap3A_690 = tpu.vector_load %arg13[%swap3A_688, %swap3A_689] {strides = array<i32>} : memref<16x512xf32, #tpu.memory_space<vmem>>, vector<1x16xf32>,
        %swap3A_691 = vector.shape_cast %swap3A_690 : vector<1x16xf32> to vector<16xf32>
        %swap3A_692 = vector.shape_cast %add3A_687 : vector<16xf32> to vector<1x16xf32>
        tpu.vector_store %arg13[%swap3A_688, %swap3A_689], %swap3A_692 {strides = array<i32>} : memref<16x512xf32, #tpu.memory_space<vmem>>, vector<1x16xf32>,
      }
      %scan3A_131 = arith.constant 16 : i32
      %mul3A_132 = arith.constant 16 : i32
      %mul3A_133 = arith.muli %add3A_111, %mul3A_132 : i32
      %add3A_134 = arith.addi %mul3A_2, %mul3A_133 : i32
      %dma_start3A_135 = arith.constant 0 : i32
      %dma_start3A_136 = tpu.memref_slice %arg6[%add3A_134, %dma_start3A_135] : memref<51200x512xf32, #tpu.memory_space<hbm>> -> memref<16x512xf32, #tpu.memory_space<hbm>>
      %dma_start3A_137 = arith.constant 0 : i32
      %dma_start3A_138 = tpu.memref_slice %arg6[%add3A_134, %dma_start3A_137] : memref<51200x512xf32, #tpu.memory_space<hbm>> -> memref<16x512xf32, #tpu.memory_space<hbm>>
      tpu.enqueue_dma source(%arg13 : memref<16x512xf32, #tpu.memory_space<vmem>>) target(%dma_start3A_138 : memref<16x512xf32, #tpu.memory_space<hbm>>) target_semaphore(%arg29 : memref<!tpu.dma_semaphore, #tpu.memory_space<semaphore_mem>>)
      %mul3A_139 = arith.constant 4 : i32
      %mul3A_140 = arith.muli %scan3A_107, %mul3A_139 : i32
      %add3A_141 = arith.constant 1 : i32
      %add3A_142 = arith.addi %mul3A_140, %add3A_141 : i32
      %add3A_143 = arith.constant 4 : i32
      %add3A_144 = arith.addi %add3A_142, %add3A_143 : i32
      %sub3A_145 = arith.constant 1 : i32
      %sub3A_146 = arith.subi %add3A_144, %sub3A_145 : i32
      %lt3A_147 = arith.constant 100 : i32
      %lt3A_148 = arith.cmpi slt, %sub3A_146, %lt3A_147 : i32
      %convert_element_type3A_149 = arith.extui %lt3A_148 : i1 to i32
      %cond3A_150 = arith.constant 0 : i32
      %cond3A_151 = arith.cmpi ne, %convert_element_type3A_149, %cond3A_150 : i32
      scf.if %cond3A_151 {
        %ge3A = arith.constant 1 : i32
        %ge3A_244 = arith.cmpi sge, %add3A_142, %ge3A : i32
        %convert_element_type3A_245 = arith.extui %ge3A_244 : i1 to i32
        %cond3A_246 = arith.constant 0 : i32
        %cond3A_247 = arith.cmpi ne, %convert_element_type3A_245, %cond3A_246 : i32
        scf.if %cond3A_247 {
          %sub3A_281 = arith.constant 1 : i32
          %sub3A_282 = arith.subi %add3A_142, %sub3A_281 : i32
          %mul3A_283 = arith.constant 16 : i32
          %mul3A_284 = arith.muli %sub3A_282, %mul3A_283 : i32
          %add3A_285 = arith.addi %mul3A_2, %mul3A_284 : i32
          %dma_wait3A_286 = arith.constant 0 : i32
          %dma_wait3A_287 = tpu.memref_slice %arg6[%add3A_285, %dma_wait3A_286] : memref<51200x512xf32, #tpu.memory_space<hbm>> -> memref<16x512xf32, #tpu.memory_space<hbm>>
          %dma_wait3A_288 = arith.constant 0 : i32
          %dma_wait3A_289 = tpu.memref_slice %arg6[%add3A_285, %dma_wait3A_288] : memref<51200x512xf32, #tpu.memory_space<hbm>> -> memref<16x512xf32, #tpu.memory_space<hbm>>
          tpu.wait_dma2 semaphore(%arg29 : memref<!tpu.dma_semaphore, #tpu.memory_space<semaphore_mem>>) src(%arg13 : memref<16x512xf32, #tpu.memory_space<vmem>>) dst(%dma_wait3A_289 : memref<16x512xf32, #tpu.memory_space<hbm>>)
        } else {
        }
        %add3A_248 = arith.constant 4 : i32
        %add3A_249 = arith.addi %add3A_142, %add3A_248 : i32
        %sub3A_250 = arith.constant 1 : i32
        %sub3A_251 = arith.subi %add3A_249, %sub3A_250 : i32
        %mul3A_252 = arith.constant 16 : i32
        %mul3A_253 = arith.muli %sub3A_251, %mul3A_252 : i32
        %add3A_254 = arith.constant 0 : i32
        %add3A_255 = arith.addi %mul3A_253, %add3A_254 : i32
        %add3A_256 = arith.addi %mul3A_2, %add3A_255 : i32
        %iota3A_257 = tpu.iota {dimensions = array<i32: 0>} : vector<16xi32>
        %add3A_258 = vector.broadcast %add3A_256 : i32 to vector<16xi32>
        %add3A_259 = arith.addi %add3A_258, %iota3A_257 : vector<16xi32>
        %rem3A_260 = arith.constant 50 : i32
        %rem3A_261 = vector.broadcast %rem3A_260 : i32 to vector<16xi32>
        %rem3A_262 = arith.remsi %add3A_259, %rem3A_261 : vector<16xi32>
        %get3A_263 = arith.index_cast %add3A_255 : i32 to index
        %get3A_264 = tpu.vector_load %arg8[%get3A_263] {strides = array<i32>} : memref<1600xi32, #tpu.memory_space<vmem>>, vector<16xi32>,
        %get3A_265 = vector.shape_cast %get3A_264 : vector<16xi32> to vector<16xi32>
        %mul3A_266 = arith.constant 64 : i32
        %mul3A_267 = vector.broadcast %mul3A_266 : i32 to vector<16xi32>
        %mul3A_268 = arith.muli %get3A_265, %mul3A_267 : vector<16xi32>
        %add3A_269 = arith.addi %mul3A_268, %rem3A_262 : vector<16xi32>
        %swap3A_270 = arith.constant 0 : index
        %swap3A_271 = tpu.vector_load %arg9[%swap3A_270] {strides = array<i32>} : memref<16xi32, #tpu.memory_space<vmem>>, vector<16xi32>,
        %swap3A_272 = vector.shape_cast %swap3A_271 : vector<16xi32> to vector<16xi32>
        %swap3A_273 = vector.shape_cast %add3A_269 : vector<16xi32> to vector<16xi32>
        tpu.vector_store %arg9[%swap3A_270], %swap3A_273 {strides = array<i32>} : memref<16xi32, #tpu.memory_space<vmem>>, vector<16xi32>,
        %dma_start3A_274 = tpu.memref_slice %arg7[%mul3A_253] : memref<1600xi32, #tpu.memory_space<vmem>> -> memref<16xi32, #tpu.memory_space<vmem>>
        %dma_start3A_275 = arith.constant 0 : i32
        %dma_start3A_276 = arith.constant 0 : i32
        %dma_start3A_277 = tpu.memref_slice %arg2[%dma_start3A_275, %dma_start3A_276] : memref<100000x512xf32, #tpu.memory_space<hbm>> -> memref<100000x512xf32, #tpu.memory_space<hbm>>
        tpu.enqueue_indirect_dma source(%dma_start3A_277 : memref<100000x512xf32, #tpu.memory_space<hbm>>) target(%arg13 : memref<16x512xf32, #tpu.memory_space<vmem>>) offsets(%dma_start3A_274 : memref<16xi32, #tpu.memory_space<vmem>>) semaphore(%arg21 : memref<!tpu.dma_semaphore, #tpu.memory_space<semaphore_mem>>)
        %dma_start3A_278 = arith.constant 0 : i32
        %dma_start3A_279 = arith.constant 0 : i32
        %dma_start3A_280 = tpu.memref_slice %arg3[%dma_start3A_278, %dma_start3A_279] : memref<192x512xf32, #tpu.memory_space<hbm>> -> memref<192x512xf32, #tpu.memory_space<hbm>>
        tpu.enqueue_indirect_dma source(%dma_start3A_280 : memref<192x512xf32, #tpu.memory_space<hbm>>) target(%arg17 : memref<16x512xf32, #tpu.memory_space<vmem>>) offsets(%arg9 : memref<16xi32, #tpu.memory_space<vmem>>) semaphore(%arg25 : memref<!tpu.dma_semaphore, #tpu.memory_space<semaphore_mem>>)
      } else {
      }
      %mul3A_152 = arith.constant 16 : i32
      %mul3A_153 = arith.muli %add3A_142, %mul3A_152 : i32
      %dma_wait3A_154 = tpu.memref_slice %arg7[%mul3A_153] : memref<1600xi32, #tpu.memory_space<vmem>> -> memref<16xi32, #tpu.memory_space<vmem>>
      %dma_wait3A_155 = arith.constant 0 : i32
      %dma_wait3A_156 = arith.constant 0 : i32
      %dma_wait3A_157 = tpu.memref_slice %arg2[%dma_wait3A_155, %dma_wait3A_156] : memref<100000x512xf32, #tpu.memory_space<hbm>> -> memref<100000x512xf32, #tpu.memory_space<hbm>>
      tpu.wait_indirect_dma semaphore(%arg22 : memref<!tpu.dma_semaphore, #tpu.memory_space<semaphore_mem>>) src(%dma_wait3A_157 : memref<100000x512xf32, #tpu.memory_space<hbm>>) dst(%arg14 : memref<16x512xf32, #tpu.memory_space<vmem>>)
      %dma_wait3A_158 = arith.constant 0 : i32
      %dma_wait3A_159 = arith.constant 0 : i32
      %dma_wait3A_160 = tpu.memref_slice %arg3[%dma_wait3A_158, %dma_wait3A_159] : memref<192x512xf32, #tpu.memory_space<hbm>> -> memref<192x512xf32, #tpu.memory_space<hbm>>
      tpu.wait_indirect_dma semaphore(%arg26 : memref<!tpu.dma_semaphore, #tpu.memory_space<semaphore_mem>>) src(%dma_wait3A_160 : memref<192x512xf32, #tpu.memory_space<hbm>>) dst(%arg18 : memref<16x512xf32, #tpu.memory_space<vmem>>)
      %scan3A_161 = arith.constant 0 : i32
      %scan3A_162 = arith.constant 0 : i32
      %scan3A_163 = arith.constant 16 : i32
      %scan3A_164 = arith.addi %scan3A_162, %scan3A_163 : i32
      %scan3A_165 = arith.constant 1 : i32
      scf.for %scan3A_244 = %scan3A_162 to %scan3A_164 step %scan3A_165  : i32 {
        %get3A_245 = arith.index_cast %scan3A_244 : i32 to index
        %get3A_246 = arith.constant 0 : index
        %get3A_247 = tpu.vector_load %arg14[%get3A_245, %get3A_246] {strides = array<i32>} : memref<16x512xf32, #tpu.memory_space<vmem>>, vector<1x16xf32>,
        %get3A_248 = vector.shape_cast %get3A_247 : vector<1x16xf32> to vector<16xf32>
        %get3A_249 = arith.index_cast %scan3A_244 : i32 to index
        %get3A_250 = arith.constant 0 : index
        %get3A_251 = tpu.vector_load %arg18[%get3A_249, %get3A_250] {strides = array<i32>} : memref<16x512xf32, #tpu.memory_space<vmem>>, vector<1x16xf32>,
        %get3A_252 = vector.shape_cast %get3A_251 : vector<1x16xf32> to vector<16xf32>
        %add3A_253 = arith.addf %get3A_248, %get3A_252 : vector<16xf32>
        %swap3A_254 = arith.index_cast %scan3A_244 : i32 to index
        %swap3A_255 = arith.constant 0 : index
        %swap3A_256 = tpu.vector_load %arg14[%swap3A_254, %swap3A_255] {strides = array<i32>} : memref<16x512xf32, #tpu.memory_space<vmem>>, vector<1x16xf32>,
        %swap3A_257 = vector.shape_cast %swap3A_256 : vector<1x16xf32> to vector<16xf32>
        %swap3A_258 = vector.shape_cast %add3A_253 : vector<16xf32> to vector<1x16xf32>
        tpu.vector_store %arg14[%swap3A_254, %swap3A_255], %swap3A_258 {strides = array<i32>} : memref<16x512xf32, #tpu.memory_space<vmem>>, vector<1x16xf32>,
        %get3A_259 = arith.index_cast %scan3A_244 : i32 to index
        %get3A_260 = arith.constant 16 : index
        %get3A_261 = tpu.vector_load %arg14[%get3A_259, %get3A_260] {strides = array<i32>} : memref<16x512xf32, #tpu.memory_space<vmem>>, vector<1x16xf32>,
        %get3A_262 = vector.shape_cast %get3A_261 : vector<1x16xf32> to vector<16xf32>
        %get3A_263 = arith.index_cast %scan3A_244 : i32 to index
        %get3A_264 = arith.constant 16 : index
        %get3A_265 = tpu.vector_load %arg18[%get3A_263, %get3A_264] {strides = array<i32>} : memref<16x512xf32, #tpu.memory_space<vmem>>, vector<1x16xf32>,
        %get3A_266 = vector.shape_cast %get3A_265 : vector<1x16xf32> to vector<16xf32>
        %add3A_267 = arith.addf %get3A_262, %get3A_266 : vector<16xf32>
        %swap3A_268 = arith.index_cast %scan3A_244 : i32 to index
        %swap3A_269 = arith.constant 16 : index
        %swap3A_270 = tpu.vector_load %arg14[%swap3A_268, %swap3A_269] {strides = array<i32>} : memref<16x512xf32, #tpu.memory_space<vmem>>, vector<1x16xf32>,
        %swap3A_271 = vector.shape_cast %swap3A_270 : vector<1x16xf32> to vector<16xf32>
        %swap3A_272 = vector.shape_cast %add3A_267 : vector<16xf32> to vector<1x16xf32>
        tpu.vector_store %arg14[%swap3A_268, %swap3A_269], %swap3A_272 {strides = array<i32>} : memref<16x512xf32, #tpu.memory_space<vmem>>, vector<1x16xf32>,
        %get3A_273 = arith.index_cast %scan3A_244 : i32 to index
        %get3A_274 = arith.constant 32 : index
        %get3A_275 = tpu.vector_load %arg14[%get3A_273, %get3A_274] {strides = array<i32>} : memref<16x512xf32, #tpu.memory_space<vmem>>, vector<1x16xf32>,
        %get3A_276 = vector.shape_cast %get3A_275 : vector<1x16xf32> to vector<16xf32>
        %get3A_277 = arith.index_cast %scan3A_244 : i32 to index
        %get3A_278 = arith.constant 32 : index
        %get3A_279 = tpu.vector_load %arg18[%get3A_277, %get3A_278] {strides = array<i32>} : memref<16x512xf32, #tpu.memory_space<vmem>>, vector<1x16xf32>,
        %get3A_280 = vector.shape_cast %get3A_279 : vector<1x16xf32> to vector<16xf32>
        %add3A_281 = arith.addf %get3A_276, %get3A_280 : vector<16xf32>
        %swap3A_282 = arith.index_cast %scan3A_244 : i32 to index
        %swap3A_283 = arith.constant 32 : index
        %swap3A_284 = tpu.vector_load %arg14[%swap3A_282, %swap3A_283] {strides = array<i32>} : memref<16x512xf32, #tpu.memory_space<vmem>>, vector<1x16xf32>,
        %swap3A_285 = vector.shape_cast %swap3A_284 : vector<1x16xf32> to vector<16xf32>
        %swap3A_286 = vector.shape_cast %add3A_281 : vector<16xf32> to vector<1x16xf32>
        tpu.vector_store %arg14[%swap3A_282, %swap3A_283], %swap3A_286 {strides = array<i32>} : memref<16x512xf32, #tpu.memory_space<vmem>>, vector<1x16xf32>,
        %get3A_287 = arith.index_cast %scan3A_244 : i32 to index
        %get3A_288 = arith.constant 48 : index
        %get3A_289 = tpu.vector_load %arg14[%get3A_287, %get3A_288] {strides = array<i32>} : memref<16x512xf32, #tpu.memory_space<vmem>>, vector<1x16xf32>,
        %get3A_290 = vector.shape_cast %get3A_289 : vector<1x16xf32> to vector<16xf32>
        %get3A_291 = arith.index_cast %scan3A_244 : i32 to index
        %get3A_292 = arith.constant 48 : index
        %get3A_293 = tpu.vector_load %arg18[%get3A_291, %get3A_292] {strides = array<i32>} : memref<16x512xf32, #tpu.memory_space<vmem>>, vector<1x16xf32>,
        %get3A_294 = vector.shape_cast %get3A_293 : vector<1x16xf32> to vector<16xf32>
        %add3A_295 = arith.addf %get3A_290, %get3A_294 : vector<16xf32>
        %swap3A_296 = arith.index_cast %scan3A_244 : i32 to index
        %swap3A_297 = arith.constant 48 : index
        %swap3A_298 = tpu.vector_load %arg14[%swap3A_296, %swap3A_297] {strides = array<i32>} : memref<16x512xf32, #tpu.memory_space<vmem>>, vector<1x16xf32>,
        %swap3A_299 = vector.shape_cast %swap3A_298 : vector<1x16xf32> to vector<16xf32>
        %swap3A_300 = vector.shape_cast %add3A_295 : vector<16xf32> to vector<1x16xf32>
        tpu.vector_store %arg14[%swap3A_296, %swap3A_297], %swap3A_300 {strides = array<i32>} : memref<16x512xf32, #tpu.memory_space<vmem>>, vector<1x16xf32>,
        %get3A_301 = arith.index_cast %scan3A_244 : i32 to index
        %get3A_302 = arith.constant 64 : index
        %get3A_303 = tpu.vector_load %arg14[%get3A_301, %get3A_302] {strides = array<i32>} : memref<16x512xf32, #tpu.memory_space<vmem>>, vector<1x16xf32>,
        %get3A_304 = vector.shape_cast %get3A_303 : vector<1x16xf32> to vector<16xf32>
        %get3A_305 = arith.index_cast %scan3A_244 : i32 to index
        %get3A_306 = arith.constant 64 : index
        %get3A_307 = tpu.vector_load %arg18[%get3A_305, %get3A_306] {strides = array<i32>} : memref<16x512xf32, #tpu.memory_space<vmem>>, vector<1x16xf32>,
        %get3A_308 = vector.shape_cast %get3A_307 : vector<1x16xf32> to vector<16xf32>
        %add3A_309 = arith.addf %get3A_304, %get3A_308 : vector<16xf32>
        %swap3A_310 = arith.index_cast %scan3A_244 : i32 to index
        %swap3A_311 = arith.constant 64 : index
        %swap3A_312 = tpu.vector_load %arg14[%swap3A_310, %swap3A_311] {strides = array<i32>} : memref<16x512xf32, #tpu.memory_space<vmem>>, vector<1x16xf32>,
        %swap3A_313 = vector.shape_cast %swap3A_312 : vector<1x16xf32> to vector<16xf32>
        %swap3A_314 = vector.shape_cast %add3A_309 : vector<16xf32> to vector<1x16xf32>
        tpu.vector_store %arg14[%swap3A_310, %swap3A_311], %swap3A_314 {strides = array<i32>} : memref<16x512xf32, #tpu.memory_space<vmem>>, vector<1x16xf32>,
        %get3A_315 = arith.index_cast %scan3A_244 : i32 to index
        %get3A_316 = arith.constant 80 : index
        %get3A_317 = tpu.vector_load %arg14[%get3A_315, %get3A_316] {strides = array<i32>} : memref<16x512xf32, #tpu.memory_space<vmem>>, vector<1x16xf32>,
        %get3A_318 = vector.shape_cast %get3A_317 : vector<1x16xf32> to vector<16xf32>
        %get3A_319 = arith.index_cast %scan3A_244 : i32 to index
        %get3A_320 = arith.constant 80 : index
        %get3A_321 = tpu.vector_load %arg18[%get3A_319, %get3A_320] {strides = array<i32>} : memref<16x512xf32, #tpu.memory_space<vmem>>, vector<1x16xf32>,
        %get3A_322 = vector.shape_cast %get3A_321 : vector<1x16xf32> to vector<16xf32>
        %add3A_323 = arith.addf %get3A_318, %get3A_322 : vector<16xf32>
        %swap3A_324 = arith.index_cast %scan3A_244 : i32 to index
        %swap3A_325 = arith.constant 80 : index
        %swap3A_326 = tpu.vector_load %arg14[%swap3A_324, %swap3A_325] {strides = array<i32>} : memref<16x512xf32, #tpu.memory_space<vmem>>, vector<1x16xf32>,
        %swap3A_327 = vector.shape_cast %swap3A_326 : vector<1x16xf32> to vector<16xf32>
        %swap3A_328 = vector.shape_cast %add3A_323 : vector<16xf32> to vector<1x16xf32>
        tpu.vector_store %arg14[%swap3A_324, %swap3A_325], %swap3A_328 {strides = array<i32>} : memref<16x512xf32, #tpu.memory_space<vmem>>, vector<1x16xf32>,
        %get3A_329 = arith.index_cast %scan3A_244 : i32 to index
        %get3A_330 = arith.constant 96 : index
        %get3A_331 = tpu.vector_load %arg14[%get3A_329, %get3A_330] {strides = array<i32>} : memref<16x512xf32, #tpu.memory_space<vmem>>, vector<1x16xf32>,
        %get3A_332 = vector.shape_cast %get3A_331 : vector<1x16xf32> to vector<16xf32>
        %get3A_333 = arith.index_cast %scan3A_244 : i32 to index
        %get3A_334 = arith.constant 96 : index
        %get3A_335 = tpu.vector_load %arg18[%get3A_333, %get3A_334] {strides = array<i32>} : memref<16x512xf32, #tpu.memory_space<vmem>>, vector<1x16xf32>,
        %get3A_336 = vector.shape_cast %get3A_335 : vector<1x16xf32> to vector<16xf32>
        %add3A_337 = arith.addf %get3A_332, %get3A_336 : vector<16xf32>
        %swap3A_338 = arith.index_cast %scan3A_244 : i32 to index
        %swap3A_339 = arith.constant 96 : index
        %swap3A_340 = tpu.vector_load %arg14[%swap3A_338, %swap3A_339] {strides = array<i32>} : memref<16x512xf32, #tpu.memory_space<vmem>>, vector<1x16xf32>,
        %swap3A_341 = vector.shape_cast %swap3A_340 : vector<1x16xf32> to vector<16xf32>
        %swap3A_342 = vector.shape_cast %add3A_337 : vector<16xf32> to vector<1x16xf32>
        tpu.vector_store %arg14[%swap3A_338, %swap3A_339], %swap3A_342 {strides = array<i32>} : memref<16x512xf32, #tpu.memory_space<vmem>>, vector<1x16xf32>,
        %get3A_343 = arith.index_cast %scan3A_244 : i32 to index
        %get3A_344 = arith.constant 112 : index
        %get3A_345 = tpu.vector_load %arg14[%get3A_343, %get3A_344] {strides = array<i32>} : memref<16x512xf32, #tpu.memory_space<vmem>>, vector<1x16xf32>,
        %get3A_346 = vector.shape_cast %get3A_345 : vector<1x16xf32> to vector<16xf32>
        %get3A_347 = arith.index_cast %scan3A_244 : i32 to index
        %get3A_348 = arith.constant 112 : index
        %get3A_349 = tpu.vector_load %arg18[%get3A_347, %get3A_348] {strides = array<i32>} : memref<16x512xf32, #tpu.memory_space<vmem>>, vector<1x16xf32>,
        %get3A_350 = vector.shape_cast %get3A_349 : vector<1x16xf32> to vector<16xf32>
        %add3A_351 = arith.addf %get3A_346, %get3A_350 : vector<16xf32>
        %swap3A_352 = arith.index_cast %scan3A_244 : i32 to index
        %swap3A_353 = arith.constant 112 : index
        %swap3A_354 = tpu.vector_load %arg14[%swap3A_352, %swap3A_353] {strides = array<i32>} : memref<16x512xf32, #tpu.memory_space<vmem>>, vector<1x16xf32>,
        %swap3A_355 = vector.shape_cast %swap3A_354 : vector<1x16xf32> to vector<16xf32>
        %swap3A_356 = vector.shape_cast %add3A_351 : vector<16xf32> to vector<1x16xf32>
        tpu.vector_store %arg14[%swap3A_352, %swap3A_353], %swap3A_356 {strides = array<i32>} : memref<16x512xf32, #tpu.memory_space<vmem>>, vector<1x16xf32>,
        %get3A_357 = arith.index_cast %scan3A_244 : i32 to index
        %get3A_358 = arith.constant 128 : index
        %get3A_359 = tpu.vector_load %arg14[%get3A_357, %get3A_358] {strides = array<i32>} : memref<16x512xf32, #tpu.memory_space<vmem>>, vector<1x16xf32>,
        %get3A_360 = vector.shape_cast %get3A_359 : vector<1x16xf32> to vector<16xf32>
        %get3A_361 = arith.index_cast %scan3A_244 : i32 to index
        %get3A_362 = arith.constant 128 : index
        %get3A_363 = tpu.vector_load %arg18[%get3A_361, %get3A_362] {strides = array<i32>} : memref<16x512xf32, #tpu.memory_space<vmem>>, vector<1x16xf32>,
        %get3A_364 = vector.shape_cast %get3A_363 : vector<1x16xf32> to vector<16xf32>
        %add3A_365 = arith.addf %get3A_360, %get3A_364 : vector<16xf32>
        %swap3A_366 = arith.index_cast %scan3A_244 : i32 to index
        %swap3A_367 = arith.constant 128 : index
        %swap3A_368 = tpu.vector_load %arg14[%swap3A_366, %swap3A_367] {strides = array<i32>} : memref<16x512xf32, #tpu.memory_space<vmem>>, vector<1x16xf32>,
        %swap3A_369 = vector.shape_cast %swap3A_368 : vector<1x16xf32> to vector<16xf32>
        %swap3A_370 = vector.shape_cast %add3A_365 : vector<16xf32> to vector<1x16xf32>
        tpu.vector_store %arg14[%swap3A_366, %swap3A_367], %swap3A_370 {strides = array<i32>} : memref<16x512xf32, #tpu.memory_space<vmem>>, vector<1x16xf32>,
        %get3A_371 = arith.index_cast %scan3A_244 : i32 to index
        %get3A_372 = arith.constant 144 : index
        %get3A_373 = tpu.vector_load %arg14[%get3A_371, %get3A_372] {strides = array<i32>} : memref<16x512xf32, #tpu.memory_space<vmem>>, vector<1x16xf32>,
        %get3A_374 = vector.shape_cast %get3A_373 : vector<1x16xf32> to vector<16xf32>
        %get3A_375 = arith.index_cast %scan3A_244 : i32 to index
        %get3A_376 = arith.constant 144 : index
        %get3A_377 = tpu.vector_load %arg18[%get3A_375, %get3A_376] {strides = array<i32>} : memref<16x512xf32, #tpu.memory_space<vmem>>, vector<1x16xf32>,
        %get3A_378 = vector.shape_cast %get3A_377 : vector<1x16xf32> to vector<16xf32>
        %add3A_379 = arith.addf %get3A_374, %get3A_378 : vector<16xf32>
        %swap3A_380 = arith.index_cast %scan3A_244 : i32 to index
        %swap3A_381 = arith.constant 144 : index
        %swap3A_382 = tpu.vector_load %arg14[%swap3A_380, %swap3A_381] {strides = array<i32>} : memref<16x512xf32, #tpu.memory_space<vmem>>, vector<1x16xf32>,
        %swap3A_383 = vector.shape_cast %swap3A_382 : vector<1x16xf32> to vector<16xf32>
        %swap3A_384 = vector.shape_cast %add3A_379 : vector<16xf32> to vector<1x16xf32>
        tpu.vector_store %arg14[%swap3A_380, %swap3A_381], %swap3A_384 {strides = array<i32>} : memref<16x512xf32, #tpu.memory_space<vmem>>, vector<1x16xf32>,
        %get3A_385 = arith.index_cast %scan3A_244 : i32 to index
        %get3A_386 = arith.constant 160 : index
        %get3A_387 = tpu.vector_load %arg14[%get3A_385, %get3A_386] {strides = array<i32>} : memref<16x512xf32, #tpu.memory_space<vmem>>, vector<1x16xf32>,
        %get3A_388 = vector.shape_cast %get3A_387 : vector<1x16xf32> to vector<16xf32>
        %get3A_389 = arith.index_cast %scan3A_244 : i32 to index
        %get3A_390 = arith.constant 160 : index
        %get3A_391 = tpu.vector_load %arg18[%get3A_389, %get3A_390] {strides = array<i32>} : memref<16x512xf32, #tpu.memory_space<vmem>>, vector<1x16xf32>,
        %get3A_392 = vector.shape_cast %get3A_391 : vector<1x16xf32> to vector<16xf32>
        %add3A_393 = arith.addf %get3A_388, %get3A_392 : vector<16xf32>
        %swap3A_394 = arith.index_cast %scan3A_244 : i32 to index
        %swap3A_395 = arith.constant 160 : index
        %swap3A_396 = tpu.vector_load %arg14[%swap3A_394, %swap3A_395] {strides = array<i32>} : memref<16x512xf32, #tpu.memory_space<vmem>>, vector<1x16xf32>,
        %swap3A_397 = vector.shape_cast %swap3A_396 : vector<1x16xf32> to vector<16xf32>
        %swap3A_398 = vector.shape_cast %add3A_393 : vector<16xf32> to vector<1x16xf32>
        tpu.vector_store %arg14[%swap3A_394, %swap3A_395], %swap3A_398 {strides = array<i32>} : memref<16x512xf32, #tpu.memory_space<vmem>>, vector<1x16xf32>,
        %get3A_399 = arith.index_cast %scan3A_244 : i32 to index
        %get3A_400 = arith.constant 176 : index
        %get3A_401 = tpu.vector_load %arg14[%get3A_399, %get3A_400] {strides = array<i32>} : memref<16x512xf32, #tpu.memory_space<vmem>>, vector<1x16xf32>,
        %get3A_402 = vector.shape_cast %get3A_401 : vector<1x16xf32> to vector<16xf32>
        %get3A_403 = arith.index_cast %scan3A_244 : i32 to index
        %get3A_404 = arith.constant 176 : index
        %get3A_405 = tpu.vector_load %arg18[%get3A_403, %get3A_404] {strides = array<i32>} : memref<16x512xf32, #tpu.memory_space<vmem>>, vector<1x16xf32>,
        %get3A_406 = vector.shape_cast %get3A_405 : vector<1x16xf32> to vector<16xf32>
        %add3A_407 = arith.addf %get3A_402, %get3A_406 : vector<16xf32>
        %swap3A_408 = arith.index_cast %scan3A_244 : i32 to index
        %swap3A_409 = arith.constant 176 : index
        %swap3A_410 = tpu.vector_load %arg14[%swap3A_408, %swap3A_409] {strides = array<i32>} : memref<16x512xf32, #tpu.memory_space<vmem>>, vector<1x16xf32>,
        %swap3A_411 = vector.shape_cast %swap3A_410 : vector<1x16xf32> to vector<16xf32>
        %swap3A_412 = vector.shape_cast %add3A_407 : vector<16xf32> to vector<1x16xf32>
        tpu.vector_store %arg14[%swap3A_408, %swap3A_409], %swap3A_412 {strides = array<i32>} : memref<16x512xf32, #tpu.memory_space<vmem>>, vector<1x16xf32>,
        %get3A_413 = arith.index_cast %scan3A_244 : i32 to index
        %get3A_414 = arith.constant 192 : index
        %get3A_415 = tpu.vector_load %arg14[%get3A_413, %get3A_414] {strides = array<i32>} : memref<16x512xf32, #tpu.memory_space<vmem>>, vector<1x16xf32>,
        %get3A_416 = vector.shape_cast %get3A_415 : vector<1x16xf32> to vector<16xf32>
        %get3A_417 = arith.index_cast %scan3A_244 : i32 to index
        %get3A_418 = arith.constant 192 : index
        %get3A_419 = tpu.vector_load %arg18[%get3A_417, %get3A_418] {strides = array<i32>} : memref<16x512xf32, #tpu.memory_space<vmem>>, vector<1x16xf32>,
        %get3A_420 = vector.shape_cast %get3A_419 : vector<1x16xf32> to vector<16xf32>
        %add3A_421 = arith.addf %get3A_416, %get3A_420 : vector<16xf32>
        %swap3A_422 = arith.index_cast %scan3A_244 : i32 to index
        %swap3A_423 = arith.constant 192 : index
        %swap3A_424 = tpu.vector_load %arg14[%swap3A_422, %swap3A_423] {strides = array<i32>} : memref<16x512xf32, #tpu.memory_space<vmem>>, vector<1x16xf32>,
        %swap3A_425 = vector.shape_cast %swap3A_424 : vector<1x16xf32> to vector<16xf32>
        %swap3A_426 = vector.shape_cast %add3A_421 : vector<16xf32> to vector<1x16xf32>
        tpu.vector_store %arg14[%swap3A_422, %swap3A_423], %swap3A_426 {strides = array<i32>} : memref<16x512xf32, #tpu.memory_space<vmem>>, vector<1x16xf32>,
        %get3A_427 = arith.index_cast %scan3A_244 : i32 to index
        %get3A_428 = arith.constant 208 : index
        %get3A_429 = tpu.vector_load %arg14[%get3A_427, %get3A_428] {strides = array<i32>} : memref<16x512xf32, #tpu.memory_space<vmem>>, vector<1x16xf32>,
        %get3A_430 = vector.shape_cast %get3A_429 : vector<1x16xf32> to vector<16xf32>
        %get3A_431 = arith.index_cast %scan3A_244 : i32 to index
        %get3A_432 = arith.constant 208 : index
        %get3A_433 = tpu.vector_load %arg18[%get3A_431, %get3A_432] {strides = array<i32>} : memref<16x512xf32, #tpu.memory_space<vmem>>, vector<1x16xf32>,
        %get3A_434 = vector.shape_cast %get3A_433 : vector<1x16xf32> to vector<16xf32>
        %add3A_435 = arith.addf %get3A_430, %get3A_434 : vector<16xf32>
        %swap3A_436 = arith.index_cast %scan3A_244 : i32 to index
        %swap3A_437 = arith.constant 208 : index
        %swap3A_438 = tpu.vector_load %arg14[%swap3A_436, %swap3A_437] {strides = array<i32>} : memref<16x512xf32, #tpu.memory_space<vmem>>, vector<1x16xf32>,
        %swap3A_439 = vector.shape_cast %swap3A_438 : vector<1x16xf32> to vector<16xf32>
        %swap3A_440 = vector.shape_cast %add3A_435 : vector<16xf32> to vector<1x16xf32>
        tpu.vector_store %arg14[%swap3A_436, %swap3A_437], %swap3A_440 {strides = array<i32>} : memref<16x512xf32, #tpu.memory_space<vmem>>, vector<1x16xf32>,
        %get3A_441 = arith.index_cast %scan3A_244 : i32 to index
        %get3A_442 = arith.constant 224 : index
        %get3A_443 = tpu.vector_load %arg14[%get3A_441, %get3A_442] {strides = array<i32>} : memref<16x512xf32, #tpu.memory_space<vmem>>, vector<1x16xf32>,
        %get3A_444 = vector.shape_cast %get3A_443 : vector<1x16xf32> to vector<16xf32>
        %get3A_445 = arith.index_cast %scan3A_244 : i32 to index
        %get3A_446 = arith.constant 224 : index
        %get3A_447 = tpu.vector_load %arg18[%get3A_445, %get3A_446] {strides = array<i32>} : memref<16x512xf32, #tpu.memory_space<vmem>>, vector<1x16xf32>,
        %get3A_448 = vector.shape_cast %get3A_447 : vector<1x16xf32> to vector<16xf32>
        %add3A_449 = arith.addf %get3A_444, %get3A_448 : vector<16xf32>
        %swap3A_450 = arith.index_cast %scan3A_244 : i32 to index
        %swap3A_451 = arith.constant 224 : index
        %swap3A_452 = tpu.vector_load %arg14[%swap3A_450, %swap3A_451] {strides = array<i32>} : memref<16x512xf32, #tpu.memory_space<vmem>>, vector<1x16xf32>,
        %swap3A_453 = vector.shape_cast %swap3A_452 : vector<1x16xf32> to vector<16xf32>
        %swap3A_454 = vector.shape_cast %add3A_449 : vector<16xf32> to vector<1x16xf32>
        tpu.vector_store %arg14[%swap3A_450, %swap3A_451], %swap3A_454 {strides = array<i32>} : memref<16x512xf32, #tpu.memory_space<vmem>>, vector<1x16xf32>,
        %get3A_455 = arith.index_cast %scan3A_244 : i32 to index
        %get3A_456 = arith.constant 240 : index
        %get3A_457 = tpu.vector_load %arg14[%get3A_455, %get3A_456] {strides = array<i32>} : memref<16x512xf32, #tpu.memory_space<vmem>>, vector<1x16xf32>,
        %get3A_458 = vector.shape_cast %get3A_457 : vector<1x16xf32> to vector<16xf32>
        %get3A_459 = arith.index_cast %scan3A_244 : i32 to index
        %get3A_460 = arith.constant 240 : index
        %get3A_461 = tpu.vector_load %arg18[%get3A_459, %get3A_460] {strides = array<i32>} : memref<16x512xf32, #tpu.memory_space<vmem>>, vector<1x16xf32>,
        %get3A_462 = vector.shape_cast %get3A_461 : vector<1x16xf32> to vector<16xf32>
        %add3A_463 = arith.addf %get3A_458, %get3A_462 : vector<16xf32>
        %swap3A_464 = arith.index_cast %scan3A_244 : i32 to index
        %swap3A_465 = arith.constant 240 : index
        %swap3A_466 = tpu.vector_load %arg14[%swap3A_464, %swap3A_465] {strides = array<i32>} : memref<16x512xf32, #tpu.memory_space<vmem>>, vector<1x16xf32>,
        %swap3A_467 = vector.shape_cast %swap3A_466 : vector<1x16xf32> to vector<16xf32>
        %swap3A_468 = vector.shape_cast %add3A_463 : vector<16xf32> to vector<1x16xf32>
        tpu.vector_store %arg14[%swap3A_464, %swap3A_465], %swap3A_468 {strides = array<i32>} : memref<16x512xf32, #tpu.memory_space<vmem>>, vector<1x16xf32>,
        %get3A_469 = arith.index_cast %scan3A_244 : i32 to index
        %get3A_470 = arith.constant 256 : index
        %get3A_471 = tpu.vector_load %arg14[%get3A_469, %get3A_470] {strides = array<i32>} : memref<16x512xf32, #tpu.memory_space<vmem>>, vector<1x16xf32>,
        %get3A_472 = vector.shape_cast %get3A_471 : vector<1x16xf32> to vector<16xf32>
        %get3A_473 = arith.index_cast %scan3A_244 : i32 to index
        %get3A_474 = arith.constant 256 : index
        %get3A_475 = tpu.vector_load %arg18[%get3A_473, %get3A_474] {strides = array<i32>} : memref<16x512xf32, #tpu.memory_space<vmem>>, vector<1x16xf32>,
        %get3A_476 = vector.shape_cast %get3A_475 : vector<1x16xf32> to vector<16xf32>
        %add3A_477 = arith.addf %get3A_472, %get3A_476 : vector<16xf32>
        %swap3A_478 = arith.index_cast %scan3A_244 : i32 to index
        %swap3A_479 = arith.constant 256 : index
        %swap3A_480 = tpu.vector_load %arg14[%swap3A_478, %swap3A_479] {strides = array<i32>} : memref<16x512xf32, #tpu.memory_space<vmem>>, vector<1x16xf32>,
        %swap3A_481 = vector.shape_cast %swap3A_480 : vector<1x16xf32> to vector<16xf32>
        %swap3A_482 = vector.shape_cast %add3A_477 : vector<16xf32> to vector<1x16xf32>
        tpu.vector_store %arg14[%swap3A_478, %swap3A_479], %swap3A_482 {strides = array<i32>} : memref<16x512xf32, #tpu.memory_space<vmem>>, vector<1x16xf32>,
        %get3A_483 = arith.index_cast %scan3A_244 : i32 to index
        %get3A_484 = arith.constant 272 : index
        %get3A_485 = tpu.vector_load %arg14[%get3A_483, %get3A_484] {strides = array<i32>} : memref<16x512xf32, #tpu.memory_space<vmem>>, vector<1x16xf32>,
        %get3A_486 = vector.shape_cast %get3A_485 : vector<1x16xf32> to vector<16xf32>
        %get3A_487 = arith.index_cast %scan3A_244 : i32 to index
        %get3A_488 = arith.constant 272 : index
        %get3A_489 = tpu.vector_load %arg18[%get3A_487, %get3A_488] {strides = array<i32>} : memref<16x512xf32, #tpu.memory_space<vmem>>, vector<1x16xf32>,
        %get3A_490 = vector.shape_cast %get3A_489 : vector<1x16xf32> to vector<16xf32>
        %add3A_491 = arith.addf %get3A_486, %get3A_490 : vector<16xf32>
        %swap3A_492 = arith.index_cast %scan3A_244 : i32 to index
        %swap3A_493 = arith.constant 272 : index
        %swap3A_494 = tpu.vector_load %arg14[%swap3A_492, %swap3A_493] {strides = array<i32>} : memref<16x512xf32, #tpu.memory_space<vmem>>, vector<1x16xf32>,
        %swap3A_495 = vector.shape_cast %swap3A_494 : vector<1x16xf32> to vector<16xf32>
        %swap3A_496 = vector.shape_cast %add3A_491 : vector<16xf32> to vector<1x16xf32>
        tpu.vector_store %arg14[%swap3A_492, %swap3A_493], %swap3A_496 {strides = array<i32>} : memref<16x512xf32, #tpu.memory_space<vmem>>, vector<1x16xf32>,
        %get3A_497 = arith.index_cast %scan3A_244 : i32 to index
        %get3A_498 = arith.constant 288 : index
        %get3A_499 = tpu.vector_load %arg14[%get3A_497, %get3A_498] {strides = array<i32>} : memref<16x512xf32, #tpu.memory_space<vmem>>, vector<1x16xf32>,
        %get3A_500 = vector.shape_cast %get3A_499 : vector<1x16xf32> to vector<16xf32>
        %get3A_501 = arith.index_cast %scan3A_244 : i32 to index
        %get3A_502 = arith.constant 288 : index
        %get3A_503 = tpu.vector_load %arg18[%get3A_501, %get3A_502] {strides = array<i32>} : memref<16x512xf32, #tpu.memory_space<vmem>>, vector<1x16xf32>,
        %get3A_504 = vector.shape_cast %get3A_503 : vector<1x16xf32> to vector<16xf32>
        %add3A_505 = arith.addf %get3A_500, %get3A_504 : vector<16xf32>
        %swap3A_506 = arith.index_cast %scan3A_244 : i32 to index
        %swap3A_507 = arith.constant 288 : index
        %swap3A_508 = tpu.vector_load %arg14[%swap3A_506, %swap3A_507] {strides = array<i32>} : memref<16x512xf32, #tpu.memory_space<vmem>>, vector<1x16xf32>,
        %swap3A_509 = vector.shape_cast %swap3A_508 : vector<1x16xf32> to vector<16xf32>
        %swap3A_510 = vector.shape_cast %add3A_505 : vector<16xf32> to vector<1x16xf32>
        tpu.vector_store %arg14[%swap3A_506, %swap3A_507], %swap3A_510 {strides = array<i32>} : memref<16x512xf32, #tpu.memory_space<vmem>>, vector<1x16xf32>,
        %get3A_511 = arith.index_cast %scan3A_244 : i32 to index
        %get3A_512 = arith.constant 304 : index
        %get3A_513 = tpu.vector_load %arg14[%get3A_511, %get3A_512] {strides = array<i32>} : memref<16x512xf32, #tpu.memory_space<vmem>>, vector<1x16xf32>,
        %get3A_514 = vector.shape_cast %get3A_513 : vector<1x16xf32> to vector<16xf32>
        %get3A_515 = arith.index_cast %scan3A_244 : i32 to index
        %get3A_516 = arith.constant 304 : index
        %get3A_517 = tpu.vector_load %arg18[%get3A_515, %get3A_516] {strides = array<i32>} : memref<16x512xf32, #tpu.memory_space<vmem>>, vector<1x16xf32>,
        %get3A_518 = vector.shape_cast %get3A_517 : vector<1x16xf32> to vector<16xf32>
        %add3A_519 = arith.addf %get3A_514, %get3A_518 : vector<16xf32>
        %swap3A_520 = arith.index_cast %scan3A_244 : i32 to index
        %swap3A_521 = arith.constant 304 : index
        %swap3A_522 = tpu.vector_load %arg14[%swap3A_520, %swap3A_521] {strides = array<i32>} : memref<16x512xf32, #tpu.memory_space<vmem>>, vector<1x16xf32>,
        %swap3A_523 = vector.shape_cast %swap3A_522 : vector<1x16xf32> to vector<16xf32>
        %swap3A_524 = vector.shape_cast %add3A_519 : vector<16xf32> to vector<1x16xf32>
        tpu.vector_store %arg14[%swap3A_520, %swap3A_521], %swap3A_524 {strides = array<i32>} : memref<16x512xf32, #tpu.memory_space<vmem>>, vector<1x16xf32>,
        %get3A_525 = arith.index_cast %scan3A_244 : i32 to index
        %get3A_526 = arith.constant 320 : index
        %get3A_527 = tpu.vector_load %arg14[%get3A_525, %get3A_526] {strides = array<i32>} : memref<16x512xf32, #tpu.memory_space<vmem>>, vector<1x16xf32>,
        %get3A_528 = vector.shape_cast %get3A_527 : vector<1x16xf32> to vector<16xf32>
        %get3A_529 = arith.index_cast %scan3A_244 : i32 to index
        %get3A_530 = arith.constant 320 : index
        %get3A_531 = tpu.vector_load %arg18[%get3A_529, %get3A_530] {strides = array<i32>} : memref<16x512xf32, #tpu.memory_space<vmem>>, vector<1x16xf32>,
        %get3A_532 = vector.shape_cast %get3A_531 : vector<1x16xf32> to vector<16xf32>
        %add3A_533 = arith.addf %get3A_528, %get3A_532 : vector<16xf32>
        %swap3A_534 = arith.index_cast %scan3A_244 : i32 to index
        %swap3A_535 = arith.constant 320 : index
        %swap3A_536 = tpu.vector_load %arg14[%swap3A_534, %swap3A_535] {strides = array<i32>} : memref<16x512xf32, #tpu.memory_space<vmem>>, vector<1x16xf32>,
        %swap3A_537 = vector.shape_cast %swap3A_536 : vector<1x16xf32> to vector<16xf32>
        %swap3A_538 = vector.shape_cast %add3A_533 : vector<16xf32> to vector<1x16xf32>
        tpu.vector_store %arg14[%swap3A_534, %swap3A_535], %swap3A_538 {strides = array<i32>} : memref<16x512xf32, #tpu.memory_space<vmem>>, vector<1x16xf32>,
        %get3A_539 = arith.index_cast %scan3A_244 : i32 to index
        %get3A_540 = arith.constant 336 : index
        %get3A_541 = tpu.vector_load %arg14[%get3A_539, %get3A_540] {strides = array<i32>} : memref<16x512xf32, #tpu.memory_space<vmem>>, vector<1x16xf32>,
        %get3A_542 = vector.shape_cast %get3A_541 : vector<1x16xf32> to vector<16xf32>
        %get3A_543 = arith.index_cast %scan3A_244 : i32 to index
        %get3A_544 = arith.constant 336 : index
        %get3A_545 = tpu.vector_load %arg18[%get3A_543, %get3A_544] {strides = array<i32>} : memref<16x512xf32, #tpu.memory_space<vmem>>, vector<1x16xf32>,
        %get3A_546 = vector.shape_cast %get3A_545 : vector<1x16xf32> to vector<16xf32>
        %add3A_547 = arith.addf %get3A_542, %get3A_546 : vector<16xf32>
        %swap3A_548 = arith.index_cast %scan3A_244 : i32 to index
        %swap3A_549 = arith.constant 336 : index
        %swap3A_550 = tpu.vector_load %arg14[%swap3A_548, %swap3A_549] {strides = array<i32>} : memref<16x512xf32, #tpu.memory_space<vmem>>, vector<1x16xf32>,
        %swap3A_551 = vector.shape_cast %swap3A_550 : vector<1x16xf32> to vector<16xf32>
        %swap3A_552 = vector.shape_cast %add3A_547 : vector<16xf32> to vector<1x16xf32>
        tpu.vector_store %arg14[%swap3A_548, %swap3A_549], %swap3A_552 {strides = array<i32>} : memref<16x512xf32, #tpu.memory_space<vmem>>, vector<1x16xf32>,
        %get3A_553 = arith.index_cast %scan3A_244 : i32 to index
        %get3A_554 = arith.constant 352 : index
        %get3A_555 = tpu.vector_load %arg14[%get3A_553, %get3A_554] {strides = array<i32>} : memref<16x512xf32, #tpu.memory_space<vmem>>, vector<1x16xf32>,
        %get3A_556 = vector.shape_cast %get3A_555 : vector<1x16xf32> to vector<16xf32>
        %get3A_557 = arith.index_cast %scan3A_244 : i32 to index
        %get3A_558 = arith.constant 352 : index
        %get3A_559 = tpu.vector_load %arg18[%get3A_557, %get3A_558] {strides = array<i32>} : memref<16x512xf32, #tpu.memory_space<vmem>>, vector<1x16xf32>,
        %get3A_560 = vector.shape_cast %get3A_559 : vector<1x16xf32> to vector<16xf32>
        %add3A_561 = arith.addf %get3A_556, %get3A_560 : vector<16xf32>
        %swap3A_562 = arith.index_cast %scan3A_244 : i32 to index
        %swap3A_563 = arith.constant 352 : index
        %swap3A_564 = tpu.vector_load %arg14[%swap3A_562, %swap3A_563] {strides = array<i32>} : memref<16x512xf32, #tpu.memory_space<vmem>>, vector<1x16xf32>,
        %swap3A_565 = vector.shape_cast %swap3A_564 : vector<1x16xf32> to vector<16xf32>
        %swap3A_566 = vector.shape_cast %add3A_561 : vector<16xf32> to vector<1x16xf32>
        tpu.vector_store %arg14[%swap3A_562, %swap3A_563], %swap3A_566 {strides = array<i32>} : memref<16x512xf32, #tpu.memory_space<vmem>>, vector<1x16xf32>,
        %get3A_567 = arith.index_cast %scan3A_244 : i32 to index
        %get3A_568 = arith.constant 368 : index
        %get3A_569 = tpu.vector_load %arg14[%get3A_567, %get3A_568] {strides = array<i32>} : memref<16x512xf32, #tpu.memory_space<vmem>>, vector<1x16xf32>,
        %get3A_570 = vector.shape_cast %get3A_569 : vector<1x16xf32> to vector<16xf32>
        %get3A_571 = arith.index_cast %scan3A_244 : i32 to index
        %get3A_572 = arith.constant 368 : index
        %get3A_573 = tpu.vector_load %arg18[%get3A_571, %get3A_572] {strides = array<i32>} : memref<16x512xf32, #tpu.memory_space<vmem>>, vector<1x16xf32>,
        %get3A_574 = vector.shape_cast %get3A_573 : vector<1x16xf32> to vector<16xf32>
        %add3A_575 = arith.addf %get3A_570, %get3A_574 : vector<16xf32>
        %swap3A_576 = arith.index_cast %scan3A_244 : i32 to index
        %swap3A_577 = arith.constant 368 : index
        %swap3A_578 = tpu.vector_load %arg14[%swap3A_576, %swap3A_577] {strides = array<i32>} : memref<16x512xf32, #tpu.memory_space<vmem>>, vector<1x16xf32>,
        %swap3A_579 = vector.shape_cast %swap3A_578 : vector<1x16xf32> to vector<16xf32>
        %swap3A_580 = vector.shape_cast %add3A_575 : vector<16xf32> to vector<1x16xf32>
        tpu.vector_store %arg14[%swap3A_576, %swap3A_577], %swap3A_580 {strides = array<i32>} : memref<16x512xf32, #tpu.memory_space<vmem>>, vector<1x16xf32>,
        %get3A_581 = arith.index_cast %scan3A_244 : i32 to index
        %get3A_582 = arith.constant 384 : index
        %get3A_583 = tpu.vector_load %arg14[%get3A_581, %get3A_582] {strides = array<i32>} : memref<16x512xf32, #tpu.memory_space<vmem>>, vector<1x16xf32>,
        %get3A_584 = vector.shape_cast %get3A_583 : vector<1x16xf32> to vector<16xf32>
        %get3A_585 = arith.index_cast %scan3A_244 : i32 to index
        %get3A_586 = arith.constant 384 : index
        %get3A_587 = tpu.vector_load %arg18[%get3A_585, %get3A_586] {strides = array<i32>} : memref<16x512xf32, #tpu.memory_space<vmem>>, vector<1x16xf32>,
        %get3A_588 = vector.shape_cast %get3A_587 : vector<1x16xf32> to vector<16xf32>
        %add3A_589 = arith.addf %get3A_584, %get3A_588 : vector<16xf32>
        %swap3A_590 = arith.index_cast %scan3A_244 : i32 to index
        %swap3A_591 = arith.constant 384 : index
        %swap3A_592 = tpu.vector_load %arg14[%swap3A_590, %swap3A_591] {strides = array<i32>} : memref<16x512xf32, #tpu.memory_space<vmem>>, vector<1x16xf32>,
        %swap3A_593 = vector.shape_cast %swap3A_592 : vector<1x16xf32> to vector<16xf32>
        %swap3A_594 = vector.shape_cast %add3A_589 : vector<16xf32> to vector<1x16xf32>
        tpu.vector_store %arg14[%swap3A_590, %swap3A_591], %swap3A_594 {strides = array<i32>} : memref<16x512xf32, #tpu.memory_space<vmem>>, vector<1x16xf32>,
        %get3A_595 = arith.index_cast %scan3A_244 : i32 to index
        %get3A_596 = arith.constant 400 : index
        %get3A_597 = tpu.vector_load %arg14[%get3A_595, %get3A_596] {strides = array<i32>} : memref<16x512xf32, #tpu.memory_space<vmem>>, vector<1x16xf32>,
        %get3A_598 = vector.shape_cast %get3A_597 : vector<1x16xf32> to vector<16xf32>
        %get3A_599 = arith.index_cast %scan3A_244 : i32 to index
        %get3A_600 = arith.constant 400 : index
        %get3A_601 = tpu.vector_load %arg18[%get3A_599, %get3A_600] {strides = array<i32>} : memref<16x512xf32, #tpu.memory_space<vmem>>, vector<1x16xf32>,
        %get3A_602 = vector.shape_cast %get3A_601 : vector<1x16xf32> to vector<16xf32>
        %add3A_603 = arith.addf %get3A_598, %get3A_602 : vector<16xf32>
        %swap3A_604 = arith.index_cast %scan3A_244 : i32 to index
        %swap3A_605 = arith.constant 400 : index
        %swap3A_606 = tpu.vector_load %arg14[%swap3A_604, %swap3A_605] {strides = array<i32>} : memref<16x512xf32, #tpu.memory_space<vmem>>, vector<1x16xf32>,
        %swap3A_607 = vector.shape_cast %swap3A_606 : vector<1x16xf32> to vector<16xf32>
        %swap3A_608 = vector.shape_cast %add3A_603 : vector<16xf32> to vector<1x16xf32>
        tpu.vector_store %arg14[%swap3A_604, %swap3A_605], %swap3A_608 {strides = array<i32>} : memref<16x512xf32, #tpu.memory_space<vmem>>, vector<1x16xf32>,
        %get3A_609 = arith.index_cast %scan3A_244 : i32 to index
        %get3A_610 = arith.constant 416 : index
        %get3A_611 = tpu.vector_load %arg14[%get3A_609, %get3A_610] {strides = array<i32>} : memref<16x512xf32, #tpu.memory_space<vmem>>, vector<1x16xf32>,
        %get3A_612 = vector.shape_cast %get3A_611 : vector<1x16xf32> to vector<16xf32>
        %get3A_613 = arith.index_cast %scan3A_244 : i32 to index
        %get3A_614 = arith.constant 416 : index
        %get3A_615 = tpu.vector_load %arg18[%get3A_613, %get3A_614] {strides = array<i32>} : memref<16x512xf32, #tpu.memory_space<vmem>>, vector<1x16xf32>,
        %get3A_616 = vector.shape_cast %get3A_615 : vector<1x16xf32> to vector<16xf32>
        %add3A_617 = arith.addf %get3A_612, %get3A_616 : vector<16xf32>
        %swap3A_618 = arith.index_cast %scan3A_244 : i32 to index
        %swap3A_619 = arith.constant 416 : index
        %swap3A_620 = tpu.vector_load %arg14[%swap3A_618, %swap3A_619] {strides = array<i32>} : memref<16x512xf32, #tpu.memory_space<vmem>>, vector<1x16xf32>,
        %swap3A_621 = vector.shape_cast %swap3A_620 : vector<1x16xf32> to vector<16xf32>
        %swap3A_622 = vector.shape_cast %add3A_617 : vector<16xf32> to vector<1x16xf32>
        tpu.vector_store %arg14[%swap3A_618, %swap3A_619], %swap3A_622 {strides = array<i32>} : memref<16x512xf32, #tpu.memory_space<vmem>>, vector<1x16xf32>,
        %get3A_623 = arith.index_cast %scan3A_244 : i32 to index
        %get3A_624 = arith.constant 432 : index
        %get3A_625 = tpu.vector_load %arg14[%get3A_623, %get3A_624] {strides = array<i32>} : memref<16x512xf32, #tpu.memory_space<vmem>>, vector<1x16xf32>,
        %get3A_626 = vector.shape_cast %get3A_625 : vector<1x16xf32> to vector<16xf32>
        %get3A_627 = arith.index_cast %scan3A_244 : i32 to index
        %get3A_628 = arith.constant 432 : index
        %get3A_629 = tpu.vector_load %arg18[%get3A_627, %get3A_628] {strides = array<i32>} : memref<16x512xf32, #tpu.memory_space<vmem>>, vector<1x16xf32>,
        %get3A_630 = vector.shape_cast %get3A_629 : vector<1x16xf32> to vector<16xf32>
        %add3A_631 = arith.addf %get3A_626, %get3A_630 : vector<16xf32>
        %swap3A_632 = arith.index_cast %scan3A_244 : i32 to index
        %swap3A_633 = arith.constant 432 : index
        %swap3A_634 = tpu.vector_load %arg14[%swap3A_632, %swap3A_633] {strides = array<i32>} : memref<16x512xf32, #tpu.memory_space<vmem>>, vector<1x16xf32>,
        %swap3A_635 = vector.shape_cast %swap3A_634 : vector<1x16xf32> to vector<16xf32>
        %swap3A_636 = vector.shape_cast %add3A_631 : vector<16xf32> to vector<1x16xf32>
        tpu.vector_store %arg14[%swap3A_632, %swap3A_633], %swap3A_636 {strides = array<i32>} : memref<16x512xf32, #tpu.memory_space<vmem>>, vector<1x16xf32>,
        %get3A_637 = arith.index_cast %scan3A_244 : i32 to index
        %get3A_638 = arith.constant 448 : index
        %get3A_639 = tpu.vector_load %arg14[%get3A_637, %get3A_638] {strides = array<i32>} : memref<16x512xf32, #tpu.memory_space<vmem>>, vector<1x16xf32>,
        %get3A_640 = vector.shape_cast %get3A_639 : vector<1x16xf32> to vector<16xf32>
        %get3A_641 = arith.index_cast %scan3A_244 : i32 to index
        %get3A_642 = arith.constant 448 : index
        %get3A_643 = tpu.vector_load %arg18[%get3A_641, %get3A_642] {strides = array<i32>} : memref<16x512xf32, #tpu.memory_space<vmem>>, vector<1x16xf32>,
        %get3A_644 = vector.shape_cast %get3A_643 : vector<1x16xf32> to vector<16xf32>
        %add3A_645 = arith.addf %get3A_640, %get3A_644 : vector<16xf32>
        %swap3A_646 = arith.index_cast %scan3A_244 : i32 to index
        %swap3A_647 = arith.constant 448 : index
        %swap3A_648 = tpu.vector_load %arg14[%swap3A_646, %swap3A_647] {strides = array<i32>} : memref<16x512xf32, #tpu.memory_space<vmem>>, vector<1x16xf32>,
        %swap3A_649 = vector.shape_cast %swap3A_648 : vector<1x16xf32> to vector<16xf32>
        %swap3A_650 = vector.shape_cast %add3A_645 : vector<16xf32> to vector<1x16xf32>
        tpu.vector_store %arg14[%swap3A_646, %swap3A_647], %swap3A_650 {strides = array<i32>} : memref<16x512xf32, #tpu.memory_space<vmem>>, vector<1x16xf32>,
        %get3A_651 = arith.index_cast %scan3A_244 : i32 to index
        %get3A_652 = arith.constant 464 : index
        %get3A_653 = tpu.vector_load %arg14[%get3A_651, %get3A_652] {strides = array<i32>} : memref<16x512xf32, #tpu.memory_space<vmem>>, vector<1x16xf32>,
        %get3A_654 = vector.shape_cast %get3A_653 : vector<1x16xf32> to vector<16xf32>
        %get3A_655 = arith.index_cast %scan3A_244 : i32 to index
        %get3A_656 = arith.constant 464 : index
        %get3A_657 = tpu.vector_load %arg18[%get3A_655, %get3A_656] {strides = array<i32>} : memref<16x512xf32, #tpu.memory_space<vmem>>, vector<1x16xf32>,
        %get3A_658 = vector.shape_cast %get3A_657 : vector<1x16xf32> to vector<16xf32>
        %add3A_659 = arith.addf %get3A_654, %get3A_658 : vector<16xf32>
        %swap3A_660 = arith.index_cast %scan3A_244 : i32 to index
        %swap3A_661 = arith.constant 464 : index
        %swap3A_662 = tpu.vector_load %arg14[%swap3A_660, %swap3A_661] {strides = array<i32>} : memref<16x512xf32, #tpu.memory_space<vmem>>, vector<1x16xf32>,
        %swap3A_663 = vector.shape_cast %swap3A_662 : vector<1x16xf32> to vector<16xf32>
        %swap3A_664 = vector.shape_cast %add3A_659 : vector<16xf32> to vector<1x16xf32>
        tpu.vector_store %arg14[%swap3A_660, %swap3A_661], %swap3A_664 {strides = array<i32>} : memref<16x512xf32, #tpu.memory_space<vmem>>, vector<1x16xf32>,
        %get3A_665 = arith.index_cast %scan3A_244 : i32 to index
        %get3A_666 = arith.constant 480 : index
        %get3A_667 = tpu.vector_load %arg14[%get3A_665, %get3A_666] {strides = array<i32>} : memref<16x512xf32, #tpu.memory_space<vmem>>, vector<1x16xf32>,
        %get3A_668 = vector.shape_cast %get3A_667 : vector<1x16xf32> to vector<16xf32>
        %get3A_669 = arith.index_cast %scan3A_244 : i32 to index
        %get3A_670 = arith.constant 480 : index
        %get3A_671 = tpu.vector_load %arg18[%get3A_669, %get3A_670] {strides = array<i32>} : memref<16x512xf32, #tpu.memory_space<vmem>>, vector<1x16xf32>,
        %get3A_672 = vector.shape_cast %get3A_671 : vector<1x16xf32> to vector<16xf32>
        %add3A_673 = arith.addf %get3A_668, %get3A_672 : vector<16xf32>
        %swap3A_674 = arith.index_cast %scan3A_244 : i32 to index
        %swap3A_675 = arith.constant 480 : index
        %swap3A_676 = tpu.vector_load %arg14[%swap3A_674, %swap3A_675] {strides = array<i32>} : memref<16x512xf32, #tpu.memory_space<vmem>>, vector<1x16xf32>,
        %swap3A_677 = vector.shape_cast %swap3A_676 : vector<1x16xf32> to vector<16xf32>
        %swap3A_678 = vector.shape_cast %add3A_673 : vector<16xf32> to vector<1x16xf32>
        tpu.vector_store %arg14[%swap3A_674, %swap3A_675], %swap3A_678 {strides = array<i32>} : memref<16x512xf32, #tpu.memory_space<vmem>>, vector<1x16xf32>,
        %get3A_679 = arith.index_cast %scan3A_244 : i32 to index
        %get3A_680 = arith.constant 496 : index
        %get3A_681 = tpu.vector_load %arg14[%get3A_679, %get3A_680] {strides = array<i32>} : memref<16x512xf32, #tpu.memory_space<vmem>>, vector<1x16xf32>,
        %get3A_682 = vector.shape_cast %get3A_681 : vector<1x16xf32> to vector<16xf32>
        %get3A_683 = arith.index_cast %scan3A_244 : i32 to index
        %get3A_684 = arith.constant 496 : index
        %get3A_685 = tpu.vector_load %arg18[%get3A_683, %get3A_684] {strides = array<i32>} : memref<16x512xf32, #tpu.memory_space<vmem>>, vector<1x16xf32>,
        %get3A_686 = vector.shape_cast %get3A_685 : vector<1x16xf32> to vector<16xf32>
        %add3A_687 = arith.addf %get3A_682, %get3A_686 : vector<16xf32>
        %swap3A_688 = arith.index_cast %scan3A_244 : i32 to index
        %swap3A_689 = arith.constant 496 : index
        %swap3A_690 = tpu.vector_load %arg14[%swap3A_688, %swap3A_689] {strides = array<i32>} : memref<16x512xf32, #tpu.memory_space<vmem>>, vector<1x16xf32>,
        %swap3A_691 = vector.shape_cast %swap3A_690 : vector<1x16xf32> to vector<16xf32>
        %swap3A_692 = vector.shape_cast %add3A_687 : vector<16xf32> to vector<1x16xf32>
        tpu.vector_store %arg14[%swap3A_688, %swap3A_689], %swap3A_692 {strides = array<i32>} : memref<16x512xf32, #tpu.memory_space<vmem>>, vector<1x16xf32>,
      }
      %scan3A_166 = arith.constant 16 : i32
      %mul3A_167 = arith.constant 16 : i32
      %mul3A_168 = arith.muli %add3A_142, %mul3A_167 : i32
      %add3A_169 = arith.addi %mul3A_2, %mul3A_168 : i32
      %dma_start3A_170 = arith.constant 0 : i32
      %dma_start3A_171 = tpu.memref_slice %arg6[%add3A_169, %dma_start3A_170] : memref<51200x512xf32, #tpu.memory_space<hbm>> -> memref<16x512xf32, #tpu.memory_space<hbm>>
      %dma_start3A_172 = arith.constant 0 : i32
      %dma_start3A_173 = tpu.memref_slice %arg6[%add3A_169, %dma_start3A_172] : memref<51200x512xf32, #tpu.memory_space<hbm>> -> memref<16x512xf32, #tpu.memory_space<hbm>>
      tpu.enqueue_dma source(%arg14 : memref<16x512xf32, #tpu.memory_space<vmem>>) target(%dma_start3A_173 : memref<16x512xf32, #tpu.memory_space<hbm>>) target_semaphore(%arg30 : memref<!tpu.dma_semaphore, #tpu.memory_space<semaphore_mem>>)
      %mul3A_174 = arith.constant 4 : i32
      %mul3A_175 = arith.muli %scan3A_107, %mul3A_174 : i32
      %add3A_176 = arith.constant 2 : i32
      %add3A_177 = arith.addi %mul3A_175, %add3A_176 : i32
      %add3A_178 = arith.constant 4 : i32
      %add3A_179 = arith.addi %add3A_177, %add3A_178 : i32
      %sub3A_180 = arith.constant 1 : i32
      %sub3A_181 = arith.subi %add3A_179, %sub3A_180 : i32
      %lt3A_182 = arith.constant 100 : i32
      %lt3A_183 = arith.cmpi slt, %sub3A_181, %lt3A_182 : i32
      %convert_element_type3A_184 = arith.extui %lt3A_183 : i1 to i32
      %cond3A_185 = arith.constant 0 : i32
      %cond3A_186 = arith.cmpi ne, %convert_element_type3A_184, %cond3A_185 : i32
      scf.if %cond3A_186 {
        %ge3A = arith.constant 1 : i32
        %ge3A_244 = arith.cmpi sge, %add3A_177, %ge3A : i32
        %convert_element_type3A_245 = arith.extui %ge3A_244 : i1 to i32
        %cond3A_246 = arith.constant 0 : i32
        %cond3A_247 = arith.cmpi ne, %convert_element_type3A_245, %cond3A_246 : i32
        scf.if %cond3A_247 {
          %sub3A_281 = arith.constant 1 : i32
          %sub3A_282 = arith.subi %add3A_177, %sub3A_281 : i32
          %mul3A_283 = arith.constant 16 : i32
          %mul3A_284 = arith.muli %sub3A_282, %mul3A_283 : i32
          %add3A_285 = arith.addi %mul3A_2, %mul3A_284 : i32
          %dma_wait3A_286 = arith.constant 0 : i32
          %dma_wait3A_287 = tpu.memref_slice %arg6[%add3A_285, %dma_wait3A_286] : memref<51200x512xf32, #tpu.memory_space<hbm>> -> memref<16x512xf32, #tpu.memory_space<hbm>>
          %dma_wait3A_288 = arith.constant 0 : i32
          %dma_wait3A_289 = tpu.memref_slice %arg6[%add3A_285, %dma_wait3A_288] : memref<51200x512xf32, #tpu.memory_space<hbm>> -> memref<16x512xf32, #tpu.memory_space<hbm>>
          tpu.wait_dma2 semaphore(%arg30 : memref<!tpu.dma_semaphore, #tpu.memory_space<semaphore_mem>>) src(%arg14 : memref<16x512xf32, #tpu.memory_space<vmem>>) dst(%dma_wait3A_289 : memref<16x512xf32, #tpu.memory_space<hbm>>)
        } else {
        }
        %add3A_248 = arith.constant 4 : i32
        %add3A_249 = arith.addi %add3A_177, %add3A_248 : i32
        %sub3A_250 = arith.constant 1 : i32
        %sub3A_251 = arith.subi %add3A_249, %sub3A_250 : i32
        %mul3A_252 = arith.constant 16 : i32
        %mul3A_253 = arith.muli %sub3A_251, %mul3A_252 : i32
        %add3A_254 = arith.constant 0 : i32
        %add3A_255 = arith.addi %mul3A_253, %add3A_254 : i32
        %add3A_256 = arith.addi %mul3A_2, %add3A_255 : i32
        %iota3A_257 = tpu.iota {dimensions = array<i32: 0>} : vector<16xi32>
        %add3A_258 = vector.broadcast %add3A_256 : i32 to vector<16xi32>
        %add3A_259 = arith.addi %add3A_258, %iota3A_257 : vector<16xi32>
        %rem3A_260 = arith.constant 50 : i32
        %rem3A_261 = vector.broadcast %rem3A_260 : i32 to vector<16xi32>
        %rem3A_262 = arith.remsi %add3A_259, %rem3A_261 : vector<16xi32>
        %get3A_263 = arith.index_cast %add3A_255 : i32 to index
        %get3A_264 = tpu.vector_load %arg8[%get3A_263] {strides = array<i32>} : memref<1600xi32, #tpu.memory_space<vmem>>, vector<16xi32>,
        %get3A_265 = vector.shape_cast %get3A_264 : vector<16xi32> to vector<16xi32>
        %mul3A_266 = arith.constant 64 : i32
        %mul3A_267 = vector.broadcast %mul3A_266 : i32 to vector<16xi32>
        %mul3A_268 = arith.muli %get3A_265, %mul3A_267 : vector<16xi32>
        %add3A_269 = arith.addi %mul3A_268, %rem3A_262 : vector<16xi32>
        %swap3A_270 = arith.constant 0 : index
        %swap3A_271 = tpu.vector_load %arg10[%swap3A_270] {strides = array<i32>} : memref<16xi32, #tpu.memory_space<vmem>>, vector<16xi32>,
        %swap3A_272 = vector.shape_cast %swap3A_271 : vector<16xi32> to vector<16xi32>
        %swap3A_273 = vector.shape_cast %add3A_269 : vector<16xi32> to vector<16xi32>
        tpu.vector_store %arg10[%swap3A_270], %swap3A_273 {strides = array<i32>} : memref<16xi32, #tpu.memory_space<vmem>>, vector<16xi32>,
        %dma_start3A_274 = tpu.memref_slice %arg7[%mul3A_253] : memref<1600xi32, #tpu.memory_space<vmem>> -> memref<16xi32, #tpu.memory_space<vmem>>
        %dma_start3A_275 = arith.constant 0 : i32
        %dma_start3A_276 = arith.constant 0 : i32
        %dma_start3A_277 = tpu.memref_slice %arg2[%dma_start3A_275, %dma_start3A_276] : memref<100000x512xf32, #tpu.memory_space<hbm>> -> memref<100000x512xf32, #tpu.memory_space<hbm>>
        tpu.enqueue_indirect_dma source(%dma_start3A_277 : memref<100000x512xf32, #tpu.memory_space<hbm>>) target(%arg14 : memref<16x512xf32, #tpu.memory_space<vmem>>) offsets(%dma_start3A_274 : memref<16xi32, #tpu.memory_space<vmem>>) semaphore(%arg22 : memref<!tpu.dma_semaphore, #tpu.memory_space<semaphore_mem>>)
        %dma_start3A_278 = arith.constant 0 : i32
        %dma_start3A_279 = arith.constant 0 : i32
        %dma_start3A_280 = tpu.memref_slice %arg3[%dma_start3A_278, %dma_start3A_279] : memref<192x512xf32, #tpu.memory_space<hbm>> -> memref<192x512xf32, #tpu.memory_space<hbm>>
        tpu.enqueue_indirect_dma source(%dma_start3A_280 : memref<192x512xf32, #tpu.memory_space<hbm>>) target(%arg18 : memref<16x512xf32, #tpu.memory_space<vmem>>) offsets(%arg10 : memref<16xi32, #tpu.memory_space<vmem>>) semaphore(%arg26 : memref<!tpu.dma_semaphore, #tpu.memory_space<semaphore_mem>>)
      } else {
      }
      %mul3A_187 = arith.constant 16 : i32
      %mul3A_188 = arith.muli %add3A_177, %mul3A_187 : i32
      %dma_wait3A_189 = tpu.memref_slice %arg7[%mul3A_188] : memref<1600xi32, #tpu.memory_space<vmem>> -> memref<16xi32, #tpu.memory_space<vmem>>
      %dma_wait3A_190 = arith.constant 0 : i32
      %dma_wait3A_191 = arith.constant 0 : i32
      %dma_wait3A_192 = tpu.memref_slice %arg2[%dma_wait3A_190, %dma_wait3A_191] : memref<100000x512xf32, #tpu.memory_space<hbm>> -> memref<100000x512xf32, #tpu.memory_space<hbm>>
      tpu.wait_indirect_dma semaphore(%arg23 : memref<!tpu.dma_semaphore, #tpu.memory_space<semaphore_mem>>) src(%dma_wait3A_192 : memref<100000x512xf32, #tpu.memory_space<hbm>>) dst(%arg15 : memref<16x512xf32, #tpu.memory_space<vmem>>)
      %dma_wait3A_193 = arith.constant 0 : i32
      %dma_wait3A_194 = arith.constant 0 : i32
      %dma_wait3A_195 = tpu.memref_slice %arg3[%dma_wait3A_193, %dma_wait3A_194] : memref<192x512xf32, #tpu.memory_space<hbm>> -> memref<192x512xf32, #tpu.memory_space<hbm>>
      tpu.wait_indirect_dma semaphore(%arg27 : memref<!tpu.dma_semaphore, #tpu.memory_space<semaphore_mem>>) src(%dma_wait3A_195 : memref<192x512xf32, #tpu.memory_space<hbm>>) dst(%arg19 : memref<16x512xf32, #tpu.memory_space<vmem>>)
      %scan3A_196 = arith.constant 0 : i32
      %scan3A_197 = arith.constant 0 : i32
      %scan3A_198 = arith.constant 16 : i32
      %scan3A_199 = arith.addi %scan3A_197, %scan3A_198 : i32
      %scan3A_200 = arith.constant 1 : i32
      scf.for %scan3A_244 = %scan3A_197 to %scan3A_199 step %scan3A_200  : i32 {
        %get3A_245 = arith.index_cast %scan3A_244 : i32 to index
        %get3A_246 = arith.constant 0 : index
        %get3A_247 = tpu.vector_load %arg15[%get3A_245, %get3A_246] {strides = array<i32>} : memref<16x512xf32, #tpu.memory_space<vmem>>, vector<1x16xf32>,
        %get3A_248 = vector.shape_cast %get3A_247 : vector<1x16xf32> to vector<16xf32>
        %get3A_249 = arith.index_cast %scan3A_244 : i32 to index
        %get3A_250 = arith.constant 0 : index
        %get3A_251 = tpu.vector_load %arg19[%get3A_249, %get3A_250] {strides = array<i32>} : memref<16x512xf32, #tpu.memory_space<vmem>>, vector<1x16xf32>,
        %get3A_252 = vector.shape_cast %get3A_251 : vector<1x16xf32> to vector<16xf32>
        %add3A_253 = arith.addf %get3A_248, %get3A_252 : vector<16xf32>
        %swap3A_254 = arith.index_cast %scan3A_244 : i32 to index
        %swap3A_255 = arith.constant 0 : index
        %swap3A_256 = tpu.vector_load %arg15[%swap3A_254, %swap3A_255] {strides = array<i32>} : memref<16x512xf32, #tpu.memory_space<vmem>>, vector<1x16xf32>,
        %swap3A_257 = vector.shape_cast %swap3A_256 : vector<1x16xf32> to vector<16xf32>
        %swap3A_258 = vector.shape_cast %add3A_253 : vector<16xf32> to vector<1x16xf32>
        tpu.vector_store %arg15[%swap3A_254, %swap3A_255], %swap3A_258 {strides = array<i32>} : memref<16x512xf32, #tpu.memory_space<vmem>>, vector<1x16xf32>,
        %get3A_259 = arith.index_cast %scan3A_244 : i32 to index
        %get3A_260 = arith.constant 16 : index
        %get3A_261 = tpu.vector_load %arg15[%get3A_259, %get3A_260] {strides = array<i32>} : memref<16x512xf32, #tpu.memory_space<vmem>>, vector<1x16xf32>,
        %get3A_262 = vector.shape_cast %get3A_261 : vector<1x16xf32> to vector<16xf32>
        %get3A_263 = arith.index_cast %scan3A_244 : i32 to index
        %get3A_264 = arith.constant 16 : index
        %get3A_265 = tpu.vector_load %arg19[%get3A_263, %get3A_264] {strides = array<i32>} : memref<16x512xf32, #tpu.memory_space<vmem>>, vector<1x16xf32>,
        %get3A_266 = vector.shape_cast %get3A_265 : vector<1x16xf32> to vector<16xf32>
        %add3A_267 = arith.addf %get3A_262, %get3A_266 : vector<16xf32>
        %swap3A_268 = arith.index_cast %scan3A_244 : i32 to index
        %swap3A_269 = arith.constant 16 : index
        %swap3A_270 = tpu.vector_load %arg15[%swap3A_268, %swap3A_269] {strides = array<i32>} : memref<16x512xf32, #tpu.memory_space<vmem>>, vector<1x16xf32>,
        %swap3A_271 = vector.shape_cast %swap3A_270 : vector<1x16xf32> to vector<16xf32>
        %swap3A_272 = vector.shape_cast %add3A_267 : vector<16xf32> to vector<1x16xf32>
        tpu.vector_store %arg15[%swap3A_268, %swap3A_269], %swap3A_272 {strides = array<i32>} : memref<16x512xf32, #tpu.memory_space<vmem>>, vector<1x16xf32>,
        %get3A_273 = arith.index_cast %scan3A_244 : i32 to index
        %get3A_274 = arith.constant 32 : index
        %get3A_275 = tpu.vector_load %arg15[%get3A_273, %get3A_274] {strides = array<i32>} : memref<16x512xf32, #tpu.memory_space<vmem>>, vector<1x16xf32>,
        %get3A_276 = vector.shape_cast %get3A_275 : vector<1x16xf32> to vector<16xf32>
        %get3A_277 = arith.index_cast %scan3A_244 : i32 to index
        %get3A_278 = arith.constant 32 : index
        %get3A_279 = tpu.vector_load %arg19[%get3A_277, %get3A_278] {strides = array<i32>} : memref<16x512xf32, #tpu.memory_space<vmem>>, vector<1x16xf32>,
        %get3A_280 = vector.shape_cast %get3A_279 : vector<1x16xf32> to vector<16xf32>
        %add3A_281 = arith.addf %get3A_276, %get3A_280 : vector<16xf32>
        %swap3A_282 = arith.index_cast %scan3A_244 : i32 to index
        %swap3A_283 = arith.constant 32 : index
        %swap3A_284 = tpu.vector_load %arg15[%swap3A_282, %swap3A_283] {strides = array<i32>} : memref<16x512xf32, #tpu.memory_space<vmem>>, vector<1x16xf32>,
        %swap3A_285 = vector.shape_cast %swap3A_284 : vector<1x16xf32> to vector<16xf32>
        %swap3A_286 = vector.shape_cast %add3A_281 : vector<16xf32> to vector<1x16xf32>
        tpu.vector_store %arg15[%swap3A_282, %swap3A_283], %swap3A_286 {strides = array<i32>} : memref<16x512xf32, #tpu.memory_space<vmem>>, vector<1x16xf32>,
        %get3A_287 = arith.index_cast %scan3A_244 : i32 to index
        %get3A_288 = arith.constant 48 : index
        %get3A_289 = tpu.vector_load %arg15[%get3A_287, %get3A_288] {strides = array<i32>} : memref<16x512xf32, #tpu.memory_space<vmem>>, vector<1x16xf32>,
        %get3A_290 = vector.shape_cast %get3A_289 : vector<1x16xf32> to vector<16xf32>
        %get3A_291 = arith.index_cast %scan3A_244 : i32 to index
        %get3A_292 = arith.constant 48 : index
        %get3A_293 = tpu.vector_load %arg19[%get3A_291, %get3A_292] {strides = array<i32>} : memref<16x512xf32, #tpu.memory_space<vmem>>, vector<1x16xf32>,
        %get3A_294 = vector.shape_cast %get3A_293 : vector<1x16xf32> to vector<16xf32>
        %add3A_295 = arith.addf %get3A_290, %get3A_294 : vector<16xf32>
        %swap3A_296 = arith.index_cast %scan3A_244 : i32 to index
        %swap3A_297 = arith.constant 48 : index
        %swap3A_298 = tpu.vector_load %arg15[%swap3A_296, %swap3A_297] {strides = array<i32>} : memref<16x512xf32, #tpu.memory_space<vmem>>, vector<1x16xf32>,
        %swap3A_299 = vector.shape_cast %swap3A_298 : vector<1x16xf32> to vector<16xf32>
        %swap3A_300 = vector.shape_cast %add3A_295 : vector<16xf32> to vector<1x16xf32>
        tpu.vector_store %arg15[%swap3A_296, %swap3A_297], %swap3A_300 {strides = array<i32>} : memref<16x512xf32, #tpu.memory_space<vmem>>, vector<1x16xf32>,
        %get3A_301 = arith.index_cast %scan3A_244 : i32 to index
        %get3A_302 = arith.constant 64 : index
        %get3A_303 = tpu.vector_load %arg15[%get3A_301, %get3A_302] {strides = array<i32>} : memref<16x512xf32, #tpu.memory_space<vmem>>, vector<1x16xf32>,
        %get3A_304 = vector.shape_cast %get3A_303 : vector<1x16xf32> to vector<16xf32>
        %get3A_305 = arith.index_cast %scan3A_244 : i32 to index
        %get3A_306 = arith.constant 64 : index
        %get3A_307 = tpu.vector_load %arg19[%get3A_305, %get3A_306] {strides = array<i32>} : memref<16x512xf32, #tpu.memory_space<vmem>>, vector<1x16xf32>,
        %get3A_308 = vector.shape_cast %get3A_307 : vector<1x16xf32> to vector<16xf32>
        %add3A_309 = arith.addf %get3A_304, %get3A_308 : vector<16xf32>
        %swap3A_310 = arith.index_cast %scan3A_244 : i32 to index
        %swap3A_311 = arith.constant 64 : index
        %swap3A_312 = tpu.vector_load %arg15[%swap3A_310, %swap3A_311] {strides = array<i32>} : memref<16x512xf32, #tpu.memory_space<vmem>>, vector<1x16xf32>,
        %swap3A_313 = vector.shape_cast %swap3A_312 : vector<1x16xf32> to vector<16xf32>
        %swap3A_314 = vector.shape_cast %add3A_309 : vector<16xf32> to vector<1x16xf32>
        tpu.vector_store %arg15[%swap3A_310, %swap3A_311], %swap3A_314 {strides = array<i32>} : memref<16x512xf32, #tpu.memory_space<vmem>>, vector<1x16xf32>,
        %get3A_315 = arith.index_cast %scan3A_244 : i32 to index
        %get3A_316 = arith.constant 80 : index
        %get3A_317 = tpu.vector_load %arg15[%get3A_315, %get3A_316] {strides = array<i32>} : memref<16x512xf32, #tpu.memory_space<vmem>>, vector<1x16xf32>,
        %get3A_318 = vector.shape_cast %get3A_317 : vector<1x16xf32> to vector<16xf32>
        %get3A_319 = arith.index_cast %scan3A_244 : i32 to index
        %get3A_320 = arith.constant 80 : index
        %get3A_321 = tpu.vector_load %arg19[%get3A_319, %get3A_320] {strides = array<i32>} : memref<16x512xf32, #tpu.memory_space<vmem>>, vector<1x16xf32>,
        %get3A_322 = vector.shape_cast %get3A_321 : vector<1x16xf32> to vector<16xf32>
        %add3A_323 = arith.addf %get3A_318, %get3A_322 : vector<16xf32>
        %swap3A_324 = arith.index_cast %scan3A_244 : i32 to index
        %swap3A_325 = arith.constant 80 : index
        %swap3A_326 = tpu.vector_load %arg15[%swap3A_324, %swap3A_325] {strides = array<i32>} : memref<16x512xf32, #tpu.memory_space<vmem>>, vector<1x16xf32>,
        %swap3A_327 = vector.shape_cast %swap3A_326 : vector<1x16xf32> to vector<16xf32>
        %swap3A_328 = vector.shape_cast %add3A_323 : vector<16xf32> to vector<1x16xf32>
        tpu.vector_store %arg15[%swap3A_324, %swap3A_325], %swap3A_328 {strides = array<i32>} : memref<16x512xf32, #tpu.memory_space<vmem>>, vector<1x16xf32>,
        %get3A_329 = arith.index_cast %scan3A_244 : i32 to index
        %get3A_330 = arith.constant 96 : index
        %get3A_331 = tpu.vector_load %arg15[%get3A_329, %get3A_330] {strides = array<i32>} : memref<16x512xf32, #tpu.memory_space<vmem>>, vector<1x16xf32>,
        %get3A_332 = vector.shape_cast %get3A_331 : vector<1x16xf32> to vector<16xf32>
        %get3A_333 = arith.index_cast %scan3A_244 : i32 to index
        %get3A_334 = arith.constant 96 : index
        %get3A_335 = tpu.vector_load %arg19[%get3A_333, %get3A_334] {strides = array<i32>} : memref<16x512xf32, #tpu.memory_space<vmem>>, vector<1x16xf32>,
        %get3A_336 = vector.shape_cast %get3A_335 : vector<1x16xf32> to vector<16xf32>
        %add3A_337 = arith.addf %get3A_332, %get3A_336 : vector<16xf32>
        %swap3A_338 = arith.index_cast %scan3A_244 : i32 to index
        %swap3A_339 = arith.constant 96 : index
        %swap3A_340 = tpu.vector_load %arg15[%swap3A_338, %swap3A_339] {strides = array<i32>} : memref<16x512xf32, #tpu.memory_space<vmem>>, vector<1x16xf32>,
        %swap3A_341 = vector.shape_cast %swap3A_340 : vector<1x16xf32> to vector<16xf32>
        %swap3A_342 = vector.shape_cast %add3A_337 : vector<16xf32> to vector<1x16xf32>
        tpu.vector_store %arg15[%swap3A_338, %swap3A_339], %swap3A_342 {strides = array<i32>} : memref<16x512xf32, #tpu.memory_space<vmem>>, vector<1x16xf32>,
        %get3A_343 = arith.index_cast %scan3A_244 : i32 to index
        %get3A_344 = arith.constant 112 : index
        %get3A_345 = tpu.vector_load %arg15[%get3A_343, %get3A_344] {strides = array<i32>} : memref<16x512xf32, #tpu.memory_space<vmem>>, vector<1x16xf32>,
        %get3A_346 = vector.shape_cast %get3A_345 : vector<1x16xf32> to vector<16xf32>
        %get3A_347 = arith.index_cast %scan3A_244 : i32 to index
        %get3A_348 = arith.constant 112 : index
        %get3A_349 = tpu.vector_load %arg19[%get3A_347, %get3A_348] {strides = array<i32>} : memref<16x512xf32, #tpu.memory_space<vmem>>, vector<1x16xf32>,
        %get3A_350 = vector.shape_cast %get3A_349 : vector<1x16xf32> to vector<16xf32>
        %add3A_351 = arith.addf %get3A_346, %get3A_350 : vector<16xf32>
        %swap3A_352 = arith.index_cast %scan3A_244 : i32 to index
        %swap3A_353 = arith.constant 112 : index
        %swap3A_354 = tpu.vector_load %arg15[%swap3A_352, %swap3A_353] {strides = array<i32>} : memref<16x512xf32, #tpu.memory_space<vmem>>, vector<1x16xf32>,
        %swap3A_355 = vector.shape_cast %swap3A_354 : vector<1x16xf32> to vector<16xf32>
        %swap3A_356 = vector.shape_cast %add3A_351 : vector<16xf32> to vector<1x16xf32>
        tpu.vector_store %arg15[%swap3A_352, %swap3A_353], %swap3A_356 {strides = array<i32>} : memref<16x512xf32, #tpu.memory_space<vmem>>, vector<1x16xf32>,
        %get3A_357 = arith.index_cast %scan3A_244 : i32 to index
        %get3A_358 = arith.constant 128 : index
        %get3A_359 = tpu.vector_load %arg15[%get3A_357, %get3A_358] {strides = array<i32>} : memref<16x512xf32, #tpu.memory_space<vmem>>, vector<1x16xf32>,
        %get3A_360 = vector.shape_cast %get3A_359 : vector<1x16xf32> to vector<16xf32>
        %get3A_361 = arith.index_cast %scan3A_244 : i32 to index
        %get3A_362 = arith.constant 128 : index
        %get3A_363 = tpu.vector_load %arg19[%get3A_361, %get3A_362] {strides = array<i32>} : memref<16x512xf32, #tpu.memory_space<vmem>>, vector<1x16xf32>,
        %get3A_364 = vector.shape_cast %get3A_363 : vector<1x16xf32> to vector<16xf32>
        %add3A_365 = arith.addf %get3A_360, %get3A_364 : vector<16xf32>
        %swap3A_366 = arith.index_cast %scan3A_244 : i32 to index
        %swap3A_367 = arith.constant 128 : index
        %swap3A_368 = tpu.vector_load %arg15[%swap3A_366, %swap3A_367] {strides = array<i32>} : memref<16x512xf32, #tpu.memory_space<vmem>>, vector<1x16xf32>,
        %swap3A_369 = vector.shape_cast %swap3A_368 : vector<1x16xf32> to vector<16xf32>
        %swap3A_370 = vector.shape_cast %add3A_365 : vector<16xf32> to vector<1x16xf32>
        tpu.vector_store %arg15[%swap3A_366, %swap3A_367], %swap3A_370 {strides = array<i32>} : memref<16x512xf32, #tpu.memory_space<vmem>>, vector<1x16xf32>,
        %get3A_371 = arith.index_cast %scan3A_244 : i32 to index
        %get3A_372 = arith.constant 144 : index
        %get3A_373 = tpu.vector_load %arg15[%get3A_371, %get3A_372] {strides = array<i32>} : memref<16x512xf32, #tpu.memory_space<vmem>>, vector<1x16xf32>,
        %get3A_374 = vector.shape_cast %get3A_373 : vector<1x16xf32> to vector<16xf32>
        %get3A_375 = arith.index_cast %scan3A_244 : i32 to index
        %get3A_376 = arith.constant 144 : index
        %get3A_377 = tpu.vector_load %arg19[%get3A_375, %get3A_376] {strides = array<i32>} : memref<16x512xf32, #tpu.memory_space<vmem>>, vector<1x16xf32>,
        %get3A_378 = vector.shape_cast %get3A_377 : vector<1x16xf32> to vector<16xf32>
        %add3A_379 = arith.addf %get3A_374, %get3A_378 : vector<16xf32>
        %swap3A_380 = arith.index_cast %scan3A_244 : i32 to index
        %swap3A_381 = arith.constant 144 : index
        %swap3A_382 = tpu.vector_load %arg15[%swap3A_380, %swap3A_381] {strides = array<i32>} : memref<16x512xf32, #tpu.memory_space<vmem>>, vector<1x16xf32>,
        %swap3A_383 = vector.shape_cast %swap3A_382 : vector<1x16xf32> to vector<16xf32>
        %swap3A_384 = vector.shape_cast %add3A_379 : vector<16xf32> to vector<1x16xf32>
        tpu.vector_store %arg15[%swap3A_380, %swap3A_381], %swap3A_384 {strides = array<i32>} : memref<16x512xf32, #tpu.memory_space<vmem>>, vector<1x16xf32>,
        %get3A_385 = arith.index_cast %scan3A_244 : i32 to index
        %get3A_386 = arith.constant 160 : index
        %get3A_387 = tpu.vector_load %arg15[%get3A_385, %get3A_386] {strides = array<i32>} : memref<16x512xf32, #tpu.memory_space<vmem>>, vector<1x16xf32>,
        %get3A_388 = vector.shape_cast %get3A_387 : vector<1x16xf32> to vector<16xf32>
        %get3A_389 = arith.index_cast %scan3A_244 : i32 to index
        %get3A_390 = arith.constant 160 : index
        %get3A_391 = tpu.vector_load %arg19[%get3A_389, %get3A_390] {strides = array<i32>} : memref<16x512xf32, #tpu.memory_space<vmem>>, vector<1x16xf32>,
        %get3A_392 = vector.shape_cast %get3A_391 : vector<1x16xf32> to vector<16xf32>
        %add3A_393 = arith.addf %get3A_388, %get3A_392 : vector<16xf32>
        %swap3A_394 = arith.index_cast %scan3A_244 : i32 to index
        %swap3A_395 = arith.constant 160 : index
        %swap3A_396 = tpu.vector_load %arg15[%swap3A_394, %swap3A_395] {strides = array<i32>} : memref<16x512xf32, #tpu.memory_space<vmem>>, vector<1x16xf32>,
        %swap3A_397 = vector.shape_cast %swap3A_396 : vector<1x16xf32> to vector<16xf32>
        %swap3A_398 = vector.shape_cast %add3A_393 : vector<16xf32> to vector<1x16xf32>
        tpu.vector_store %arg15[%swap3A_394, %swap3A_395], %swap3A_398 {strides = array<i32>} : memref<16x512xf32, #tpu.memory_space<vmem>>, vector<1x16xf32>,
        %get3A_399 = arith.index_cast %scan3A_244 : i32 to index
        %get3A_400 = arith.constant 176 : index
        %get3A_401 = tpu.vector_load %arg15[%get3A_399, %get3A_400] {strides = array<i32>} : memref<16x512xf32, #tpu.memory_space<vmem>>, vector<1x16xf32>,
        %get3A_402 = vector.shape_cast %get3A_401 : vector<1x16xf32> to vector<16xf32>
        %get3A_403 = arith.index_cast %scan3A_244 : i32 to index
        %get3A_404 = arith.constant 176 : index
        %get3A_405 = tpu.vector_load %arg19[%get3A_403, %get3A_404] {strides = array<i32>} : memref<16x512xf32, #tpu.memory_space<vmem>>, vector<1x16xf32>,
        %get3A_406 = vector.shape_cast %get3A_405 : vector<1x16xf32> to vector<16xf32>
        %add3A_407 = arith.addf %get3A_402, %get3A_406 : vector<16xf32>
        %swap3A_408 = arith.index_cast %scan3A_244 : i32 to index
        %swap3A_409 = arith.constant 176 : index
        %swap3A_410 = tpu.vector_load %arg15[%swap3A_408, %swap3A_409] {strides = array<i32>} : memref<16x512xf32, #tpu.memory_space<vmem>>, vector<1x16xf32>,
        %swap3A_411 = vector.shape_cast %swap3A_410 : vector<1x16xf32> to vector<16xf32>
        %swap3A_412 = vector.shape_cast %add3A_407 : vector<16xf32> to vector<1x16xf32>
        tpu.vector_store %arg15[%swap3A_408, %swap3A_409], %swap3A_412 {strides = array<i32>} : memref<16x512xf32, #tpu.memory_space<vmem>>, vector<1x16xf32>,
        %get3A_413 = arith.index_cast %scan3A_244 : i32 to index
        %get3A_414 = arith.constant 192 : index
        %get3A_415 = tpu.vector_load %arg15[%get3A_413, %get3A_414] {strides = array<i32>} : memref<16x512xf32, #tpu.memory_space<vmem>>, vector<1x16xf32>,
        %get3A_416 = vector.shape_cast %get3A_415 : vector<1x16xf32> to vector<16xf32>
        %get3A_417 = arith.index_cast %scan3A_244 : i32 to index
        %get3A_418 = arith.constant 192 : index
        %get3A_419 = tpu.vector_load %arg19[%get3A_417, %get3A_418] {strides = array<i32>} : memref<16x512xf32, #tpu.memory_space<vmem>>, vector<1x16xf32>,
        %get3A_420 = vector.shape_cast %get3A_419 : vector<1x16xf32> to vector<16xf32>
        %add3A_421 = arith.addf %get3A_416, %get3A_420 : vector<16xf32>
        %swap3A_422 = arith.index_cast %scan3A_244 : i32 to index
        %swap3A_423 = arith.constant 192 : index
        %swap3A_424 = tpu.vector_load %arg15[%swap3A_422, %swap3A_423] {strides = array<i32>} : memref<16x512xf32, #tpu.memory_space<vmem>>, vector<1x16xf32>,
        %swap3A_425 = vector.shape_cast %swap3A_424 : vector<1x16xf32> to vector<16xf32>
        %swap3A_426 = vector.shape_cast %add3A_421 : vector<16xf32> to vector<1x16xf32>
        tpu.vector_store %arg15[%swap3A_422, %swap3A_423], %swap3A_426 {strides = array<i32>} : memref<16x512xf32, #tpu.memory_space<vmem>>, vector<1x16xf32>,
        %get3A_427 = arith.index_cast %scan3A_244 : i32 to index
        %get3A_428 = arith.constant 208 : index
        %get3A_429 = tpu.vector_load %arg15[%get3A_427, %get3A_428] {strides = array<i32>} : memref<16x512xf32, #tpu.memory_space<vmem>>, vector<1x16xf32>,
        %get3A_430 = vector.shape_cast %get3A_429 : vector<1x16xf32> to vector<16xf32>
        %get3A_431 = arith.index_cast %scan3A_244 : i32 to index
        %get3A_432 = arith.constant 208 : index
        %get3A_433 = tpu.vector_load %arg19[%get3A_431, %get3A_432] {strides = array<i32>} : memref<16x512xf32, #tpu.memory_space<vmem>>, vector<1x16xf32>,
        %get3A_434 = vector.shape_cast %get3A_433 : vector<1x16xf32> to vector<16xf32>
        %add3A_435 = arith.addf %get3A_430, %get3A_434 : vector<16xf32>
        %swap3A_436 = arith.index_cast %scan3A_244 : i32 to index
        %swap3A_437 = arith.constant 208 : index
        %swap3A_438 = tpu.vector_load %arg15[%swap3A_436, %swap3A_437] {strides = array<i32>} : memref<16x512xf32, #tpu.memory_space<vmem>>, vector<1x16xf32>,
        %swap3A_439 = vector.shape_cast %swap3A_438 : vector<1x16xf32> to vector<16xf32>
        %swap3A_440 = vector.shape_cast %add3A_435 : vector<16xf32> to vector<1x16xf32>
        tpu.vector_store %arg15[%swap3A_436, %swap3A_437], %swap3A_440 {strides = array<i32>} : memref<16x512xf32, #tpu.memory_space<vmem>>, vector<1x16xf32>,
        %get3A_441 = arith.index_cast %scan3A_244 : i32 to index
        %get3A_442 = arith.constant 224 : index
        %get3A_443 = tpu.vector_load %arg15[%get3A_441, %get3A_442] {strides = array<i32>} : memref<16x512xf32, #tpu.memory_space<vmem>>, vector<1x16xf32>,
        %get3A_444 = vector.shape_cast %get3A_443 : vector<1x16xf32> to vector<16xf32>
        %get3A_445 = arith.index_cast %scan3A_244 : i32 to index
        %get3A_446 = arith.constant 224 : index
        %get3A_447 = tpu.vector_load %arg19[%get3A_445, %get3A_446] {strides = array<i32>} : memref<16x512xf32, #tpu.memory_space<vmem>>, vector<1x16xf32>,
        %get3A_448 = vector.shape_cast %get3A_447 : vector<1x16xf32> to vector<16xf32>
        %add3A_449 = arith.addf %get3A_444, %get3A_448 : vector<16xf32>
        %swap3A_450 = arith.index_cast %scan3A_244 : i32 to index
        %swap3A_451 = arith.constant 224 : index
        %swap3A_452 = tpu.vector_load %arg15[%swap3A_450, %swap3A_451] {strides = array<i32>} : memref<16x512xf32, #tpu.memory_space<vmem>>, vector<1x16xf32>,
        %swap3A_453 = vector.shape_cast %swap3A_452 : vector<1x16xf32> to vector<16xf32>
        %swap3A_454 = vector.shape_cast %add3A_449 : vector<16xf32> to vector<1x16xf32>
        tpu.vector_store %arg15[%swap3A_450, %swap3A_451], %swap3A_454 {strides = array<i32>} : memref<16x512xf32, #tpu.memory_space<vmem>>, vector<1x16xf32>,
        %get3A_455 = arith.index_cast %scan3A_244 : i32 to index
        %get3A_456 = arith.constant 240 : index
        %get3A_457 = tpu.vector_load %arg15[%get3A_455, %get3A_456] {strides = array<i32>} : memref<16x512xf32, #tpu.memory_space<vmem>>, vector<1x16xf32>,
        %get3A_458 = vector.shape_cast %get3A_457 : vector<1x16xf32> to vector<16xf32>
        %get3A_459 = arith.index_cast %scan3A_244 : i32 to index
        %get3A_460 = arith.constant 240 : index
        %get3A_461 = tpu.vector_load %arg19[%get3A_459, %get3A_460] {strides = array<i32>} : memref<16x512xf32, #tpu.memory_space<vmem>>, vector<1x16xf32>,
        %get3A_462 = vector.shape_cast %get3A_461 : vector<1x16xf32> to vector<16xf32>
        %add3A_463 = arith.addf %get3A_458, %get3A_462 : vector<16xf32>
        %swap3A_464 = arith.index_cast %scan3A_244 : i32 to index
        %swap3A_465 = arith.constant 240 : index
        %swap3A_466 = tpu.vector_load %arg15[%swap3A_464, %swap3A_465] {strides = array<i32>} : memref<16x512xf32, #tpu.memory_space<vmem>>, vector<1x16xf32>,
        %swap3A_467 = vector.shape_cast %swap3A_466 : vector<1x16xf32> to vector<16xf32>
        %swap3A_468 = vector.shape_cast %add3A_463 : vector<16xf32> to vector<1x16xf32>
        tpu.vector_store %arg15[%swap3A_464, %swap3A_465], %swap3A_468 {strides = array<i32>} : memref<16x512xf32, #tpu.memory_space<vmem>>, vector<1x16xf32>,
        %get3A_469 = arith.index_cast %scan3A_244 : i32 to index
        %get3A_470 = arith.constant 256 : index
        %get3A_471 = tpu.vector_load %arg15[%get3A_469, %get3A_470] {strides = array<i32>} : memref<16x512xf32, #tpu.memory_space<vmem>>, vector<1x16xf32>,
        %get3A_472 = vector.shape_cast %get3A_471 : vector<1x16xf32> to vector<16xf32>
        %get3A_473 = arith.index_cast %scan3A_244 : i32 to index
        %get3A_474 = arith.constant 256 : index
        %get3A_475 = tpu.vector_load %arg19[%get3A_473, %get3A_474] {strides = array<i32>} : memref<16x512xf32, #tpu.memory_space<vmem>>, vector<1x16xf32>,
        %get3A_476 = vector.shape_cast %get3A_475 : vector<1x16xf32> to vector<16xf32>
        %add3A_477 = arith.addf %get3A_472, %get3A_476 : vector<16xf32>
        %swap3A_478 = arith.index_cast %scan3A_244 : i32 to index
        %swap3A_479 = arith.constant 256 : index
        %swap3A_480 = tpu.vector_load %arg15[%swap3A_478, %swap3A_479] {strides = array<i32>} : memref<16x512xf32, #tpu.memory_space<vmem>>, vector<1x16xf32>,
        %swap3A_481 = vector.shape_cast %swap3A_480 : vector<1x16xf32> to vector<16xf32>
        %swap3A_482 = vector.shape_cast %add3A_477 : vector<16xf32> to vector<1x16xf32>
        tpu.vector_store %arg15[%swap3A_478, %swap3A_479], %swap3A_482 {strides = array<i32>} : memref<16x512xf32, #tpu.memory_space<vmem>>, vector<1x16xf32>,
        %get3A_483 = arith.index_cast %scan3A_244 : i32 to index
        %get3A_484 = arith.constant 272 : index
        %get3A_485 = tpu.vector_load %arg15[%get3A_483, %get3A_484] {strides = array<i32>} : memref<16x512xf32, #tpu.memory_space<vmem>>, vector<1x16xf32>,
        %get3A_486 = vector.shape_cast %get3A_485 : vector<1x16xf32> to vector<16xf32>
        %get3A_487 = arith.index_cast %scan3A_244 : i32 to index
        %get3A_488 = arith.constant 272 : index
        %get3A_489 = tpu.vector_load %arg19[%get3A_487, %get3A_488] {strides = array<i32>} : memref<16x512xf32, #tpu.memory_space<vmem>>, vector<1x16xf32>,
        %get3A_490 = vector.shape_cast %get3A_489 : vector<1x16xf32> to vector<16xf32>
        %add3A_491 = arith.addf %get3A_486, %get3A_490 : vector<16xf32>
        %swap3A_492 = arith.index_cast %scan3A_244 : i32 to index
        %swap3A_493 = arith.constant 272 : index
        %swap3A_494 = tpu.vector_load %arg15[%swap3A_492, %swap3A_493] {strides = array<i32>} : memref<16x512xf32, #tpu.memory_space<vmem>>, vector<1x16xf32>,
        %swap3A_495 = vector.shape_cast %swap3A_494 : vector<1x16xf32> to vector<16xf32>
        %swap3A_496 = vector.shape_cast %add3A_491 : vector<16xf32> to vector<1x16xf32>
        tpu.vector_store %arg15[%swap3A_492, %swap3A_493], %swap3A_496 {strides = array<i32>} : memref<16x512xf32, #tpu.memory_space<vmem>>, vector<1x16xf32>,
        %get3A_497 = arith.index_cast %scan3A_244 : i32 to index
        %get3A_498 = arith.constant 288 : index
        %get3A_499 = tpu.vector_load %arg15[%get3A_497, %get3A_498] {strides = array<i32>} : memref<16x512xf32, #tpu.memory_space<vmem>>, vector<1x16xf32>,
        %get3A_500 = vector.shape_cast %get3A_499 : vector<1x16xf32> to vector<16xf32>
        %get3A_501 = arith.index_cast %scan3A_244 : i32 to index
        %get3A_502 = arith.constant 288 : index
        %get3A_503 = tpu.vector_load %arg19[%get3A_501, %get3A_502] {strides = array<i32>} : memref<16x512xf32, #tpu.memory_space<vmem>>, vector<1x16xf32>,
        %get3A_504 = vector.shape_cast %get3A_503 : vector<1x16xf32> to vector<16xf32>
        %add3A_505 = arith.addf %get3A_500, %get3A_504 : vector<16xf32>
        %swap3A_506 = arith.index_cast %scan3A_244 : i32 to index
        %swap3A_507 = arith.constant 288 : index
        %swap3A_508 = tpu.vector_load %arg15[%swap3A_506, %swap3A_507] {strides = array<i32>} : memref<16x512xf32, #tpu.memory_space<vmem>>, vector<1x16xf32>,
        %swap3A_509 = vector.shape_cast %swap3A_508 : vector<1x16xf32> to vector<16xf32>
        %swap3A_510 = vector.shape_cast %add3A_505 : vector<16xf32> to vector<1x16xf32>
        tpu.vector_store %arg15[%swap3A_506, %swap3A_507], %swap3A_510 {strides = array<i32>} : memref<16x512xf32, #tpu.memory_space<vmem>>, vector<1x16xf32>,
        %get3A_511 = arith.index_cast %scan3A_244 : i32 to index
        %get3A_512 = arith.constant 304 : index
        %get3A_513 = tpu.vector_load %arg15[%get3A_511, %get3A_512] {strides = array<i32>} : memref<16x512xf32, #tpu.memory_space<vmem>>, vector<1x16xf32>,
        %get3A_514 = vector.shape_cast %get3A_513 : vector<1x16xf32> to vector<16xf32>
        %get3A_515 = arith.index_cast %scan3A_244 : i32 to index
        %get3A_516 = arith.constant 304 : index
        %get3A_517 = tpu.vector_load %arg19[%get3A_515, %get3A_516] {strides = array<i32>} : memref<16x512xf32, #tpu.memory_space<vmem>>, vector<1x16xf32>,
        %get3A_518 = vector.shape_cast %get3A_517 : vector<1x16xf32> to vector<16xf32>
        %add3A_519 = arith.addf %get3A_514, %get3A_518 : vector<16xf32>
        %swap3A_520 = arith.index_cast %scan3A_244 : i32 to index
        %swap3A_521 = arith.constant 304 : index
        %swap3A_522 = tpu.vector_load %arg15[%swap3A_520, %swap3A_521] {strides = array<i32>} : memref<16x512xf32, #tpu.memory_space<vmem>>, vector<1x16xf32>,
        %swap3A_523 = vector.shape_cast %swap3A_522 : vector<1x16xf32> to vector<16xf32>
        %swap3A_524 = vector.shape_cast %add3A_519 : vector<16xf32> to vector<1x16xf32>
        tpu.vector_store %arg15[%swap3A_520, %swap3A_521], %swap3A_524 {strides = array<i32>} : memref<16x512xf32, #tpu.memory_space<vmem>>, vector<1x16xf32>,
        %get3A_525 = arith.index_cast %scan3A_244 : i32 to index
        %get3A_526 = arith.constant 320 : index
        %get3A_527 = tpu.vector_load %arg15[%get3A_525, %get3A_526] {strides = array<i32>} : memref<16x512xf32, #tpu.memory_space<vmem>>, vector<1x16xf32>,
        %get3A_528 = vector.shape_cast %get3A_527 : vector<1x16xf32> to vector<16xf32>
        %get3A_529 = arith.index_cast %scan3A_244 : i32 to index
        %get3A_530 = arith.constant 320 : index
        %get3A_531 = tpu.vector_load %arg19[%get3A_529, %get3A_530] {strides = array<i32>} : memref<16x512xf32, #tpu.memory_space<vmem>>, vector<1x16xf32>,
        %get3A_532 = vector.shape_cast %get3A_531 : vector<1x16xf32> to vector<16xf32>
        %add3A_533 = arith.addf %get3A_528, %get3A_532 : vector<16xf32>
        %swap3A_534 = arith.index_cast %scan3A_244 : i32 to index
        %swap3A_535 = arith.constant 320 : index
        %swap3A_536 = tpu.vector_load %arg15[%swap3A_534, %swap3A_535] {strides = array<i32>} : memref<16x512xf32, #tpu.memory_space<vmem>>, vector<1x16xf32>,
        %swap3A_537 = vector.shape_cast %swap3A_536 : vector<1x16xf32> to vector<16xf32>
        %swap3A_538 = vector.shape_cast %add3A_533 : vector<16xf32> to vector<1x16xf32>
        tpu.vector_store %arg15[%swap3A_534, %swap3A_535], %swap3A_538 {strides = array<i32>} : memref<16x512xf32, #tpu.memory_space<vmem>>, vector<1x16xf32>,
        %get3A_539 = arith.index_cast %scan3A_244 : i32 to index
        %get3A_540 = arith.constant 336 : index
        %get3A_541 = tpu.vector_load %arg15[%get3A_539, %get3A_540] {strides = array<i32>} : memref<16x512xf32, #tpu.memory_space<vmem>>, vector<1x16xf32>,
        %get3A_542 = vector.shape_cast %get3A_541 : vector<1x16xf32> to vector<16xf32>
        %get3A_543 = arith.index_cast %scan3A_244 : i32 to index
        %get3A_544 = arith.constant 336 : index
        %get3A_545 = tpu.vector_load %arg19[%get3A_543, %get3A_544] {strides = array<i32>} : memref<16x512xf32, #tpu.memory_space<vmem>>, vector<1x16xf32>,
        %get3A_546 = vector.shape_cast %get3A_545 : vector<1x16xf32> to vector<16xf32>
        %add3A_547 = arith.addf %get3A_542, %get3A_546 : vector<16xf32>
        %swap3A_548 = arith.index_cast %scan3A_244 : i32 to index
        %swap3A_549 = arith.constant 336 : index
        %swap3A_550 = tpu.vector_load %arg15[%swap3A_548, %swap3A_549] {strides = array<i32>} : memref<16x512xf32, #tpu.memory_space<vmem>>, vector<1x16xf32>,
        %swap3A_551 = vector.shape_cast %swap3A_550 : vector<1x16xf32> to vector<16xf32>
        %swap3A_552 = vector.shape_cast %add3A_547 : vector<16xf32> to vector<1x16xf32>
        tpu.vector_store %arg15[%swap3A_548, %swap3A_549], %swap3A_552 {strides = array<i32>} : memref<16x512xf32, #tpu.memory_space<vmem>>, vector<1x16xf32>,
        %get3A_553 = arith.index_cast %scan3A_244 : i32 to index
        %get3A_554 = arith.constant 352 : index
        %get3A_555 = tpu.vector_load %arg15[%get3A_553, %get3A_554] {strides = array<i32>} : memref<16x512xf32, #tpu.memory_space<vmem>>, vector<1x16xf32>,
        %get3A_556 = vector.shape_cast %get3A_555 : vector<1x16xf32> to vector<16xf32>
        %get3A_557 = arith.index_cast %scan3A_244 : i32 to index
        %get3A_558 = arith.constant 352 : index
        %get3A_559 = tpu.vector_load %arg19[%get3A_557, %get3A_558] {strides = array<i32>} : memref<16x512xf32, #tpu.memory_space<vmem>>, vector<1x16xf32>,
        %get3A_560 = vector.shape_cast %get3A_559 : vector<1x16xf32> to vector<16xf32>
        %add3A_561 = arith.addf %get3A_556, %get3A_560 : vector<16xf32>
        %swap3A_562 = arith.index_cast %scan3A_244 : i32 to index
        %swap3A_563 = arith.constant 352 : index
        %swap3A_564 = tpu.vector_load %arg15[%swap3A_562, %swap3A_563] {strides = array<i32>} : memref<16x512xf32, #tpu.memory_space<vmem>>, vector<1x16xf32>,
        %swap3A_565 = vector.shape_cast %swap3A_564 : vector<1x16xf32> to vector<16xf32>
        %swap3A_566 = vector.shape_cast %add3A_561 : vector<16xf32> to vector<1x16xf32>
        tpu.vector_store %arg15[%swap3A_562, %swap3A_563], %swap3A_566 {strides = array<i32>} : memref<16x512xf32, #tpu.memory_space<vmem>>, vector<1x16xf32>,
        %get3A_567 = arith.index_cast %scan3A_244 : i32 to index
        %get3A_568 = arith.constant 368 : index
        %get3A_569 = tpu.vector_load %arg15[%get3A_567, %get3A_568] {strides = array<i32>} : memref<16x512xf32, #tpu.memory_space<vmem>>, vector<1x16xf32>,
        %get3A_570 = vector.shape_cast %get3A_569 : vector<1x16xf32> to vector<16xf32>
        %get3A_571 = arith.index_cast %scan3A_244 : i32 to index
        %get3A_572 = arith.constant 368 : index
        %get3A_573 = tpu.vector_load %arg19[%get3A_571, %get3A_572] {strides = array<i32>} : memref<16x512xf32, #tpu.memory_space<vmem>>, vector<1x16xf32>,
        %get3A_574 = vector.shape_cast %get3A_573 : vector<1x16xf32> to vector<16xf32>
        %add3A_575 = arith.addf %get3A_570, %get3A_574 : vector<16xf32>
        %swap3A_576 = arith.index_cast %scan3A_244 : i32 to index
        %swap3A_577 = arith.constant 368 : index
        %swap3A_578 = tpu.vector_load %arg15[%swap3A_576, %swap3A_577] {strides = array<i32>} : memref<16x512xf32, #tpu.memory_space<vmem>>, vector<1x16xf32>,
        %swap3A_579 = vector.shape_cast %swap3A_578 : vector<1x16xf32> to vector<16xf32>
        %swap3A_580 = vector.shape_cast %add3A_575 : vector<16xf32> to vector<1x16xf32>
        tpu.vector_store %arg15[%swap3A_576, %swap3A_577], %swap3A_580 {strides = array<i32>} : memref<16x512xf32, #tpu.memory_space<vmem>>, vector<1x16xf32>,
        %get3A_581 = arith.index_cast %scan3A_244 : i32 to index
        %get3A_582 = arith.constant 384 : index
        %get3A_583 = tpu.vector_load %arg15[%get3A_581, %get3A_582] {strides = array<i32>} : memref<16x512xf32, #tpu.memory_space<vmem>>, vector<1x16xf32>,
        %get3A_584 = vector.shape_cast %get3A_583 : vector<1x16xf32> to vector<16xf32>
        %get3A_585 = arith.index_cast %scan3A_244 : i32 to index
        %get3A_586 = arith.constant 384 : index
        %get3A_587 = tpu.vector_load %arg19[%get3A_585, %get3A_586] {strides = array<i32>} : memref<16x512xf32, #tpu.memory_space<vmem>>, vector<1x16xf32>,
        %get3A_588 = vector.shape_cast %get3A_587 : vector<1x16xf32> to vector<16xf32>
        %add3A_589 = arith.addf %get3A_584, %get3A_588 : vector<16xf32>
        %swap3A_590 = arith.index_cast %scan3A_244 : i32 to index
        %swap3A_591 = arith.constant 384 : index
        %swap3A_592 = tpu.vector_load %arg15[%swap3A_590, %swap3A_591] {strides = array<i32>} : memref<16x512xf32, #tpu.memory_space<vmem>>, vector<1x16xf32>,
        %swap3A_593 = vector.shape_cast %swap3A_592 : vector<1x16xf32> to vector<16xf32>
        %swap3A_594 = vector.shape_cast %add3A_589 : vector<16xf32> to vector<1x16xf32>
        tpu.vector_store %arg15[%swap3A_590, %swap3A_591], %swap3A_594 {strides = array<i32>} : memref<16x512xf32, #tpu.memory_space<vmem>>, vector<1x16xf32>,
        %get3A_595 = arith.index_cast %scan3A_244 : i32 to index
        %get3A_596 = arith.constant 400 : index
        %get3A_597 = tpu.vector_load %arg15[%get3A_595, %get3A_596] {strides = array<i32>} : memref<16x512xf32, #tpu.memory_space<vmem>>, vector<1x16xf32>,
        %get3A_598 = vector.shape_cast %get3A_597 : vector<1x16xf32> to vector<16xf32>
        %get3A_599 = arith.index_cast %scan3A_244 : i32 to index
        %get3A_600 = arith.constant 400 : index
        %get3A_601 = tpu.vector_load %arg19[%get3A_599, %get3A_600] {strides = array<i32>} : memref<16x512xf32, #tpu.memory_space<vmem>>, vector<1x16xf32>,
        %get3A_602 = vector.shape_cast %get3A_601 : vector<1x16xf32> to vector<16xf32>
        %add3A_603 = arith.addf %get3A_598, %get3A_602 : vector<16xf32>
        %swap3A_604 = arith.index_cast %scan3A_244 : i32 to index
        %swap3A_605 = arith.constant 400 : index
        %swap3A_606 = tpu.vector_load %arg15[%swap3A_604, %swap3A_605] {strides = array<i32>} : memref<16x512xf32, #tpu.memory_space<vmem>>, vector<1x16xf32>,
        %swap3A_607 = vector.shape_cast %swap3A_606 : vector<1x16xf32> to vector<16xf32>
        %swap3A_608 = vector.shape_cast %add3A_603 : vector<16xf32> to vector<1x16xf32>
        tpu.vector_store %arg15[%swap3A_604, %swap3A_605], %swap3A_608 {strides = array<i32>} : memref<16x512xf32, #tpu.memory_space<vmem>>, vector<1x16xf32>,
        %get3A_609 = arith.index_cast %scan3A_244 : i32 to index
        %get3A_610 = arith.constant 416 : index
        %get3A_611 = tpu.vector_load %arg15[%get3A_609, %get3A_610] {strides = array<i32>} : memref<16x512xf32, #tpu.memory_space<vmem>>, vector<1x16xf32>,
        %get3A_612 = vector.shape_cast %get3A_611 : vector<1x16xf32> to vector<16xf32>
        %get3A_613 = arith.index_cast %scan3A_244 : i32 to index
        %get3A_614 = arith.constant 416 : index
        %get3A_615 = tpu.vector_load %arg19[%get3A_613, %get3A_614] {strides = array<i32>} : memref<16x512xf32, #tpu.memory_space<vmem>>, vector<1x16xf32>,
        %get3A_616 = vector.shape_cast %get3A_615 : vector<1x16xf32> to vector<16xf32>
        %add3A_617 = arith.addf %get3A_612, %get3A_616 : vector<16xf32>
        %swap3A_618 = arith.index_cast %scan3A_244 : i32 to index
        %swap3A_619 = arith.constant 416 : index
        %swap3A_620 = tpu.vector_load %arg15[%swap3A_618, %swap3A_619] {strides = array<i32>} : memref<16x512xf32, #tpu.memory_space<vmem>>, vector<1x16xf32>,
        %swap3A_621 = vector.shape_cast %swap3A_620 : vector<1x16xf32> to vector<16xf32>
        %swap3A_622 = vector.shape_cast %add3A_617 : vector<16xf32> to vector<1x16xf32>
        tpu.vector_store %arg15[%swap3A_618, %swap3A_619], %swap3A_622 {strides = array<i32>} : memref<16x512xf32, #tpu.memory_space<vmem>>, vector<1x16xf32>,
        %get3A_623 = arith.index_cast %scan3A_244 : i32 to index
        %get3A_624 = arith.constant 432 : index
        %get3A_625 = tpu.vector_load %arg15[%get3A_623, %get3A_624] {strides = array<i32>} : memref<16x512xf32, #tpu.memory_space<vmem>>, vector<1x16xf32>,
        %get3A_626 = vector.shape_cast %get3A_625 : vector<1x16xf32> to vector<16xf32>
        %get3A_627 = arith.index_cast %scan3A_244 : i32 to index
        %get3A_628 = arith.constant 432 : index
        %get3A_629 = tpu.vector_load %arg19[%get3A_627, %get3A_628] {strides = array<i32>} : memref<16x512xf32, #tpu.memory_space<vmem>>, vector<1x16xf32>,
        %get3A_630 = vector.shape_cast %get3A_629 : vector<1x16xf32> to vector<16xf32>
        %add3A_631 = arith.addf %get3A_626, %get3A_630 : vector<16xf32>
        %swap3A_632 = arith.index_cast %scan3A_244 : i32 to index
        %swap3A_633 = arith.constant 432 : index
        %swap3A_634 = tpu.vector_load %arg15[%swap3A_632, %swap3A_633] {strides = array<i32>} : memref<16x512xf32, #tpu.memory_space<vmem>>, vector<1x16xf32>,
        %swap3A_635 = vector.shape_cast %swap3A_634 : vector<1x16xf32> to vector<16xf32>
        %swap3A_636 = vector.shape_cast %add3A_631 : vector<16xf32> to vector<1x16xf32>
        tpu.vector_store %arg15[%swap3A_632, %swap3A_633], %swap3A_636 {strides = array<i32>} : memref<16x512xf32, #tpu.memory_space<vmem>>, vector<1x16xf32>,
        %get3A_637 = arith.index_cast %scan3A_244 : i32 to index
        %get3A_638 = arith.constant 448 : index
        %get3A_639 = tpu.vector_load %arg15[%get3A_637, %get3A_638] {strides = array<i32>} : memref<16x512xf32, #tpu.memory_space<vmem>>, vector<1x16xf32>,
        %get3A_640 = vector.shape_cast %get3A_639 : vector<1x16xf32> to vector<16xf32>
        %get3A_641 = arith.index_cast %scan3A_244 : i32 to index
        %get3A_642 = arith.constant 448 : index
        %get3A_643 = tpu.vector_load %arg19[%get3A_641, %get3A_642] {strides = array<i32>} : memref<16x512xf32, #tpu.memory_space<vmem>>, vector<1x16xf32>,
        %get3A_644 = vector.shape_cast %get3A_643 : vector<1x16xf32> to vector<16xf32>
        %add3A_645 = arith.addf %get3A_640, %get3A_644 : vector<16xf32>
        %swap3A_646 = arith.index_cast %scan3A_244 : i32 to index
        %swap3A_647 = arith.constant 448 : index
        %swap3A_648 = tpu.vector_load %arg15[%swap3A_646, %swap3A_647] {strides = array<i32>} : memref<16x512xf32, #tpu.memory_space<vmem>>, vector<1x16xf32>,
        %swap3A_649 = vector.shape_cast %swap3A_648 : vector<1x16xf32> to vector<16xf32>
        %swap3A_650 = vector.shape_cast %add3A_645 : vector<16xf32> to vector<1x16xf32>
        tpu.vector_store %arg15[%swap3A_646, %swap3A_647], %swap3A_650 {strides = array<i32>} : memref<16x512xf32, #tpu.memory_space<vmem>>, vector<1x16xf32>,
        %get3A_651 = arith.index_cast %scan3A_244 : i32 to index
        %get3A_652 = arith.constant 464 : index
        %get3A_653 = tpu.vector_load %arg15[%get3A_651, %get3A_652] {strides = array<i32>} : memref<16x512xf32, #tpu.memory_space<vmem>>, vector<1x16xf32>,
        %get3A_654 = vector.shape_cast %get3A_653 : vector<1x16xf32> to vector<16xf32>
        %get3A_655 = arith.index_cast %scan3A_244 : i32 to index
        %get3A_656 = arith.constant 464 : index
        %get3A_657 = tpu.vector_load %arg19[%get3A_655, %get3A_656] {strides = array<i32>} : memref<16x512xf32, #tpu.memory_space<vmem>>, vector<1x16xf32>,
        %get3A_658 = vector.shape_cast %get3A_657 : vector<1x16xf32> to vector<16xf32>
        %add3A_659 = arith.addf %get3A_654, %get3A_658 : vector<16xf32>
        %swap3A_660 = arith.index_cast %scan3A_244 : i32 to index
        %swap3A_661 = arith.constant 464 : index
        %swap3A_662 = tpu.vector_load %arg15[%swap3A_660, %swap3A_661] {strides = array<i32>} : memref<16x512xf32, #tpu.memory_space<vmem>>, vector<1x16xf32>,
        %swap3A_663 = vector.shape_cast %swap3A_662 : vector<1x16xf32> to vector<16xf32>
        %swap3A_664 = vector.shape_cast %add3A_659 : vector<16xf32> to vector<1x16xf32>
        tpu.vector_store %arg15[%swap3A_660, %swap3A_661], %swap3A_664 {strides = array<i32>} : memref<16x512xf32, #tpu.memory_space<vmem>>, vector<1x16xf32>,
        %get3A_665 = arith.index_cast %scan3A_244 : i32 to index
        %get3A_666 = arith.constant 480 : index
        %get3A_667 = tpu.vector_load %arg15[%get3A_665, %get3A_666] {strides = array<i32>} : memref<16x512xf32, #tpu.memory_space<vmem>>, vector<1x16xf32>,
        %get3A_668 = vector.shape_cast %get3A_667 : vector<1x16xf32> to vector<16xf32>
        %get3A_669 = arith.index_cast %scan3A_244 : i32 to index
        %get3A_670 = arith.constant 480 : index
        %get3A_671 = tpu.vector_load %arg19[%get3A_669, %get3A_670] {strides = array<i32>} : memref<16x512xf32, #tpu.memory_space<vmem>>, vector<1x16xf32>,
        %get3A_672 = vector.shape_cast %get3A_671 : vector<1x16xf32> to vector<16xf32>
        %add3A_673 = arith.addf %get3A_668, %get3A_672 : vector<16xf32>
        %swap3A_674 = arith.index_cast %scan3A_244 : i32 to index
        %swap3A_675 = arith.constant 480 : index
        %swap3A_676 = tpu.vector_load %arg15[%swap3A_674, %swap3A_675] {strides = array<i32>} : memref<16x512xf32, #tpu.memory_space<vmem>>, vector<1x16xf32>,
        %swap3A_677 = vector.shape_cast %swap3A_676 : vector<1x16xf32> to vector<16xf32>
        %swap3A_678 = vector.shape_cast %add3A_673 : vector<16xf32> to vector<1x16xf32>
        tpu.vector_store %arg15[%swap3A_674, %swap3A_675], %swap3A_678 {strides = array<i32>} : memref<16x512xf32, #tpu.memory_space<vmem>>, vector<1x16xf32>,
        %get3A_679 = arith.index_cast %scan3A_244 : i32 to index
        %get3A_680 = arith.constant 496 : index
        %get3A_681 = tpu.vector_load %arg15[%get3A_679, %get3A_680] {strides = array<i32>} : memref<16x512xf32, #tpu.memory_space<vmem>>, vector<1x16xf32>,
        %get3A_682 = vector.shape_cast %get3A_681 : vector<1x16xf32> to vector<16xf32>
        %get3A_683 = arith.index_cast %scan3A_244 : i32 to index
        %get3A_684 = arith.constant 496 : index
        %get3A_685 = tpu.vector_load %arg19[%get3A_683, %get3A_684] {strides = array<i32>} : memref<16x512xf32, #tpu.memory_space<vmem>>, vector<1x16xf32>,
        %get3A_686 = vector.shape_cast %get3A_685 : vector<1x16xf32> to vector<16xf32>
        %add3A_687 = arith.addf %get3A_682, %get3A_686 : vector<16xf32>
        %swap3A_688 = arith.index_cast %scan3A_244 : i32 to index
        %swap3A_689 = arith.constant 496 : index
        %swap3A_690 = tpu.vector_load %arg15[%swap3A_688, %swap3A_689] {strides = array<i32>} : memref<16x512xf32, #tpu.memory_space<vmem>>, vector<1x16xf32>,
        %swap3A_691 = vector.shape_cast %swap3A_690 : vector<1x16xf32> to vector<16xf32>
        %swap3A_692 = vector.shape_cast %add3A_687 : vector<16xf32> to vector<1x16xf32>
        tpu.vector_store %arg15[%swap3A_688, %swap3A_689], %swap3A_692 {strides = array<i32>} : memref<16x512xf32, #tpu.memory_space<vmem>>, vector<1x16xf32>,
      }
      %scan3A_201 = arith.constant 16 : i32
      %mul3A_202 = arith.constant 16 : i32
      %mul3A_203 = arith.muli %add3A_177, %mul3A_202 : i32
      %add3A_204 = arith.addi %mul3A_2, %mul3A_203 : i32
      %dma_start3A_205 = arith.constant 0 : i32
      %dma_start3A_206 = tpu.memref_slice %arg6[%add3A_204, %dma_start3A_205] : memref<51200x512xf32, #tpu.memory_space<hbm>> -> memref<16x512xf32, #tpu.memory_space<hbm>>
      %dma_start3A_207 = arith.constant 0 : i32
      %dma_start3A_208 = tpu.memref_slice %arg6[%add3A_204, %dma_start3A_207] : memref<51200x512xf32, #tpu.memory_space<hbm>> -> memref<16x512xf32, #tpu.memory_space<hbm>>
      tpu.enqueue_dma source(%arg15 : memref<16x512xf32, #tpu.memory_space<vmem>>) target(%dma_start3A_208 : memref<16x512xf32, #tpu.memory_space<hbm>>) target_semaphore(%arg31 : memref<!tpu.dma_semaphore, #tpu.memory_space<semaphore_mem>>)
      %mul3A_209 = arith.constant 4 : i32
      %mul3A_210 = arith.muli %scan3A_107, %mul3A_209 : i32
      %add3A_211 = arith.constant 3 : i32
      %add3A_212 = arith.addi %mul3A_210, %add3A_211 : i32
      %add3A_213 = arith.constant 4 : i32
      %add3A_214 = arith.addi %add3A_212, %add3A_213 : i32
      %sub3A_215 = arith.constant 1 : i32
      %sub3A_216 = arith.subi %add3A_214, %sub3A_215 : i32
      %lt3A_217 = arith.constant 100 : i32
      %lt3A_218 = arith.cmpi slt, %sub3A_216, %lt3A_217 : i32
      %convert_element_type3A_219 = arith.extui %lt3A_218 : i1 to i32
      %cond3A_220 = arith.constant 0 : i32
      %cond3A_221 = arith.cmpi ne, %convert_element_type3A_219, %cond3A_220 : i32
      scf.if %cond3A_221 {
        %ge3A = arith.constant 1 : i32
        %ge3A_244 = arith.cmpi sge, %add3A_212, %ge3A : i32
        %convert_element_type3A_245 = arith.extui %ge3A_244 : i1 to i32
        %cond3A_246 = arith.constant 0 : i32
        %cond3A_247 = arith.cmpi ne, %convert_element_type3A_245, %cond3A_246 : i32
        scf.if %cond3A_247 {
          %sub3A_281 = arith.constant 1 : i32
          %sub3A_282 = arith.subi %add3A_212, %sub3A_281 : i32
          %mul3A_283 = arith.constant 16 : i32
          %mul3A_284 = arith.muli %sub3A_282, %mul3A_283 : i32
          %add3A_285 = arith.addi %mul3A_2, %mul3A_284 : i32
          %dma_wait3A_286 = arith.constant 0 : i32
          %dma_wait3A_287 = tpu.memref_slice %arg6[%add3A_285, %dma_wait3A_286] : memref<51200x512xf32, #tpu.memory_space<hbm>> -> memref<16x512xf32, #tpu.memory_space<hbm>>
          %dma_wait3A_288 = arith.constant 0 : i32
          %dma_wait3A_289 = tpu.memref_slice %arg6[%add3A_285, %dma_wait3A_288] : memref<51200x512xf32, #tpu.memory_space<hbm>> -> memref<16x512xf32, #tpu.memory_space<hbm>>
          tpu.wait_dma2 semaphore(%arg31 : memref<!tpu.dma_semaphore, #tpu.memory_space<semaphore_mem>>) src(%arg15 : memref<16x512xf32, #tpu.memory_space<vmem>>) dst(%dma_wait3A_289 : memref<16x512xf32, #tpu.memory_space<hbm>>)
        } else {
        }
        %add3A_248 = arith.constant 4 : i32
        %add3A_249 = arith.addi %add3A_212, %add3A_248 : i32
        %sub3A_250 = arith.constant 1 : i32
        %sub3A_251 = arith.subi %add3A_249, %sub3A_250 : i32
        %mul3A_252 = arith.constant 16 : i32
        %mul3A_253 = arith.muli %sub3A_251, %mul3A_252 : i32
        %add3A_254 = arith.constant 0 : i32
        %add3A_255 = arith.addi %mul3A_253, %add3A_254 : i32
        %add3A_256 = arith.addi %mul3A_2, %add3A_255 : i32
        %iota3A_257 = tpu.iota {dimensions = array<i32: 0>} : vector<16xi32>
        %add3A_258 = vector.broadcast %add3A_256 : i32 to vector<16xi32>
        %add3A_259 = arith.addi %add3A_258, %iota3A_257 : vector<16xi32>
        %rem3A_260 = arith.constant 50 : i32
        %rem3A_261 = vector.broadcast %rem3A_260 : i32 to vector<16xi32>
        %rem3A_262 = arith.remsi %add3A_259, %rem3A_261 : vector<16xi32>
        %get3A_263 = arith.index_cast %add3A_255 : i32 to index
        %get3A_264 = tpu.vector_load %arg8[%get3A_263] {strides = array<i32>} : memref<1600xi32, #tpu.memory_space<vmem>>, vector<16xi32>,
        %get3A_265 = vector.shape_cast %get3A_264 : vector<16xi32> to vector<16xi32>
        %mul3A_266 = arith.constant 64 : i32
        %mul3A_267 = vector.broadcast %mul3A_266 : i32 to vector<16xi32>
        %mul3A_268 = arith.muli %get3A_265, %mul3A_267 : vector<16xi32>
        %add3A_269 = arith.addi %mul3A_268, %rem3A_262 : vector<16xi32>
        %swap3A_270 = arith.constant 0 : index
        %swap3A_271 = tpu.vector_load %arg11[%swap3A_270] {strides = array<i32>} : memref<16xi32, #tpu.memory_space<vmem>>, vector<16xi32>,
        %swap3A_272 = vector.shape_cast %swap3A_271 : vector<16xi32> to vector<16xi32>
        %swap3A_273 = vector.shape_cast %add3A_269 : vector<16xi32> to vector<16xi32>
        tpu.vector_store %arg11[%swap3A_270], %swap3A_273 {strides = array<i32>} : memref<16xi32, #tpu.memory_space<vmem>>, vector<16xi32>,
        %dma_start3A_274 = tpu.memref_slice %arg7[%mul3A_253] : memref<1600xi32, #tpu.memory_space<vmem>> -> memref<16xi32, #tpu.memory_space<vmem>>
        %dma_start3A_275 = arith.constant 0 : i32
        %dma_start3A_276 = arith.constant 0 : i32
        %dma_start3A_277 = tpu.memref_slice %arg2[%dma_start3A_275, %dma_start3A_276] : memref<100000x512xf32, #tpu.memory_space<hbm>> -> memref<100000x512xf32, #tpu.memory_space<hbm>>
        tpu.enqueue_indirect_dma source(%dma_start3A_277 : memref<100000x512xf32, #tpu.memory_space<hbm>>) target(%arg15 : memref<16x512xf32, #tpu.memory_space<vmem>>) offsets(%dma_start3A_274 : memref<16xi32, #tpu.memory_space<vmem>>) semaphore(%arg23 : memref<!tpu.dma_semaphore, #tpu.memory_space<semaphore_mem>>)
        %dma_start3A_278 = arith.constant 0 : i32
        %dma_start3A_279 = arith.constant 0 : i32
        %dma_start3A_280 = tpu.memref_slice %arg3[%dma_start3A_278, %dma_start3A_279] : memref<192x512xf32, #tpu.memory_space<hbm>> -> memref<192x512xf32, #tpu.memory_space<hbm>>
        tpu.enqueue_indirect_dma source(%dma_start3A_280 : memref<192x512xf32, #tpu.memory_space<hbm>>) target(%arg19 : memref<16x512xf32, #tpu.memory_space<vmem>>) offsets(%arg11 : memref<16xi32, #tpu.memory_space<vmem>>) semaphore(%arg27 : memref<!tpu.dma_semaphore, #tpu.memory_space<semaphore_mem>>)
      } else {
      }
      %mul3A_222 = arith.constant 16 : i32
      %mul3A_223 = arith.muli %add3A_212, %mul3A_222 : i32
      %dma_wait3A_224 = tpu.memref_slice %arg7[%mul3A_223] : memref<1600xi32, #tpu.memory_space<vmem>> -> memref<16xi32, #tpu.memory_space<vmem>>
      %dma_wait3A_225 = arith.constant 0 : i32
      %dma_wait3A_226 = arith.constant 0 : i32
      %dma_wait3A_227 = tpu.memref_slice %arg2[%dma_wait3A_225, %dma_wait3A_226] : memref<100000x512xf32, #tpu.memory_space<hbm>> -> memref<100000x512xf32, #tpu.memory_space<hbm>>
      tpu.wait_indirect_dma semaphore(%arg24 : memref<!tpu.dma_semaphore, #tpu.memory_space<semaphore_mem>>) src(%dma_wait3A_227 : memref<100000x512xf32, #tpu.memory_space<hbm>>) dst(%arg16 : memref<16x512xf32, #tpu.memory_space<vmem>>)
      %dma_wait3A_228 = arith.constant 0 : i32
      %dma_wait3A_229 = arith.constant 0 : i32
      %dma_wait3A_230 = tpu.memref_slice %arg3[%dma_wait3A_228, %dma_wait3A_229] : memref<192x512xf32, #tpu.memory_space<hbm>> -> memref<192x512xf32, #tpu.memory_space<hbm>>
      tpu.wait_indirect_dma semaphore(%arg28 : memref<!tpu.dma_semaphore, #tpu.memory_space<semaphore_mem>>) src(%dma_wait3A_230 : memref<192x512xf32, #tpu.memory_space<hbm>>) dst(%arg20 : memref<16x512xf32, #tpu.memory_space<vmem>>)
      %scan3A_231 = arith.constant 0 : i32
      %scan3A_232 = arith.constant 0 : i32
      %scan3A_233 = arith.constant 16 : i32
      %scan3A_234 = arith.addi %scan3A_232, %scan3A_233 : i32
      %scan3A_235 = arith.constant 1 : i32
      scf.for %scan3A_244 = %scan3A_232 to %scan3A_234 step %scan3A_235  : i32 {
        %get3A_245 = arith.index_cast %scan3A_244 : i32 to index
        %get3A_246 = arith.constant 0 : index
        %get3A_247 = tpu.vector_load %arg16[%get3A_245, %get3A_246] {strides = array<i32>} : memref<16x512xf32, #tpu.memory_space<vmem>>, vector<1x16xf32>,
        %get3A_248 = vector.shape_cast %get3A_247 : vector<1x16xf32> to vector<16xf32>
        %get3A_249 = arith.index_cast %scan3A_244 : i32 to index
        %get3A_250 = arith.constant 0 : index
        %get3A_251 = tpu.vector_load %arg20[%get3A_249, %get3A_250] {strides = array<i32>} : memref<16x512xf32, #tpu.memory_space<vmem>>, vector<1x16xf32>,
        %get3A_252 = vector.shape_cast %get3A_251 : vector<1x16xf32> to vector<16xf32>
        %add3A_253 = arith.addf %get3A_248, %get3A_252 : vector<16xf32>
        %swap3A_254 = arith.index_cast %scan3A_244 : i32 to index
        %swap3A_255 = arith.constant 0 : index
        %swap3A_256 = tpu.vector_load %arg16[%swap3A_254, %swap3A_255] {strides = array<i32>} : memref<16x512xf32, #tpu.memory_space<vmem>>, vector<1x16xf32>,
        %swap3A_257 = vector.shape_cast %swap3A_256 : vector<1x16xf32> to vector<16xf32>
        %swap3A_258 = vector.shape_cast %add3A_253 : vector<16xf32> to vector<1x16xf32>
        tpu.vector_store %arg16[%swap3A_254, %swap3A_255], %swap3A_258 {strides = array<i32>} : memref<16x512xf32, #tpu.memory_space<vmem>>, vector<1x16xf32>,
        %get3A_259 = arith.index_cast %scan3A_244 : i32 to index
        %get3A_260 = arith.constant 16 : index
        %get3A_261 = tpu.vector_load %arg16[%get3A_259, %get3A_260] {strides = array<i32>} : memref<16x512xf32, #tpu.memory_space<vmem>>, vector<1x16xf32>,
        %get3A_262 = vector.shape_cast %get3A_261 : vector<1x16xf32> to vector<16xf32>
        %get3A_263 = arith.index_cast %scan3A_244 : i32 to index
        %get3A_264 = arith.constant 16 : index
        %get3A_265 = tpu.vector_load %arg20[%get3A_263, %get3A_264] {strides = array<i32>} : memref<16x512xf32, #tpu.memory_space<vmem>>, vector<1x16xf32>,
        %get3A_266 = vector.shape_cast %get3A_265 : vector<1x16xf32> to vector<16xf32>
        %add3A_267 = arith.addf %get3A_262, %get3A_266 : vector<16xf32>
        %swap3A_268 = arith.index_cast %scan3A_244 : i32 to index
        %swap3A_269 = arith.constant 16 : index
        %swap3A_270 = tpu.vector_load %arg16[%swap3A_268, %swap3A_269] {strides = array<i32>} : memref<16x512xf32, #tpu.memory_space<vmem>>, vector<1x16xf32>,
        %swap3A_271 = vector.shape_cast %swap3A_270 : vector<1x16xf32> to vector<16xf32>
        %swap3A_272 = vector.shape_cast %add3A_267 : vector<16xf32> to vector<1x16xf32>
        tpu.vector_store %arg16[%swap3A_268, %swap3A_269], %swap3A_272 {strides = array<i32>} : memref<16x512xf32, #tpu.memory_space<vmem>>, vector<1x16xf32>,
        %get3A_273 = arith.index_cast %scan3A_244 : i32 to index
        %get3A_274 = arith.constant 32 : index
        %get3A_275 = tpu.vector_load %arg16[%get3A_273, %get3A_274] {strides = array<i32>} : memref<16x512xf32, #tpu.memory_space<vmem>>, vector<1x16xf32>,
        %get3A_276 = vector.shape_cast %get3A_275 : vector<1x16xf32> to vector<16xf32>
        %get3A_277 = arith.index_cast %scan3A_244 : i32 to index
        %get3A_278 = arith.constant 32 : index
        %get3A_279 = tpu.vector_load %arg20[%get3A_277, %get3A_278] {strides = array<i32>} : memref<16x512xf32, #tpu.memory_space<vmem>>, vector<1x16xf32>,
        %get3A_280 = vector.shape_cast %get3A_279 : vector<1x16xf32> to vector<16xf32>
        %add3A_281 = arith.addf %get3A_276, %get3A_280 : vector<16xf32>
        %swap3A_282 = arith.index_cast %scan3A_244 : i32 to index
        %swap3A_283 = arith.constant 32 : index
        %swap3A_284 = tpu.vector_load %arg16[%swap3A_282, %swap3A_283] {strides = array<i32>} : memref<16x512xf32, #tpu.memory_space<vmem>>, vector<1x16xf32>,
        %swap3A_285 = vector.shape_cast %swap3A_284 : vector<1x16xf32> to vector<16xf32>
        %swap3A_286 = vector.shape_cast %add3A_281 : vector<16xf32> to vector<1x16xf32>
        tpu.vector_store %arg16[%swap3A_282, %swap3A_283], %swap3A_286 {strides = array<i32>} : memref<16x512xf32, #tpu.memory_space<vmem>>, vector<1x16xf32>,
        %get3A_287 = arith.index_cast %scan3A_244 : i32 to index
        %get3A_288 = arith.constant 48 : index
        %get3A_289 = tpu.vector_load %arg16[%get3A_287, %get3A_288] {strides = array<i32>} : memref<16x512xf32, #tpu.memory_space<vmem>>, vector<1x16xf32>,
        %get3A_290 = vector.shape_cast %get3A_289 : vector<1x16xf32> to vector<16xf32>
        %get3A_291 = arith.index_cast %scan3A_244 : i32 to index
        %get3A_292 = arith.constant 48 : index
        %get3A_293 = tpu.vector_load %arg20[%get3A_291, %get3A_292] {strides = array<i32>} : memref<16x512xf32, #tpu.memory_space<vmem>>, vector<1x16xf32>,
        %get3A_294 = vector.shape_cast %get3A_293 : vector<1x16xf32> to vector<16xf32>
        %add3A_295 = arith.addf %get3A_290, %get3A_294 : vector<16xf32>
        %swap3A_296 = arith.index_cast %scan3A_244 : i32 to index
        %swap3A_297 = arith.constant 48 : index
        %swap3A_298 = tpu.vector_load %arg16[%swap3A_296, %swap3A_297] {strides = array<i32>} : memref<16x512xf32, #tpu.memory_space<vmem>>, vector<1x16xf32>,
        %swap3A_299 = vector.shape_cast %swap3A_298 : vector<1x16xf32> to vector<16xf32>
        %swap3A_300 = vector.shape_cast %add3A_295 : vector<16xf32> to vector<1x16xf32>
        tpu.vector_store %arg16[%swap3A_296, %swap3A_297], %swap3A_300 {strides = array<i32>} : memref<16x512xf32, #tpu.memory_space<vmem>>, vector<1x16xf32>,
        %get3A_301 = arith.index_cast %scan3A_244 : i32 to index
        %get3A_302 = arith.constant 64 : index
        %get3A_303 = tpu.vector_load %arg16[%get3A_301, %get3A_302] {strides = array<i32>} : memref<16x512xf32, #tpu.memory_space<vmem>>, vector<1x16xf32>,
        %get3A_304 = vector.shape_cast %get3A_303 : vector<1x16xf32> to vector<16xf32>
        %get3A_305 = arith.index_cast %scan3A_244 : i32 to index
        %get3A_306 = arith.constant 64 : index
        %get3A_307 = tpu.vector_load %arg20[%get3A_305, %get3A_306] {strides = array<i32>} : memref<16x512xf32, #tpu.memory_space<vmem>>, vector<1x16xf32>,
        %get3A_308 = vector.shape_cast %get3A_307 : vector<1x16xf32> to vector<16xf32>
        %add3A_309 = arith.addf %get3A_304, %get3A_308 : vector<16xf32>
        %swap3A_310 = arith.index_cast %scan3A_244 : i32 to index
        %swap3A_311 = arith.constant 64 : index
        %swap3A_312 = tpu.vector_load %arg16[%swap3A_310, %swap3A_311] {strides = array<i32>} : memref<16x512xf32, #tpu.memory_space<vmem>>, vector<1x16xf32>,
        %swap3A_313 = vector.shape_cast %swap3A_312 : vector<1x16xf32> to vector<16xf32>
        %swap3A_314 = vector.shape_cast %add3A_309 : vector<16xf32> to vector<1x16xf32>
        tpu.vector_store %arg16[%swap3A_310, %swap3A_311], %swap3A_314 {strides = array<i32>} : memref<16x512xf32, #tpu.memory_space<vmem>>, vector<1x16xf32>,
        %get3A_315 = arith.index_cast %scan3A_244 : i32 to index
        %get3A_316 = arith.constant 80 : index
        %get3A_317 = tpu.vector_load %arg16[%get3A_315, %get3A_316] {strides = array<i32>} : memref<16x512xf32, #tpu.memory_space<vmem>>, vector<1x16xf32>,
        %get3A_318 = vector.shape_cast %get3A_317 : vector<1x16xf32> to vector<16xf32>
        %get3A_319 = arith.index_cast %scan3A_244 : i32 to index
        %get3A_320 = arith.constant 80 : index
        %get3A_321 = tpu.vector_load %arg20[%get3A_319, %get3A_320] {strides = array<i32>} : memref<16x512xf32, #tpu.memory_space<vmem>>, vector<1x16xf32>,
        %get3A_322 = vector.shape_cast %get3A_321 : vector<1x16xf32> to vector<16xf32>
        %add3A_323 = arith.addf %get3A_318, %get3A_322 : vector<16xf32>
        %swap3A_324 = arith.index_cast %scan3A_244 : i32 to index
        %swap3A_325 = arith.constant 80 : index
        %swap3A_326 = tpu.vector_load %arg16[%swap3A_324, %swap3A_325] {strides = array<i32>} : memref<16x512xf32, #tpu.memory_space<vmem>>, vector<1x16xf32>,
        %swap3A_327 = vector.shape_cast %swap3A_326 : vector<1x16xf32> to vector<16xf32>
        %swap3A_328 = vector.shape_cast %add3A_323 : vector<16xf32> to vector<1x16xf32>
        tpu.vector_store %arg16[%swap3A_324, %swap3A_325], %swap3A_328 {strides = array<i32>} : memref<16x512xf32, #tpu.memory_space<vmem>>, vector<1x16xf32>,
        %get3A_329 = arith.index_cast %scan3A_244 : i32 to index
        %get3A_330 = arith.constant 96 : index
        %get3A_331 = tpu.vector_load %arg16[%get3A_329, %get3A_330] {strides = array<i32>} : memref<16x512xf32, #tpu.memory_space<vmem>>, vector<1x16xf32>,
        %get3A_332 = vector.shape_cast %get3A_331 : vector<1x16xf32> to vector<16xf32>
        %get3A_333 = arith.index_cast %scan3A_244 : i32 to index
        %get3A_334 = arith.constant 96 : index
        %get3A_335 = tpu.vector_load %arg20[%get3A_333, %get3A_334] {strides = array<i32>} : memref<16x512xf32, #tpu.memory_space<vmem>>, vector<1x16xf32>,
        %get3A_336 = vector.shape_cast %get3A_335 : vector<1x16xf32> to vector<16xf32>
        %add3A_337 = arith.addf %get3A_332, %get3A_336 : vector<16xf32>
        %swap3A_338 = arith.index_cast %scan3A_244 : i32 to index
        %swap3A_339 = arith.constant 96 : index
        %swap3A_340 = tpu.vector_load %arg16[%swap3A_338, %swap3A_339] {strides = array<i32>} : memref<16x512xf32, #tpu.memory_space<vmem>>, vector<1x16xf32>,
        %swap3A_341 = vector.shape_cast %swap3A_340 : vector<1x16xf32> to vector<16xf32>
        %swap3A_342 = vector.shape_cast %add3A_337 : vector<16xf32> to vector<1x16xf32>
        tpu.vector_store %arg16[%swap3A_338, %swap3A_339], %swap3A_342 {strides = array<i32>} : memref<16x512xf32, #tpu.memory_space<vmem>>, vector<1x16xf32>,
        %get3A_343 = arith.index_cast %scan3A_244 : i32 to index
        %get3A_344 = arith.constant 112 : index
        %get3A_345 = tpu.vector_load %arg16[%get3A_343, %get3A_344] {strides = array<i32>} : memref<16x512xf32, #tpu.memory_space<vmem>>, vector<1x16xf32>,
        %get3A_346 = vector.shape_cast %get3A_345 : vector<1x16xf32> to vector<16xf32>
        %get3A_347 = arith.index_cast %scan3A_244 : i32 to index
        %get3A_348 = arith.constant 112 : index
        %get3A_349 = tpu.vector_load %arg20[%get3A_347, %get3A_348] {strides = array<i32>} : memref<16x512xf32, #tpu.memory_space<vmem>>, vector<1x16xf32>,
        %get3A_350 = vector.shape_cast %get3A_349 : vector<1x16xf32> to vector<16xf32>
        %add3A_351 = arith.addf %get3A_346, %get3A_350 : vector<16xf32>
        %swap3A_352 = arith.index_cast %scan3A_244 : i32 to index
        %swap3A_353 = arith.constant 112 : index
        %swap3A_354 = tpu.vector_load %arg16[%swap3A_352, %swap3A_353] {strides = array<i32>} : memref<16x512xf32, #tpu.memory_space<vmem>>, vector<1x16xf32>,
        %swap3A_355 = vector.shape_cast %swap3A_354 : vector<1x16xf32> to vector<16xf32>
        %swap3A_356 = vector.shape_cast %add3A_351 : vector<16xf32> to vector<1x16xf32>
        tpu.vector_store %arg16[%swap3A_352, %swap3A_353], %swap3A_356 {strides = array<i32>} : memref<16x512xf32, #tpu.memory_space<vmem>>, vector<1x16xf32>,
        %get3A_357 = arith.index_cast %scan3A_244 : i32 to index
        %get3A_358 = arith.constant 128 : index
        %get3A_359 = tpu.vector_load %arg16[%get3A_357, %get3A_358] {strides = array<i32>} : memref<16x512xf32, #tpu.memory_space<vmem>>, vector<1x16xf32>,
        %get3A_360 = vector.shape_cast %get3A_359 : vector<1x16xf32> to vector<16xf32>
        %get3A_361 = arith.index_cast %scan3A_244 : i32 to index
        %get3A_362 = arith.constant 128 : index
        %get3A_363 = tpu.vector_load %arg20[%get3A_361, %get3A_362] {strides = array<i32>} : memref<16x512xf32, #tpu.memory_space<vmem>>, vector<1x16xf32>,
        %get3A_364 = vector.shape_cast %get3A_363 : vector<1x16xf32> to vector<16xf32>
        %add3A_365 = arith.addf %get3A_360, %get3A_364 : vector<16xf32>
        %swap3A_366 = arith.index_cast %scan3A_244 : i32 to index
        %swap3A_367 = arith.constant 128 : index
        %swap3A_368 = tpu.vector_load %arg16[%swap3A_366, %swap3A_367] {strides = array<i32>} : memref<16x512xf32, #tpu.memory_space<vmem>>, vector<1x16xf32>,
        %swap3A_369 = vector.shape_cast %swap3A_368 : vector<1x16xf32> to vector<16xf32>
        %swap3A_370 = vector.shape_cast %add3A_365 : vector<16xf32> to vector<1x16xf32>
        tpu.vector_store %arg16[%swap3A_366, %swap3A_367], %swap3A_370 {strides = array<i32>} : memref<16x512xf32, #tpu.memory_space<vmem>>, vector<1x16xf32>,
        %get3A_371 = arith.index_cast %scan3A_244 : i32 to index
        %get3A_372 = arith.constant 144 : index
        %get3A_373 = tpu.vector_load %arg16[%get3A_371, %get3A_372] {strides = array<i32>} : memref<16x512xf32, #tpu.memory_space<vmem>>, vector<1x16xf32>,
        %get3A_374 = vector.shape_cast %get3A_373 : vector<1x16xf32> to vector<16xf32>
        %get3A_375 = arith.index_cast %scan3A_244 : i32 to index
        %get3A_376 = arith.constant 144 : index
        %get3A_377 = tpu.vector_load %arg20[%get3A_375, %get3A_376] {strides = array<i32>} : memref<16x512xf32, #tpu.memory_space<vmem>>, vector<1x16xf32>,
        %get3A_378 = vector.shape_cast %get3A_377 : vector<1x16xf32> to vector<16xf32>
        %add3A_379 = arith.addf %get3A_374, %get3A_378 : vector<16xf32>
        %swap3A_380 = arith.index_cast %scan3A_244 : i32 to index
        %swap3A_381 = arith.constant 144 : index
        %swap3A_382 = tpu.vector_load %arg16[%swap3A_380, %swap3A_381] {strides = array<i32>} : memref<16x512xf32, #tpu.memory_space<vmem>>, vector<1x16xf32>,
        %swap3A_383 = vector.shape_cast %swap3A_382 : vector<1x16xf32> to vector<16xf32>
        %swap3A_384 = vector.shape_cast %add3A_379 : vector<16xf32> to vector<1x16xf32>
        tpu.vector_store %arg16[%swap3A_380, %swap3A_381], %swap3A_384 {strides = array<i32>} : memref<16x512xf32, #tpu.memory_space<vmem>>, vector<1x16xf32>,
        %get3A_385 = arith.index_cast %scan3A_244 : i32 to index
        %get3A_386 = arith.constant 160 : index
        %get3A_387 = tpu.vector_load %arg16[%get3A_385, %get3A_386] {strides = array<i32>} : memref<16x512xf32, #tpu.memory_space<vmem>>, vector<1x16xf32>,
        %get3A_388 = vector.shape_cast %get3A_387 : vector<1x16xf32> to vector<16xf32>
        %get3A_389 = arith.index_cast %scan3A_244 : i32 to index
        %get3A_390 = arith.constant 160 : index
        %get3A_391 = tpu.vector_load %arg20[%get3A_389, %get3A_390] {strides = array<i32>} : memref<16x512xf32, #tpu.memory_space<vmem>>, vector<1x16xf32>,
        %get3A_392 = vector.shape_cast %get3A_391 : vector<1x16xf32> to vector<16xf32>
        %add3A_393 = arith.addf %get3A_388, %get3A_392 : vector<16xf32>
        %swap3A_394 = arith.index_cast %scan3A_244 : i32 to index
        %swap3A_395 = arith.constant 160 : index
        %swap3A_396 = tpu.vector_load %arg16[%swap3A_394, %swap3A_395] {strides = array<i32>} : memref<16x512xf32, #tpu.memory_space<vmem>>, vector<1x16xf32>,
        %swap3A_397 = vector.shape_cast %swap3A_396 : vector<1x16xf32> to vector<16xf32>
        %swap3A_398 = vector.shape_cast %add3A_393 : vector<16xf32> to vector<1x16xf32>
        tpu.vector_store %arg16[%swap3A_394, %swap3A_395], %swap3A_398 {strides = array<i32>} : memref<16x512xf32, #tpu.memory_space<vmem>>, vector<1x16xf32>,
        %get3A_399 = arith.index_cast %scan3A_244 : i32 to index
        %get3A_400 = arith.constant 176 : index
        %get3A_401 = tpu.vector_load %arg16[%get3A_399, %get3A_400] {strides = array<i32>} : memref<16x512xf32, #tpu.memory_space<vmem>>, vector<1x16xf32>,
        %get3A_402 = vector.shape_cast %get3A_401 : vector<1x16xf32> to vector<16xf32>
        %get3A_403 = arith.index_cast %scan3A_244 : i32 to index
        %get3A_404 = arith.constant 176 : index
        %get3A_405 = tpu.vector_load %arg20[%get3A_403, %get3A_404] {strides = array<i32>} : memref<16x512xf32, #tpu.memory_space<vmem>>, vector<1x16xf32>,
        %get3A_406 = vector.shape_cast %get3A_405 : vector<1x16xf32> to vector<16xf32>
        %add3A_407 = arith.addf %get3A_402, %get3A_406 : vector<16xf32>
        %swap3A_408 = arith.index_cast %scan3A_244 : i32 to index
        %swap3A_409 = arith.constant 176 : index
        %swap3A_410 = tpu.vector_load %arg16[%swap3A_408, %swap3A_409] {strides = array<i32>} : memref<16x512xf32, #tpu.memory_space<vmem>>, vector<1x16xf32>,
        %swap3A_411 = vector.shape_cast %swap3A_410 : vector<1x16xf32> to vector<16xf32>
        %swap3A_412 = vector.shape_cast %add3A_407 : vector<16xf32> to vector<1x16xf32>
        tpu.vector_store %arg16[%swap3A_408, %swap3A_409], %swap3A_412 {strides = array<i32>} : memref<16x512xf32, #tpu.memory_space<vmem>>, vector<1x16xf32>,
        %get3A_413 = arith.index_cast %scan3A_244 : i32 to index
        %get3A_414 = arith.constant 192 : index
        %get3A_415 = tpu.vector_load %arg16[%get3A_413, %get3A_414] {strides = array<i32>} : memref<16x512xf32, #tpu.memory_space<vmem>>, vector<1x16xf32>,
        %get3A_416 = vector.shape_cast %get3A_415 : vector<1x16xf32> to vector<16xf32>
        %get3A_417 = arith.index_cast %scan3A_244 : i32 to index
        %get3A_418 = arith.constant 192 : index
        %get3A_419 = tpu.vector_load %arg20[%get3A_417, %get3A_418] {strides = array<i32>} : memref<16x512xf32, #tpu.memory_space<vmem>>, vector<1x16xf32>,
        %get3A_420 = vector.shape_cast %get3A_419 : vector<1x16xf32> to vector<16xf32>
        %add3A_421 = arith.addf %get3A_416, %get3A_420 : vector<16xf32>
        %swap3A_422 = arith.index_cast %scan3A_244 : i32 to index
        %swap3A_423 = arith.constant 192 : index
        %swap3A_424 = tpu.vector_load %arg16[%swap3A_422, %swap3A_423] {strides = array<i32>} : memref<16x512xf32, #tpu.memory_space<vmem>>, vector<1x16xf32>,
        %swap3A_425 = vector.shape_cast %swap3A_424 : vector<1x16xf32> to vector<16xf32>
        %swap3A_426 = vector.shape_cast %add3A_421 : vector<16xf32> to vector<1x16xf32>
        tpu.vector_store %arg16[%swap3A_422, %swap3A_423], %swap3A_426 {strides = array<i32>} : memref<16x512xf32, #tpu.memory_space<vmem>>, vector<1x16xf32>,
        %get3A_427 = arith.index_cast %scan3A_244 : i32 to index
        %get3A_428 = arith.constant 208 : index
        %get3A_429 = tpu.vector_load %arg16[%get3A_427, %get3A_428] {strides = array<i32>} : memref<16x512xf32, #tpu.memory_space<vmem>>, vector<1x16xf32>,
        %get3A_430 = vector.shape_cast %get3A_429 : vector<1x16xf32> to vector<16xf32>
        %get3A_431 = arith.index_cast %scan3A_244 : i32 to index
        %get3A_432 = arith.constant 208 : index
        %get3A_433 = tpu.vector_load %arg20[%get3A_431, %get3A_432] {strides = array<i32>} : memref<16x512xf32, #tpu.memory_space<vmem>>, vector<1x16xf32>,
        %get3A_434 = vector.shape_cast %get3A_433 : vector<1x16xf32> to vector<16xf32>
        %add3A_435 = arith.addf %get3A_430, %get3A_434 : vector<16xf32>
        %swap3A_436 = arith.index_cast %scan3A_244 : i32 to index
        %swap3A_437 = arith.constant 208 : index
        %swap3A_438 = tpu.vector_load %arg16[%swap3A_436, %swap3A_437] {strides = array<i32>} : memref<16x512xf32, #tpu.memory_space<vmem>>, vector<1x16xf32>,
        %swap3A_439 = vector.shape_cast %swap3A_438 : vector<1x16xf32> to vector<16xf32>
        %swap3A_440 = vector.shape_cast %add3A_435 : vector<16xf32> to vector<1x16xf32>
        tpu.vector_store %arg16[%swap3A_436, %swap3A_437], %swap3A_440 {strides = array<i32>} : memref<16x512xf32, #tpu.memory_space<vmem>>, vector<1x16xf32>,
        %get3A_441 = arith.index_cast %scan3A_244 : i32 to index
        %get3A_442 = arith.constant 224 : index
        %get3A_443 = tpu.vector_load %arg16[%get3A_441, %get3A_442] {strides = array<i32>} : memref<16x512xf32, #tpu.memory_space<vmem>>, vector<1x16xf32>,
        %get3A_444 = vector.shape_cast %get3A_443 : vector<1x16xf32> to vector<16xf32>
        %get3A_445 = arith.index_cast %scan3A_244 : i32 to index
        %get3A_446 = arith.constant 224 : index
        %get3A_447 = tpu.vector_load %arg20[%get3A_445, %get3A_446] {strides = array<i32>} : memref<16x512xf32, #tpu.memory_space<vmem>>, vector<1x16xf32>,
        %get3A_448 = vector.shape_cast %get3A_447 : vector<1x16xf32> to vector<16xf32>
        %add3A_449 = arith.addf %get3A_444, %get3A_448 : vector<16xf32>
        %swap3A_450 = arith.index_cast %scan3A_244 : i32 to index
        %swap3A_451 = arith.constant 224 : index
        %swap3A_452 = tpu.vector_load %arg16[%swap3A_450, %swap3A_451] {strides = array<i32>} : memref<16x512xf32, #tpu.memory_space<vmem>>, vector<1x16xf32>,
        %swap3A_453 = vector.shape_cast %swap3A_452 : vector<1x16xf32> to vector<16xf32>
        %swap3A_454 = vector.shape_cast %add3A_449 : vector<16xf32> to vector<1x16xf32>
        tpu.vector_store %arg16[%swap3A_450, %swap3A_451], %swap3A_454 {strides = array<i32>} : memref<16x512xf32, #tpu.memory_space<vmem>>, vector<1x16xf32>,
        %get3A_455 = arith.index_cast %scan3A_244 : i32 to index
        %get3A_456 = arith.constant 240 : index
        %get3A_457 = tpu.vector_load %arg16[%get3A_455, %get3A_456] {strides = array<i32>} : memref<16x512xf32, #tpu.memory_space<vmem>>, vector<1x16xf32>,
        %get3A_458 = vector.shape_cast %get3A_457 : vector<1x16xf32> to vector<16xf32>
        %get3A_459 = arith.index_cast %scan3A_244 : i32 to index
        %get3A_460 = arith.constant 240 : index
        %get3A_461 = tpu.vector_load %arg20[%get3A_459, %get3A_460] {strides = array<i32>} : memref<16x512xf32, #tpu.memory_space<vmem>>, vector<1x16xf32>,
        %get3A_462 = vector.shape_cast %get3A_461 : vector<1x16xf32> to vector<16xf32>
        %add3A_463 = arith.addf %get3A_458, %get3A_462 : vector<16xf32>
        %swap3A_464 = arith.index_cast %scan3A_244 : i32 to index
        %swap3A_465 = arith.constant 240 : index
        %swap3A_466 = tpu.vector_load %arg16[%swap3A_464, %swap3A_465] {strides = array<i32>} : memref<16x512xf32, #tpu.memory_space<vmem>>, vector<1x16xf32>,
        %swap3A_467 = vector.shape_cast %swap3A_466 : vector<1x16xf32> to vector<16xf32>
        %swap3A_468 = vector.shape_cast %add3A_463 : vector<16xf32> to vector<1x16xf32>
        tpu.vector_store %arg16[%swap3A_464, %swap3A_465], %swap3A_468 {strides = array<i32>} : memref<16x512xf32, #tpu.memory_space<vmem>>, vector<1x16xf32>,
        %get3A_469 = arith.index_cast %scan3A_244 : i32 to index
        %get3A_470 = arith.constant 256 : index
        %get3A_471 = tpu.vector_load %arg16[%get3A_469, %get3A_470] {strides = array<i32>} : memref<16x512xf32, #tpu.memory_space<vmem>>, vector<1x16xf32>,
        %get3A_472 = vector.shape_cast %get3A_471 : vector<1x16xf32> to vector<16xf32>
        %get3A_473 = arith.index_cast %scan3A_244 : i32 to index
        %get3A_474 = arith.constant 256 : index
        %get3A_475 = tpu.vector_load %arg20[%get3A_473, %get3A_474] {strides = array<i32>} : memref<16x512xf32, #tpu.memory_space<vmem>>, vector<1x16xf32>,
        %get3A_476 = vector.shape_cast %get3A_475 : vector<1x16xf32> to vector<16xf32>
        %add3A_477 = arith.addf %get3A_472, %get3A_476 : vector<16xf32>
        %swap3A_478 = arith.index_cast %scan3A_244 : i32 to index
        %swap3A_479 = arith.constant 256 : index
        %swap3A_480 = tpu.vector_load %arg16[%swap3A_478, %swap3A_479] {strides = array<i32>} : memref<16x512xf32, #tpu.memory_space<vmem>>, vector<1x16xf32>,
        %swap3A_481 = vector.shape_cast %swap3A_480 : vector<1x16xf32> to vector<16xf32>
        %swap3A_482 = vector.shape_cast %add3A_477 : vector<16xf32> to vector<1x16xf32>
        tpu.vector_store %arg16[%swap3A_478, %swap3A_479], %swap3A_482 {strides = array<i32>} : memref<16x512xf32, #tpu.memory_space<vmem>>, vector<1x16xf32>,
        %get3A_483 = arith.index_cast %scan3A_244 : i32 to index
        %get3A_484 = arith.constant 272 : index
        %get3A_485 = tpu.vector_load %arg16[%get3A_483, %get3A_484] {strides = array<i32>} : memref<16x512xf32, #tpu.memory_space<vmem>>, vector<1x16xf32>,
        %get3A_486 = vector.shape_cast %get3A_485 : vector<1x16xf32> to vector<16xf32>
        %get3A_487 = arith.index_cast %scan3A_244 : i32 to index
        %get3A_488 = arith.constant 272 : index
        %get3A_489 = tpu.vector_load %arg20[%get3A_487, %get3A_488] {strides = array<i32>} : memref<16x512xf32, #tpu.memory_space<vmem>>, vector<1x16xf32>,
        %get3A_490 = vector.shape_cast %get3A_489 : vector<1x16xf32> to vector<16xf32>
        %add3A_491 = arith.addf %get3A_486, %get3A_490 : vector<16xf32>
        %swap3A_492 = arith.index_cast %scan3A_244 : i32 to index
        %swap3A_493 = arith.constant 272 : index
        %swap3A_494 = tpu.vector_load %arg16[%swap3A_492, %swap3A_493] {strides = array<i32>} : memref<16x512xf32, #tpu.memory_space<vmem>>, vector<1x16xf32>,
        %swap3A_495 = vector.shape_cast %swap3A_494 : vector<1x16xf32> to vector<16xf32>
        %swap3A_496 = vector.shape_cast %add3A_491 : vector<16xf32> to vector<1x16xf32>
        tpu.vector_store %arg16[%swap3A_492, %swap3A_493], %swap3A_496 {strides = array<i32>} : memref<16x512xf32, #tpu.memory_space<vmem>>, vector<1x16xf32>,
        %get3A_497 = arith.index_cast %scan3A_244 : i32 to index
        %get3A_498 = arith.constant 288 : index
        %get3A_499 = tpu.vector_load %arg16[%get3A_497, %get3A_498] {strides = array<i32>} : memref<16x512xf32, #tpu.memory_space<vmem>>, vector<1x16xf32>,
        %get3A_500 = vector.shape_cast %get3A_499 : vector<1x16xf32> to vector<16xf32>
        %get3A_501 = arith.index_cast %scan3A_244 : i32 to index
        %get3A_502 = arith.constant 288 : index
        %get3A_503 = tpu.vector_load %arg20[%get3A_501, %get3A_502] {strides = array<i32>} : memref<16x512xf32, #tpu.memory_space<vmem>>, vector<1x16xf32>,
        %get3A_504 = vector.shape_cast %get3A_503 : vector<1x16xf32> to vector<16xf32>
        %add3A_505 = arith.addf %get3A_500, %get3A_504 : vector<16xf32>
        %swap3A_506 = arith.index_cast %scan3A_244 : i32 to index
        %swap3A_507 = arith.constant 288 : index
        %swap3A_508 = tpu.vector_load %arg16[%swap3A_506, %swap3A_507] {strides = array<i32>} : memref<16x512xf32, #tpu.memory_space<vmem>>, vector<1x16xf32>,
        %swap3A_509 = vector.shape_cast %swap3A_508 : vector<1x16xf32> to vector<16xf32>
        %swap3A_510 = vector.shape_cast %add3A_505 : vector<16xf32> to vector<1x16xf32>
        tpu.vector_store %arg16[%swap3A_506, %swap3A_507], %swap3A_510 {strides = array<i32>} : memref<16x512xf32, #tpu.memory_space<vmem>>, vector<1x16xf32>,
        %get3A_511 = arith.index_cast %scan3A_244 : i32 to index
        %get3A_512 = arith.constant 304 : index
        %get3A_513 = tpu.vector_load %arg16[%get3A_511, %get3A_512] {strides = array<i32>} : memref<16x512xf32, #tpu.memory_space<vmem>>, vector<1x16xf32>,
        %get3A_514 = vector.shape_cast %get3A_513 : vector<1x16xf32> to vector<16xf32>
        %get3A_515 = arith.index_cast %scan3A_244 : i32 to index
        %get3A_516 = arith.constant 304 : index
        %get3A_517 = tpu.vector_load %arg20[%get3A_515, %get3A_516] {strides = array<i32>} : memref<16x512xf32, #tpu.memory_space<vmem>>, vector<1x16xf32>,
        %get3A_518 = vector.shape_cast %get3A_517 : vector<1x16xf32> to vector<16xf32>
        %add3A_519 = arith.addf %get3A_514, %get3A_518 : vector<16xf32>
        %swap3A_520 = arith.index_cast %scan3A_244 : i32 to index
        %swap3A_521 = arith.constant 304 : index
        %swap3A_522 = tpu.vector_load %arg16[%swap3A_520, %swap3A_521] {strides = array<i32>} : memref<16x512xf32, #tpu.memory_space<vmem>>, vector<1x16xf32>,
        %swap3A_523 = vector.shape_cast %swap3A_522 : vector<1x16xf32> to vector<16xf32>
        %swap3A_524 = vector.shape_cast %add3A_519 : vector<16xf32> to vector<1x16xf32>
        tpu.vector_store %arg16[%swap3A_520, %swap3A_521], %swap3A_524 {strides = array<i32>} : memref<16x512xf32, #tpu.memory_space<vmem>>, vector<1x16xf32>,
        %get3A_525 = arith.index_cast %scan3A_244 : i32 to index
        %get3A_526 = arith.constant 320 : index
        %get3A_527 = tpu.vector_load %arg16[%get3A_525, %get3A_526] {strides = array<i32>} : memref<16x512xf32, #tpu.memory_space<vmem>>, vector<1x16xf32>,
        %get3A_528 = vector.shape_cast %get3A_527 : vector<1x16xf32> to vector<16xf32>
        %get3A_529 = arith.index_cast %scan3A_244 : i32 to index
        %get3A_530 = arith.constant 320 : index
        %get3A_531 = tpu.vector_load %arg20[%get3A_529, %get3A_530] {strides = array<i32>} : memref<16x512xf32, #tpu.memory_space<vmem>>, vector<1x16xf32>,
        %get3A_532 = vector.shape_cast %get3A_531 : vector<1x16xf32> to vector<16xf32>
        %add3A_533 = arith.addf %get3A_528, %get3A_532 : vector<16xf32>
        %swap3A_534 = arith.index_cast %scan3A_244 : i32 to index
        %swap3A_535 = arith.constant 320 : index
        %swap3A_536 = tpu.vector_load %arg16[%swap3A_534, %swap3A_535] {strides = array<i32>} : memref<16x512xf32, #tpu.memory_space<vmem>>, vector<1x16xf32>,
        %swap3A_537 = vector.shape_cast %swap3A_536 : vector<1x16xf32> to vector<16xf32>
        %swap3A_538 = vector.shape_cast %add3A_533 : vector<16xf32> to vector<1x16xf32>
        tpu.vector_store %arg16[%swap3A_534, %swap3A_535], %swap3A_538 {strides = array<i32>} : memref<16x512xf32, #tpu.memory_space<vmem>>, vector<1x16xf32>,
        %get3A_539 = arith.index_cast %scan3A_244 : i32 to index
        %get3A_540 = arith.constant 336 : index
        %get3A_541 = tpu.vector_load %arg16[%get3A_539, %get3A_540] {strides = array<i32>} : memref<16x512xf32, #tpu.memory_space<vmem>>, vector<1x16xf32>,
        %get3A_542 = vector.shape_cast %get3A_541 : vector<1x16xf32> to vector<16xf32>
        %get3A_543 = arith.index_cast %scan3A_244 : i32 to index
        %get3A_544 = arith.constant 336 : index
        %get3A_545 = tpu.vector_load %arg20[%get3A_543, %get3A_544] {strides = array<i32>} : memref<16x512xf32, #tpu.memory_space<vmem>>, vector<1x16xf32>,
        %get3A_546 = vector.shape_cast %get3A_545 : vector<1x16xf32> to vector<16xf32>
        %add3A_547 = arith.addf %get3A_542, %get3A_546 : vector<16xf32>
        %swap3A_548 = arith.index_cast %scan3A_244 : i32 to index
        %swap3A_549 = arith.constant 336 : index
        %swap3A_550 = tpu.vector_load %arg16[%swap3A_548, %swap3A_549] {strides = array<i32>} : memref<16x512xf32, #tpu.memory_space<vmem>>, vector<1x16xf32>,
        %swap3A_551 = vector.shape_cast %swap3A_550 : vector<1x16xf32> to vector<16xf32>
        %swap3A_552 = vector.shape_cast %add3A_547 : vector<16xf32> to vector<1x16xf32>
        tpu.vector_store %arg16[%swap3A_548, %swap3A_549], %swap3A_552 {strides = array<i32>} : memref<16x512xf32, #tpu.memory_space<vmem>>, vector<1x16xf32>,
        %get3A_553 = arith.index_cast %scan3A_244 : i32 to index
        %get3A_554 = arith.constant 352 : index
        %get3A_555 = tpu.vector_load %arg16[%get3A_553, %get3A_554] {strides = array<i32>} : memref<16x512xf32, #tpu.memory_space<vmem>>, vector<1x16xf32>,
        %get3A_556 = vector.shape_cast %get3A_555 : vector<1x16xf32> to vector<16xf32>
        %get3A_557 = arith.index_cast %scan3A_244 : i32 to index
        %get3A_558 = arith.constant 352 : index
        %get3A_559 = tpu.vector_load %arg20[%get3A_557, %get3A_558] {strides = array<i32>} : memref<16x512xf32, #tpu.memory_space<vmem>>, vector<1x16xf32>,
        %get3A_560 = vector.shape_cast %get3A_559 : vector<1x16xf32> to vector<16xf32>
        %add3A_561 = arith.addf %get3A_556, %get3A_560 : vector<16xf32>
        %swap3A_562 = arith.index_cast %scan3A_244 : i32 to index
        %swap3A_563 = arith.constant 352 : index
        %swap3A_564 = tpu.vector_load %arg16[%swap3A_562, %swap3A_563] {strides = array<i32>} : memref<16x512xf32, #tpu.memory_space<vmem>>, vector<1x16xf32>,
        %swap3A_565 = vector.shape_cast %swap3A_564 : vector<1x16xf32> to vector<16xf32>
        %swap3A_566 = vector.shape_cast %add3A_561 : vector<16xf32> to vector<1x16xf32>
        tpu.vector_store %arg16[%swap3A_562, %swap3A_563], %swap3A_566 {strides = array<i32>} : memref<16x512xf32, #tpu.memory_space<vmem>>, vector<1x16xf32>,
        %get3A_567 = arith.index_cast %scan3A_244 : i32 to index
        %get3A_568 = arith.constant 368 : index
        %get3A_569 = tpu.vector_load %arg16[%get3A_567, %get3A_568] {strides = array<i32>} : memref<16x512xf32, #tpu.memory_space<vmem>>, vector<1x16xf32>,
        %get3A_570 = vector.shape_cast %get3A_569 : vector<1x16xf32> to vector<16xf32>
        %get3A_571 = arith.index_cast %scan3A_244 : i32 to index
        %get3A_572 = arith.constant 368 : index
        %get3A_573 = tpu.vector_load %arg20[%get3A_571, %get3A_572] {strides = array<i32>} : memref<16x512xf32, #tpu.memory_space<vmem>>, vector<1x16xf32>,
        %get3A_574 = vector.shape_cast %get3A_573 : vector<1x16xf32> to vector<16xf32>
        %add3A_575 = arith.addf %get3A_570, %get3A_574 : vector<16xf32>
        %swap3A_576 = arith.index_cast %scan3A_244 : i32 to index
        %swap3A_577 = arith.constant 368 : index
        %swap3A_578 = tpu.vector_load %arg16[%swap3A_576, %swap3A_577] {strides = array<i32>} : memref<16x512xf32, #tpu.memory_space<vmem>>, vector<1x16xf32>,
        %swap3A_579 = vector.shape_cast %swap3A_578 : vector<1x16xf32> to vector<16xf32>
        %swap3A_580 = vector.shape_cast %add3A_575 : vector<16xf32> to vector<1x16xf32>
        tpu.vector_store %arg16[%swap3A_576, %swap3A_577], %swap3A_580 {strides = array<i32>} : memref<16x512xf32, #tpu.memory_space<vmem>>, vector<1x16xf32>,
        %get3A_581 = arith.index_cast %scan3A_244 : i32 to index
        %get3A_582 = arith.constant 384 : index
        %get3A_583 = tpu.vector_load %arg16[%get3A_581, %get3A_582] {strides = array<i32>} : memref<16x512xf32, #tpu.memory_space<vmem>>, vector<1x16xf32>,
        %get3A_584 = vector.shape_cast %get3A_583 : vector<1x16xf32> to vector<16xf32>
        %get3A_585 = arith.index_cast %scan3A_244 : i32 to index
        %get3A_586 = arith.constant 384 : index
        %get3A_587 = tpu.vector_load %arg20[%get3A_585, %get3A_586] {strides = array<i32>} : memref<16x512xf32, #tpu.memory_space<vmem>>, vector<1x16xf32>,
        %get3A_588 = vector.shape_cast %get3A_587 : vector<1x16xf32> to vector<16xf32>
        %add3A_589 = arith.addf %get3A_584, %get3A_588 : vector<16xf32>
        %swap3A_590 = arith.index_cast %scan3A_244 : i32 to index
        %swap3A_591 = arith.constant 384 : index
        %swap3A_592 = tpu.vector_load %arg16[%swap3A_590, %swap3A_591] {strides = array<i32>} : memref<16x512xf32, #tpu.memory_space<vmem>>, vector<1x16xf32>,
        %swap3A_593 = vector.shape_cast %swap3A_592 : vector<1x16xf32> to vector<16xf32>
        %swap3A_594 = vector.shape_cast %add3A_589 : vector<16xf32> to vector<1x16xf32>
        tpu.vector_store %arg16[%swap3A_590, %swap3A_591], %swap3A_594 {strides = array<i32>} : memref<16x512xf32, #tpu.memory_space<vmem>>, vector<1x16xf32>,
        %get3A_595 = arith.index_cast %scan3A_244 : i32 to index
        %get3A_596 = arith.constant 400 : index
        %get3A_597 = tpu.vector_load %arg16[%get3A_595, %get3A_596] {strides = array<i32>} : memref<16x512xf32, #tpu.memory_space<vmem>>, vector<1x16xf32>,
        %get3A_598 = vector.shape_cast %get3A_597 : vector<1x16xf32> to vector<16xf32>
        %get3A_599 = arith.index_cast %scan3A_244 : i32 to index
        %get3A_600 = arith.constant 400 : index
        %get3A_601 = tpu.vector_load %arg20[%get3A_599, %get3A_600] {strides = array<i32>} : memref<16x512xf32, #tpu.memory_space<vmem>>, vector<1x16xf32>,
        %get3A_602 = vector.shape_cast %get3A_601 : vector<1x16xf32> to vector<16xf32>
        %add3A_603 = arith.addf %get3A_598, %get3A_602 : vector<16xf32>
        %swap3A_604 = arith.index_cast %scan3A_244 : i32 to index
        %swap3A_605 = arith.constant 400 : index
        %swap3A_606 = tpu.vector_load %arg16[%swap3A_604, %swap3A_605] {strides = array<i32>} : memref<16x512xf32, #tpu.memory_space<vmem>>, vector<1x16xf32>,
        %swap3A_607 = vector.shape_cast %swap3A_606 : vector<1x16xf32> to vector<16xf32>
        %swap3A_608 = vector.shape_cast %add3A_603 : vector<16xf32> to vector<1x16xf32>
        tpu.vector_store %arg16[%swap3A_604, %swap3A_605], %swap3A_608 {strides = array<i32>} : memref<16x512xf32, #tpu.memory_space<vmem>>, vector<1x16xf32>,
        %get3A_609 = arith.index_cast %scan3A_244 : i32 to index
        %get3A_610 = arith.constant 416 : index
        %get3A_611 = tpu.vector_load %arg16[%get3A_609, %get3A_610] {strides = array<i32>} : memref<16x512xf32, #tpu.memory_space<vmem>>, vector<1x16xf32>,
        %get3A_612 = vector.shape_cast %get3A_611 : vector<1x16xf32> to vector<16xf32>
        %get3A_613 = arith.index_cast %scan3A_244 : i32 to index
        %get3A_614 = arith.constant 416 : index
        %get3A_615 = tpu.vector_load %arg20[%get3A_613, %get3A_614] {strides = array<i32>} : memref<16x512xf32, #tpu.memory_space<vmem>>, vector<1x16xf32>,
        %get3A_616 = vector.shape_cast %get3A_615 : vector<1x16xf32> to vector<16xf32>
        %add3A_617 = arith.addf %get3A_612, %get3A_616 : vector<16xf32>
        %swap3A_618 = arith.index_cast %scan3A_244 : i32 to index
        %swap3A_619 = arith.constant 416 : index
        %swap3A_620 = tpu.vector_load %arg16[%swap3A_618, %swap3A_619] {strides = array<i32>} : memref<16x512xf32, #tpu.memory_space<vmem>>, vector<1x16xf32>,
        %swap3A_621 = vector.shape_cast %swap3A_620 : vector<1x16xf32> to vector<16xf32>
        %swap3A_622 = vector.shape_cast %add3A_617 : vector<16xf32> to vector<1x16xf32>
        tpu.vector_store %arg16[%swap3A_618, %swap3A_619], %swap3A_622 {strides = array<i32>} : memref<16x512xf32, #tpu.memory_space<vmem>>, vector<1x16xf32>,
        %get3A_623 = arith.index_cast %scan3A_244 : i32 to index
        %get3A_624 = arith.constant 432 : index
        %get3A_625 = tpu.vector_load %arg16[%get3A_623, %get3A_624] {strides = array<i32>} : memref<16x512xf32, #tpu.memory_space<vmem>>, vector<1x16xf32>,
        %get3A_626 = vector.shape_cast %get3A_625 : vector<1x16xf32> to vector<16xf32>
        %get3A_627 = arith.index_cast %scan3A_244 : i32 to index
        %get3A_628 = arith.constant 432 : index
        %get3A_629 = tpu.vector_load %arg20[%get3A_627, %get3A_628] {strides = array<i32>} : memref<16x512xf32, #tpu.memory_space<vmem>>, vector<1x16xf32>,
        %get3A_630 = vector.shape_cast %get3A_629 : vector<1x16xf32> to vector<16xf32>
        %add3A_631 = arith.addf %get3A_626, %get3A_630 : vector<16xf32>
        %swap3A_632 = arith.index_cast %scan3A_244 : i32 to index
        %swap3A_633 = arith.constant 432 : index
        %swap3A_634 = tpu.vector_load %arg16[%swap3A_632, %swap3A_633] {strides = array<i32>} : memref<16x512xf32, #tpu.memory_space<vmem>>, vector<1x16xf32>,
        %swap3A_635 = vector.shape_cast %swap3A_634 : vector<1x16xf32> to vector<16xf32>
        %swap3A_636 = vector.shape_cast %add3A_631 : vector<16xf32> to vector<1x16xf32>
        tpu.vector_store %arg16[%swap3A_632, %swap3A_633], %swap3A_636 {strides = array<i32>} : memref<16x512xf32, #tpu.memory_space<vmem>>, vector<1x16xf32>,
        %get3A_637 = arith.index_cast %scan3A_244 : i32 to index
        %get3A_638 = arith.constant 448 : index
        %get3A_639 = tpu.vector_load %arg16[%get3A_637, %get3A_638] {strides = array<i32>} : memref<16x512xf32, #tpu.memory_space<vmem>>, vector<1x16xf32>,
        %get3A_640 = vector.shape_cast %get3A_639 : vector<1x16xf32> to vector<16xf32>
        %get3A_641 = arith.index_cast %scan3A_244 : i32 to index
        %get3A_642 = arith.constant 448 : index
        %get3A_643 = tpu.vector_load %arg20[%get3A_641, %get3A_642] {strides = array<i32>} : memref<16x512xf32, #tpu.memory_space<vmem>>, vector<1x16xf32>,
        %get3A_644 = vector.shape_cast %get3A_643 : vector<1x16xf32> to vector<16xf32>
        %add3A_645 = arith.addf %get3A_640, %get3A_644 : vector<16xf32>
        %swap3A_646 = arith.index_cast %scan3A_244 : i32 to index
        %swap3A_647 = arith.constant 448 : index
        %swap3A_648 = tpu.vector_load %arg16[%swap3A_646, %swap3A_647] {strides = array<i32>} : memref<16x512xf32, #tpu.memory_space<vmem>>, vector<1x16xf32>,
        %swap3A_649 = vector.shape_cast %swap3A_648 : vector<1x16xf32> to vector<16xf32>
        %swap3A_650 = vector.shape_cast %add3A_645 : vector<16xf32> to vector<1x16xf32>
        tpu.vector_store %arg16[%swap3A_646, %swap3A_647], %swap3A_650 {strides = array<i32>} : memref<16x512xf32, #tpu.memory_space<vmem>>, vector<1x16xf32>,
        %get3A_651 = arith.index_cast %scan3A_244 : i32 to index
        %get3A_652 = arith.constant 464 : index
        %get3A_653 = tpu.vector_load %arg16[%get3A_651, %get3A_652] {strides = array<i32>} : memref<16x512xf32, #tpu.memory_space<vmem>>, vector<1x16xf32>,
        %get3A_654 = vector.shape_cast %get3A_653 : vector<1x16xf32> to vector<16xf32>
        %get3A_655 = arith.index_cast %scan3A_244 : i32 to index
        %get3A_656 = arith.constant 464 : index
        %get3A_657 = tpu.vector_load %arg20[%get3A_655, %get3A_656] {strides = array<i32>} : memref<16x512xf32, #tpu.memory_space<vmem>>, vector<1x16xf32>,
        %get3A_658 = vector.shape_cast %get3A_657 : vector<1x16xf32> to vector<16xf32>
        %add3A_659 = arith.addf %get3A_654, %get3A_658 : vector<16xf32>
        %swap3A_660 = arith.index_cast %scan3A_244 : i32 to index
        %swap3A_661 = arith.constant 464 : index
        %swap3A_662 = tpu.vector_load %arg16[%swap3A_660, %swap3A_661] {strides = array<i32>} : memref<16x512xf32, #tpu.memory_space<vmem>>, vector<1x16xf32>,
        %swap3A_663 = vector.shape_cast %swap3A_662 : vector<1x16xf32> to vector<16xf32>
        %swap3A_664 = vector.shape_cast %add3A_659 : vector<16xf32> to vector<1x16xf32>
        tpu.vector_store %arg16[%swap3A_660, %swap3A_661], %swap3A_664 {strides = array<i32>} : memref<16x512xf32, #tpu.memory_space<vmem>>, vector<1x16xf32>,
        %get3A_665 = arith.index_cast %scan3A_244 : i32 to index
        %get3A_666 = arith.constant 480 : index
        %get3A_667 = tpu.vector_load %arg16[%get3A_665, %get3A_666] {strides = array<i32>} : memref<16x512xf32, #tpu.memory_space<vmem>>, vector<1x16xf32>,
        %get3A_668 = vector.shape_cast %get3A_667 : vector<1x16xf32> to vector<16xf32>
        %get3A_669 = arith.index_cast %scan3A_244 : i32 to index
        %get3A_670 = arith.constant 480 : index
        %get3A_671 = tpu.vector_load %arg20[%get3A_669, %get3A_670] {strides = array<i32>} : memref<16x512xf32, #tpu.memory_space<vmem>>, vector<1x16xf32>,
        %get3A_672 = vector.shape_cast %get3A_671 : vector<1x16xf32> to vector<16xf32>
        %add3A_673 = arith.addf %get3A_668, %get3A_672 : vector<16xf32>
        %swap3A_674 = arith.index_cast %scan3A_244 : i32 to index
        %swap3A_675 = arith.constant 480 : index
        %swap3A_676 = tpu.vector_load %arg16[%swap3A_674, %swap3A_675] {strides = array<i32>} : memref<16x512xf32, #tpu.memory_space<vmem>>, vector<1x16xf32>,
        %swap3A_677 = vector.shape_cast %swap3A_676 : vector<1x16xf32> to vector<16xf32>
        %swap3A_678 = vector.shape_cast %add3A_673 : vector<16xf32> to vector<1x16xf32>
        tpu.vector_store %arg16[%swap3A_674, %swap3A_675], %swap3A_678 {strides = array<i32>} : memref<16x512xf32, #tpu.memory_space<vmem>>, vector<1x16xf32>,
        %get3A_679 = arith.index_cast %scan3A_244 : i32 to index
        %get3A_680 = arith.constant 496 : index
        %get3A_681 = tpu.vector_load %arg16[%get3A_679, %get3A_680] {strides = array<i32>} : memref<16x512xf32, #tpu.memory_space<vmem>>, vector<1x16xf32>,
        %get3A_682 = vector.shape_cast %get3A_681 : vector<1x16xf32> to vector<16xf32>
        %get3A_683 = arith.index_cast %scan3A_244 : i32 to index
        %get3A_684 = arith.constant 496 : index
        %get3A_685 = tpu.vector_load %arg20[%get3A_683, %get3A_684] {strides = array<i32>} : memref<16x512xf32, #tpu.memory_space<vmem>>, vector<1x16xf32>,
        %get3A_686 = vector.shape_cast %get3A_685 : vector<1x16xf32> to vector<16xf32>
        %add3A_687 = arith.addf %get3A_682, %get3A_686 : vector<16xf32>
        %swap3A_688 = arith.index_cast %scan3A_244 : i32 to index
        %swap3A_689 = arith.constant 496 : index
        %swap3A_690 = tpu.vector_load %arg16[%swap3A_688, %swap3A_689] {strides = array<i32>} : memref<16x512xf32, #tpu.memory_space<vmem>>, vector<1x16xf32>,
        %swap3A_691 = vector.shape_cast %swap3A_690 : vector<1x16xf32> to vector<16xf32>
        %swap3A_692 = vector.shape_cast %add3A_687 : vector<16xf32> to vector<1x16xf32>
        tpu.vector_store %arg16[%swap3A_688, %swap3A_689], %swap3A_692 {strides = array<i32>} : memref<16x512xf32, #tpu.memory_space<vmem>>, vector<1x16xf32>,
      }
      %scan3A_236 = arith.constant 16 : i32
      %mul3A_237 = arith.constant 16 : i32
      %mul3A_238 = arith.muli %add3A_212, %mul3A_237 : i32
      %add3A_239 = arith.addi %mul3A_2, %mul3A_238 : i32
      %dma_start3A_240 = arith.constant 0 : i32
      %dma_start3A_241 = tpu.memref_slice %arg6[%add3A_239, %dma_start3A_240] : memref<51200x512xf32, #tpu.memory_space<hbm>> -> memref<16x512xf32, #tpu.memory_space<hbm>>
      %dma_start3A_242 = arith.constant 0 : i32
      %dma_start3A_243 = tpu.memref_slice %arg6[%add3A_239, %dma_start3A_242] : memref<51200x512xf32, #tpu.memory_space<hbm>> -> memref<16x512xf32, #tpu.memory_space<hbm>>
      tpu.enqueue_dma source(%arg16 : memref<16x512xf32, #tpu.memory_space<vmem>>) target(%dma_start3A_243 : memref<16x512xf32, #tpu.memory_space<hbm>>) target_semaphore(%arg32 : memref<!tpu.dma_semaphore, #tpu.memory_space<semaphore_mem>>)
    }
    %scan3A_83 = arith.constant 25 : i32
    %add3A_84 = arith.constant 1536 : i32
    %add3A_85 = arith.addi %mul3A_2, %add3A_84 : i32
    %dma_wait3A = arith.constant 0 : i32
    %dma_wait3A_86 = tpu.memref_slice %arg6[%add3A_85, %dma_wait3A] : memref<51200x512xf32, #tpu.memory_space<hbm>> -> memref<16x512xf32, #tpu.memory_space<hbm>>
    %dma_wait3A_87 = arith.constant 0 : i32
    %dma_wait3A_88 = tpu.memref_slice %arg6[%add3A_85, %dma_wait3A_87] : memref<51200x512xf32, #tpu.memory_space<hbm>> -> memref<16x512xf32, #tpu.memory_space<hbm>>
    tpu.wait_dma2 semaphore(%arg29 : memref<!tpu.dma_semaphore, #tpu.memory_space<semaphore_mem>>) src(%arg13 : memref<16x512xf32, #tpu.memory_space<vmem>>) dst(%dma_wait3A_88 : memref<16x512xf32, #tpu.memory_space<hbm>>)
    %add3A_89 = arith.constant 1552 : i32
    %add3A_90 = arith.addi %mul3A_2, %add3A_89 : i32
    %dma_wait3A_91 = arith.constant 0 : i32
    %dma_wait3A_92 = tpu.memref_slice %arg6[%add3A_90, %dma_wait3A_91] : memref<51200x512xf32, #tpu.memory_space<hbm>> -> memref<16x512xf32, #tpu.memory_space<hbm>>
    %dma_wait3A_93 = arith.constant 0 : i32
    %dma_wait3A_94 = tpu.memref_slice %arg6[%add3A_90, %dma_wait3A_93] : memref<51200x512xf32, #tpu.memory_space<hbm>> -> memref<16x512xf32, #tpu.memory_space<hbm>>
    tpu.wait_dma2 semaphore(%arg30 : memref<!tpu.dma_semaphore, #tpu.memory_space<semaphore_mem>>) src(%arg14 : memref<16x512xf32, #tpu.memory_space<vmem>>) dst(%dma_wait3A_94 : memref<16x512xf32, #tpu.memory_space<hbm>>)
    %add3A_95 = arith.constant 1568 : i32
    %add3A_96 = arith.addi %mul3A_2, %add3A_95 : i32
    %dma_wait3A_97 = arith.constant 0 : i32
    %dma_wait3A_98 = tpu.memref_slice %arg6[%add3A_96, %dma_wait3A_97] : memref<51200x512xf32, #tpu.memory_space<hbm>> -> memref<16x512xf32, #tpu.memory_space<hbm>>
    %dma_wait3A_99 = arith.constant 0 : i32
    %dma_wait3A_100 = tpu.memref_slice %arg6[%add3A_96, %dma_wait3A_99] : memref<51200x512xf32, #tpu.memory_space<hbm>> -> memref<16x512xf32, #tpu.memory_space<hbm>>
    tpu.wait_dma2 semaphore(%arg31 : memref<!tpu.dma_semaphore, #tpu.memory_space<semaphore_mem>>) src(%arg15 : memref<16x512xf32, #tpu.memory_space<vmem>>) dst(%dma_wait3A_100 : memref<16x512xf32, #tpu.memory_space<hbm>>)
    %add3A_101 = arith.constant 1584 : i32
    %add3A_102 = arith.addi %mul3A_2, %add3A_101 : i32
    %dma_wait3A_103 = arith.constant 0 : i32
    %dma_wait3A_104 = tpu.memref_slice %arg6[%add3A_102, %dma_wait3A_103] : memref<51200x512xf32, #tpu.memory_space<hbm>> -> memref<16x512xf32, #tpu.memory_space<hbm>>
    %dma_wait3A_105 = arith.constant 0 : i32
    %dma_wait3A_106 = tpu.memref_slice %arg6[%add3A_102, %dma_wait3A_105] : memref<51200x512xf32, #tpu.memory_space<hbm>> -> memref<16x512xf32, #tpu.memory_space<hbm>>
    tpu.wait_dma2 semaphore(%arg32 : memref<!tpu.dma_semaphore, #tpu.memory_space<semaphore_mem>>) src(%arg16 : memref<16x512xf32, #tpu.memory_space<vmem>>) dst(%dma_wait3A_106 : memref<16x512xf32, #tpu.memory_space<hbm>>)
    return
  }
}

module attributes {stable_mosaic.version = 14 : i64} {
  func.func @_comb_body(%arg0: memref<512x512xf32, #tpu.memory_space<vmem>>, %arg1: memref<3x512xf32, #tpu.memory_space<vmem>>, %arg2: memref<3x64x512xf32, #tpu.memory_space<vmem>>) attributes {dimension_semantics = [], scalar_prefetch = 0 : i64, scratch_operands = 0 : i64, tpu.core_type = #tpu.core_type<tc>} {
    %get3A = arith.constant 0 : index
    %get3A_0 = arith.constant 0 : index
    %get3A_1 = vector.load %arg0[%get3A, %get3A_0] : memref<512x512xf32, #tpu.memory_space<vmem>>, vector<50x512xf32>
    %get3A_2 = arith.constant 0 : index
    %get3A_3 = arith.constant 0 : index
    %get3A_4 = vector.load %arg1[%get3A_2, %get3A_3] : memref<3x512xf32, #tpu.memory_space<vmem>>, vector<1x512xf32>
    %get3A_5 = vector.shape_cast %get3A_4 : vector<1x512xf32> to vector<512xf32>
    %broadcast_in_dim3A = vector.shape_cast %get3A_5 : vector<512xf32> to vector<1x512xf32>
    %add3A = vector.broadcast %broadcast_in_dim3A : vector<1x512xf32> to vector<50x512xf32>
    %add3A_6 = arith.addf %get3A_1, %add3A : vector<50x512xf32>
    %swap3A = arith.constant 0 : index
    %swap3A_7 = arith.constant 0 : index
    %swap3A_8 = arith.constant 0 : index
    %swap3A_9 = vector.load %arg2[%swap3A, %swap3A_7, %swap3A_8] : memref<3x64x512xf32, #tpu.memory_space<vmem>>, vector<1x50x512xf32>
    %swap3A_10 = vector.shape_cast %swap3A_9 : vector<1x50x512xf32> to vector<50x512xf32>
    %swap3A_11 = vector.shape_cast %add3A_6 : vector<50x512xf32> to vector<1x50x512xf32>
    tpu.vector_store %arg2[%swap3A, %swap3A_7, %swap3A_8], %swap3A_11 {strides = array<i32>} : memref<3x64x512xf32, #tpu.memory_space<vmem>>, vector<1x50x512xf32>,
    %get3A_12 = arith.constant 1 : index
    %get3A_13 = arith.constant 0 : index
    %get3A_14 = vector.load %arg1[%get3A_12, %get3A_13] : memref<3x512xf32, #tpu.memory_space<vmem>>, vector<1x512xf32>
    %get3A_15 = vector.shape_cast %get3A_14 : vector<1x512xf32> to vector<512xf32>
    %broadcast_in_dim3A_16 = vector.shape_cast %get3A_15 : vector<512xf32> to vector<1x512xf32>
    %add3A_17 = vector.broadcast %broadcast_in_dim3A_16 : vector<1x512xf32> to vector<50x512xf32>
    %add3A_18 = arith.addf %get3A_1, %add3A_17 : vector<50x512xf32>
    %swap3A_19 = arith.constant 1 : index
    %swap3A_20 = arith.constant 0 : index
    %swap3A_21 = arith.constant 0 : index
    %swap3A_22 = vector.load %arg2[%swap3A_19, %swap3A_20, %swap3A_21] : memref<3x64x512xf32, #tpu.memory_space<vmem>>, vector<1x50x512xf32>
    %swap3A_23 = vector.shape_cast %swap3A_22 : vector<1x50x512xf32> to vector<50x512xf32>
    %swap3A_24 = vector.shape_cast %add3A_18 : vector<50x512xf32> to vector<1x50x512xf32>
    tpu.vector_store %arg2[%swap3A_19, %swap3A_20, %swap3A_21], %swap3A_24 {strides = array<i32>} : memref<3x64x512xf32, #tpu.memory_space<vmem>>, vector<1x50x512xf32>,
    %get3A_25 = arith.constant 2 : index
    %get3A_26 = arith.constant 0 : index
    %get3A_27 = vector.load %arg1[%get3A_25, %get3A_26] : memref<3x512xf32, #tpu.memory_space<vmem>>, vector<1x512xf32>
    %get3A_28 = vector.shape_cast %get3A_27 : vector<1x512xf32> to vector<512xf32>
    %broadcast_in_dim3A_29 = vector.shape_cast %get3A_28 : vector<512xf32> to vector<1x512xf32>
    %add3A_30 = vector.broadcast %broadcast_in_dim3A_29 : vector<1x512xf32> to vector<50x512xf32>
    %add3A_31 = arith.addf %get3A_1, %add3A_30 : vector<50x512xf32>
    %swap3A_32 = arith.constant 2 : index
    %swap3A_33 = arith.constant 0 : index
    %swap3A_34 = arith.constant 0 : index
    %swap3A_35 = vector.load %arg2[%swap3A_32, %swap3A_33, %swap3A_34] : memref<3x64x512xf32, #tpu.memory_space<vmem>>, vector<1x50x512xf32>
    %swap3A_36 = vector.shape_cast %swap3A_35 : vector<1x50x512xf32> to vector<50x512xf32>
    %swap3A_37 = vector.shape_cast %add3A_31 : vector<50x512xf32> to vector<1x50x512xf32>
    tpu.vector_store %arg2[%swap3A_32, %swap3A_33, %swap3A_34], %swap3A_37 {strides = array<i32>} : memref<3x64x512xf32, #tpu.memory_space<vmem>>, vector<1x50x512xf32>,
    return
  }
}

</mosaic_0001>

<sc_bundles>
// kernel: kernel.4.cloned.1.call-start
scs
__scs_entry_jumppad:
0x0: {  	(pc) =	sbr.rel $0x88, $3  }
0x1: {  	(tag) =	ssettag $0x0;
	lr =	simm.s32 $0x1  }
0x2: {  	[smem:$0x3F9C] =	sst lr;
	_ =	strace $0xD0000000  }
0x3: {  	_ = 	snop  }
0x4: {  	_ = 	snop  }
0x5: {  	_ = 	snop  }
0x6: {  	_ = 	snop  }
0x7: {  	_ = 	snop  }
__scs_overlays_trampoline_lowered:
0x8: {  	[smem:$0x3FAB] =	sst s0  }
0x9: {  	[smem:$0x3FAC] =	sst s1  }
0xa: {  	[smem:$0x3FAD] =	sst s2  }
0xb: {  	[smem:$0x3FAE] =	sst s3  }
0xc: {  	[smem:$0x3FAF] =	sst s4  }
0xd: {  	[smem:$0x3FB0] =	sst s5  }
0xe: {  	[smem:$0x3FB1] =	sst s6  }
0xf: {  	[smem:$0x3FB2] =	sst s7  }
0x10: {  	[smem:$0x3FB3] =	sst s8  }
0x11: {  	[smem:$0x3FB4] =	sst s9;
	s0 =	simm.s32 @!p0 $0x0  }
0x12: {  	s1 =	sld [smem:$0x3F9A];
	s0 =	simm.s32 @p0 $0x1  }
0x13: {  	[smem:$0x3FB5] =	sst s0;
	s0 =	simm.s32 @!p1 $0x0  }
0x14: {  	s2 =	sld [smem:$0x3F99];
	s0 =	simm.s32 @p1 $0x1  }
0x15: {  	[smem:$0x3FB6] =	sst s0;
	s0 =	simm.s32 @!p2 $0x0  }
0x16: {  	s3 =	sld [smem:$0x3FDB];
	s0 =	simm.s32 @p2 $0x1  }
0x17: {  	s4 =	simm.s32 $0x1BF5;
	[smem:$0x3FB8] =	sst s0  }
0x18: {  	s0 =	sld [smem:$0x3F9B];
	_ =	swait.ge [sflag:s4], $0x0  }
0x19: {  	s7 =	sld [smem:$0x3F9C]  }
0x1a: {  	s8 =	sadd.s32 $0xFFFFE003, lr  }
0x1b: {  	s9 =	sadd.s32 $0xFFFFFEF7, lr;
	s5 =	simm.s32 $0xFFFFFFFF;
	p2 =	slt.u32 s8, $0xFFFFF086  }
0x1c: {  	p1 =	slt.u32 s9, $0xF7A;
	s5 =	simm.s32 @!p2 $0x0  }
0x1d: {  	s5 =	simm.s32 @p1 $0x1;
	p0 =	seq.s32 s7, s2  }
0x1e: {  	s7 =	smul.u32 @!p0 $0xF7A, s2;
	p2 =	seq.s32 @!p0 s5, $0x0  }
0x1f: {  	s9 =	smul.u32 $0xF7A, s1;
	s8 =	simm.s32 @!p0 $0x1BF5;
	p2 =	por !p2, p0  }
0x20: {  	[sflag:s8] =	ssyncset.s32 @!p0 $0xFFFFF086;
	s6 =	sadd.s32 @!p0 s3, s7;
	s7 =	simm.s32 @!p0 $0x108  }
0x21: {  	s3 =	sadd.s32 s3, s9;
	s6 =	sadd.s32 @!p0 $0x88, s6;
	s7 =	simm.s32 @p2 $0x1082  }
0x22: {  	[simem:s7], [sflag:s8] =	dma.local @!p0 [hbm:s6], $0xF7A  }
0x23: {  	s9 =	sor.u32 $0xD0000000, s2;
	s6 =	simm.s32 $0x108;
	_ =	swait.ge @!p0 [sflag:s8], $0x0  }
0x24: {  	s3 =	sadd.s32 $0x88, s3;
	s6 =	simm.s32 @!p1 $0x1082;
	[sflag:s4] =	ssyncset.s32 $0xFFFFF086  }
0x25: {  	[simem:s6], [sflag:s4] =	dma.local [hbm:s3], $0xF7A  }
0x26: {  	[smem:$0x3F9C] =	sst s1;
	(tag) =	ssettag s2;
	_ =	strace s9  }
0x27: {  	s1 =	sld [smem:$0x3FAC]  }
0x28: {  	s2 =	sld [smem:$0x3FAD]  }
0x29: {  	s4 =	sld [smem:$0x3FAF]  }
0x2a: {  	p0 =	seq.s32 s5, $0x0;
	s5 =	sld [smem:$0x3FB0]  }
0x2b: {  	s6 =	sld [smem:$0x3FB1]  }
0x2c: {  	s7 =	sld [smem:$0x3FB2]  }
0x2d: {  	s3 =	simm.s32 $0x108;
	s8 =	sld [smem:$0x3FB3]  }
0x2e: {  	s3 =	simm.s32 @!p0 $0x1082;
	s9 =	sld [smem:$0x3FB4]  }
0x2f: {  	lr =	sadd.s32 s0, s3;
	s0 =	sld [smem:$0x3FAB]  }
0x30: {  	s3 =	sld [smem:$0x3FAE]  }
0x31: {  	[smem:$0x3FB7] =	sst s10  }
0x32: {  	s10 =	sld [smem:$0x3FB5];
	_ =	sdelay $0x3  }
0x33: {  	p0 =	seq.s32 s10, $0x1;
	s10 =	sld [smem:$0x3FB7];
	_ =	sdelay $0x3  }
0x34: {  	[smem:$0x3FB7] =	sst s10  }
0x35: {  	s10 =	sld [smem:$0x3FB6];
	_ =	sdelay $0x3  }
0x36: {  	p1 =	seq.s32 s10, $0x1;
	s10 =	sld [smem:$0x3FB7];
	_ =	sdelay $0x3  }
0x37: {  	[smem:$0x3FB7] =	sst s10  }
0x38: {  	s10 =	sld [smem:$0x3FB8]  }
0x39: {  	_ = 	snop;
	(pc) =	sbr.ind lr, $3  }
0x3a: {  	_ = 	snop  }
0x3b: {  	_ = 	snop  }
0x3c: {  	p2 =	seq.s32 s10, $0x1;
	s10 =	sld [smem:$0x3FB7]  }
0x3d: {  	_ =	shalt  }
0x3e: {  	_ =	shalt  }
0x3f: {  	_ =	shalt  }
0x40: {  	_ =	shalt  }
0x41: {  	_ =	shalt  }
0x42: {  	_ =	shalt  }
0x43: {  	_ =	shalt  }
0x44: {  	_ =	shalt  }
0x45: {  	_ =	shalt  }
0x46: {  	_ =	shalt  }
0x47: {  	_ =	shalt  }
0x48: {  	_ =	shalt  }
0x49: {  	_ =	shalt  }
0x4a: {  	_ =	shalt  }
0x4b: {  	_ =	shalt  }
0x4c: {  	_ =	shalt  }
0x4d: {  	_ =	shalt  }
0x4e: {  	_ =	shalt  }
0x4f: {  	_ =	shalt  }
0x50: {  	_ =	shalt  }
0x51: {  	_ =	shalt  }
0x52: {  	_ =	shalt  }
0x53: {  	_ =	shalt  }
0x54: {  	_ =	shalt  }
0x55: {  	_ =	shalt  }
0x56: {  	_ =	shalt  }
0x57: {  	_ =	shalt  }
0x58: {  	_ =	shalt  }
0x59: {  	_ =	shalt  }
0x5a: {  	_ =	shalt  }
0x5b: {  	_ =	shalt  }
0x5c: {  	_ =	shalt  }
0x5d: {  	_ =	shalt  }
0x5e: {  	_ =	shalt  }
0x5f: {  	_ =	shalt  }
0x60: {  	_ =	shalt  }
0x61: {  	_ =	shalt  }
0x62: {  	_ =	shalt  }
0x63: {  	_ =	shalt  }
0x64: {  	_ =	shalt  }
0x65: {  	_ =	shalt  }
0x66: {  	_ =	shalt  }
0x67: {  	_ =	shalt  }
0x68: {  	_ =	shalt  }
0x69: {  	_ =	shalt  }
0x6a: {  	_ =	shalt  }
0x6b: {  	_ =	shalt  }
0x6c: {  	_ =	shalt  }
0x6d: {  	_ =	shalt  }
0x6e: {  	_ =	shalt  }
0x6f: {  	_ =	shalt  }
0x70: {  	_ =	shalt  }
0x71: {  	_ =	shalt  }
0x72: {  	_ =	shalt  }
0x73: {  	_ =	shalt  }
0x74: {  	_ =	shalt  }
0x75: {  	_ =	shalt  }
0x76: {  	_ =	shalt  }
0x77: {  	_ =	shalt  }
0x78: {  	_ =	shalt  }
0x79: {  	_ =	shalt  }
0x7a: {  	_ =	shalt  }
0x7b: {  	_ =	shalt  }
0x7c: {  	_ =	shalt  }
0x7d: {  	_ =	shalt  }
0x7e: {  	_ =	shalt  }
0x7f: {  	_ =	shalt  }
0x80: {  	_ =	shalt  }
0x81: {  	_ =	shalt  }
0x82: {  	_ =	shalt  }
0x83: {  	_ =	shalt  }
0x84: {  	_ =	shalt  }
0x85: {  	_ =	shalt  }
0x86: {  	_ =	shalt  }
0x87: {  	_ =	shalt  }
.Lfunc_end0:
.L_simem_size_0:
called_computation.1_lowered:
.L_overlay_start_0:
0x88: {  	s2 =	sld [smem:$0x3FD9]  }
0x89: {  	s3 =	sld [smem:$0x3FFE];
	_ =	sdelay $0x1  }
0x8a: {  	s1 =	srdreg.scid  }
0x8b: {  	s0 =	sand.u32 $0x1, s1  }
0x8c: {  	s17 =	sshll.u32 s0, $0xA;
	s2 =	sadd.s32 s3, s2  }
0x8d: {  	s2 =	sadd.s32 s2, s17  }
0x8e: {  	[smem:$0x3FC3] =	sst s2  }
0x8f: {  	_ = 	snop  }
0x90: {  	s2 =	sld [smem:$0x3FC7]  }
0x91: {  	s18 =	sld [smem:$0x3FD0];
	(tm) =	ssettm $0x1  }
0x92: {  	s4 =	sld [smem:$0x3FFB];
	_ =	sdelay $0x3  }
0x93: {  	_ =	strace s4  }
0x94: {  	s4 =	sld [smem:$0x3FFC];
	_ =	sdelay $0x3  }
0x95: {  	_ =	strace s4  }
0x96: {  	s4 =	sld [smem:$0x3FFD];
	_ =	sdelay $0x3  }
0x97: {  	_ =	strace s4  }
0x98: {  	_ =	strace $0x8FFFFFFF  }
0x99: {  	s19 =	sld [smem:$0x3FDB];
	_ =	sdelay $0x1  }
0x9a: {  	s5 =	simm.s32 $_scs_section_size  }
0x9b: {  	s6 =	simm.s32 $_size__tile_overlayer_lowered;
	s7 =	simm.s32 $_tile_overlayer_lowered  }
0x9c: {  	s22 =	simm.s32 $0x1BFF;
	s21 =	sshll.u32 s7, $0x1;
	s4 =	sadd.s32 s5, s19  }
0x9d: {  	s8 =	simm.s32 $0x0;
	s20 =	sshll.u32 s6, $0x1;
	s6 =	sadd.s32 s21, s4  }
0x9e: {  	[timem:s8], [sflag:s22] =	dma.local [hbm:s6], s20  }
0x9f: {  	_ =	swait.ge [sflag:s22], s20  }
0xa0: {  	s5 =	ssub.s32 $0x0, s20;
	[sflag:s22] =	ssyncset.done $0x0  }
0xa1: {  	[sflag:s22] =	ssyncadd.s32 s5;
	_ =	sdelay $0x1  }
0xa2: {  	s23 =	simm.s32 $0x1B8B  }
0xa3: {  	_ =	swait.ge [sflag:s23], $0x1  }
0xa4: {  	[sflag:s23] =	ssyncset.done $0x0  }
0xa5: {  	s25 =	simm.s32 $0x1B8E;
	s24 =	sld [smem:$0x3FFE];
	[sflag:s23] =	ssyncadd.s32 $0xFFFFFFFF  }
0xa6: {  	s26 =	simm.s32 $execute0_lowered;
	[smem:$0x3FD2] =	sst s25  }
0xa7: {  	s6 =	sshll.u32 s26, $0x1;
	_ =	strace $0x80000046;
	[dreg:$0x1] =	wrdreg $0xFFFFFFFF  }
0xa8: {  	s28 =	simm.s32 $_size_execute0_lowered;
	s4 =	sadd.s32 s4, s6;
	[dreg:$0x0] =	wrdreg $0x0  }
0xa9: {  	s6 =	sshll.u32 s28, $0x1;
	[dreg:$0x2] =	wrdreg s4  }
0xaa: {  	[dreg:$0x3] =	wrdreg s6  }
0xab: {  	[dreg:$0x4] =	wrdreg $0xC0  }
0xac: {  	_ =	task [dreg:s8], $0x5FFFF  }
0xad: {  	[dreg:$0x1] =	wrdreg $0xFFFFFFFF  }
0xae: {  	[dreg:$0x0] =	wrdreg $0x60  }
0xaf: {  	[dreg:$0x2] =	wrdreg s2  }
0xb0: {  	[dreg:$0x3] =	wrdreg s24  }
0xb1: {  	[dreg:$0x4] =	wrdreg s18  }
0xb2: {  	[dreg:$0x5] =	wrdreg $0x9  }
0xb3: {  	_ =	task.clear_ibuf [dreg:s8], $0x6FFFF;
	_ =	strace $0x90000046  }
0xb4: {  	s29 =	simm.s32 $0x9;
	_ =	strace $0x80000048  }
0xb5: {  	_ =	swait.ge [sflag:s29], $0x1  }
0xb6: {  	[sflag:s29] =	ssyncadd.s32 $0xFFFFFFFF  }
0xb7: {  	_ =	strace $0x90000048  }
0xb8: {  	_ =	sfence  }
0xb9: {  	s30 =	sld [smem:$0x0];
	_ =	sdelay $0x2  }
0xba: {  	s31 =	sshll.u32 s1, $0xD;
	s1 =	sshrl.u32 s1, $0x2  }
0xbb: {  	s3 =	sand.u32 $0x4000, s31;
	s1 =	sadd.s32 s1, s30  }
0xbc: {  	s0 =	sor.u32 s3, s0;
	s1 =	sshll.u32 s1, $0x11  }
0xbd: {  	s0 =	sor.u32 s1, s0  }
0xbe: {  	s0 =	sadd.s32 $0x8F2B, s0  }
0xbf: {  	[sflag:s0] =	ssyncadd.remote.s32 $0x1  }
0xc0: {  	_ =	sfence.sel $0xFFFF  }
0xc1: {  	[dreg:$0x0] =	wrdreg $0xFFFFFFFF;
	(pc) =	sbr.abs _section_cstart, $3  }
0xc2: {  	[dreg:$0x1] =	wrdreg $0xFFFFFFFF  }
0xc3: {  	_ =	task.clear_ibuf [dreg:s8], $0x2FFFF;
	_ =	strace $0x9FFFFFFF  }
0xc4: {  	(tm) =	ssettm $0x7FFFFFFF  }
0xc5: {  	_ =	shalt  }
tec
execute0_lowered:
.L_overlay_start_1:
0x0: {  	(tag) =	ssettag $0x1  }
0x1: {  	s0 =	srdreg.scid;
	s2 =	stileid.u32  }
0x2: {  	s1 =	rddreg [dreg:$0x0];
	s0 =	sand.u32 $0x1, s0;
	s2 =	sshll.u32 s2, $0x1  }
0x3: {  	s7 =	rddreg [dreg:$0x1];
	s2 =	sor.u32 s0, s2  }
0x4: {  	s3 =	rddreg [dreg:$0x2];
	s5 =	simm.s32 $0x0;
	s4 =	smul.u32 $0x640, s2  }
0x5: {  	s17 =	simm.s32 $0xF00;
	s25 =	simm.s32 $0x2F00;
	v0 =	vlaneseq.u32;
	s16 =	simm.s32 $0x4F00  }
0x6: {  	s26 =	simm.s32 $0x6F00;
	s18 =	simm.s32 $0x10700;
	s11 =	sor.u32 $0x10, s4;
	v1 =	vor.u32 s4, v0  }
0x7: {  	s19 =	simm.s32 $0x1;
	s20 =	simm.s32 $0x5;
	s12 =	sor.u32 $0x20, s4;
	v2 =	vmulhi.u32 $0x51EB851F, v1;
	v3 =	vor.u32 s11, v0  }
0x8: {  	s21 =	simm.s32 $0x2;
	s22 =	simm.s32 $0x6;
	s23 =	simm.s32 $0x3;
	v5 =	vor.u32 s12, v0;
	v4 =	vmulhi.u32 $0x51EB851F, v3  }
0x9: {  	s24 =	simm.s32 $0x7;
	s14 =	simm.s32 $0x0;
	s0 =	ssub.s32 $0x2, s0;
	v6 =	vmulhi.u32 $0x51EB851F, v5  }
0xa: {  	[smem:$0x7FF] =	sst s5;
	s10 =	sadd.s32 $0x4300, s7;
	s9 =	sshrl.u32 s0, $0x1;
	v2 =	vshrl.u32 v2, $0x4  }
0xb: {  	_ =	strace $0x80000047;
	s0 =	ssub.s32 s0, s9;
	s6 =	sshrl.u32 s4, $0x3;
	v4 =	vshrl.u32 v4, $0x4;
	v2 =	vmul.u32 $0x32, v2;
	v6 =	vshrl.u32 v6, $0x4  }
0xc: {  	s13 =	smul.u32 $0xC8000, s2;
	s0 =	smax.u32 s0, $0x1;
	s8 =	sadd.s32 s6, s7;
	v4 =	vmul.u32 $0x32, v4;
	v6 =	vmul.u32 $0x32, v6  }
0xd: {  	vm0 =	vmmov $0xffff;
	s9 =	sadd.s32 $0x100, s1;
	[dreg:$0x6] =	wrdreg s0;
	s31 =	sadd.s32 $0xE00, s8;
	v1 =	vsub.s32 v1, v2  }
0xe: {  	s6 =	sadd.s32 $0x4200, s7;
	s8 =	sadd.s32 $0x2800, s8;
	[dreg:$0x4] =	wrdreg s31;
	v2 =	vsub.s32 v3, v4;
	v3 =	vsub.s32 v5, v6;
	v5 =	vshrl.u32 v0, $0x3  }
0xf: {  	s7 =	simm.s32 $0x4;
	[dreg:$0x5] =	wrdreg s8;
	s8 =	simm.s32 $0x8;
	v4 =	vand.u32 $0x7, v0;
	v6 =	vor.u32 $0x8, v0;
	v5 =	vmul.u32 $0x8, v5  }
.LBB2_1:
0x10: {  	[dreg:$0x7] =	wrdreg s14  }
0x11: {  	s0 =	rddreg [dreg:$0x4];
	s2 =	simm.s32 $0xD  }
0x12: {  	[tilespmem:s5], [sflag:$0xD] =	stream.linear.gather [hbm4b:s0+s5], $0x640, $0x38;
	[tilespmem:$0x10F00] =	vst v63  }
0x13: {  	_ =	swait.ge [sflag:s2], $0x640  }
0x14: {  	[sflag:s2] =	ssyncset.done $0x0  }
0x15: {  	s31 =	simm.s32 $0x680;
	s30 =	rddreg [dreg:$0x5];
	[sflag:s2] =	ssyncadd.s32 $0xFFFFF9C0  }
0x16: {  	[tilespmem:s31], [sflag:$0xD] =	stream.linear.gather [hbm4b:s30+s5], $0x640, $0x38;
	[tilespmem:$0x10F00] =	vst v63  }
0x17: {  	_ =	swait.ge [sflag:s2], $0x640  }
0x18: {  	[sflag:s2] =	ssyncset.done $0x0  }
0x19: {  	[sflag:s2] =	ssyncadd.s32 $0xFFFFF9C0  }
0x1a: {  	v7 =	vld [tilespmem:$0x0];
	_ =	sdelay $0x4  }
0x1b: {  	v8 =	vshll.u32 v7, $0x2  }
0x1c: {  	v7 =	vand.u32 $0x7, v7;
	v8 =	vand.u32 $0xFFFFFFE0, v8  }
0x1d: {  	v9 =	vld [tilespmem:$0x680];
	v7 =	vor.u32 v7, v8  }
0x1e: {  	v8 =	vperm.xlane v7, v4;
	_ =	sdelay $0x1  }
0x1f: {  	v8 =	vadd.s32 v5, v8;
	_ =	sdelay $0x1  }
0x20: {  	v9 =	vshll.u32 v9, $0x6;
	v7 =	vperm.xlane v7, v6  }
0x21: {  	v9 =	vor.u32 v1, v9  }
0x22: {  	[tilespmem:$0xD00] =	vst v9;
	v7 =	vadd.s32 v5, v7  }
0x23: {  	[tilespmem:s17], [sflag:$0x1] =	stream.indirect_vreg.gather [hbm4b:s1+s5], $0x80, v8, vm0, $0xb8;
	[tilespmem:$0x10F00] =	vst v63  }
0x24: {  	s2 =	simm.s32 $0x1700  }
0x25: {  	[tilespmem:s2], [sflag:$0x1] =	stream.indirect_vreg.gather [hbm4b:s9+s5], $0x80, v8, vm0, $0xb8;
	[tilespmem:$0x10F00] =	vst v63  }
0x26: {  	s14 =	simm.s32 $0x1F00  }
0x27: {  	[tilespmem:s14], [sflag:$0x1] =	stream.indirect_vreg.gather [hbm4b:s1+s5], $0x80, v7, vm0, $0xb8;
	[tilespmem:$0x10F00] =	vst v63  }
0x28: {  	s15 =	simm.s32 $0x2700  }
0x29: {  	[tilespmem:s15], [sflag:$0x1] =	stream.indirect_vreg.gather [hbm4b:s9+s5], $0x80, v7, vm0, $0xb8;
	[tilespmem:$0x10F00] =	vst v63  }
0x2a: {  	v7 =	vld [tilespmem:$0xD00];
	_ =	sdelay $0x4  }
0x2b: {  	v8 =	vshll.u32 v7, $0x2  }
0x2c: {  	v7 =	vand.u32 $0x7, v7;
	v8 =	vand.u32 $0xFFFFFFE0, v8  }
0x2d: {  	v7 =	vor.u32 v7, v8  }
0x2e: {  	v8 =	vperm.xlane v7, v4;
	_ =	sdelay $0x1  }
0x2f: {  	v8 =	vadd.s32 v5, v8;
	_ =	sdelay $0x1  }
0x30: {  	v7 =	vperm.xlane v7, v6;
	_ =	sdelay $0x1  }
0x31: {  	s28 =	simm.s32 $0x8F00;
	v7 =	vadd.s32 v5, v7  }
0x32: {  	[tilespmem:s28], [sflag:$0x5] =	stream.indirect_vreg.gather [hbm4b:s6+s5], $0x80, v8, vm0, $0xb8;
	[tilespmem:$0x10F00] =	vst v63  }
0x33: {  	s29 =	simm.s32 $0x9700  }
0x34: {  	[tilespmem:s29], [sflag:$0x5] =	stream.indirect_vreg.gather [hbm4b:s10+s5], $0x80, v8, vm0, $0xb8;
	[tilespmem:$0x10F00] =	vst v63  }
0x35: {  	s30 =	simm.s32 $0x9F00  }
0x36: {  	[tilespmem:s30], [sflag:$0x5] =	stream.indirect_vreg.gather [hbm4b:s6+s5], $0x80, v7, vm0, $0xb8;
	[tilespmem:$0x10F00] =	vst v63  }
0x37: {  	s31 =	simm.s32 $0xA700  }
0x38: {  	[tilespmem:s31], [sflag:$0x5] =	stream.indirect_vreg.gather [hbm4b:s10+s5], $0x80, v7, vm0, $0xb8;
	[tilespmem:$0x10F00] =	vst v63  }
0x39: {  	v7 =	vld [tilespmem:$0x10];
	_ =	sdelay $0x4  }
0x3a: {  	v8 =	vshll.u32 v7, $0x2  }
0x3b: {  	v7 =	vand.u32 $0x7, v7;
	v8 =	vand.u32 $0xFFFFFFE0, v8  }
0x3c: {  	v62 =	vld [tilespmem:$0x690];
	v7 =	vor.u32 v7, v8  }
0x3d: {  	v8 =	vperm.xlane v7, v4;
	_ =	sdelay $0x1  }
0x3e: {  	v8 =	vadd.s32 v5, v8;
	_ =	sdelay $0x1  }
0x3f: {  	v9 =	vshll.u32 v62, $0x6;
	v7 =	vperm.xlane v7, v6  }
0x40: {  	v9 =	vor.u32 v2, v9  }
0x41: {  	[tilespmem:$0xD80] =	vst v9;
	v7 =	vadd.s32 v5, v7  }
0x42: {  	[tilespmem:s25], [sflag:$0x2] =	stream.indirect_vreg.gather [hbm4b:s1+s5], $0x80, v8, vm0, $0xb8;
	[tilespmem:$0x10F00] =	vst v63  }
0x43: {  	s2 =	simm.s32 $0x3700  }
0x44: {  	[tilespmem:s2], [sflag:$0x2] =	stream.indirect_vreg.gather [hbm4b:s9+s5], $0x80, v8, vm0, $0xb8;
	[tilespmem:$0x10F00] =	vst v63  }
0x45: {  	s14 =	simm.s32 $0x3F00  }
0x46: {  	[tilespmem:s14], [sflag:$0x2] =	stream.indirect_vreg.gather [hbm4b:s1+s5], $0x80, v7, vm0, $0xb8;
	[tilespmem:$0x10F00] =	vst v63  }
0x47: {  	s15 =	simm.s32 $0x4700  }
0x48: {  	[tilespmem:s15], [sflag:$0x2] =	stream.indirect_vreg.gather [hbm4b:s9+s5], $0x80, v7, vm0, $0xb8;
	[tilespmem:$0x10F00] =	vst v63  }
0x49: {  	v7 =	vld [tilespmem:$0xD80];
	_ =	sdelay $0x4  }
0x4a: {  	v8 =	vshll.u32 v7, $0x2  }
0x4b: {  	v7 =	vand.u32 $0x7, v7;
	v8 =	vand.u32 $0xFFFFFFE0, v8  }
0x4c: {  	v7 =	vor.u32 v7, v8  }
0x4d: {  	v8 =	vperm.xlane v7, v4;
	_ =	sdelay $0x1  }
0x4e: {  	v8 =	vadd.s32 v5, v8;
	_ =	sdelay $0x1  }
0x4f: {  	v7 =	vperm.xlane v7, v6;
	_ =	sdelay $0x1  }
0x50: {  	s28 =	simm.s32 $0xAF00;
	v7 =	vadd.s32 v5, v7  }
0x51: {  	[tilespmem:s28], [sflag:$0x6] =	stream.indirect_vreg.gather [hbm4b:s6+s5], $0x80, v8, vm0, $0xb8;
	[tilespmem:$0x10F00] =	vst v63  }
0x52: {  	s29 =	simm.s32 $0xB700  }
0x53: {  	[tilespmem:s29], [sflag:$0x6] =	stream.indirect_vreg.gather [hbm4b:s10+s5], $0x80, v8, vm0, $0xb8;
	[tilespmem:$0x10F00] =	vst v63  }
0x54: {  	s30 =	simm.s32 $0xBF00  }
0x55: {  	[tilespmem:s30], [sflag:$0x6] =	stream.indirect_vreg.gather [hbm4b:s6+s5], $0x80, v7, vm0, $0xb8;
	[tilespmem:$0x10F00] =	vst v63  }
0x56: {  	s31 =	simm.s32 $0xC700  }
0x57: {  	[tilespmem:s31], [sflag:$0x6] =	stream.indirect_vreg.gather [hbm4b:s10+s5], $0x80, v7, vm0, $0xb8;
	[tilespmem:$0x10F00] =	vst v63  }
0x58: {  	v7 =	vld [tilespmem:$0x20];
	_ =	sdelay $0x4  }
0x59: {  	v8 =	vshll.u32 v7, $0x2  }
0x5a: {  	v7 =	vand.u32 $0x7, v7;
	v8 =	vand.u32 $0xFFFFFFE0, v8  }
0x5b: {  	v63 =	vld [tilespmem:$0x6A0];
	v7 =	vor.u32 v7, v8  }
0x5c: {  	v8 =	vperm.xlane v7, v4;
	_ =	sdelay $0x1  }
0x5d: {  	v8 =	vadd.s32 v5, v8;
	_ =	sdelay $0x1  }
0x5e: {  	v9 =	vshll.u32 v63, $0x6;
	v7 =	vperm.xlane v7, v6  }
0x5f: {  	v9 =	vor.u32 v3, v9  }
0x60: {  	[tilespmem:$0xE00] =	vst v9;
	v7 =	vadd.s32 v5, v7  }
0x61: {  	[tilespmem:s16], [sflag:$0x3] =	stream.indirect_vreg.gather [hbm4b:s1+s5], $0x80, v8, vm0, $0xb8;
	[tilespmem:$0x10F00] =	vst v63  }
0x62: {  	s2 =	simm.s32 $0x5700  }
0x63: {  	[tilespmem:s2], [sflag:$0x3] =	stream.indirect_vreg.gather [hbm4b:s9+s5], $0x80, v8, vm0, $0xb8;
	[tilespmem:$0x10F00] =	vst v63  }
0x64: {  	s14 =	simm.s32 $0x5F00  }
0x65: {  	[tilespmem:s14], [sflag:$0x3] =	stream.indirect_vreg.gather [hbm4b:s1+s5], $0x80, v7, vm0, $0xb8;
	[tilespmem:$0x10F00] =	vst v63  }
0x66: {  	s15 =	simm.s32 $0x6700  }
0x67: {  	[tilespmem:s15], [sflag:$0x3] =	stream.indirect_vreg.gather [hbm4b:s9+s5], $0x80, v7, vm0, $0xb8;
	[tilespmem:$0x10F00] =	vst v63  }
0x68: {  	v7 =	vld [tilespmem:$0xE00];
	_ =	sdelay $0x4  }
0x69: {  	v8 =	vshll.u32 v7, $0x2  }
0x6a: {  	v7 =	vand.u32 $0x7, v7;
	v8 =	vand.u32 $0xFFFFFFE0, v8  }
0x6b: {  	v7 =	vor.u32 v7, v8  }
0x6c: {  	v8 =	vperm.xlane v7, v4;
	_ =	sdelay $0x1  }
0x6d: {  	v8 =	vadd.s32 v5, v8;
	_ =	sdelay $0x1  }
0x6e: {  	v7 =	vperm.xlane v7, v6;
	_ =	sdelay $0x1  }
0x6f: {  	s28 =	simm.s32 $0xCF00;
	v7 =	vadd.s32 v5, v7  }
0x70: {  	[tilespmem:s28], [sflag:$0x7] =	stream.indirect_vreg.gather [hbm4b:s6+s5], $0x80, v8, vm0, $0xb8;
	[tilespmem:$0x10F00] =	vst v63  }
0x71: {  	s29 =	simm.s32 $0xD700  }
0x72: {  	[tilespmem:s29], [sflag:$0x7] =	stream.indirect_vreg.gather [hbm4b:s10+s5], $0x80, v8, vm0, $0xb8;
	[tilespmem:$0x10F00] =	vst v63  }
0x73: {  	s30 =	simm.s32 $0xDF00  }
0x74: {  	[tilespmem:s30], [sflag:$0x7] =	stream.indirect_vreg.gather [hbm4b:s6+s5], $0x80, v7, vm0, $0xb8;
	[tilespmem:$0x10F00] =	vst v63  }
0x75: {  	s31 =	simm.s32 $0xE700;
	s15 =	simm.s32 $0x0  }
0x76: {  	[tilespmem:s31], [sflag:$0x7] =	stream.indirect_vreg.gather [hbm4b:s10+s5], $0x80, v7, vm0, $0xb8;
	[tilespmem:$0x10F00] =	vst v63  }
.LBB2_2:
0x77: {  	p0 =	seq.s32 s15, $0x0  }
0x78: {  	s14 =	sshllo.u32 s15, $0x2;
	s28 =	simm.s32 @!p0 $0xC  }
0x79: {  	s29 =	sshll.u32 s14, $0x4;
	_ =	swait.ge @!p0 [sflag:s28], $0x2000  }
0x7a: {  	s30 =	sadd.s32 s4, s29;
	[sflag:s28] =	ssyncset.done @!p0 $0x0  }
0x7b: {  	v7 =	vor.u32 s30, v0;
	[sflag:s28] =	ssyncadd.s32 @!p0 $0xFFFFE000  }
0x7c: {  	v8 =	vmulhi.u32 $0x51EB851F, v7;
	v9 =	vld [tilespmem:s29+$0x680];
	_ =	sdelay $0x1  }
0x7d: {  	v8 =	vshrl.u32 v8, $0x4  }
0x7e: {  	v8 =	vmul.u32 $0x32, v8;
	_ =	sdelay $0x1  }
0x7f: {  	v7 =	vsub.s32 v7, v8;
	v8 =	vshll.u32 v9, $0x6  }
0x80: {  	v7 =	vor.u32 v7, v8  }
0x81: {  	[tilespmem:$0xE80] =	vst v7  }
0x82: {  	v7 =	vld [tilespmem:s29+$0x0];
	_ =	sdelay $0x4  }
0x83: {  	v8 =	vshll.u32 v7, $0x2  }
0x84: {  	v7 =	vand.u32 $0x7, v7;
	v8 =	vand.u32 $0xFFFFFFE0, v8  }
0x85: {  	v7 =	vor.u32 v7, v8  }
0x86: {  	v8 =	vperm.xlane v7, v4;
	_ =	sdelay $0x1  }
0x87: {  	v8 =	vadd.s32 v5, v8;
	_ =	sdelay $0x1  }
0x88: {  	v7 =	vperm.xlane v7, v6;
	_ =	sdelay $0x1  }
0x89: {  	s28 =	simm.s32 $0x0;
	v7 =	vadd.s32 v5, v7  }
0x8a: {  	[tilespmem:s26], [sflag:$0x4] =	stream.indirect_vreg.gather [hbm4b:s1+s28], $0x80, v8, vm0, $0xb8;
	[tilespmem:$0x10F00] =	vst v63  }
0x8b: {  	s0 =	simm.s32 $0x7700  }
0x8c: {  	[tilespmem:s0], [sflag:$0x4] =	stream.indirect_vreg.gather [hbm4b:s9+s28], $0x80, v8, vm0, $0xb8;
	[tilespmem:$0x10F00] =	vst v63  }
0x8d: {  	s31 =	simm.s32 $0x7F00  }
0x8e: {  	[tilespmem:s31], [sflag:$0x4] =	stream.indirect_vreg.gather [hbm4b:s1+s28], $0x80, v7, vm0, $0xb8;
	[tilespmem:$0x10F00] =	vst v63  }
0x8f: {  	s2 =	simm.s32 $0x8700  }
0x90: {  	[tilespmem:s2], [sflag:$0x4] =	stream.indirect_vreg.gather [hbm4b:s9+s28], $0x80, v7, vm0, $0xb8;
	[tilespmem:$0x10F00] =	vst v63  }
0x91: {  	v7 =	vld [tilespmem:$0xE80];
	_ =	sdelay $0x4  }
0x92: {  	v8 =	vshll.u32 v7, $0x2  }
0x93: {  	v7 =	vand.u32 $0x7, v7;
	v8 =	vand.u32 $0xFFFFFFE0, v8  }
0x94: {  	v7 =	vor.u32 v7, v8  }
0x95: {  	v8 =	vperm.xlane v7, v4;
	_ =	sdelay $0x1  }
0x96: {  	v8 =	vadd.s32 v5, v8;
	_ =	sdelay $0x1  }
0x97: {  	v7 =	vperm.xlane v7, v6;
	_ =	sdelay $0x1  }
0x98: {  	s31 =	simm.s32 $0xEF00;
	v7 =	vadd.s32 v5, v7  }
0x99: {  	[tilespmem:s31], [sflag:$0x8] =	stream.indirect_vreg.gather [hbm4b:s6+s28], $0x80, v8, vm0, $0xb8;
	[tilespmem:$0x10F00] =	vst v63  }
0x9a: {  	s2 =	simm.s32 $0xF700  }
0x9b: {  	[tilespmem:s2], [sflag:$0x8] =	stream.indirect_vreg.gather [hbm4b:s10+s28], $0x80, v8, vm0, $0xb8;
	[tilespmem:$0x10F00] =	vst v63  }
0x9c: {  	s31 =	simm.s32 $0xFF00  }
0x9d: {  	[tilespmem:s31], [sflag:$0x8] =	stream.indirect_vreg.gather [hbm4b:s6+s28], $0x80, v7, vm0, $0xb8;
	[tilespmem:$0x10F00] =	vst v63  }
0x9e: {  	_ = 	snop  }
0x9f: {  	[tilespmem:s18], [sflag:$0x8] =	stream.indirect_vreg.gather [hbm4b:s10+s28], $0x80, v7, vm0, $0xb8;
	[tilespmem:$0x10F00] =	vst v63  }
0xa0: {  	_ =	swait.ge [sflag:s19], $0x2000  }
0xa1: {  	[sflag:s19] =	ssyncset.done $0x0  }
0xa2: {  	[sflag:s19] =	ssyncadd.s32 $0xFFFFE000  }
0xa3: {  	_ =	swait.ge [sflag:s20], $0x2000  }
0xa4: {  	s29 =	sand.u32 $0x1000, s28;
	s28 =	sand.u32 $0x380, s28;
	[sflag:s20] =	ssyncset.done $0x0  }
0xa5: {  	s28 =	sor.u32 s28, s29;
	[sflag:s20] =	ssyncadd.s32 $0xFFFFE000  }
0xa6: {  	v14 =	vld [tilespmem:s28+$0x8F00]  }
0xa7: {  	v15 =	vld [tilespmem:s28+$0x8F10]  }
0xa8: {  	v16 =	vld [tilespmem:s28+$0x8F20]  }
0xa9: {  	v17 =	vld [tilespmem:s28+$0x8F30]  }
0xaa: {  	v18 =	vld [tilespmem:s28+$0x8F40]  }
0xab: {  	v19 =	vld [tilespmem:s28+$0x8F50]  }
0xac: {  	v20 =	vld [tilespmem:s28+$0x8F60]  }
0xad: {  	v21 =	vld [tilespmem:s28+$0x8F70]  }
0xae: {  	v22 =	vld [tilespmem:s28+$0x9300]  }
0xaf: {  	v23 =	vld [tilespmem:s28+$0x9310]  }
0xb0: {  	v24 =	vld [tilespmem:s28+$0x9320]  }
0xb1: {  	v25 =	vld [tilespmem:s28+$0x9330]  }
0xb2: {  	v26 =	vld [tilespmem:s28+$0x9340]  }
0xb3: {  	v27 =	vld [tilespmem:s28+$0x9350]  }
0xb4: {  	v28 =	vld [tilespmem:s28+$0x9360]  }
0xb5: {  	v29 =	vld [tilespmem:s28+$0x9370]  }
0xb6: {  	v30 =	vld [tilespmem:s28+$0x9700]  }
0xb7: {  	v31 =	vld [tilespmem:s28+$0x9710]  }
0xb8: {  	v32 =	vld [tilespmem:s28+$0x9720]  }
0xb9: {  	v33 =	vld [tilespmem:s28+$0x9730]  }
0xba: {  	v34 =	vld [tilespmem:s28+$0x9740]  }
0xbb: {  	v35 =	vld [tilespmem:s28+$0x9750]  }
0xbc: {  	v36 =	vld [tilespmem:s28+$0x9760]  }
0xbd: {  	v37 =	vld [tilespmem:s28+$0x9770]  }
0xbe: {  	v38 =	vld [tilespmem:s28+$0x9B00]  }
0xbf: {  	v13 =	vld [tilespmem:s28+$0x9B10]  }
0xc0: {  	v12 =	vld [tilespmem:s28+$0x9B20]  }
0xc1: {  	v11 =	vld [tilespmem:s28+$0x9B30]  }
0xc2: {  	v10 =	vld [tilespmem:s28+$0x9B40]  }
0xc3: {  	v9 =	vld [tilespmem:s28+$0x9B50]  }
0xc4: {  	v8 =	vld [tilespmem:s28+$0x9B60]  }
0xc5: {  	v7 =	vld [tilespmem:s28+$0x9B70]  }
0xc6: {  	v39 =	vld [tilespmem:s28+$0xF00]  }
0xc7: {  	v40 =	vld [tilespmem:s28+$0xF10]  }
0xc8: {  	v41 =	vld [tilespmem:s28+$0xF20]  }
0xc9: {  	v42 =	vld [tilespmem:s28+$0xF30]  }
0xca: {  	v43 =	vld [tilespmem:s28+$0xF40]  }
0xcb: {  	v62 =	vld [tilespmem:s28+$0xF50];
	v14 =	vadd.f32 v14, v39  }
0xcc: {  	v63 =	vld [tilespmem:s28+$0xF60];
	v15 =	vadd.f32 v15, v40  }
0xcd: {  	[tilespmem:s28+$0xF00] =	vst v14;
	v14 =	vadd.f32 v16, v41;
	v16 =	vld [tilespmem:s28+$0xF70]  }
0xce: {  	[tilespmem:s28+$0xF10] =	vst v15;
	v15 =	vadd.f32 v17, v42;
	v17 =	vld [tilespmem:s28+$0x1300]  }
0xcf: {  	[tilespmem:s28+$0xF20] =	vst v14;
	v14 =	vadd.f32 v18, v43;
	v18 =	vld [tilespmem:s28+$0x1310]  }
0xd0: {  	[tilespmem:s28+$0xF30] =	vst v15;
	v15 =	vadd.f32 v19, v62;
	v19 =	vld [tilespmem:s28+$0x1320]  }
0xd1: {  	[tilespmem:s28+$0xF40] =	vst v14;
	v14 =	vadd.f32 v20, v63;
	v20 =	vld [tilespmem:s28+$0x1330]  }
0xd2: {  	[tilespmem:s28+$0xF50] =	vst v15;
	v15 =	vadd.f32 v21, v16;
	v16 =	vld [tilespmem:s28+$0x1340]  }
0xd3: {  	[tilespmem:s28+$0xF60] =	vst v14;
	v14 =	vadd.f32 v22, v17;
	v17 =	vld [tilespmem:s28+$0x1350]  }
0xd4: {  	[tilespmem:s28+$0xF70] =	vst v15;
	v15 =	vadd.f32 v23, v18;
	v18 =	vld [tilespmem:s28+$0x1360]  }
0xd5: {  	[tilespmem:s28+$0x1300] =	vst v14;
	v14 =	vadd.f32 v24, v19;
	v19 =	vld [tilespmem:s28+$0x1370]  }
0xd6: {  	[tilespmem:s28+$0x1310] =	vst v15;
	v15 =	vadd.f32 v25, v20;
	v20 =	vld [tilespmem:s28+$0x1700]  }
0xd7: {  	[tilespmem:s28+$0x1320] =	vst v14;
	v14 =	vadd.f32 v26, v16;
	v16 =	vld [tilespmem:s28+$0x1710]  }
0xd8: {  	[tilespmem:s28+$0x1330] =	vst v15;
	v15 =	vadd.f32 v27, v17;
	v17 =	vld [tilespmem:s28+$0x1720]  }
0xd9: {  	[tilespmem:s28+$0x1340] =	vst v14;
	v14 =	vadd.f32 v28, v18;
	v18 =	vld [tilespmem:s28+$0x1730]  }
0xda: {  	[tilespmem:s28+$0x1350] =	vst v15;
	v15 =	vadd.f32 v29, v19;
	v19 =	vld [tilespmem:s28+$0x1740]  }
0xdb: {  	[tilespmem:s28+$0x1360] =	vst v14;
	v14 =	vadd.f32 v30, v20;
	v20 =	vld [tilespmem:s28+$0x1750]  }
0xdc: {  	v21 =	vld [tilespmem:s28+$0x1760];
	[tilespmem:s28+$0x1370] =	vst v15;
	v15 =	vadd.f32 v31, v16  }
0xdd: {  	v22 =	vld [tilespmem:s28+$0x1770];
	[tilespmem:s28+$0x1700] =	vst v14;
	v14 =	vadd.f32 v32, v17  }
0xde: {  	[tilespmem:s28+$0x1710] =	vst v15;
	v15 =	vadd.f32 v33, v18;
	v18 =	vld [tilespmem:s28+$0x1B00]  }
0xdf: {  	v17 =	vld [tilespmem:s28+$0x1B10];
	[tilespmem:s28+$0x1720] =	vst v14;
	v14 =	vadd.f32 v34, v19  }
0xe0: {  	v16 =	vld [tilespmem:s28+$0x1B20];
	[tilespmem:s28+$0x1730] =	vst v15;
	v15 =	vadd.f32 v35, v20  }
0xe1: {  	v19 =	vadd.f32 v36, v21;
	[tilespmem:s28+$0x1740] =	vst v14;
	v14 =	vld [tilespmem:s28+$0x1B30]  }
0xe2: {  	v20 =	vadd.f32 v37, v22;
	[tilespmem:s28+$0x1750] =	vst v15;
	v15 =	vld [tilespmem:s28+$0x1B40]  }
0xe3: {  	s30 =	simm.s32 $0x200;
	s29 =	simm.s32 $0x80;
	[tilespmem:s28+$0x1760] =	vst v19;
	v19 =	vadd.f32 v38, v18;
	v18 =	vld [tilespmem:s28+$0x1B50]  }
.LBB2_3:
0xe4: {  	s31 =	sand.u32 $0x1000, s30;
	s2 =	sand.u32 $0x380, s29;
	p0 =	sne.s32 s30, $0x1E00;
	[tilespmem:s28+$0x1770] =	vst v20;
	v13 =	vadd.f32 v13, v17;
	v17 =	vld [tilespmem:s28+$0x1B60]  }
0xe5: {  	s2 =	sor.u32 s2, s31;
	[tilespmem:s28+$0x1B00] =	vst v19;
	v12 =	vadd.f32 v12, v16;
	v16 =	vld [tilespmem:s28+$0x1B70]  }
0xe6: {  	v19 =	vld [tilespmem:s2+$0x8F00];
	[tilespmem:s28+$0x1B10] =	vst v13;
	v11 =	vadd.f32 v11, v14  }
0xe7: {  	v14 =	vld [tilespmem:s2+$0x8F10];
	[tilespmem:s28+$0x1B20] =	vst v12;
	v10 =	vadd.f32 v10, v15  }
0xe8: {  	v15 =	vld [tilespmem:s2+$0x8F20];
	[tilespmem:s28+$0x1B30] =	vst v11;
	v9 =	vadd.f32 v9, v18  }
0xe9: {  	v18 =	vld [tilespmem:s2+$0x8F30];
	[tilespmem:s28+$0x1B40] =	vst v10;
	v8 =	vadd.f32 v8, v17  }
0xea: {  	v17 =	vld [tilespmem:s2+$0x8F40];
	[tilespmem:s28+$0x1B50] =	vst v9;
	v7 =	vadd.f32 v7, v16  }
0xeb: {  	v16 =	vld [tilespmem:s2+$0x8F50];
	[tilespmem:s28+$0x1B60] =	vst v8  }
0xec: {  	v20 =	vld [tilespmem:s2+$0x8F60];
	[tilespmem:s28+$0x1B70] =	vst v7;
	s28 =	smov.u32 s2  }
0xed: {  	v21 =	vld [tilespmem:s28+$0x8F70]  }
0xee: {  	v22 =	vld [tilespmem:s28+$0x9300]  }
0xef: {  	v23 =	vld [tilespmem:s28+$0x9310]  }
0xf0: {  	v24 =	vld [tilespmem:s28+$0x9320]  }
0xf1: {  	v25 =	vld [tilespmem:s28+$0x9330]  }
0xf2: {  	v26 =	vld [tilespmem:s28+$0x9340]  }
0xf3: {  	v27 =	vld [tilespmem:s28+$0x9350]  }
0xf4: {  	v28 =	vld [tilespmem:s28+$0x9360]  }
0xf5: {  	v29 =	vld [tilespmem:s28+$0x9370]  }
0xf6: {  	v30 =	vld [tilespmem:s28+$0x9700]  }
0xf7: {  	v31 =	vld [tilespmem:s28+$0x9710]  }
0xf8: {  	v32 =	vld [tilespmem:s28+$0x9720]  }
0xf9: {  	v33 =	vld [tilespmem:s28+$0x9730]  }
0xfa: {  	v34 =	vld [tilespmem:s28+$0x9740]  }
0xfb: {  	v35 =	vld [tilespmem:s28+$0x9750]  }
0xfc: {  	v36 =	vld [tilespmem:s28+$0x9760]  }
0xfd: {  	v37 =	vld [tilespmem:s28+$0x9770]  }
0xfe: {  	v38 =	vld [tilespmem:s28+$0x9B00]  }
0xff: {  	v13 =	vld [tilespmem:s28+$0x9B10]  }
0x100: {  	v12 =	vld [tilespmem:s28+$0x9B20]  }
0x101: {  	v11 =	vld [tilespmem:s28+$0x9B30]  }
0x102: {  	v10 =	vld [tilespmem:s28+$0x9B40]  }
0x103: {  	v9 =	vld [tilespmem:s28+$0x9B50]  }
0x104: {  	v8 =	vld [tilespmem:s28+$0x9B60]  }
0x105: {  	v7 =	vld [tilespmem:s28+$0x9B70]  }
0x106: {  	v39 =	vld [tilespmem:s28+$0xF00]  }
0x107: {  	v40 =	vld [tilespmem:s28+$0xF10]  }
0x108: {  	v41 =	vld [tilespmem:s28+$0xF20]  }
0x109: {  	v42 =	vld [tilespmem:s28+$0xF30]  }
0x10a: {  	v43 =	vld [tilespmem:s28+$0xF40]  }
0x10b: {  	v19 =	vadd.f32 v19, v39;
	v39 =	vld [tilespmem:s28+$0xF50]  }
0x10c: {  	v14 =	vadd.f32 v14, v40;
	v40 =	vld [tilespmem:s28+$0xF60]  }
0x10d: {  	[tilespmem:s28+$0xF00] =	vst v19;
	v15 =	vadd.f32 v15, v41;
	v19 =	vld [tilespmem:s28+$0xF70]  }
0x10e: {  	[tilespmem:s28+$0xF10] =	vst v14;
	v14 =	vadd.f32 v18, v42;
	v18 =	vld [tilespmem:s28+$0x1300]  }
0x10f: {  	[tilespmem:s28+$0xF20] =	vst v15;
	v15 =	vadd.f32 v17, v43;
	v17 =	vld [tilespmem:s28+$0x1310]  }
0x110: {  	[tilespmem:s28+$0xF30] =	vst v14;
	v14 =	vadd.f32 v16, v39;
	v16 =	vld [tilespmem:s28+$0x1320]  }
0x111: {  	[tilespmem:s28+$0xF40] =	vst v15;
	v15 =	vadd.f32 v20, v40;
	v20 =	vld [tilespmem:s28+$0x1330]  }
0x112: {  	[tilespmem:s28+$0xF50] =	vst v14;
	v14 =	vadd.f32 v21, v19;
	v19 =	vld [tilespmem:s28+$0x1340]  }
0x113: {  	[tilespmem:s28+$0xF60] =	vst v15;
	v15 =	vadd.f32 v22, v18;
	v18 =	vld [tilespmem:s28+$0x1350]  }
0x114: {  	[tilespmem:s28+$0xF70] =	vst v14;
	v14 =	vadd.f32 v23, v17;
	v17 =	vld [tilespmem:s28+$0x1360]  }
0x115: {  	[tilespmem:s28+$0x1300] =	vst v15;
	v15 =	vadd.f32 v24, v16;
	v16 =	vld [tilespmem:s28+$0x1370]  }
0x116: {  	[tilespmem:s28+$0x1310] =	vst v14;
	v14 =	vadd.f32 v25, v20;
	v20 =	vld [tilespmem:s28+$0x1700]  }
0x117: {  	[tilespmem:s28+$0x1320] =	vst v15;
	v15 =	vadd.f32 v26, v19;
	v19 =	vld [tilespmem:s28+$0x1710]  }
0x118: {  	[tilespmem:s28+$0x1330] =	vst v14;
	v14 =	vadd.f32 v27, v18;
	v18 =	vld [tilespmem:s28+$0x1720]  }
0x119: {  	[tilespmem:s28+$0x1340] =	vst v15;
	v15 =	vadd.f32 v28, v17;
	v17 =	vld [tilespmem:s28+$0x1730]  }
0x11a: {  	[tilespmem:s28+$0x1350] =	vst v14;
	v14 =	vadd.f32 v29, v16;
	v16 =	vld [tilespmem:s28+$0x1740]  }
0x11b: {  	[tilespmem:s28+$0x1360] =	vst v15;
	v15 =	vadd.f32 v30, v20;
	v20 =	vld [tilespmem:s28+$0x1750]  }
0x11c: {  	[tilespmem:s28+$0x1370] =	vst v14;
	v14 =	vadd.f32 v31, v19;
	v19 =	vld [tilespmem:s28+$0x1760]  }
0x11d: {  	[tilespmem:s28+$0x1700] =	vst v15;
	v15 =	vadd.f32 v32, v18;
	v18 =	vld [tilespmem:s28+$0x1770]  }
0x11e: {  	[tilespmem:s28+$0x1710] =	vst v14;
	v14 =	vadd.f32 v33, v17;
	v21 =	vld [tilespmem:s28+$0x1B00]  }
.Ltmp0:
0x11f: {  	[tilespmem:s28+$0x1720] =	vst v15;
	v15 =	vadd.f32 v34, v16;
	v17 =	vld [tilespmem:s28+$0x1B10];
	(pc) =	sbr.rel @p0 .LBB2_3-.Ltmp0, $4  }
0x120: {  	[tilespmem:s28+$0x1730] =	vst v14;
	v20 =	vadd.f32 v35, v20;
	v16 =	vld [tilespmem:s28+$0x1B20]  }
0x121: {  	[tilespmem:s28+$0x1740] =	vst v15;
	v19 =	vadd.f32 v36, v19;
	v14 =	vld [tilespmem:s28+$0x1B30]  }
0x122: {  	[tilespmem:s28+$0x1750] =	vst v20;
	v20 =	vadd.f32 v37, v18;
	v15 =	vld [tilespmem:s28+$0x1B40]  }
0x123: {  	s29 =	sadd.s32 $0x80, s29;
	s30 =	sadd.s32 $0x200, s30;
	[tilespmem:s28+$0x1760] =	vst v19;
	v19 =	vadd.f32 v38, v21;
	v18 =	vld [tilespmem:s28+$0x1B50]  }
0x124: {  	[tilespmem:s28+$0x1770] =	vst v20;
	v13 =	vadd.f32 v13, v17;
	v17 =	vld [tilespmem:s28+$0x1B60]  }
0x125: {  	[tilespmem:s28+$0x1B00] =	vst v19;
	v12 =	vadd.f32 v12, v16;
	v16 =	vld [tilespmem:s28+$0x1B70]  }
0x126: {  	[tilespmem:s28+$0x1B10] =	vst v13;
	v11 =	vadd.f32 v11, v14  }
0x127: {  	[tilespmem:s28+$0x1B20] =	vst v12;
	v10 =	vadd.f32 v10, v15  }
0x128: {  	[tilespmem:s28+$0x1B30] =	vst v11;
	v9 =	vadd.f32 v9, v18  }
0x129: {  	s2 =	sshll.u32 s15, $0xF;
	[tilespmem:s28+$0x1B40] =	vst v10;
	v8 =	vadd.f32 v8, v17  }
0x12a: {  	s2 =	sadd.s32 s13, s2;
	[tilespmem:s28+$0x1B50] =	vst v9;
	v7 =	vadd.f32 v7, v16  }
0x12b: {  	s2 =	sshrl.u32 s2, $0x3;
	[tilespmem:s28+$0x1B60] =	vst v8  }
0x12c: {  	p0 =	seq.s32 s15, $0x18;
	s2 =	sadd.s32 s3, s2;
	[tilespmem:s28+$0x1B70] =	vst v7  }
0x12d: {  	[hbm4b:s2+s5] =	stream.linear.scatter [tilespmem:s17], [sflag:$0x9], $0x2000, $0x38;
	[tilespmem:$0x10F00] =	vst v63  }
0x12e: {  	s28 =	sshll.u32 @!p0 s15, $0x6;
	s2 =	simm.s32 @!p0 $0x9  }
0x12f: {  	s29 =	sadd.s32 @!p0 $0x40, s28;
	_ =	swait.ge @!p0 [sflag:s2], $0x2000  }
0x130: {  	v7 =	vlaneseq.u32 @!p0;
	s29 =	sadd.s32 @!p0 s4, s29;
	[sflag:s2] =	ssyncset.done @!p0 $0x0  }
0x131: {  	v8 =	vor.u32 @!p0 s29, v7;
	[sflag:s2] =	ssyncadd.s32 @!p0 $0xFFFFE000  }
0x132: {  	v9 =	vmulhi.u32 @!p0 $0x51EB851F, v8;
	v10 =	vld @!p0 [tilespmem:s28+$0x6C0];
	_ =	sdelay $0x1  }
0x133: {  	v9 =	vshrl.u32 @!p0 v9, $0x4  }
0x134: {  	v9 =	vmul.u32 @!p0 $0x32, v9;
	_ =	sdelay $0x1  }
0x135: {  	v8 =	vsub.s32 @!p0 v8, v9;
	v9 =	vshll.u32 @!p0 v10, $0x6  }
0x136: {  	v8 =	vor.u32 @!p0 v8, v9  }
0x137: {  	[tilespmem:$0xD00] =	vst @!p0 v8  }
0x138: {  	v8 =	vld @!p0 [tilespmem:s28+$0x40];
	_ =	sdelay $0x4  }
0x139: {  	v9 =	vshll.u32 @!p0 v8, $0x2  }
0x13a: {  	v8 =	vand.u32 @!p0 $0x7, v8;
	v9 =	vand.u32 @!p0 $0xFFFFFFE0, v9  }
0x13b: {  	v10 =	vshrl.u32 @!p0 v7, $0x3;
	v8 =	vor.u32 @!p0 v8, v9;
	v9 =	vand.u32 @!p0 $0x7, v7  }
0x13c: {  	v10 =	vmul.u32 @!p0 $0x8, v10;
	v11 =	vperm.xlane @!p0 v8, v9;
	_ =	sdelay $0x1  }
0x13d: {  	v11 =	vadd.s32 @!p0 v10, v11  }
0x13e: {  	v7 =	vor.u32 @!p0 $0x8, v7  }
0x13f: {  	v8 =	vperm.xlane @!p0 v8, v7;
	_ =	sdelay $0x1  }
0x140: {  	vm1 =	vmmov @!p0 $0xffff;
	s2 =	simm.s32 @!p0 $0x0;
	s28 =	simm.s32 @!p0 $0xF00;
	v8 =	vadd.s32 @!p0 v10, v8  }
0x141: {  	[tilespmem:s28], [sflag:$0x1] =	stream.indirect_vreg.gather @!p0 [hbm4b:s1+s2], $0x80, v11, vm1, $0xb8;
	[tilespmem:$0x10F00] =	vst v63  }
0x142: {  	s28 =	simm.s32 @!p0 $0x1700  }
0x143: {  	[tilespmem:s28], [sflag:$0x1] =	stream.indirect_vreg.gather @!p0 [hbm4b:s9+s2], $0x80, v11, vm1, $0xb8;
	[tilespmem:$0x10F00] =	vst v63  }
0x144: {  	s28 =	simm.s32 @!p0 $0x1F00  }
0x145: {  	[tilespmem:s28], [sflag:$0x1] =	stream.indirect_vreg.gather @!p0 [hbm4b:s1+s2], $0x80, v8, vm1, $0xb8;
	[tilespmem:$0x10F00] =	vst v63  }
0x146: {  	s28 =	simm.s32 @!p0 $0x2700  }
0x147: {  	[tilespmem:s28], [sflag:$0x1] =	stream.indirect_vreg.gather @!p0 [hbm4b:s9+s2], $0x80, v8, vm1, $0xb8;
	[tilespmem:$0x10F00] =	vst v63  }
0x148: {  	v8 =	vld @!p0 [tilespmem:$0xD00];
	_ =	sdelay $0x4  }
0x149: {  	v11 =	vshll.u32 @!p0 v8, $0x2  }
0x14a: {  	v8 =	vand.u32 @!p0 $0x7, v8;
	v11 =	vand.u32 @!p0 $0xFFFFFFE0, v11  }
0x14b: {  	v8 =	vor.u32 @!p0 v8, v11  }
0x14c: {  	v9 =	vperm.xlane @!p0 v8, v9;
	_ =	sdelay $0x1  }
0x14d: {  	v9 =	vadd.s32 @!p0 v10, v9;
	_ =	sdelay $0x1  }
0x14e: {  	v7 =	vperm.xlane @!p0 v8, v7;
	_ =	sdelay $0x1  }
0x14f: {  	s28 =	simm.s32 @!p0 $0x8F00;
	v7 =	vadd.s32 @!p0 v10, v7  }
0x150: {  	[tilespmem:s28], [sflag:$0x5] =	stream.indirect_vreg.gather @!p0 [hbm4b:s6+s2], $0x80, v9, vm1, $0xb8;
	[tilespmem:$0x10F00] =	vst v63  }
0x151: {  	s28 =	simm.s32 @!p0 $0x9700  }
0x152: {  	[tilespmem:s28], [sflag:$0x5] =	stream.indirect_vreg.gather @!p0 [hbm4b:s10+s2], $0x80, v9, vm1, $0xb8;
	[tilespmem:$0x10F00] =	vst v63  }
0x153: {  	s28 =	simm.s32 @!p0 $0x9F00  }
0x154: {  	[tilespmem:s28], [sflag:$0x5] =	stream.indirect_vreg.gather @!p0 [hbm4b:s6+s2], $0x80, v7, vm1, $0xb8;
	[tilespmem:$0x10F00] =	vst v63  }
0x155: {  	s28 =	simm.s32 @!p0 $0xA700  }
0x156: {  	[tilespmem:s28], [sflag:$0x5] =	stream.indirect_vreg.gather @!p0 [hbm4b:s10+s2], $0x80, v7, vm1, $0xb8;
	[tilespmem:$0x10F00] =	vst v63  }
0x157: {  	_ =	swait.ge [sflag:s21], $0x2000  }
0x158: {  	[sflag:s21] =	ssyncset.done $0x0  }
0x159: {  	[sflag:s21] =	ssyncadd.s32 $0xFFFFE000  }
0x15a: {  	s31 =	simm.s32 $0x0;
	_ =	swait.ge [sflag:s22], $0x2000  }
0x15b: {  	s28 =	sand.u32 $0x1000, s31;
	s2 =	sand.u32 $0x380, s31;
	[sflag:s22] =	ssyncset.done $0x0  }
0x15c: {  	s29 =	sor.u32 s2, s28;
	[sflag:s22] =	ssyncadd.s32 $0xFFFFE000  }
0x15d: {  	v14 =	vld [tilespmem:s29+$0xAF00]  }
0x15e: {  	v15 =	vld [tilespmem:s29+$0xAF10]  }
0x15f: {  	v16 =	vld [tilespmem:s29+$0xAF20]  }
0x160: {  	v17 =	vld [tilespmem:s29+$0xAF30]  }
0x161: {  	v18 =	vld [tilespmem:s29+$0xAF40]  }
0x162: {  	v19 =	vld [tilespmem:s29+$0xAF50]  }
0x163: {  	v20 =	vld [tilespmem:s29+$0xAF60]  }
0x164: {  	v21 =	vld [tilespmem:s29+$0xAF70]  }
0x165: {  	v22 =	vld [tilespmem:s29+$0xB300]  }
0x166: {  	v23 =	vld [tilespmem:s29+$0xB310]  }
0x167: {  	v24 =	vld [tilespmem:s29+$0xB320]  }
0x168: {  	v25 =	vld [tilespmem:s29+$0xB330]  }
0x169: {  	v26 =	vld [tilespmem:s29+$0xB340]  }
0x16a: {  	v27 =	vld [tilespmem:s29+$0xB350]  }
0x16b: {  	v28 =	vld [tilespmem:s29+$0xB360]  }
0x16c: {  	v29 =	vld [tilespmem:s29+$0xB370]  }
0x16d: {  	v30 =	vld [tilespmem:s29+$0xB700]  }
0x16e: {  	v31 =	vld [tilespmem:s29+$0xB710]  }
0x16f: {  	v32 =	vld [tilespmem:s29+$0xB720]  }
0x170: {  	v33 =	vld [tilespmem:s29+$0xB730]  }
0x171: {  	v34 =	vld [tilespmem:s29+$0xB740]  }
0x172: {  	v35 =	vld [tilespmem:s29+$0xB750]  }
0x173: {  	v36 =	vld [tilespmem:s29+$0xB760]  }
0x174: {  	v37 =	vld [tilespmem:s29+$0xB770]  }
0x175: {  	v38 =	vld [tilespmem:s29+$0xBB00]  }
0x176: {  	v13 =	vld [tilespmem:s29+$0xBB10]  }
0x177: {  	v12 =	vld [tilespmem:s29+$0xBB20]  }
0x178: {  	v11 =	vld [tilespmem:s29+$0xBB30]  }
0x179: {  	v10 =	vld [tilespmem:s29+$0xBB40]  }
0x17a: {  	v9 =	vld [tilespmem:s29+$0xBB50]  }
0x17b: {  	v8 =	vld [tilespmem:s29+$0xBB60]  }
0x17c: {  	v7 =	vld [tilespmem:s29+$0xBB70]  }
0x17d: {  	v39 =	vld [tilespmem:s29+$0x2F00]  }
0x17e: {  	v40 =	vld [tilespmem:s29+$0x2F10]  }
0x17f: {  	v41 =	vld [tilespmem:s29+$0x2F20]  }
0x180: {  	v42 =	vld [tilespmem:s29+$0x2F30]  }
0x181: {  	v43 =	vld [tilespmem:s29+$0x2F40]  }
0x182: {  	v62 =	vld [tilespmem:s29+$0x2F50];
	v14 =	vadd.f32 v14, v39  }
0x183: {  	v63 =	vld [tilespmem:s29+$0x2F60];
	v15 =	vadd.f32 v15, v40  }
0x184: {  	[tilespmem:s29+$0x2F00] =	vst v14;
	v14 =	vadd.f32 v16, v41;
	v16 =	vld [tilespmem:s29+$0x2F70]  }
0x185: {  	[tilespmem:s29+$0x2F10] =	vst v15;
	v15 =	vadd.f32 v17, v42;
	v17 =	vld [tilespmem:s29+$0x3300]  }
0x186: {  	[tilespmem:s29+$0x2F20] =	vst v14;
	v14 =	vadd.f32 v18, v43;
	v18 =	vld [tilespmem:s29+$0x3310]  }
0x187: {  	[tilespmem:s29+$0x2F30] =	vst v15;
	v15 =	vadd.f32 v19, v62;
	v19 =	vld [tilespmem:s29+$0x3320]  }
0x188: {  	[tilespmem:s29+$0x2F40] =	vst v14;
	v14 =	vadd.f32 v20, v63;
	v20 =	vld [tilespmem:s29+$0x3330]  }
0x189: {  	[tilespmem:s29+$0x2F50] =	vst v15;
	v15 =	vadd.f32 v21, v16;
	v16 =	vld [tilespmem:s29+$0x3340]  }
0x18a: {  	[tilespmem:s29+$0x2F60] =	vst v14;
	v14 =	vadd.f32 v22, v17;
	v17 =	vld [tilespmem:s29+$0x3350]  }
0x18b: {  	[tilespmem:s29+$0x2F70] =	vst v15;
	v15 =	vadd.f32 v23, v18;
	v18 =	vld [tilespmem:s29+$0x3360]  }
0x18c: {  	[tilespmem:s29+$0x3300] =	vst v14;
	v14 =	vadd.f32 v24, v19;
	v19 =	vld [tilespmem:s29+$0x3370]  }
0x18d: {  	[tilespmem:s29+$0x3310] =	vst v15;
	v15 =	vadd.f32 v25, v20;
	v20 =	vld [tilespmem:s29+$0x3700]  }
0x18e: {  	[tilespmem:s29+$0x3320] =	vst v14;
	v14 =	vadd.f32 v26, v16;
	v16 =	vld [tilespmem:s29+$0x3710]  }
0x18f: {  	[tilespmem:s29+$0x3330] =	vst v15;
	v15 =	vadd.f32 v27, v17;
	v17 =	vld [tilespmem:s29+$0x3720]  }
0x190: {  	[tilespmem:s29+$0x3340] =	vst v14;
	v14 =	vadd.f32 v28, v18;
	v18 =	vld [tilespmem:s29+$0x3730]  }
0x191: {  	[tilespmem:s29+$0x3350] =	vst v15;
	v15 =	vadd.f32 v29, v19;
	v19 =	vld [tilespmem:s29+$0x3740]  }
0x192: {  	[tilespmem:s29+$0x3360] =	vst v14;
	v14 =	vadd.f32 v30, v20;
	v20 =	vld [tilespmem:s29+$0x3750]  }
0x193: {  	v21 =	vld [tilespmem:s29+$0x3760];
	[tilespmem:s29+$0x3370] =	vst v15;
	v15 =	vadd.f32 v31, v16  }
0x194: {  	v22 =	vld [tilespmem:s29+$0x3770];
	[tilespmem:s29+$0x3700] =	vst v14;
	v14 =	vadd.f32 v32, v17  }
0x195: {  	[tilespmem:s29+$0x3710] =	vst v15;
	v15 =	vadd.f32 v33, v18;
	v18 =	vld [tilespmem:s29+$0x3B00]  }
0x196: {  	v17 =	vld [tilespmem:s29+$0x3B10];
	[tilespmem:s29+$0x3720] =	vst v14;
	v14 =	vadd.f32 v34, v19  }
0x197: {  	v16 =	vld [tilespmem:s29+$0x3B20];
	[tilespmem:s29+$0x3730] =	vst v15;
	v15 =	vadd.f32 v35, v20  }
0x198: {  	v19 =	vadd.f32 v36, v21;
	[tilespmem:s29+$0x3740] =	vst v14;
	v14 =	vld [tilespmem:s29+$0x3B30]  }
0x199: {  	v20 =	vadd.f32 v37, v22;
	[tilespmem:s29+$0x3750] =	vst v15;
	v15 =	vld [tilespmem:s29+$0x3B40]  }
0x19a: {  	s30 =	simm.s32 $0x200;
	s28 =	simm.s32 $0x80;
	[tilespmem:s29+$0x3760] =	vst v19;
	v19 =	vadd.f32 v38, v18;
	v18 =	vld [tilespmem:s29+$0x3B50]  }
.LBB2_5:
0x19b: {  	s2 =	sand.u32 $0x1000, s30;
	s31 =	sand.u32 $0x380, s28;
	p1 =	sne.s32 s30, $0x1E00;
	[tilespmem:s29+$0x3770] =	vst v20;
	v13 =	vadd.f32 v13, v17;
	v17 =	vld [tilespmem:s29+$0x3B60]  }
0x19c: {  	s2 =	sor.u32 s31, s2;
	[tilespmem:s29+$0x3B00] =	vst v19;
	v12 =	vadd.f32 v12, v16;
	v16 =	vld [tilespmem:s29+$0x3B70]  }
0x19d: {  	v19 =	vld [tilespmem:s2+$0xAF00];
	[tilespmem:s29+$0x3B10] =	vst v13;
	v11 =	vadd.f32 v11, v14  }
0x19e: {  	v14 =	vld [tilespmem:s2+$0xAF10];
	[tilespmem:s29+$0x3B20] =	vst v12;
	v10 =	vadd.f32 v10, v15  }
0x19f: {  	v15 =	vld [tilespmem:s2+$0xAF20];
	[tilespmem:s29+$0x3B30] =	vst v11;
	v9 =	vadd.f32 v9, v18  }
0x1a0: {  	v18 =	vld [tilespmem:s2+$0xAF30];
	[tilespmem:s29+$0x3B40] =	vst v10;
	v8 =	vadd.f32 v8, v17  }
0x1a1: {  	v17 =	vld [tilespmem:s2+$0xAF40];
	[tilespmem:s29+$0x3B50] =	vst v9;
	v7 =	vadd.f32 v7, v16  }
0x1a2: {  	v16 =	vld [tilespmem:s2+$0xAF50];
	[tilespmem:s29+$0x3B60] =	vst v8  }
0x1a3: {  	v20 =	vld [tilespmem:s2+$0xAF60];
	[tilespmem:s29+$0x3B70] =	vst v7;
	s29 =	smov.u32 s2  }
0x1a4: {  	v21 =	vld [tilespmem:s29+$0xAF70]  }
0x1a5: {  	v22 =	vld [tilespmem:s29+$0xB300]  }
0x1a6: {  	v23 =	vld [tilespmem:s29+$0xB310]  }
0x1a7: {  	v24 =	vld [tilespmem:s29+$0xB320]  }
0x1a8: {  	v25 =	vld [tilespmem:s29+$0xB330]  }
0x1a9: {  	v26 =	vld [tilespmem:s29+$0xB340]  }
0x1aa: {  	v27 =	vld [tilespmem:s29+$0xB350]  }
0x1ab: {  	v28 =	vld [tilespmem:s29+$0xB360]  }
0x1ac: {  	v29 =	vld [tilespmem:s29+$0xB370]  }
0x1ad: {  	v30 =	vld [tilespmem:s29+$0xB700]  }
0x1ae: {  	v31 =	vld [tilespmem:s29+$0xB710]  }
0x1af: {  	v32 =	vld [tilespmem:s29+$0xB720]  }
0x1b0: {  	v33 =	vld [tilespmem:s29+$0xB730]  }
0x1b1: {  	v34 =	vld [tilespmem:s29+$0xB740]  }
0x1b2: {  	v35 =	vld [tilespmem:s29+$0xB750]  }
0x1b3: {  	v36 =	vld [tilespmem:s29+$0xB760]  }
0x1b4: {  	v37 =	vld [tilespmem:s29+$0xB770]  }
0x1b5: {  	v38 =	vld [tilespmem:s29+$0xBB00]  }
0x1b6: {  	v13 =	vld [tilespmem:s29+$0xBB10]  }
0x1b7: {  	v12 =	vld [tilespmem:s29+$0xBB20]  }
0x1b8: {  	v11 =	vld [tilespmem:s29+$0xBB30]  }
0x1b9: {  	v10 =	vld [tilespmem:s29+$0xBB40]  }
0x1ba: {  	v9 =	vld [tilespmem:s29+$0xBB50]  }
0x1bb: {  	v8 =	vld [tilespmem:s29+$0xBB60]  }
0x1bc: {  	v7 =	vld [tilespmem:s29+$0xBB70]  }
0x1bd: {  	v39 =	vld [tilespmem:s29+$0x2F00]  }
0x1be: {  	v40 =	vld [tilespmem:s29+$0x2F10]  }
0x1bf: {  	v41 =	vld [tilespmem:s29+$0x2F20]  }
0x1c0: {  	v42 =	vld [tilespmem:s29+$0x2F30]  }
0x1c1: {  	v43 =	vld [tilespmem:s29+$0x2F40]  }
0x1c2: {  	v19 =	vadd.f32 v19, v39;
	v39 =	vld [tilespmem:s29+$0x2F50]  }
0x1c3: {  	v14 =	vadd.f32 v14, v40;
	v40 =	vld [tilespmem:s29+$0x2F60]  }
0x1c4: {  	[tilespmem:s29+$0x2F00] =	vst v19;
	v15 =	vadd.f32 v15, v41;
	v19 =	vld [tilespmem:s29+$0x2F70]  }
0x1c5: {  	[tilespmem:s29+$0x2F10] =	vst v14;
	v14 =	vadd.f32 v18, v42;
	v18 =	vld [tilespmem:s29+$0x3300]  }
0x1c6: {  	[tilespmem:s29+$0x2F20] =	vst v15;
	v15 =	vadd.f32 v17, v43;
	v17 =	vld [tilespmem:s29+$0x3310]  }
0x1c7: {  	[tilespmem:s29+$0x2F30] =	vst v14;
	v14 =	vadd.f32 v16, v39;
	v16 =	vld [tilespmem:s29+$0x3320]  }
0x1c8: {  	[tilespmem:s29+$0x2F40] =	vst v15;
	v15 =	vadd.f32 v20, v40;
	v20 =	vld [tilespmem:s29+$0x3330]  }
0x1c9: {  	[tilespmem:s29+$0x2F50] =	vst v14;
	v14 =	vadd.f32 v21, v19;
	v19 =	vld [tilespmem:s29+$0x3340]  }
0x1ca: {  	[tilespmem:s29+$0x2F60] =	vst v15;
	v15 =	vadd.f32 v22, v18;
	v18 =	vld [tilespmem:s29+$0x3350]  }
0x1cb: {  	[tilespmem:s29+$0x2F70] =	vst v14;
	v14 =	vadd.f32 v23, v17;
	v17 =	vld [tilespmem:s29+$0x3360]  }
0x1cc: {  	[tilespmem:s29+$0x3300] =	vst v15;
	v15 =	vadd.f32 v24, v16;
	v16 =	vld [tilespmem:s29+$0x3370]  }
0x1cd: {  	[tilespmem:s29+$0x3310] =	vst v14;
	v14 =	vadd.f32 v25, v20;
	v20 =	vld [tilespmem:s29+$0x3700]  }
0x1ce: {  	[tilespmem:s29+$0x3320] =	vst v15;
	v15 =	vadd.f32 v26, v19;
	v19 =	vld [tilespmem:s29+$0x3710]  }
0x1cf: {  	[tilespmem:s29+$0x3330] =	vst v14;
	v14 =	vadd.f32 v27, v18;
	v18 =	vld [tilespmem:s29+$0x3720]  }
0x1d0: {  	[tilespmem:s29+$0x3340] =	vst v15;
	v15 =	vadd.f32 v28, v17;
	v17 =	vld [tilespmem:s29+$0x3730]  }
0x1d1: {  	[tilespmem:s29+$0x3350] =	vst v14;
	v14 =	vadd.f32 v29, v16;
	v16 =	vld [tilespmem:s29+$0x3740]  }
0x1d2: {  	[tilespmem:s29+$0x3360] =	vst v15;
	v15 =	vadd.f32 v30, v20;
	v20 =	vld [tilespmem:s29+$0x3750]  }
0x1d3: {  	[tilespmem:s29+$0x3370] =	vst v14;
	v14 =	vadd.f32 v31, v19;
	v19 =	vld [tilespmem:s29+$0x3760]  }
0x1d4: {  	[tilespmem:s29+$0x3700] =	vst v15;
	v15 =	vadd.f32 v32, v18;
	v18 =	vld [tilespmem:s29+$0x3770]  }
0x1d5: {  	[tilespmem:s29+$0x3710] =	vst v14;
	v14 =	vadd.f32 v33, v17;
	v21 =	vld [tilespmem:s29+$0x3B00]  }
.Ltmp1:
0x1d6: {  	[tilespmem:s29+$0x3720] =	vst v15;
	v15 =	vadd.f32 v34, v16;
	v17 =	vld [tilespmem:s29+$0x3B10];
	(pc) =	sbr.rel @p1 .LBB2_5-.Ltmp1, $4  }
0x1d7: {  	[tilespmem:s29+$0x3730] =	vst v14;
	v20 =	vadd.f32 v35, v20;
	v16 =	vld [tilespmem:s29+$0x3B20]  }
0x1d8: {  	[tilespmem:s29+$0x3740] =	vst v15;
	v19 =	vadd.f32 v36, v19;
	v14 =	vld [tilespmem:s29+$0x3B30]  }
0x1d9: {  	[tilespmem:s29+$0x3750] =	vst v20;
	v20 =	vadd.f32 v37, v18;
	v15 =	vld [tilespmem:s29+$0x3B40]  }
0x1da: {  	s28 =	sadd.s32 $0x80, s28;
	s30 =	sadd.s32 $0x200, s30;
	[tilespmem:s29+$0x3760] =	vst v19;
	v19 =	vadd.f32 v38, v21;
	v18 =	vld [tilespmem:s29+$0x3B50]  }
0x1db: {  	[tilespmem:s29+$0x3770] =	vst v20;
	v13 =	vadd.f32 v13, v17;
	v17 =	vld [tilespmem:s29+$0x3B60]  }
0x1dc: {  	[tilespmem:s29+$0x3B00] =	vst v19;
	v12 =	vadd.f32 v12, v16;
	v16 =	vld [tilespmem:s29+$0x3B70]  }
0x1dd: {  	[tilespmem:s29+$0x3B10] =	vst v13;
	v11 =	vadd.f32 v11, v14  }
0x1de: {  	[tilespmem:s29+$0x3B20] =	vst v12;
	v10 =	vadd.f32 v10, v15  }
0x1df: {  	[tilespmem:s29+$0x3B30] =	vst v11;
	v9 =	vadd.f32 v9, v18  }
0x1e0: {  	s28 =	sshll.u32 s15, $0x6;
	[tilespmem:s29+$0x3B40] =	vst v10;
	v8 =	vadd.f32 v8, v17  }
0x1e1: {  	s2 =	sadd.s32 s28, s11;
	[tilespmem:s29+$0x3B50] =	vst v9;
	v7 =	vadd.f32 v7, v16  }
0x1e2: {  	s2 =	sshll.u32 s2, $0x6;
	[tilespmem:s29+$0x3B60] =	vst v8  }
0x1e3: {  	s2 =	sadd.s32 s3, s2;
	[tilespmem:s29+$0x3B70] =	vst v7  }
0x1e4: {  	[hbm4b:s2+s5] =	stream.linear.scatter [tilespmem:s25], [sflag:$0xA], $0x2000, $0x38;
	[tilespmem:$0x10F00] =	vst v63  }
0x1e5: {  	s2 =	simm.s32 @!p0 $0xA  }
0x1e6: {  	s29 =	sadd.s32 @!p0 $0x50, s28;
	_ =	swait.ge @!p0 [sflag:s2], $0x2000  }
0x1e7: {  	v7 =	vlaneseq.u32 @!p0;
	s29 =	sadd.s32 @!p0 s4, s29;
	[sflag:s2] =	ssyncset.done @!p0 $0x0  }
0x1e8: {  	v8 =	vor.u32 @!p0 s29, v7;
	[sflag:s2] =	ssyncadd.s32 @!p0 $0xFFFFE000  }
0x1e9: {  	v9 =	vmulhi.u32 @!p0 $0x51EB851F, v8;
	v10 =	vld @!p0 [tilespmem:s28+$0x6D0];
	_ =	sdelay $0x1  }
0x1ea: {  	v9 =	vshrl.u32 @!p0 v9, $0x4  }
0x1eb: {  	v9 =	vmul.u32 @!p0 $0x32, v9;
	_ =	sdelay $0x1  }
0x1ec: {  	v8 =	vsub.s32 @!p0 v8, v9;
	v9 =	vshll.u32 @!p0 v10, $0x6  }
0x1ed: {  	v8 =	vor.u32 @!p0 v8, v9  }
0x1ee: {  	[tilespmem:$0xD80] =	vst @!p0 v8  }
0x1ef: {  	v8 =	vld @!p0 [tilespmem:s28+$0x50];
	_ =	sdelay $0x4  }
0x1f0: {  	v9 =	vshll.u32 @!p0 v8, $0x2  }
0x1f1: {  	v8 =	vand.u32 @!p0 $0x7, v8;
	v9 =	vand.u32 @!p0 $0xFFFFFFE0, v9  }
0x1f2: {  	v10 =	vshrl.u32 @!p0 v7, $0x3;
	v8 =	vor.u32 @!p0 v8, v9;
	v9 =	vand.u32 @!p0 $0x7, v7  }
0x1f3: {  	v10 =	vmul.u32 @!p0 $0x8, v10;
	v11 =	vperm.xlane @!p0 v8, v9;
	_ =	sdelay $0x1  }
0x1f4: {  	v11 =	vadd.s32 @!p0 v10, v11  }
0x1f5: {  	v7 =	vor.u32 @!p0 $0x8, v7  }
0x1f6: {  	v8 =	vperm.xlane @!p0 v8, v7;
	_ =	sdelay $0x1  }
0x1f7: {  	s29 =	simm.s32 @!p0 $0x2F00;
	s2 =	simm.s32 @!p0 $0x0;
	v8 =	vadd.s32 @!p0 v10, v8  }
0x1f8: {  	[tilespmem:s29], [sflag:$0x2] =	stream.indirect_vreg.gather @!p0 [hbm4b:s1+s2], $0x80, v11, vm1, $0xb8;
	[tilespmem:$0x10F00] =	vst v63  }
0x1f9: {  	s29 =	simm.s32 @!p0 $0x3700  }
0x1fa: {  	[tilespmem:s29], [sflag:$0x2] =	stream.indirect_vreg.gather @!p0 [hbm4b:s9+s2], $0x80, v11, vm1, $0xb8;
	[tilespmem:$0x10F00] =	vst v63  }
0x1fb: {  	s29 =	simm.s32 @!p0 $0x3F00  }
0x1fc: {  	[tilespmem:s29], [sflag:$0x2] =	stream.indirect_vreg.gather @!p0 [hbm4b:s1+s2], $0x80, v8, vm1, $0xb8;
	[tilespmem:$0x10F00] =	vst v63  }
0x1fd: {  	s29 =	simm.s32 @!p0 $0x4700  }
0x1fe: {  	[tilespmem:s29], [sflag:$0x2] =	stream.indirect_vreg.gather @!p0 [hbm4b:s9+s2], $0x80, v8, vm1, $0xb8;
	[tilespmem:$0x10F00] =	vst v63  }
0x1ff: {  	v8 =	vld @!p0 [tilespmem:$0xD80];
	_ =	sdelay $0x4  }
0x200: {  	v11 =	vshll.u32 @!p0 v8, $0x2  }
0x201: {  	v8 =	vand.u32 @!p0 $0x7, v8;
	v11 =	vand.u32 @!p0 $0xFFFFFFE0, v11  }
0x202: {  	v8 =	vor.u32 @!p0 v8, v11  }
0x203: {  	v9 =	vperm.xlane @!p0 v8, v9;
	_ =	sdelay $0x1  }
0x204: {  	v9 =	vadd.s32 @!p0 v10, v9;
	_ =	sdelay $0x1  }
0x205: {  	v7 =	vperm.xlane @!p0 v8, v7;
	_ =	sdelay $0x1  }
0x206: {  	s29 =	simm.s32 @!p0 $0xAF00;
	v7 =	vadd.s32 @!p0 v10, v7  }
0x207: {  	[tilespmem:s29], [sflag:$0x6] =	stream.indirect_vreg.gather @!p0 [hbm4b:s6+s2], $0x80, v9, vm1, $0xb8;
	[tilespmem:$0x10F00] =	vst v63  }
0x208: {  	s29 =	simm.s32 @!p0 $0xB700  }
0x209: {  	[tilespmem:s29], [sflag:$0x6] =	stream.indirect_vreg.gather @!p0 [hbm4b:s10+s2], $0x80, v9, vm1, $0xb8;
	[tilespmem:$0x10F00] =	vst v63  }
0x20a: {  	s29 =	simm.s32 @!p0 $0xBF00  }
0x20b: {  	[tilespmem:s29], [sflag:$0x6] =	stream.indirect_vreg.gather @!p0 [hbm4b:s6+s2], $0x80, v7, vm1, $0xb8;
	[tilespmem:$0x10F00] =	vst v63  }
0x20c: {  	s29 =	simm.s32 @!p0 $0xC700  }
0x20d: {  	[tilespmem:s29], [sflag:$0x6] =	stream.indirect_vreg.gather @!p0 [hbm4b:s10+s2], $0x80, v7, vm1, $0xb8;
	[tilespmem:$0x10F00] =	vst v63  }
0x20e: {  	_ =	swait.ge [sflag:s23], $0x2000  }
0x20f: {  	[sflag:s23] =	ssyncset.done $0x0  }
0x210: {  	[sflag:s23] =	ssyncadd.s32 $0xFFFFE000  }
0x211: {  	s0 =	simm.s32 $0x0;
	_ =	swait.ge [sflag:s24], $0x2000  }
0x212: {  	s29 =	sand.u32 $0x1000, s0;
	s2 =	sand.u32 $0x380, s0;
	[sflag:s24] =	ssyncset.done $0x0  }
0x213: {  	s29 =	sor.u32 s2, s29;
	[sflag:s24] =	ssyncadd.s32 $0xFFFFE000  }
0x214: {  	v14 =	vld [tilespmem:s29+$0xCF00]  }
0x215: {  	v15 =	vld [tilespmem:s29+$0xCF10]  }
0x216: {  	v16 =	vld [tilespmem:s29+$0xCF20]  }
0x217: {  	v17 =	vld [tilespmem:s29+$0xCF30]  }
0x218: {  	v18 =	vld [tilespmem:s29+$0xCF40]  }
0x219: {  	v19 =	vld [tilespmem:s29+$0xCF50]  }
0x21a: {  	v20 =	vld [tilespmem:s29+$0xCF60]  }
0x21b: {  	v21 =	vld [tilespmem:s29+$0xCF70]  }
0x21c: {  	v22 =	vld [tilespmem:s29+$0xD300]  }
0x21d: {  	v23 =	vld [tilespmem:s29+$0xD310]  }
0x21e: {  	v24 =	vld [tilespmem:s29+$0xD320]  }
0x21f: {  	v25 =	vld [tilespmem:s29+$0xD330]  }
0x220: {  	v26 =	vld [tilespmem:s29+$0xD340]  }
0x221: {  	v27 =	vld [tilespmem:s29+$0xD350]  }
0x222: {  	v28 =	vld [tilespmem:s29+$0xD360]  }
0x223: {  	v29 =	vld [tilespmem:s29+$0xD370]  }
0x224: {  	v30 =	vld [tilespmem:s29+$0xD700]  }
0x225: {  	v31 =	vld [tilespmem:s29+$0xD710]  }
0x226: {  	v32 =	vld [tilespmem:s29+$0xD720]  }
0x227: {  	v33 =	vld [tilespmem:s29+$0xD730]  }
0x228: {  	v34 =	vld [tilespmem:s29+$0xD740]  }
0x229: {  	v35 =	vld [tilespmem:s29+$0xD750]  }
0x22a: {  	v36 =	vld [tilespmem:s29+$0xD760]  }
0x22b: {  	v37 =	vld [tilespmem:s29+$0xD770]  }
0x22c: {  	v38 =	vld [tilespmem:s29+$0xDB00]  }
0x22d: {  	v13 =	vld [tilespmem:s29+$0xDB10]  }
0x22e: {  	v12 =	vld [tilespmem:s29+$0xDB20]  }
0x22f: {  	v11 =	vld [tilespmem:s29+$0xDB30]  }
0x230: {  	v10 =	vld [tilespmem:s29+$0xDB40]  }
0x231: {  	v9 =	vld [tilespmem:s29+$0xDB50]  }
0x232: {  	v8 =	vld [tilespmem:s29+$0xDB60]  }
0x233: {  	v7 =	vld [tilespmem:s29+$0xDB70]  }
0x234: {  	v39 =	vld [tilespmem:s29+$0x4F00]  }
0x235: {  	v40 =	vld [tilespmem:s29+$0x4F10]  }
0x236: {  	v41 =	vld [tilespmem:s29+$0x4F20]  }
0x237: {  	v42 =	vld [tilespmem:s29+$0x4F30]  }
0x238: {  	v43 =	vld [tilespmem:s29+$0x4F40]  }
0x239: {  	v62 =	vld [tilespmem:s29+$0x4F50];
	v14 =	vadd.f32 v14, v39  }
0x23a: {  	v63 =	vld [tilespmem:s29+$0x4F60];
	v15 =	vadd.f32 v15, v40  }
0x23b: {  	[tilespmem:s29+$0x4F00] =	vst v14;
	v14 =	vadd.f32 v16, v41;
	v16 =	vld [tilespmem:s29+$0x4F70]  }
0x23c: {  	[tilespmem:s29+$0x4F10] =	vst v15;
	v15 =	vadd.f32 v17, v42;
	v17 =	vld [tilespmem:s29+$0x5300]  }
0x23d: {  	[tilespmem:s29+$0x4F20] =	vst v14;
	v14 =	vadd.f32 v18, v43;
	v18 =	vld [tilespmem:s29+$0x5310]  }
0x23e: {  	[tilespmem:s29+$0x4F30] =	vst v15;
	v15 =	vadd.f32 v19, v62;
	v19 =	vld [tilespmem:s29+$0x5320]  }
0x23f: {  	[tilespmem:s29+$0x4F40] =	vst v14;
	v14 =	vadd.f32 v20, v63;
	v20 =	vld [tilespmem:s29+$0x5330]  }
0x240: {  	[tilespmem:s29+$0x4F50] =	vst v15;
	v15 =	vadd.f32 v21, v16;
	v16 =	vld [tilespmem:s29+$0x5340]  }
0x241: {  	[tilespmem:s29+$0x4F60] =	vst v14;
	v14 =	vadd.f32 v22, v17;
	v17 =	vld [tilespmem:s29+$0x5350]  }
0x242: {  	[tilespmem:s29+$0x4F70] =	vst v15;
	v15 =	vadd.f32 v23, v18;
	v18 =	vld [tilespmem:s29+$0x5360]  }
0x243: {  	[tilespmem:s29+$0x5300] =	vst v14;
	v14 =	vadd.f32 v24, v19;
	v19 =	vld [tilespmem:s29+$0x5370]  }
0x244: {  	[tilespmem:s29+$0x5310] =	vst v15;
	v15 =	vadd.f32 v25, v20;
	v20 =	vld [tilespmem:s29+$0x5700]  }
0x245: {  	[tilespmem:s29+$0x5320] =	vst v14;
	v14 =	vadd.f32 v26, v16;
	v16 =	vld [tilespmem:s29+$0x5710]  }
0x246: {  	[tilespmem:s29+$0x5330] =	vst v15;
	v15 =	vadd.f32 v27, v17;
	v17 =	vld [tilespmem:s29+$0x5720]  }
0x247: {  	[tilespmem:s29+$0x5340] =	vst v14;
	v14 =	vadd.f32 v28, v18;
	v18 =	vld [tilespmem:s29+$0x5730]  }
0x248: {  	[tilespmem:s29+$0x5350] =	vst v15;
	v15 =	vadd.f32 v29, v19;
	v19 =	vld [tilespmem:s29+$0x5740]  }
0x249: {  	[tilespmem:s29+$0x5360] =	vst v14;
	v14 =	vadd.f32 v30, v20;
	v20 =	vld [tilespmem:s29+$0x5750]  }
0x24a: {  	v21 =	vld [tilespmem:s29+$0x5760];
	[tilespmem:s29+$0x5370] =	vst v15;
	v15 =	vadd.f32 v31, v16  }
0x24b: {  	v22 =	vld [tilespmem:s29+$0x5770];
	[tilespmem:s29+$0x5700] =	vst v14;
	v14 =	vadd.f32 v32, v17  }
0x24c: {  	[tilespmem:s29+$0x5710] =	vst v15;
	v15 =	vadd.f32 v33, v18;
	v18 =	vld [tilespmem:s29+$0x5B00]  }
0x24d: {  	v17 =	vld [tilespmem:s29+$0x5B10];
	[tilespmem:s29+$0x5720] =	vst v14;
	v14 =	vadd.f32 v34, v19  }
0x24e: {  	v16 =	vld [tilespmem:s29+$0x5B20];
	[tilespmem:s29+$0x5730] =	vst v15;
	v15 =	vadd.f32 v35, v20  }
0x24f: {  	v19 =	vadd.f32 v36, v21;
	[tilespmem:s29+$0x5740] =	vst v14;
	v14 =	vld [tilespmem:s29+$0x5B30]  }
0x250: {  	v20 =	vadd.f32 v37, v22;
	[tilespmem:s29+$0x5750] =	vst v15;
	v15 =	vld [tilespmem:s29+$0x5B40]  }
0x251: {  	s30 =	simm.s32 $0x80;
	s31 =	simm.s32 $0x200;
	[tilespmem:s29+$0x5760] =	vst v19;
	v19 =	vadd.f32 v38, v18;
	v18 =	vld [tilespmem:s29+$0x5B50]  }
.LBB2_7:
0x252: {  	s2 =	sand.u32 $0x1000, s31;
	s0 =	sand.u32 $0x380, s30;
	p1 =	sne.s32 s31, $0x1E00;
	[tilespmem:s29+$0x5770] =	vst v20;
	v13 =	vadd.f32 v13, v17;
	v17 =	vld [tilespmem:s29+$0x5B60]  }
0x253: {  	s0 =	sor.u32 s0, s2;
	[tilespmem:s29+$0x5B00] =	vst v19;
	v12 =	vadd.f32 v12, v16;
	v16 =	vld [tilespmem:s29+$0x5B70]  }
0x254: {  	v19 =	vld [tilespmem:s0+$0xCF00];
	[tilespmem:s29+$0x5B10] =	vst v13;
	v11 =	vadd.f32 v11, v14  }
0x255: {  	v14 =	vld [tilespmem:s0+$0xCF10];
	[tilespmem:s29+$0x5B20] =	vst v12;
	v10 =	vadd.f32 v10, v15  }
0x256: {  	v15 =	vld [tilespmem:s0+$0xCF20];
	[tilespmem:s29+$0x5B30] =	vst v11;
	v9 =	vadd.f32 v9, v18  }
0x257: {  	v18 =	vld [tilespmem:s0+$0xCF30];
	[tilespmem:s29+$0x5B40] =	vst v10;
	v8 =	vadd.f32 v8, v17  }
0x258: {  	v17 =	vld [tilespmem:s0+$0xCF40];
	[tilespmem:s29+$0x5B50] =	vst v9;
	v7 =	vadd.f32 v7, v16  }
0x259: {  	v16 =	vld [tilespmem:s0+$0xCF50];
	[tilespmem:s29+$0x5B60] =	vst v8  }
0x25a: {  	v20 =	vld [tilespmem:s0+$0xCF60];
	[tilespmem:s29+$0x5B70] =	vst v7;
	s29 =	smov.u32 s0  }
0x25b: {  	v21 =	vld [tilespmem:s29+$0xCF70]  }
0x25c: {  	v22 =	vld [tilespmem:s29+$0xD300]  }
0x25d: {  	v23 =	vld [tilespmem:s29+$0xD310]  }
0x25e: {  	v24 =	vld [tilespmem:s29+$0xD320]  }
0x25f: {  	v25 =	vld [tilespmem:s29+$0xD330]  }
0x260: {  	v26 =	vld [tilespmem:s29+$0xD340]  }
0x261: {  	v27 =	vld [tilespmem:s29+$0xD350]  }
0x262: {  	v28 =	vld [tilespmem:s29+$0xD360]  }
0x263: {  	v29 =	vld [tilespmem:s29+$0xD370]  }
0x264: {  	v30 =	vld [tilespmem:s29+$0xD700]  }
0x265: {  	v31 =	vld [tilespmem:s29+$0xD710]  }
0x266: {  	v32 =	vld [tilespmem:s29+$0xD720]  }
0x267: {  	v33 =	vld [tilespmem:s29+$0xD730]  }
0x268: {  	v34 =	vld [tilespmem:s29+$0xD740]  }
0x269: {  	v35 =	vld [tilespmem:s29+$0xD750]  }
0x26a: {  	v36 =	vld [tilespmem:s29+$0xD760]  }
0x26b: {  	v37 =	vld [tilespmem:s29+$0xD770]  }
0x26c: {  	v38 =	vld [tilespmem:s29+$0xDB00]  }
0x26d: {  	v13 =	vld [tilespmem:s29+$0xDB10]  }
0x26e: {  	v12 =	vld [tilespmem:s29+$0xDB20]  }
0x26f: {  	v11 =	vld [tilespmem:s29+$0xDB30]  }
0x270: {  	v10 =	vld [tilespmem:s29+$0xDB40]  }
0x271: {  	v9 =	vld [tilespmem:s29+$0xDB50]  }
0x272: {  	v8 =	vld [tilespmem:s29+$0xDB60]  }
0x273: {  	v7 =	vld [tilespmem:s29+$0xDB70]  }
0x274: {  	v39 =	vld [tilespmem:s29+$0x4F00]  }
0x275: {  	v40 =	vld [tilespmem:s29+$0x4F10]  }
0x276: {  	v41 =	vld [tilespmem:s29+$0x4F20]  }
0x277: {  	v42 =	vld [tilespmem:s29+$0x4F30]  }
0x278: {  	v43 =	vld [tilespmem:s29+$0x4F40]  }
0x279: {  	v19 =	vadd.f32 v19, v39;
	v39 =	vld [tilespmem:s29+$0x4F50]  }
0x27a: {  	v14 =	vadd.f32 v14, v40;
	v40 =	vld [tilespmem:s29+$0x4F60]  }
0x27b: {  	[tilespmem:s29+$0x4F00] =	vst v19;
	v15 =	vadd.f32 v15, v41;
	v19 =	vld [tilespmem:s29+$0x4F70]  }
0x27c: {  	[tilespmem:s29+$0x4F10] =	vst v14;
	v14 =	vadd.f32 v18, v42;
	v18 =	vld [tilespmem:s29+$0x5300]  }
0x27d: {  	[tilespmem:s29+$0x4F20] =	vst v15;
	v15 =	vadd.f32 v17, v43;
	v17 =	vld [tilespmem:s29+$0x5310]  }
0x27e: {  	[tilespmem:s29+$0x4F30] =	vst v14;
	v14 =	vadd.f32 v16, v39;
	v16 =	vld [tilespmem:s29+$0x5320]  }
0x27f: {  	[tilespmem:s29+$0x4F40] =	vst v15;
	v15 =	vadd.f32 v20, v40;
	v20 =	vld [tilespmem:s29+$0x5330]  }
0x280: {  	[tilespmem:s29+$0x4F50] =	vst v14;
	v14 =	vadd.f32 v21, v19;
	v19 =	vld [tilespmem:s29+$0x5340]  }
0x281: {  	[tilespmem:s29+$0x4F60] =	vst v15;
	v15 =	vadd.f32 v22, v18;
	v18 =	vld [tilespmem:s29+$0x5350]  }
0x282: {  	[tilespmem:s29+$0x4F70] =	vst v14;
	v14 =	vadd.f32 v23, v17;
	v17 =	vld [tilespmem:s29+$0x5360]  }
0x283: {  	[tilespmem:s29+$0x5300] =	vst v15;
	v15 =	vadd.f32 v24, v16;
	v16 =	vld [tilespmem:s29+$0x5370]  }
0x284: {  	[tilespmem:s29+$0x5310] =	vst v14;
	v14 =	vadd.f32 v25, v20;
	v20 =	vld [tilespmem:s29+$0x5700]  }
0x285: {  	[tilespmem:s29+$0x5320] =	vst v15;
	v15 =	vadd.f32 v26, v19;
	v19 =	vld [tilespmem:s29+$0x5710]  }
0x286: {  	[tilespmem:s29+$0x5330] =	vst v14;
	v14 =	vadd.f32 v27, v18;
	v18 =	vld [tilespmem:s29+$0x5720]  }
0x287: {  	[tilespmem:s29+$0x5340] =	vst v15;
	v15 =	vadd.f32 v28, v17;
	v17 =	vld [tilespmem:s29+$0x5730]  }
0x288: {  	[tilespmem:s29+$0x5350] =	vst v14;
	v14 =	vadd.f32 v29, v16;
	v16 =	vld [tilespmem:s29+$0x5740]  }
0x289: {  	[tilespmem:s29+$0x5360] =	vst v15;
	v15 =	vadd.f32 v30, v20;
	v20 =	vld [tilespmem:s29+$0x5750]  }
0x28a: {  	[tilespmem:s29+$0x5370] =	vst v14;
	v14 =	vadd.f32 v31, v19;
	v19 =	vld [tilespmem:s29+$0x5760]  }
0x28b: {  	[tilespmem:s29+$0x5700] =	vst v15;
	v15 =	vadd.f32 v32, v18;
	v18 =	vld [tilespmem:s29+$0x5770]  }
0x28c: {  	[tilespmem:s29+$0x5710] =	vst v14;
	v14 =	vadd.f32 v33, v17;
	v21 =	vld [tilespmem:s29+$0x5B00]  }
.Ltmp2:
0x28d: {  	[tilespmem:s29+$0x5720] =	vst v15;
	v15 =	vadd.f32 v34, v16;
	v17 =	vld [tilespmem:s29+$0x5B10];
	(pc) =	sbr.rel @p1 .LBB2_7-.Ltmp2, $4  }
0x28e: {  	[tilespmem:s29+$0x5730] =	vst v14;
	v20 =	vadd.f32 v35, v20;
	v16 =	vld [tilespmem:s29+$0x5B20]  }
0x28f: {  	[tilespmem:s29+$0x5740] =	vst v15;
	v19 =	vadd.f32 v36, v19;
	v14 =	vld [tilespmem:s29+$0x5B30]  }
0x290: {  	[tilespmem:s29+$0x5750] =	vst v20;
	v20 =	vadd.f32 v37, v18;
	v15 =	vld [tilespmem:s29+$0x5B40]  }
0x291: {  	s30 =	sadd.s32 $0x80, s30;
	s31 =	sadd.s32 $0x200, s31;
	[tilespmem:s29+$0x5760] =	vst v19;
	v19 =	vadd.f32 v38, v21;
	v18 =	vld [tilespmem:s29+$0x5B50]  }
0x292: {  	[tilespmem:s29+$0x5770] =	vst v20;
	v13 =	vadd.f32 v13, v17;
	v17 =	vld [tilespmem:s29+$0x5B60]  }
0x293: {  	[tilespmem:s29+$0x5B00] =	vst v19;
	v12 =	vadd.f32 v12, v16;
	v16 =	vld [tilespmem:s29+$0x5B70]  }
0x294: {  	[tilespmem:s29+$0x5B10] =	vst v13;
	v11 =	vadd.f32 v11, v14  }
0x295: {  	[tilespmem:s29+$0x5B20] =	vst v12;
	v10 =	vadd.f32 v10, v15  }
0x296: {  	[tilespmem:s29+$0x5B30] =	vst v11;
	v9 =	vadd.f32 v9, v18  }
0x297: {  	[tilespmem:s29+$0x5B40] =	vst v10;
	v8 =	vadd.f32 v8, v17  }
0x298: {  	s0 =	sadd.s32 s28, s12;
	[tilespmem:s29+$0x5B50] =	vst v9;
	v7 =	vadd.f32 v7, v16  }
0x299: {  	s0 =	sshll.u32 s0, $0x6;
	[tilespmem:s29+$0x5B60] =	vst v8  }
0x29a: {  	s0 =	sadd.s32 s3, s0;
	[tilespmem:s29+$0x5B70] =	vst v7  }
0x29b: {  	[hbm4b:s0+s5] =	stream.linear.scatter [tilespmem:s16], [sflag:$0xB], $0x2000, $0x38;
	[tilespmem:$0x10F00] =	vst v63  }
0x29c: {  	s0 =	simm.s32 @!p0 $0xB  }
0x29d: {  	s2 =	sadd.s32 @!p0 $0x60, s28;
	_ =	swait.ge @!p0 [sflag:s0], $0x2000  }
0x29e: {  	s2 =	sadd.s32 @!p0 s4, s2;
	v7 =	vlaneseq.u32 @!p0;
	[sflag:s0] =	ssyncset.done @!p0 $0x0  }
0x29f: {  	v8 =	vor.u32 @!p0 s2, v7;
	[sflag:s0] =	ssyncadd.s32 @!p0 $0xFFFFE000  }
0x2a0: {  	v9 =	vmulhi.u32 @!p0 $0x51EB851F, v8;
	v10 =	vld @!p0 [tilespmem:s28+$0x6E0];
	_ =	sdelay $0x1  }
0x2a1: {  	v9 =	vshrl.u32 @!p0 v9, $0x4  }
0x2a2: {  	v9 =	vmul.u32 @!p0 $0x32, v9;
	_ =	sdelay $0x1  }
0x2a3: {  	v8 =	vsub.s32 @!p0 v8, v9;
	v9 =	vshll.u32 @!p0 v10, $0x6  }
0x2a4: {  	v8 =	vor.u32 @!p0 v8, v9  }
0x2a5: {  	[tilespmem:$0xE00] =	vst @!p0 v8  }
0x2a6: {  	v8 =	vld @!p0 [tilespmem:s28+$0x60];
	_ =	sdelay $0x4  }
0x2a7: {  	v9 =	vshll.u32 @!p0 v8, $0x2  }
0x2a8: {  	v8 =	vand.u32 @!p0 $0x7, v8;
	v9 =	vand.u32 @!p0 $0xFFFFFFE0, v9  }
0x2a9: {  	v10 =	vshrl.u32 @!p0 v7, $0x3;
	v8 =	vor.u32 @!p0 v8, v9;
	v9 =	vand.u32 @!p0 $0x7, v7  }
0x2aa: {  	v10 =	vmul.u32 @!p0 $0x8, v10;
	v11 =	vperm.xlane @!p0 v8, v9;
	_ =	sdelay $0x1  }
0x2ab: {  	v11 =	vadd.s32 @!p0 v10, v11  }
0x2ac: {  	v7 =	vor.u32 @!p0 $0x8, v7  }
0x2ad: {  	v8 =	vperm.xlane @!p0 v8, v7;
	_ =	sdelay $0x1  }
0x2ae: {  	s2 =	simm.s32 @!p0 $0x4F00;
	s0 =	simm.s32 @!p0 $0x0;
	v8 =	vadd.s32 @!p0 v10, v8  }
0x2af: {  	[tilespmem:s2], [sflag:$0x3] =	stream.indirect_vreg.gather @!p0 [hbm4b:s1+s0], $0x80, v11, vm1, $0xb8;
	[tilespmem:$0x10F00] =	vst v63  }
0x2b0: {  	s2 =	simm.s32 @!p0 $0x5700  }
0x2b1: {  	[tilespmem:s2], [sflag:$0x3] =	stream.indirect_vreg.gather @!p0 [hbm4b:s9+s0], $0x80, v11, vm1, $0xb8;
	[tilespmem:$0x10F00] =	vst v63  }
0x2b2: {  	s2 =	simm.s32 @!p0 $0x5F00  }
0x2b3: {  	[tilespmem:s2], [sflag:$0x3] =	stream.indirect_vreg.gather @!p0 [hbm4b:s1+s0], $0x80, v8, vm1, $0xb8;
	[tilespmem:$0x10F00] =	vst v63  }
0x2b4: {  	s2 =	simm.s32 @!p0 $0x6700  }
0x2b5: {  	[tilespmem:s2], [sflag:$0x3] =	stream.indirect_vreg.gather @!p0 [hbm4b:s9+s0], $0x80, v8, vm1, $0xb8;
	[tilespmem:$0x10F00] =	vst v63  }
0x2b6: {  	v8 =	vld @!p0 [tilespmem:$0xE00];
	_ =	sdelay $0x4  }
0x2b7: {  	v11 =	vshll.u32 @!p0 v8, $0x2  }
0x2b8: {  	v8 =	vand.u32 @!p0 $0x7, v8;
	v11 =	vand.u32 @!p0 $0xFFFFFFE0, v11  }
0x2b9: {  	v8 =	vor.u32 @!p0 v8, v11  }
0x2ba: {  	v9 =	vperm.xlane @!p0 v8, v9;
	_ =	sdelay $0x1  }
0x2bb: {  	v9 =	vadd.s32 @!p0 v10, v9;
	_ =	sdelay $0x1  }
0x2bc: {  	v7 =	vperm.xlane @!p0 v8, v7;
	_ =	sdelay $0x1  }
0x2bd: {  	s2 =	simm.s32 @!p0 $0xCF00;
	v7 =	vadd.s32 @!p0 v10, v7  }
0x2be: {  	[tilespmem:s2], [sflag:$0x7] =	stream.indirect_vreg.gather @!p0 [hbm4b:s6+s0], $0x80, v9, vm1, $0xb8;
	[tilespmem:$0x10F00] =	vst v63  }
0x2bf: {  	s2 =	simm.s32 @!p0 $0xD700  }
0x2c0: {  	[tilespmem:s2], [sflag:$0x7] =	stream.indirect_vreg.gather @!p0 [hbm4b:s10+s0], $0x80, v9, vm1, $0xb8;
	[tilespmem:$0x10F00] =	vst v63  }
0x2c1: {  	s2 =	simm.s32 @!p0 $0xDF00  }
0x2c2: {  	[tilespmem:s2], [sflag:$0x7] =	stream.indirect_vreg.gather @!p0 [hbm4b:s6+s0], $0x80, v7, vm1, $0xb8;
	[tilespmem:$0x10F00] =	vst v63  }
0x2c3: {  	s2 =	simm.s32 @!p0 $0xE700  }
0x2c4: {  	[tilespmem:s2], [sflag:$0x7] =	stream.indirect_vreg.gather @!p0 [hbm4b:s10+s0], $0x80, v7, vm1, $0xb8;
	[tilespmem:$0x10F00] =	vst v63  }
0x2c5: {  	_ =	swait.ge [sflag:s7], $0x2000  }
0x2c6: {  	[sflag:s7] =	ssyncset.done $0x0  }
0x2c7: {  	[sflag:s7] =	ssyncadd.s32 $0xFFFFE000  }
0x2c8: {  	s2 =	simm.s32 $0x0;
	_ =	swait.ge [sflag:s8], $0x2000  }
0x2c9: {  	s31 =	sand.u32 $0x1000, s2;
	s0 =	sand.u32 $0x380, s2;
	[sflag:s8] =	ssyncset.done $0x0  }
0x2ca: {  	s28 =	sor.u32 s0, s31;
	[sflag:s8] =	ssyncadd.s32 $0xFFFFE000  }
0x2cb: {  	v14 =	vld [tilespmem:s28+$0xEF00]  }
0x2cc: {  	v15 =	vld [tilespmem:s28+$0xEF10]  }
0x2cd: {  	v16 =	vld [tilespmem:s28+$0xEF20]  }
0x2ce: {  	v17 =	vld [tilespmem:s28+$0xEF30]  }
0x2cf: {  	v18 =	vld [tilespmem:s28+$0xEF40]  }
0x2d0: {  	v19 =	vld [tilespmem:s28+$0xEF50]  }
0x2d1: {  	v20 =	vld [tilespmem:s28+$0xEF60]  }
0x2d2: {  	v21 =	vld [tilespmem:s28+$0xEF70]  }
0x2d3: {  	v22 =	vld [tilespmem:s28+$0xF300]  }
0x2d4: {  	v23 =	vld [tilespmem:s28+$0xF310]  }
0x2d5: {  	v24 =	vld [tilespmem:s28+$0xF320]  }
0x2d6: {  	v25 =	vld [tilespmem:s28+$0xF330]  }
0x2d7: {  	v26 =	vld [tilespmem:s28+$0xF340]  }
0x2d8: {  	v27 =	vld [tilespmem:s28+$0xF350]  }
0x2d9: {  	v28 =	vld [tilespmem:s28+$0xF360]  }
0x2da: {  	v29 =	vld [tilespmem:s28+$0xF370]  }
0x2db: {  	v30 =	vld [tilespmem:s28+$0xF700]  }
0x2dc: {  	v31 =	vld [tilespmem:s28+$0xF710]  }
0x2dd: {  	v32 =	vld [tilespmem:s28+$0xF720]  }
0x2de: {  	v33 =	vld [tilespmem:s28+$0xF730]  }
0x2df: {  	v34 =	vld [tilespmem:s28+$0xF740]  }
0x2e0: {  	v35 =	vld [tilespmem:s28+$0xF750]  }
0x2e1: {  	v36 =	vld [tilespmem:s28+$0xF760]  }
0x2e2: {  	v37 =	vld [tilespmem:s28+$0xF770]  }
0x2e3: {  	v38 =	vld [tilespmem:s28+$0xFB00]  }
0x2e4: {  	v13 =	vld [tilespmem:s28+$0xFB10]  }
0x2e5: {  	v12 =	vld [tilespmem:s28+$0xFB20]  }
0x2e6: {  	v11 =	vld [tilespmem:s28+$0xFB30]  }
0x2e7: {  	v10 =	vld [tilespmem:s28+$0xFB40]  }
0x2e8: {  	v9 =	vld [tilespmem:s28+$0xFB50]  }
0x2e9: {  	v8 =	vld [tilespmem:s28+$0xFB60]  }
0x2ea: {  	v7 =	vld [tilespmem:s28+$0xFB70]  }
0x2eb: {  	v39 =	vld [tilespmem:s28+$0x6F00]  }
0x2ec: {  	v40 =	vld [tilespmem:s28+$0x6F10]  }
0x2ed: {  	v41 =	vld [tilespmem:s28+$0x6F20]  }
0x2ee: {  	v42 =	vld [tilespmem:s28+$0x6F30]  }
0x2ef: {  	v43 =	vld [tilespmem:s28+$0x6F40]  }
0x2f0: {  	v62 =	vld [tilespmem:s28+$0x6F50];
	v14 =	vadd.f32 v14, v39  }
0x2f1: {  	v63 =	vld [tilespmem:s28+$0x6F60];
	v15 =	vadd.f32 v15, v40  }
0x2f2: {  	[tilespmem:s28+$0x6F00] =	vst v14;
	v14 =	vadd.f32 v16, v41;
	v16 =	vld [tilespmem:s28+$0x6F70]  }
0x2f3: {  	[tilespmem:s28+$0x6F10] =	vst v15;
	v15 =	vadd.f32 v17, v42;
	v17 =	vld [tilespmem:s28+$0x7300]  }
0x2f4: {  	[tilespmem:s28+$0x6F20] =	vst v14;
	v14 =	vadd.f32 v18, v43;
	v18 =	vld [tilespmem:s28+$0x7310]  }
0x2f5: {  	[tilespmem:s28+$0x6F30] =	vst v15;
	v15 =	vadd.f32 v19, v62;
	v19 =	vld [tilespmem:s28+$0x7320]  }
0x2f6: {  	[tilespmem:s28+$0x6F40] =	vst v14;
	v14 =	vadd.f32 v20, v63;
	v20 =	vld [tilespmem:s28+$0x7330]  }
0x2f7: {  	[tilespmem:s28+$0x6F50] =	vst v15;
	v15 =	vadd.f32 v21, v16;
	v16 =	vld [tilespmem:s28+$0x7340]  }
0x2f8: {  	[tilespmem:s28+$0x6F60] =	vst v14;
	v14 =	vadd.f32 v22, v17;
	v17 =	vld [tilespmem:s28+$0x7350]  }
0x2f9: {  	[tilespmem:s28+$0x6F70] =	vst v15;
	v15 =	vadd.f32 v23, v18;
	v18 =	vld [tilespmem:s28+$0x7360]  }
0x2fa: {  	[tilespmem:s28+$0x7300] =	vst v14;
	v14 =	vadd.f32 v24, v19;
	v19 =	vld [tilespmem:s28+$0x7370]  }
0x2fb: {  	[tilespmem:s28+$0x7310] =	vst v15;
	v15 =	vadd.f32 v25, v20;
	v20 =	vld [tilespmem:s28+$0x7700]  }
0x2fc: {  	[tilespmem:s28+$0x7320] =	vst v14;
	v14 =	vadd.f32 v26, v16;
	v16 =	vld [tilespmem:s28+$0x7710]  }
0x2fd: {  	[tilespmem:s28+$0x7330] =	vst v15;
	v15 =	vadd.f32 v27, v17;
	v17 =	vld [tilespmem:s28+$0x7720]  }
0x2fe: {  	[tilespmem:s28+$0x7340] =	vst v14;
	v14 =	vadd.f32 v28, v18;
	v18 =	vld [tilespmem:s28+$0x7730]  }
0x2ff: {  	[tilespmem:s28+$0x7350] =	vst v15;
	v15 =	vadd.f32 v29, v19;
	v19 =	vld [tilespmem:s28+$0x7740]  }
0x300: {  	[tilespmem:s28+$0x7360] =	vst v14;
	v14 =	vadd.f32 v30, v20;
	v20 =	vld [tilespmem:s28+$0x7750]  }
0x301: {  	v21 =	vld [tilespmem:s28+$0x7760];
	[tilespmem:s28+$0x7370] =	vst v15;
	v15 =	vadd.f32 v31, v16  }
0x302: {  	v22 =	vld [tilespmem:s28+$0x7770];
	[tilespmem:s28+$0x7700] =	vst v14;
	v14 =	vadd.f32 v32, v17  }
0x303: {  	[tilespmem:s28+$0x7710] =	vst v15;
	v15 =	vadd.f32 v33, v18;
	v18 =	vld [tilespmem:s28+$0x7B00]  }
0x304: {  	v17 =	vld [tilespmem:s28+$0x7B10];
	[tilespmem:s28+$0x7720] =	vst v14;
	v14 =	vadd.f32 v34, v19  }
0x305: {  	v16 =	vld [tilespmem:s28+$0x7B20];
	[tilespmem:s28+$0x7730] =	vst v15;
	v15 =	vadd.f32 v35, v20  }
0x306: {  	v19 =	vadd.f32 v36, v21;
	[tilespmem:s28+$0x7740] =	vst v14;
	v14 =	vld [tilespmem:s28+$0x7B30]  }
0x307: {  	v20 =	vadd.f32 v37, v22;
	[tilespmem:s28+$0x7750] =	vst v15;
	v15 =	vld [tilespmem:s28+$0x7B40]  }
0x308: {  	s30 =	simm.s32 $0x200;
	s29 =	simm.s32 $0x80;
	[tilespmem:s28+$0x7760] =	vst v19;
	v19 =	vadd.f32 v38, v18;
	v18 =	vld [tilespmem:s28+$0x7B50]  }
.LBB2_9:
0x309: {  	s0 =	sand.u32 $0x1000, s30;
	s2 =	sand.u32 $0x380, s29;
	p0 =	sne.s32 s30, $0x1E00;
	[tilespmem:s28+$0x7770] =	vst v20;
	v13 =	vadd.f32 v13, v17;
	v17 =	vld [tilespmem:s28+$0x7B60]  }
0x30a: {  	s0 =	sor.u32 s2, s0;
	[tilespmem:s28+$0x7B00] =	vst v19;
	v12 =	vadd.f32 v12, v16;
	v16 =	vld [tilespmem:s28+$0x7B70]  }
0x30b: {  	v19 =	vld [tilespmem:s0+$0xEF00];
	[tilespmem:s28+$0x7B10] =	vst v13;
	v11 =	vadd.f32 v11, v14  }
0x30c: {  	v14 =	vld [tilespmem:s0+$0xEF10];
	[tilespmem:s28+$0x7B20] =	vst v12;
	v10 =	vadd.f32 v10, v15  }
0x30d: {  	v15 =	vld [tilespmem:s0+$0xEF20];
	[tilespmem:s28+$0x7B30] =	vst v11;
	v9 =	vadd.f32 v9, v18  }
0x30e: {  	v18 =	vld [tilespmem:s0+$0xEF30];
	[tilespmem:s28+$0x7B40] =	vst v10;
	v8 =	vadd.f32 v8, v17  }
0x30f: {  	v17 =	vld [tilespmem:s0+$0xEF40];
	[tilespmem:s28+$0x7B50] =	vst v9;
	v7 =	vadd.f32 v7, v16  }
0x310: {  	v16 =	vld [tilespmem:s0+$0xEF50];
	[tilespmem:s28+$0x7B60] =	vst v8  }
0x311: {  	v20 =	vld [tilespmem:s0+$0xEF60];
	[tilespmem:s28+$0x7B70] =	vst v7;
	s28 =	smov.u32 s0  }
0x312: {  	v21 =	vld [tilespmem:s28+$0xEF70]  }
0x313: {  	v22 =	vld [tilespmem:s28+$0xF300]  }
0x314: {  	v23 =	vld [tilespmem:s28+$0xF310]  }
0x315: {  	v24 =	vld [tilespmem:s28+$0xF320]  }
0x316: {  	v25 =	vld [tilespmem:s28+$0xF330]  }
0x317: {  	v26 =	vld [tilespmem:s28+$0xF340]  }
0x318: {  	v27 =	vld [tilespmem:s28+$0xF350]  }
0x319: {  	v28 =	vld [tilespmem:s28+$0xF360]  }
0x31a: {  	v29 =	vld [tilespmem:s28+$0xF370]  }
0x31b: {  	v30 =	vld [tilespmem:s28+$0xF700]  }
0x31c: {  	v31 =	vld [tilespmem:s28+$0xF710]  }
0x31d: {  	v32 =	vld [tilespmem:s28+$0xF720]  }
0x31e: {  	v33 =	vld [tilespmem:s28+$0xF730]  }
0x31f: {  	v34 =	vld [tilespmem:s28+$0xF740]  }
0x320: {  	v35 =	vld [tilespmem:s28+$0xF750]  }
0x321: {  	v36 =	vld [tilespmem:s28+$0xF760]  }
0x322: {  	v37 =	vld [tilespmem:s28+$0xF770]  }
0x323: {  	v38 =	vld [tilespmem:s28+$0xFB00]  }
0x324: {  	v13 =	vld [tilespmem:s28+$0xFB10]  }
0x325: {  	v12 =	vld [tilespmem:s28+$0xFB20]  }
0x326: {  	v11 =	vld [tilespmem:s28+$0xFB30]  }
0x327: {  	v10 =	vld [tilespmem:s28+$0xFB40]  }
0x328: {  	v9 =	vld [tilespmem:s28+$0xFB50]  }
0x329: {  	v8 =	vld [tilespmem:s28+$0xFB60]  }
0x32a: {  	v7 =	vld [tilespmem:s28+$0xFB70]  }
0x32b: {  	v39 =	vld [tilespmem:s28+$0x6F00]  }
0x32c: {  	v40 =	vld [tilespmem:s28+$0x6F10]  }
0x32d: {  	v41 =	vld [tilespmem:s28+$0x6F20]  }
0x32e: {  	v42 =	vld [tilespmem:s28+$0x6F30]  }
0x32f: {  	v43 =	vld [tilespmem:s28+$0x6F40]  }
0x330: {  	v19 =	vadd.f32 v19, v39;
	v39 =	vld [tilespmem:s28+$0x6F50]  }
0x331: {  	v14 =	vadd.f32 v14, v40;
	v40 =	vld [tilespmem:s28+$0x6F60]  }
0x332: {  	[tilespmem:s28+$0x6F00] =	vst v19;
	v15 =	vadd.f32 v15, v41;
	v19 =	vld [tilespmem:s28+$0x6F70]  }
0x333: {  	[tilespmem:s28+$0x6F10] =	vst v14;
	v14 =	vadd.f32 v18, v42;
	v18 =	vld [tilespmem:s28+$0x7300]  }
0x334: {  	[tilespmem:s28+$0x6F20] =	vst v15;
	v15 =	vadd.f32 v17, v43;
	v17 =	vld [tilespmem:s28+$0x7310]  }
0x335: {  	[tilespmem:s28+$0x6F30] =	vst v14;
	v14 =	vadd.f32 v16, v39;
	v16 =	vld [tilespmem:s28+$0x7320]  }
0x336: {  	[tilespmem:s28+$0x6F40] =	vst v15;
	v15 =	vadd.f32 v20, v40;
	v20 =	vld [tilespmem:s28+$0x7330]  }
0x337: {  	[tilespmem:s28+$0x6F50] =	vst v14;
	v14 =	vadd.f32 v21, v19;
	v19 =	vld [tilespmem:s28+$0x7340]  }
0x338: {  	[tilespmem:s28+$0x6F60] =	vst v15;
	v15 =	vadd.f32 v22, v18;
	v18 =	vld [tilespmem:s28+$0x7350]  }
0x339: {  	[tilespmem:s28+$0x6F70] =	vst v14;
	v14 =	vadd.f32 v23, v17;
	v17 =	vld [tilespmem:s28+$0x7360]  }
0x33a: {  	[tilespmem:s28+$0x7300] =	vst v15;
	v15 =	vadd.f32 v24, v16;
	v16 =	vld [tilespmem:s28+$0x7370]  }
0x33b: {  	[tilespmem:s28+$0x7310] =	vst v14;
	v14 =	vadd.f32 v25, v20;
	v20 =	vld [tilespmem:s28+$0x7700]  }
0x33c: {  	[tilespmem:s28+$0x7320] =	vst v15;
	v15 =	vadd.f32 v26, v19;
	v19 =	vld [tilespmem:s28+$0x7710]  }
0x33d: {  	[tilespmem:s28+$0x7330] =	vst v14;
	v14 =	vadd.f32 v27, v18;
	v18 =	vld [tilespmem:s28+$0x7720]  }
0x33e: {  	[tilespmem:s28+$0x7340] =	vst v15;
	v15 =	vadd.f32 v28, v17;
	v17 =	vld [tilespmem:s28+$0x7730]  }
0x33f: {  	[tilespmem:s28+$0x7350] =	vst v14;
	v14 =	vadd.f32 v29, v16;
	v16 =	vld [tilespmem:s28+$0x7740]  }
0x340: {  	[tilespmem:s28+$0x7360] =	vst v15;
	v15 =	vadd.f32 v30, v20;
	v20 =	vld [tilespmem:s28+$0x7750]  }
0x341: {  	[tilespmem:s28+$0x7370] =	vst v14;
	v14 =	vadd.f32 v31, v19;
	v19 =	vld [tilespmem:s28+$0x7760]  }
0x342: {  	[tilespmem:s28+$0x7700] =	vst v15;
	v15 =	vadd.f32 v32, v18;
	v18 =	vld [tilespmem:s28+$0x7770]  }
0x343: {  	[tilespmem:s28+$0x7710] =	vst v14;
	v14 =	vadd.f32 v33, v17;
	v21 =	vld [tilespmem:s28+$0x7B00]  }
.Ltmp3:
0x344: {  	[tilespmem:s28+$0x7720] =	vst v15;
	v15 =	vadd.f32 v34, v16;
	v17 =	vld [tilespmem:s28+$0x7B10];
	(pc) =	sbr.rel @p0 .LBB2_9-.Ltmp3, $4  }
0x345: {  	[tilespmem:s28+$0x7730] =	vst v14;
	v20 =	vadd.f32 v35, v20;
	v16 =	vld [tilespmem:s28+$0x7B20]  }
0x346: {  	[tilespmem:s28+$0x7740] =	vst v15;
	v19 =	vadd.f32 v36, v19;
	v14 =	vld [tilespmem:s28+$0x7B30]  }
0x347: {  	[tilespmem:s28+$0x7750] =	vst v20;
	v20 =	vadd.f32 v37, v18;
	v15 =	vld [tilespmem:s28+$0x7B40]  }
0x348: {  	s29 =	sadd.s32 $0x80, s29;
	s30 =	sadd.s32 $0x200, s30;
	[tilespmem:s28+$0x7760] =	vst v19;
	v19 =	vadd.f32 v38, v21;
	v18 =	vld [tilespmem:s28+$0x7B50]  }
0x349: {  	[tilespmem:s28+$0x7770] =	vst v20;
	v13 =	vadd.f32 v13, v17;
	v62 =	vld [tilespmem:s28+$0x7B60]  }
0x34a: {  	v63 =	vld [tilespmem:s28+$0x7B70];
	[tilespmem:s28+$0x7B00] =	vst v19;
	v12 =	vadd.f32 v12, v16  }
0x34b: {  	[tilespmem:s28+$0x7B10] =	vst v13;
	v11 =	vadd.f32 v11, v14  }
0x34c: {  	s15 =	sadd.s32 $0x1, s15;
	[tilespmem:s28+$0x7B20] =	vst v12;
	v10 =	vadd.f32 v10, v15  }
0x34d: {  	p0 =	sne.s32 s15, $0x19;
	[tilespmem:s28+$0x7B30] =	vst v11;
	v9 =	vadd.f32 v9, v18  }
.Ltmp4:
0x34e: {  	s0 =	sshll.u32 s14, $0xD;
	[tilespmem:s28+$0x7B40] =	vst v10;
	v8 =	vadd.f32 v8, v62;
	(pc) =	sbr.rel @p0 .LBB2_2-.Ltmp4, $4  }
0x34f: {  	s0 =	sadd.s32 s13, s0;
	v7 =	vadd.f32 v7, v63;
	[tilespmem:s28+$0x7B50] =	vst v9  }
0x350: {  	s0 =	sshrl.u32 s0, $0x3;
	[tilespmem:s28+$0x7B60] =	vst v8  }
0x351: {  	s0 =	sadd.s32 s3, s0;
	[tilespmem:s28+$0x7B70] =	vst v7  }
0x352: {  	[hbm4b:s0+s5] =	stream.linear.scatter [tilespmem:s26], [sflag:$0xC], $0x2000, $0x38;
	[tilespmem:$0x10F00] =	vst v63  }
0x353: {  	s0 =	simm.s32 $0x9  }
0x354: {  	_ =	swait.ge [sflag:s0], $0x2000  }
0x355: {  	[sflag:s0] =	ssyncset.done $0x0  }
0x356: {  	s29 =	simm.s32 $0xA;
	[sflag:s0] =	ssyncadd.s32 $0xFFFFE000  }
0x357: {  	_ =	swait.ge [sflag:s29], $0x2000  }
0x358: {  	[sflag:s29] =	ssyncset.done $0x0  }
0x359: {  	s30 =	simm.s32 $0xB;
	[sflag:s29] =	ssyncadd.s32 $0xFFFFE000  }
0x35a: {  	_ =	swait.ge [sflag:s30], $0x2000  }
0x35b: {  	[sflag:s30] =	ssyncset.done $0x0  }
0x35c: {  	s2 =	simm.s32 $0xC;
	[sflag:s30] =	ssyncadd.s32 $0xFFFFE000  }
0x35d: {  	_ =	swait.ge [sflag:s2], $0x2000  }
0x35e: {  	s14 =	rddreg [dreg:$0x7]  }
0x35f: {  	s31 =	rddreg [dreg:$0x6];
	s14 =	sadd.s32 $0x1, s14  }
0x360: {  	p0 =	sne.s32 s14, s31  }
.Ltmp5:
0x361: {  	_ = 	snop;
	(pc) =	sbr.rel @p0 .LBB2_1-.Ltmp5, $3  }
0x362: {  	_ =	sdelay $0x1  }
0x363: {  	[sflag:s2] =	ssyncset.done $0x0  }
0x364: {  	[sflag:s2] =	ssyncadd.s32 $0xFFFFE000  }
0x365: {  	_ =	sfence.sel $0x180000  }
0x366: {  	[bflag:$0x0] =	sbarrier.arrive $0xFFFF  }
0x367: {  	_ =	strace $0x90000047  }
0x368: {  	s0 =	stileid.u32;
	[bflag:$0x2] =	sbarrier.arrive $0xFFFF  }
0x369: {  	p0 =	sne.s32 s0, $0x0;
	s0 =	rddreg [dreg:$0x3]  }
0x36a: {  	s0 =	sadd.s32 @!p0 $0x100000, s0  }
0x36b: {  	[sflag:s0] =	ssyncadd.tile.s32 @!p0 $0x1;
	_ =	shalt  }
.Lfunc_end2:
_tile_overlayer_lowered:
.L_overlay_start_2:
0x36c: {  	(tag) =	ssettag $0x2  }
0x36d: {  	s0 =	rddreg [dreg:$0x0];
	s2 =	stileid.u32  }
0x36e: {  	s1 =	rddreg [dreg:$0x1];
	p0 =	sne.s32 s2, $0x0  }
0x36f: {  	s3 =	rddreg [dreg:$0x2];
	[bflag:$0x3] =	sbarrier.arrive $0xFFFF;
	s2 =	simm.s32 @!p0 $0x1C0D  }
0x370: {  	[timem:s3], [sflag:s2] =	dma.local @!p0 [hbm:s0], s1  }
0x371: {  	s0 =	simm.s32 @!p0 $0xD  }
0x372: {  	_ =	swait.ge @!p0 [sflag:s0], s1  }
0x373: {  	s1 =	ssub.s32 @!p0 $0x0, s1;
	[sflag:s0] =	ssyncset.done @!p0 $0x0  }
0x374: {  	[sflag:s0] =	ssyncadd.s32 @!p0 s1  }
0x375: {  	[bflag:$0x3] =	sbarrier.arrive $0xFFFF  }
0x376: {  	_ =	shalt  }

// kernel: sparse-core-data-format-call.cloned.1.call-start
scs
called_computation_lowered:
.L_overlay_start_0:
0x0: {  	s2 =	sld [smem:$0x3FD9]  }
0x1: {  	s3 =	sld [smem:$0x3FFE];
	_ =	sdelay $0x1  }
0x2: {  	s1 =	srdreg.scid  }
0x3: {  	s0 =	sand.u32 $0x1, s1  }
0x4: {  	s18 =	sshll.u32 s0, $0xA;
	s2 =	sadd.s32 s3, s2  }
0x5: {  	s2 =	sadd.s32 s2, s18  }
0x6: {  	[smem:$0x3FC3] =	sst s2  }
0x7: {  	_ = 	snop  }
0x8: {  	s2 =	sld [smem:$0x3FD0];
	(tm) =	ssettm $0x1  }
0x9: {  	s19 =	sld [smem:$0x3FFB];
	_ =	sdelay $0x3  }
0xa: {  	_ =	strace s19  }
0xb: {  	s3 =	sld [smem:$0x3FFC];
	_ =	sdelay $0x3  }
0xc: {  	_ =	strace s3  }
0xd: {  	s3 =	sld [smem:$0x3FFD];
	_ =	sdelay $0x3  }
0xe: {  	_ =	strace s3  }
0xf: {  	_ =	strace $0x8FFFFFFF  }
0x10: {  	s20 =	sld [smem:$0x3FDB];
	_ =	sdelay $0x1  }
0x11: {  	s4 =	simm.s32 $_scs_section_size  }
0x12: {  	s5 =	simm.s32 $_size__tile_overlayer_lowered;
	s6 =	simm.s32 $_tile_overlayer_lowered  }
0x13: {  	s23 =	simm.s32 $0x1BFF;
	s22 =	sshll.u32 s6, $0x1;
	s3 =	sadd.s32 s4, s20  }
0x14: {  	s7 =	simm.s32 $0x0;
	s21 =	sshll.u32 s5, $0x1;
	s5 =	sadd.s32 s22, s3  }
0x15: {  	[timem:s7], [sflag:s23] =	dma.local [hbm:s5], s21  }
0x16: {  	_ =	swait.ge [sflag:s23], s21  }
0x17: {  	s4 =	ssub.s32 $0x0, s21;
	[sflag:s23] =	ssyncset.done $0x0  }
0x18: {  	[sflag:s23] =	ssyncadd.s32 s4;
	_ =	sdelay $0x1  }
0x19: {  	s24 =	simm.s32 $0x1B8B  }
0x1a: {  	_ =	swait.ge [sflag:s24], $0x1  }
0x1b: {  	[sflag:s24] =	ssyncset.done $0x0  }
0x1c: {  	s26 =	simm.s32 $0x1B8E;
	s25 =	sld [smem:$0x3FFE];
	[sflag:s24] =	ssyncadd.s32 $0xFFFFFFFF  }
0x1d: {  	s27 =	simm.s32 $execute0_lowered;
	[smem:$0x3FD2] =	sst s26  }
0x1e: {  	s5 =	sshll.u32 s27, $0x1;
	_ =	strace $0x80000049;
	[dreg:$0x1] =	wrdreg $0xFFFFFFFF  }
0x1f: {  	s28 =	simm.s32 $_size_execute0_lowered;
	s3 =	sadd.s32 s3, s5;
	[dreg:$0x0] =	wrdreg $0x0  }
0x20: {  	s5 =	sshll.u32 s28, $0x1;
	[dreg:$0x2] =	wrdreg s3  }
0x21: {  	[dreg:$0x3] =	wrdreg s5  }
0x22: {  	[dreg:$0x4] =	wrdreg $0xC0  }
0x23: {  	_ =	task [dreg:s7], $0x5FFFF  }
0x24: {  	[dreg:$0x1] =	wrdreg $0xFFFFFFFF  }
0x25: {  	[dreg:$0x0] =	wrdreg $0x60  }
0x26: {  	[dreg:$0x2] =	wrdreg s25  }
0x27: {  	[dreg:$0x3] =	wrdreg s2  }
0x28: {  	[dreg:$0x4] =	wrdreg $0x9  }
0x29: {  	_ =	task.clear_ibuf [dreg:s7], $0x5FFFF;
	_ =	strace $0x90000049  }
0x2a: {  	s29 =	simm.s32 $0x9;
	_ =	strace $0x8000004B  }
0x2b: {  	_ =	swait.ge [sflag:s29], $0x1  }
0x2c: {  	[sflag:s29] =	ssyncadd.s32 $0xFFFFFFFF  }
0x2d: {  	_ =	strace $0x9000004B  }
0x2e: {  	_ =	sfence  }
0x2f: {  	s30 =	sld [smem:$0x0];
	_ =	sdelay $0x2  }
0x30: {  	s31 =	sshll.u32 s1, $0xD;
	s1 =	sshrl.u32 s1, $0x2  }
0x31: {  	s3 =	sand.u32 $0x4000, s31;
	s1 =	sadd.s32 s1, s30  }
0x32: {  	s0 =	sor.u32 s3, s0;
	s1 =	sshll.u32 s1, $0x11  }
0x33: {  	s0 =	sor.u32 s1, s0  }
0x34: {  	s0 =	sadd.s32 $0x8F2B, s0  }
0x35: {  	[sflag:s0] =	ssyncadd.remote.s32 $0x1  }
0x36: {  	_ =	sfence.sel $0xFFFF  }
0x37: {  	[dreg:$0x0] =	wrdreg $0xFFFFFFFF;
	(pc) =	sbr.abs _section_cstart, $3  }
0x38: {  	[dreg:$0x1] =	wrdreg $0xFFFFFFFF  }
0x39: {  	_ =	task.clear_ibuf [dreg:s7], $0x2FFFF;
	_ =	strace $0x9FFFFFFF  }
0x3a: {  	(tm) =	ssettm $0x7FFFFFFF  }
0x3b: {  	_ =	shalt  }
tec
execute0_lowered:
.L_overlay_start_1:
0x0: {  	(tag) =	ssettag $0x1  }
0x1: {  	s0 =	srdreg.scid  }
0x2: {  	s1 =	sshll.u32 s0, $0x4  }
0x3: {  	s8 =	rddreg [dreg:$0x0];
	s0 =	stileid.u32;
	s1 =	sand.u32 $0x10, s1  }
0x4: {  	s3 =	rddreg [dreg:$0x1];
	s29 =	sshll.u32 s0, $0x7;
	s7 =	sor.u32 s0, s1  }
0x5: {  	s30 =	simm.s32 $0x2;
	s1 =	sand.u32 $0x380, s29;
	s2 =	sshll.u32 s7, $0x4  }
0x6: {  	s18 =	simm.s32 $0x0;
	s4 =	ssub.s32 $0x400, s1;
	s2 =	sand.u32 $0x180, s2  }
0x7: {  	s11 =	simm.s32 $0x1000;
	s5 =	sand.u32 $0x380, s4;
	s6 =	ssub.s32 $0x200, s2  }
0x8: {  	p0 =	sne.s32 s5, $0x0;
	s5 =	simm.s32 $0x1;
	s9 =	sand.u32 $0x180, s6  }
0x9: {  	s5 =	simm.s32 @!p0 $0x0;
	p0 =	sne.s32 s9, $0x0;
	s9 =	simm.s32 $0x1  }
0xa: {  	s10 =	sshrl.u32 s4, $0xA;
	s6 =	sshrl.u32 s6, $0x9;
	s9 =	simm.s32 @!p0 $0x0  }
0xb: {  	s12 =	simm.s32 $0x0;
	s10 =	sadd.s32 s5, s10;
	s6 =	sadd.s32 s9, s6  }
0xc: {  	s16 =	simm.s32 $0x0;
	s17 =	simm.s32 $0x0;
	s6 =	smul.u32 s6, s10  }
.Ltmp0:
0xd: {  	s13 =	simm.s32 $0x0;
	s15 =	simm.s32 $0x0;
	(pc) =	sbr.rel .LBB1_1-.Ltmp0, $4  }
0xe: {  	s31 =	sshll.u32 s7, $0x7;
	s7 =	sadd.s32 $0xE00, s8;
	s4 =	rddreg [dreg:$0x2]  }
0xf: {  	_ =	strace $0x8000004A;
	s5 =	simm.s32 $0x1;
	s6 =	smul.u32 $0x32, s6  }
0x10: {  	s14 =	smov.u32 s1;
	s8 =	sand.u32 $0xC00, s31;
	[sflag:s5] =	ssyncpa.u1 $0x0  }
0x11: {  	[sflag:s30] =	ssyncpa.u1 $0x0;
	s10 =	simm.s32 $0x400;
	s9 =	sor.u32 $0x1, s6  }
.LBB1_4:
0x12: {  	_ =	sdelay $0x3  }
0x13: {  	[tilespmem:v0+s21+$0xFFFFFFD0 ss:$0x1] =	vst.idx.msk $0xffff, v6  }
0x14: {  	v56 =	vld.idx.msk [tilespmem:v1+s20+$0x0 ss:$0x1], $0xffff;
	[tilespmem:v0+s21+$0xFFFFFFE0 ss:$0x1] =	vst.idx.msk $0xffff, v4  }
0x15: {  	v57 =	vld.idx.msk [tilespmem:v1+s20+$0xFFFFFF90 ss:$0x1], $0xffff;
	[tilespmem:v0+s21+$0xFFFFFFF0 ss:$0x1] =	vst.idx.msk $0xffff, v2  }
0x16: {  	v58 =	vld.idx.msk [tilespmem:v1+s20+$0xFFFFFFA0 ss:$0x1], $0xffff;
	[tilespmem:v0+s21+$0x0 ss:$0x1] =	vst.idx.msk $0xffff, v3  }
0x17: {  	v59 =	vld.idx.msk [tilespmem:v1+s20+$0xFFFFFFB0 ss:$0x1], $0xffff;
	[tilespmem:v0+s21+$0x10 ss:$0x1] =	vst.idx.msk $0xffff, v5  }
0x18: {  	v60 =	vld.idx.msk [tilespmem:v1+s20+$0xFFFFFFC0 ss:$0x1], $0xffff;
	[tilespmem:v0+s21+$0x20 ss:$0x1] =	vst.idx.msk $0xffff, v7  }
0x19: {  	v61 =	vld.idx.msk [tilespmem:v1+s20+$0xFFFFFFD0 ss:$0x1], $0xffff;
	[tilespmem:v0+s20+$0x30 ss:$0x1] =	vst.idx.msk $0xffff, v56  }
0x1a: {  	v62 =	vld.idx.msk [tilespmem:v1+s20+$0xFFFFFFE0 ss:$0x1], $0xffff;
	s29 =	sshll.u32 s17, $0x9;
	[tilespmem:v0+s20+$0xFFFFFFC0 ss:$0x1] =	vst.idx.msk $0xffff, v57  }
0x1b: {  	v63 =	vld.idx.msk [tilespmem:v1+s20+$0xFFFFFFF0 ss:$0x1], $0xffff;
	s18 =	sshll.u32 s18, $0x3;
	s22 =	sshll.u32 s17, $0x7;
	s21 =	sand.u32 $0x7F000, s29;
	[tilespmem:v0+s20+$0xFFFFFFD0 ss:$0x1] =	vst.idx.msk $0xffff, v58  }
0x1c: {  	s30 =	sand.u32 $0x200, s22;
	s18 =	sor.u32 s21, s18;
	[tilespmem:v0+s20+$0xFFFFFFE0 ss:$0x1] =	vst.idx.msk $0xffff, v59  }
0x1d: {  	s16 =	sshll.u32 s16, $0x10;
	s31 =	sshll.u32 s17, $0x4;
	s18 =	sor.u32 s30, s18;
	[tilespmem:v0+s20+$0xFFFFFFF0 ss:$0x1] =	vst.idx.msk $0xffff, v60  }
0x1e: {  	s17 =	sand.u32 $0x30, s31;
	s16 =	sadd.s32 s3, s16;
	s18 =	sshrl.u32 s18, $0x3;
	[tilespmem:v0+s20+$0x0 ss:$0x1] =	vst.idx.msk $0xffff, v61  }
0x1f: {  	s16 =	sadd.s32 s17, s16;
	[tilespmem:v0+s20+$0x10 ss:$0x1] =	vst.idx.msk $0xffff, v62;
	s18 =	sand.u32 $0xFFC0, s18  }
0x20: {  	[tilespmem:v0+s20+$0x20 ss:$0x1] =	vst.idx.msk $0xffff, v63;
	s16 =	sadd.s32 s18, s16  }
0x21: {  	[hbm4b:s16+s10] =	stream.strided.scatter [tilespmem:s19], [sflag:$0x2], $0x4000, s11, s10, $0x38;
	[tilespmem:$0x10000] =	vst v63  }
.LBB1_5:
0x22: {  	s19 =	sadd.s32 $0x1, s13  }
0x23: {  	s16 =	sadd.s32 $0x400, s14;
	s20 =	smov.u32 s14;
	p1 =	sgt.s32 s19, $0x31  }
0x24: {  	s20 =	smov.u32 @p1 s16  }
0x25: {  	s19 =	simm.s32 @p1 $0x0;
	p1 =	sgt.s32 s20, $0x3FF  }
0x26: {  	s20 =	smov.u32 @p1 s1;
	p1 =	sne.s32 s15, s9  }
.Ltmp1:
0x27: {  	p0 =	slt.u32 s15, $0x2;
	(pc) =	sbr.rel @!p1 .LBB1_6-.Ltmp1, $4  }
0x28: {  	s17 =	smov.u32 s14;
	s18 =	simm.s32 @!p0 $0x2  }
0x29: {  	s12 =	sadd.s32 $0x4000, s12;
	_ =	swait.ge @!p0 [sflag:s18], $0x4000;
	s16 =	smov.u32 s13  }
0x2a: {  	[sflag:s18] =	ssyncset.done @!p0 $0x0;
	s13 =	smov.u32 s19;
	s15 =	sadd.s32 $0x1, s15  }
0x2b: {  	[sflag:s18] =	ssyncadd.s32 @!p0 $0xFFFFC000;
	s18 =	smov.u32 s2;
	s14 =	smov.u32 s20  }
.LBB1_1:
0x2c: {  	p0 =	sge.u32 s15, s6  }
0x2d: {  	s19 =	sshll.u32 @!p0 s13, $0x9  }
0x2e: {  	s20 =	sshll.u32 @!p0 s13, $0x7;
	s19 =	sand.u32 @!p0 $0xFFFFF000, s19  }
0x2f: {  	s20 =	sand.u32 @!p0 $0x200, s20;
	s19 =	sor.u32 @!p0 s8, s19  }
0x30: {  	s19 =	sor.u32 @!p0 s20, s19  }
0x31: {  	s19 =	sshrl.u32 @!p0 s19, $0x9  }
0x32: {  	s20 =	smulhi.u32 @!p0 $0x4924925, s19;
	_ =	sdelay $0x1  }
0x33: {  	s20 =	smul.u32 @!p0 $0x38, s20  }
0x34: {  	s31 =	sadd.s32 $0xFFFFFFFF, s15;
	s21 =	smul.u32 @!p0 $0xE00, s14  }
0x35: {  	s22 =	sxor.u32 @!p0 $0xFFFFFFFF, s15;
	s19 =	ssub.s32 @!p0 s19, s20;
	s20 =	sshll.u32 @!p0 s13, $0x4  }
0x36: {  	s22 =	sshll.u32 @!p0 s22, $0xE;
	s21 =	sadd.s32 @!p0 s7, s21;
	s20 =	sand.u32 @!p0 $0x30, s20  }
0x37: {  	s22 =	sand.u32 @!p0 $0x4000, s22;
	s19 =	sshll.u32 @!p0 s19, $0x6;
	s20 =	sadd.s32 @!p0 s20, s21  }
0x38: {  	s21 =	simm.s32 @!p0 $0x7000;
	s19 =	sadd.s32 @!p0 s19, s20;
	s20 =	simm.s32 @!p0 $0x80  }
0x39: {  	[tilespmem:s22], [sflag:$0x1] =	stream.strided.gather @!p0 [hbm4b:s19+s20], $0x4000, s21, s20, $0x38;
	[tilespmem:$0x10000] =	vst v63  }
0x3a: {  	p0 =	sge.u32 s31, s6  }
.Ltmp2:
0x3b: {  	_ = 	snop;
	(pc) =	sbr.rel @p0 .LBB1_5-.Ltmp2, $1  }
0x3c: {  	_ =	sdelay $0x3  }
0x3d: {  	s19 =	sand.u32 $0x4000, s12  }
0x3e: {  	s20 =	sor.u32 $0x70, s19  }
0x3f: {  	v1 =	vmov s20;
	_ =	sdelay $0x1  }
0x40: {  	_ =	swait.ge [sflag:s5], $0x4000  }
0x41: {  	[sflag:s5] =	ssyncset.done $0x0  }
0x42: {  	s21 =	simm.s32 $0x0;
	[sflag:s5] =	ssyncadd.s32 $0xFFFFC000  }
0x43: {  	s19 =	sor.u32 $0x8040, s19;
	v7 =	vld.idx.msk [tilespmem:v1+s21+$0x0 ss:$0x1], $0xffff  }
0x44: {  	v0 =	vmov s19;
	v8 =	vld.idx.msk [tilespmem:v1+s21+$0xFFFFFF90 ss:$0x1], $0xffff  }
0x45: {  	v6 =	vld.idx.msk [tilespmem:v1+s21+$0xFFFFFFA0 ss:$0x1], $0xffff  }
0x46: {  	v4 =	vld.idx.msk [tilespmem:v1+s21+$0xFFFFFFB0 ss:$0x1], $0xffff  }
0x47: {  	v2 =	vld.idx.msk [tilespmem:v1+s21+$0xFFFFFFC0 ss:$0x1], $0xffff  }
0x48: {  	s31 =	sshll.u32 s15, $0xE;
	v3 =	vld.idx.msk [tilespmem:v1+s21+$0xFFFFFFD0 ss:$0x1], $0xffff  }
0x49: {  	s19 =	sand.u32 $0x4000, s31;
	v5 =	vld.idx.msk [tilespmem:v1+s21+$0xFFFFFFE0 ss:$0x1], $0xffff;
	[tilespmem:v0+s21+$0x30 ss:$0x1] =	vst.idx.msk $0xffff, v7  }
0x4a: {  	s22 =	simm.s32 $0x400;
	s20 =	simm.s32 $0x80;
	s19 =	sor.u32 $0x8000, s19;
	[tilespmem:v0+s21+$0xFFFFFFC0 ss:$0x1] =	vst.idx.msk $0xffff, v8;
	v7 =	vld.idx.msk [tilespmem:v1+s21+$0xFFFFFFF0 ss:$0x1], $0xffff  }
.LBB1_3:
0x4b: {  	p0 =	sne.s32 s22, $0xFE00;
	v8 =	vld.idx.msk [tilespmem:v1+s20+$0x0 ss:$0x1], $0xffff;
	[tilespmem:v0+s21+$0xFFFFFFD0 ss:$0x1] =	vst.idx.msk $0xffff, v6  }
0x4c: {  	v9 =	vld.idx.msk [tilespmem:v1+s20+$0xFFFFFF90 ss:$0x1], $0xffff;
	[tilespmem:v0+s21+$0xFFFFFFE0 ss:$0x1] =	vst.idx.msk $0xffff, v4  }
0x4d: {  	v6 =	vld.idx.msk [tilespmem:v1+s20+$0xFFFFFFA0 ss:$0x1], $0xffff;
	[tilespmem:v0+s21+$0xFFFFFFF0 ss:$0x1] =	vst.idx.msk $0xffff, v2  }
.Ltmp3:
0x4e: {  	v4 =	vld.idx.msk [tilespmem:v1+s20+$0xFFFFFFB0 ss:$0x1], $0xffff;
	[tilespmem:v0+s21+$0x0 ss:$0x1] =	vst.idx.msk $0xffff, v3;
	(pc) =	sbr.rel @p0 .LBB1_3-.Ltmp3, $4  }
0x4f: {  	v2 =	vld.idx.msk [tilespmem:v1+s20+$0xFFFFFFC0 ss:$0x1], $0xffff;
	[tilespmem:v0+s21+$0x10 ss:$0x1] =	vst.idx.msk $0xffff, v5  }
0x50: {  	v3 =	vld.idx.msk [tilespmem:v1+s20+$0xFFFFFFD0 ss:$0x1], $0xffff;
	[tilespmem:v0+s21+$0x20 ss:$0x1] =	vst.idx.msk $0xffff, v7;
	s21 =	smov.u32 s20  }
0x51: {  	v5 =	vld.idx.msk [tilespmem:v1+s21+$0xFFFFFFE0 ss:$0x1], $0xffff;
	[tilespmem:v0+s21+$0x30 ss:$0x1] =	vst.idx.msk $0xffff, v8  }
0x52: {  	s20 =	sshra.s32 s22, $0x2;
	s22 =	sadd.s32 $0x200, s22;
	[tilespmem:v0+s21+$0xFFFFFFC0 ss:$0x1] =	vst.idx.msk $0xffff, v9;
	v7 =	vld.idx.msk [tilespmem:v1+s21+$0xFFFFFFF0 ss:$0x1], $0xffff  }
.Ltmp4:
0x53: {  	_ = 	snop;
	(pc) =	sbr.rel .LBB1_4-.Ltmp4, $1  }
0x54: {  	_ =	sdelay $0x3  }
.LBB1_6:
0x55: {  	_ =	sfence.sel $0x180000  }
0x56: {  	s1 =	simm.s32 $0x1;
	[bflag:$0x0] =	sbarrier.arrive $0xFFFF  }
0x57: {  	s31 =	simm.s32 $0x2;
	[sflag:s1] =	ssyncpa.u1 $0x1  }
0x58: {  	[sflag:s31] =	ssyncpa.u1 $0x1  }
0x59: {  	p0 =	sne.s32 s0, $0x0;
	_ =	strace $0x9000004A  }
0x5a: {  	s0 =	sadd.s32 @!p0 $0x100000, s4;
	[bflag:$0x2] =	sbarrier.arrive $0xFFFF  }
0x5b: {  	[sflag:s0] =	ssyncadd.tile.s32 @!p0 $0x1;
	_ =	shalt  }
.Lfunc_end1:
_tile_overlayer_lowered:
.L_overlay_start_2:
0x5c: {  	(tag) =	ssettag $0x2  }
0x5d: {  	s0 =	rddreg [dreg:$0x0];
	s2 =	stileid.u32  }
0x5e: {  	s1 =	rddreg [dreg:$0x1];
	p0 =	sne.s32 s2, $0x0  }
0x5f: {  	s3 =	rddreg [dreg:$0x2];
	[bflag:$0x3] =	sbarrier.arrive $0xFFFF;
	s2 =	simm.s32 @!p0 $0x1C01  }
0x60: {  	[timem:s3], [sflag:s2] =	dma.local @!p0 [hbm:s0], s1  }
0x61: {  	s0 =	simm.s32 @!p0 $0x1  }
0x62: {  	_ =	swait.ge @!p0 [sflag:s0], s1  }
0x63: {  	s1 =	ssub.s32 @!p0 $0x0, s1;
	[sflag:s0] =	ssyncset.done @!p0 $0x0  }
0x64: {  	[sflag:s0] =	ssyncadd.s32 @!p0 s1  }
0x65: {  	[bflag:$0x3] =	sbarrier.arrive $0xFFFF  }
0x66: {  	_ =	shalt  }

</sc_bundles>
